<compile_context>
chip_gen: v7x
topology: tpu7x:2x2x1
jax: 0.10.2.dev20260603
libtpu: 0.0.44.dev20260713+nightly
codegen_flags: <defaults>
</compile_context>

<pallas_src>
import functools

import jax
import jax.numpy as jnp
from jax import lax
from jax.experimental import pallas as pl
from jax.experimental.pallas import tpu as pltpu
from jax.experimental.pallas import tpu_sc as plsc

NC = 2
NS = 16
NW = NC * NS
L = 16

N = 10000
NP = 10240
E = 320000
EP = E
D = 128
BR = 1024
GRID = NP // BR

DEG_CH = 40
AGG_CH = 40
ZR = 64
RPT = NP // NS

_mesh = lambda: plsc.VectorSubcoreMesh(
    core_axis_name="c", subcore_axis_name="s", num_cores=NC, num_subcores=NS)


def _fill_rows(ref, nrows, value, dtype=jnp.float32):
  if dtype == jnp.bfloat16:
    def body(i, _):
      r = pl.multiple_of(2 * i, 2)
      for j in range(D // L):
        ref[pl.ds(r, 2), pl.ds(j * L, L)] = jnp.full((2, L), value, dtype)
      return 0

    lax.fori_loop(0, nrows // 2, body, 0)
    return

  def body(i, _):
    for j in range(D // L):
      ref[i, pl.ds(j * L, L)] = jnp.full((L,), value, dtype)
    return 0

  lax.fori_loop(0, nrows, body, 0)


def _deg_body(src_hbm, dst_hbm, out_hbm, idx_v, ones_v, zbuf_v, deg_sh,
              d0, d1):
  c = lax.axis_index("c")
  s = lax.axis_index("s")
  dsem = (d0, d1)

  _fill_rows(ones_v, DEG_CH, 1.0)
  _fill_rows(zbuf_v, ZR, 0.0)
  for j in range(RPT // ZR):
    b = j % 2
    if j >= 2:
      pltpu.make_async_copy(zbuf_v, deg_sh.at[pl.ds(0, ZR)], dsem[b]).wait()
    pltpu.async_copy(zbuf_v, deg_sh.at[pl.ds(s * RPT + j * ZR, ZR)], dsem[b])
  for b in range(2):
    pltpu.make_async_copy(zbuf_v, deg_sh.at[pl.ds(0, ZR)], dsem[b]).wait()

  eper = EP // NS
  half = eper // 2
  for j in range(2):
    @pl.when(c == 0)
    def _():
      pltpu.sync_copy(src_hbm.at[pl.ds(s * eper + j * half, half)],
                      idx_v.at[pl.ds(j * half, half)])

    @pl.when(c == 1)
    def _():
      pltpu.sync_copy(dst_hbm.at[pl.ds(s * eper + j * half, half)],
                      idx_v.at[pl.ds(j * half, half)])

  plsc.subcore_barrier()


  def dscat(i, b):
    pltpu.async_copy(ones_v, deg_sh.at[idx_v.at[pl.ds(i * DEG_CH, DEG_CH)]],
                     dsem[b], add=True)

  def dwait(b):
    pltpu.make_async_copy(ones_v, deg_sh.at[idx_v.at[pl.ds(0, DEG_CH)]],
                          dsem[b]).wait()

  nit = eper // DEG_CH

  def edge_body(j, _):
    for b in range(2):
      @pl.when(j > 0)
      def _():
        dwait(b)

      dscat(2 * j + b, b)
    return 0

  lax.fori_loop(0, nit // 2, edge_body, 0)
  dwait(0)
  dwait(1)
  plsc.subcore_barrier()

  for j in range(RPT // ZR):
    pltpu.sync_copy(deg_sh.at[pl.ds(s * RPT + j * ZR, ZR)], zbuf_v)
    pltpu.sync_copy(zbuf_v, out_hbm.at[c, pl.ds(s * RPT + j * ZR, ZR)])


def _deg_call(src, dst):
  k = pl.kernel(
      _deg_body,
      out_type=jax.ShapeDtypeStruct((NC, NP, D), jnp.float32),
      mesh=_mesh(),
      scratch_types=[
          pltpu.VMEM((EP // NS,), jnp.int32),
          pltpu.VMEM((DEG_CH, D), jnp.float32),
          pltpu.VMEM((ZR, D), jnp.float32),
          pltpu.VMEM_SHARED((NP, D), jnp.float32),
          pltpu.SemaphoreType.DMA,
          pltpu.SemaphoreType.DMA,
      ],
  )
  return k(src, dst)


def _agg_body(h_hbm, src_hbm, dst_hbm, out_hbm,
              src_v, dst_v, rows_v0, rows_v1, rows_v2, rows_v3, zbuf_v,
              agg_sh, g0, g1, g2, g3, s0, s1, s2, s3):
  c = lax.axis_index("c")
  s = lax.axis_index("s")
  wid = s * NC + c
  rows = (rows_v0, rows_v1, rows_v2, rows_v3)
  gsem = (g0, g1, g2, g3)
  ssem = (s0, s1, s2, s3)

  _fill_rows(zbuf_v, ZR, 0.0)
  for j in range(RPT // ZR):
    b = j % 2
    if j >= 2:
      pltpu.make_async_copy(zbuf_v, agg_sh.at[pl.ds(0, ZR)], gsem[b]).wait()
    pltpu.async_copy(zbuf_v, agg_sh.at[pl.ds(s * RPT + j * ZR, ZR)], gsem[b])
  for b in range(2):
    pltpu.make_async_copy(zbuf_v, agg_sh.at[pl.ds(0, ZR)], gsem[b]).wait()

  eper = EP // NW
  base = wid * eper
  pltpu.sync_copy(src_hbm.at[pl.ds(base, eper)], src_v)
  pltpu.sync_copy(dst_hbm.at[pl.ds(base, eper)], dst_v)
  plsc.subcore_barrier()

  nit = eper // AGG_CH

  def issue(i, b):
    pltpu.async_copy(h_hbm.at[src_v.at[pl.ds(i * AGG_CH, AGG_CH)]],
                     rows[b], gsem[b])

  def wait_g(i, b):
    pltpu.make_async_copy(h_hbm.at[src_v.at[pl.ds(i * AGG_CH, AGG_CH)]],
                          rows[b], gsem[b]).wait()

  def scat(i, b):
    pltpu.async_copy(rows[b], agg_sh.at[dst_v.at[pl.ds(i * AGG_CH, AGG_CH)]],
                     ssem[b], add=True)

  def wait_s(b):
    pltpu.make_async_copy(rows[b], agg_sh.at[dst_v.at[pl.ds(0, AGG_CH)]],
                          ssem[b]).wait()

  issue(0, 0)
  issue(1, 1)

  def quad_body(j, _):
    for b in range(4):
      i = 4 * j + b
      sb = (b + 2) % 4
      wait_g(i, b)
      scat(i, b)
      if b < 2:
        @pl.when(j > 0)
        def _():
          wait_s(sb)
      else:
        wait_s(sb)
      issue(i + 2, sb)
    return 0

  lax.fori_loop(0, (nit - 2) // 4, quad_body, 0)
  for k in range(2):
    i = nit - 2 + k
    wait_g(i, k)
    scat(i, k)
  for b in range(4):
    wait_s(b)
  plsc.subcore_barrier()

  for j in range(RPT // ZR):
    pltpu.sync_copy(agg_sh.at[pl.ds(s * RPT + j * ZR, ZR)], zbuf_v)
    pltpu.sync_copy(zbuf_v, out_hbm.at[c, pl.ds(s * RPT + j * ZR, ZR)])

def _agg_call(h, src, dst):
  k = pl.kernel(
      _agg_body,
      out_type=jax.ShapeDtypeStruct((NC, NP, D), jnp.float32),
      mesh=_mesh(),
      scratch_types=[
          pltpu.VMEM((EP // NW,), jnp.int32),
          pltpu.VMEM((EP // NW,), jnp.int32),
          pltpu.VMEM((AGG_CH, D), jnp.float32),
          pltpu.VMEM((AGG_CH, D), jnp.float32),
          pltpu.VMEM((AGG_CH, D), jnp.float32),
          pltpu.VMEM((AGG_CH, D), jnp.float32),
          pltpu.VMEM((ZR, D), jnp.float32),
          pltpu.VMEM_SHARED((NP, D), jnp.float32),
          pltpu.SemaphoreType.DMA,
          pltpu.SemaphoreType.DMA,
          pltpu.SemaphoreType.DMA,
          pltpu.SemaphoreType.DMA,
          pltpu.SemaphoreType.DMA,
          pltpu.SemaphoreType.DMA,
          pltpu.SemaphoreType.DMA,
          pltpu.SemaphoreType.DMA,
      ],
  )
  return k(h, src, dst)


def _mm1_body(x_ref, deg_ref, w1_ref, h1pre_ref, ns_ref, nd_ref):
  od = deg_ref[0, :, 0]
  idg = deg_ref[1, :, 0]
  ns = jnp.where(od > 0, lax.rsqrt(jnp.maximum(od, 1e-12)), 0.0)
  nd = jnp.where(idg > 0, lax.rsqrt(jnp.maximum(idg, 1e-12)), 0.0)
  ns_ref[...] = ns
  nd_ref[...] = nd
  h1pre_ref[...] = jnp.dot(x_ref[...] * ns[:, None], w1_ref[...],
                           preferred_element_type=jnp.float32)


def _mm1_call(x_pad, deg, W1):
  return pl.pallas_call(
      _mm1_body,
      grid=(GRID,),
      in_specs=[
          pl.BlockSpec((BR, 128), lambda i: (i, 0)),
          pl.BlockSpec((NC, BR, D), lambda i: (0, i, 0)),
          pl.BlockSpec((128, 128), lambda i: (0, 0)),
      ],
      out_specs=[
          pl.BlockSpec((BR, 128), lambda i: (i, 0)),
          pl.BlockSpec((BR,), lambda i: (i,)),
          pl.BlockSpec((BR,), lambda i: (i,)),
      ],
      out_shape=[
          jax.ShapeDtypeStruct((NP, 128), jnp.float32),
          jax.ShapeDtypeStruct((NP,), jnp.float32),
          jax.ShapeDtypeStruct((NP,), jnp.float32),
      ],
  )(x_pad, deg, W1)


def _act_body(aggp_ref, nd_ref, ns_ref, b1_ref, h1n_ref):
  agg = aggp_ref[0] + aggp_ref[1]
  h1 = jnp.maximum(agg * nd_ref[...][:, None] + b1_ref[...][None, :], 0.0)
  h1n_ref[...] = h1 * ns_ref[...][:, None]


def _act_call(agg1p, nd, ns, b1):
  return pl.pallas_call(
      _act_body,
      grid=(GRID,),
      in_specs=[
          pl.BlockSpec((2, BR, 128), lambda i: (0, i, 0)),
          pl.BlockSpec((BR,), lambda i: (i,)),
          pl.BlockSpec((BR,), lambda i: (i,)),
          pl.BlockSpec((128,), lambda i: (0,)),
      ],
      out_specs=pl.BlockSpec((BR, 128), lambda i: (i, 0)),
      out_shape=jax.ShapeDtypeStruct((NP, 128), jnp.float32),
  )(agg1p, nd, ns, b1)


def _mean_body(aggp_ref, nd_ref, b2_ref, w2_ref, out_ref):
  i = pl.program_id(0)

  @pl.when(i == 0)
  def _():
    out_ref[...] = jnp.zeros_like(out_ref)

  agg = aggp_ref[0] + aggp_ref[1]
  t = agg * nd_ref[...][:, None]
  h2 = jnp.dot(t, w2_ref[...], preferred_element_type=jnp.float32)
  h2 = jnp.maximum(h2 + b2_ref[...][None, :], 0.0)
  rows = lax.broadcasted_iota(jnp.int32, (BR, 1), 0) + i * BR
  h2 = jnp.where(rows < N, h2, 0.0)
  out_ref[...] += jnp.sum(h2, axis=0)

  @pl.when(i == GRID - 1)
  def _():
    out_ref[...] = out_ref[...] * (1.0 / N)


def _mean_call(agg2p, nd, b2, W2):
  return pl.pallas_call(
      _mean_body,
      grid=(GRID,),
      in_specs=[
          pl.BlockSpec((2, BR, 128), lambda i: (0, i, 0)),
          pl.BlockSpec((BR,), lambda i: (i,)),
          pl.BlockSpec((32,), lambda i: (0,)),
          pl.BlockSpec((128, 32), lambda i: (0, 0)),
      ],
      out_specs=pl.BlockSpec((32,), lambda i: (0,)),
      out_shape=jax.ShapeDtypeStruct((32,), jnp.float32),
  )(agg2p, nd, b2, W2)


def kernel(x, edge_index, W1, b1, W2, b2):
  src = edge_index[0].astype(jnp.int32)
  dst = edge_index[1].astype(jnp.int32)
  x_pad = jnp.pad(x, ((0, NP - N), (0, 0)))

  deg = _deg_call(src, dst)
  h1pre, ns, nd = _mm1_call(x_pad, deg, W1)
  agg1p = _agg_call(h1pre, src, dst)
  h1n = _act_call(agg1p, nd, ns, b1)
  agg2p = _agg_call(h1n, src, dst)
  return _mean_call(agg2p, nd, b2, W2)

# --- scband reference (transcript-rebuilt; emitter-appended) ---
"""Pipeline reference for scband-graph-classifier-4612794876143 (READ-ONLY COPY).

The authoritative reference and input builder live on the scoring server;
editing this copy changes nothing except your own understanding.
"""

import jax, jax.numpy as jnp
import numpy as np

N_NODES = 10000
N_EDGES = 320000
D_IN = 128
D_HID = 128
D_OUT = 32


def setup_inputs(seed: int = 0) -> dict:
    key = jax.random.key(seed)
    k1, k2, k3, k4, k5, k6 = jax.random.split(key, 6)
    x = jax.random.normal(k1, (N_NODES, D_IN), dtype=jnp.float32)
    edge_index = jax.random.randint(k2, (2, N_EDGES), 0, N_NODES, dtype=jnp.int64)
    # GraphConv weights (DGL default: xavier-like init, bias=True)
    W1 = jax.random.normal(k3, (D_IN, D_HID), dtype=jnp.float32) * (1.0 / np.sqrt(D_IN))
    b1 = jnp.zeros((D_HID,), dtype=jnp.float32)
    W2 = jax.random.normal(k4, (D_HID, D_OUT), dtype=jnp.float32) * (1.0 / np.sqrt(D_HID))
    b2 = jnp.zeros((D_OUT,), dtype=jnp.float32)
    return {"x": x, "edge_index": edge_index, "W1": W1, "b1": b1, "W2": W2, "b2": b2}


def _graph_conv(x, src, dst, W, b):
    # DGL GraphConv with norm='both': D_out^{-1/2} on src side, D_in^{-1/2} on dst side
    n = x.shape[0]
    ones = jnp.ones((src.shape[0],), dtype=jnp.float32)
    out_deg = jnp.zeros((n,), dtype=jnp.float32).at[src].add(ones)
    in_deg = jnp.zeros((n,), dtype=jnp.float32).at[dst].add(ones)
    norm_src = jnp.where(out_deg > 0, jax.lax.rsqrt(jnp.maximum(out_deg, 1e-12)), 0.0)
    norm_dst = jnp.where(in_deg > 0, jax.lax.rsqrt(jnp.maximum(in_deg, 1e-12)), 0.0)
    h = x @ W
    h = h * norm_src[:, None]
    msg = jnp.take(h, src, axis=0)
    agg = jnp.zeros((n, W.shape[1]), dtype=h.dtype).at[dst].add(msg)
    agg = agg * norm_dst[:, None]
    return agg + b


def reference(x, edge_index, W1, b1, W2, b2):
    src = edge_index[0]
    dst = edge_index[1]
    h = jax.nn.relu(_graph_conv(x, src, dst, W1, b1))
    h = jax.nn.relu(_graph_conv(h, src, dst, W2, b2))
    # dgl.mean_nodes over a single graph -> mean over node axis
    return jnp.mean(h, axis=0)

if __name__ == "__main__":
    import jax
    _d = setup_inputs()
    print(jax.jit(kernel)(*tuple(_d.values())))

</pallas_src>

<mosaic_0001>
#map = affine_map<(d0, d1) -> (0)>
#map1 = affine_map<(d0, d1) -> (0, 0, 0)>
module attributes {stable_mosaic.version = 14 : i64} {
  func.func @_deg_body(%arg0: i32, %arg1: i32, %arg2: memref<320000xi32, #tpu.memory_space<hbm>>, %arg3: memref<320000xi32, #tpu.memory_space<hbm>>, %arg4: memref<2x10240x128xf32, #tpu.memory_space<hbm>>, %arg5: memref<20000xi32, #tpu.memory_space<vmem>>, %arg6: memref<40x128xf32, #tpu.memory_space<vmem>>, %arg7: memref<64x128xf32, #tpu.memory_space<vmem>>, %arg8: memref<10240x128xf32, #tpu.memory_space<vmem_shared>>, %arg9: memref<!tpu.dma_semaphore, #tpu.memory_space<semaphore_mem>>, %arg10: memref<!tpu.dma_semaphore, #tpu.memory_space<semaphore_mem>>) attributes {dimension_semantics = [#tpu.dimension_semantics<core_parallel>, #tpu.dimension_semantics<subcore_parallel>], iteration_bounds = array<i64: 2, 16>, scalar_prefetch = 0 : i64, scratch_operands = 6 : i64, tpu.core_type = #tpu.core_type<sc_vector_subcore>, window_params = [{transform_indices = #map}, {transform_indices = #map}, {transform_indices = #map1}]} {
    %scan3A = arith.constant 0 : i32
    %scan3A_0 = arith.constant 0 : i32
    %scan3A_1 = arith.constant 40 : i32
    %scan3A_2 = arith.addi %scan3A_0, %scan3A_1 : i32
    %scan3A_3 = arith.constant 1 : i32
    %scan3A_4 = scf.for %scan3A_264 = %scan3A_0 to %scan3A_2 step %scan3A_3 iter_args(%scan3A_265 = %scan3A) -> (i32)  : i32 {
      %broadcast_in_dim3A = arith.constant 1.000000e+00 : f32
      %broadcast_in_dim3A_266 = vector.broadcast %broadcast_in_dim3A : f32 to vector<16xf32>
      %swap3A = arith.index_cast %scan3A_264 : i32 to index
      %swap3A_267 = arith.constant 0 : index
      %swap3A_268 = tpu.vector_load %arg6[%swap3A, %swap3A_267] {strides = array<i32>} : memref<40x128xf32, #tpu.memory_space<vmem>>, vector<1x16xf32>,
      %swap3A_269 = vector.shape_cast %swap3A_268 : vector<1x16xf32> to vector<16xf32>
      %swap3A_270 = vector.shape_cast %broadcast_in_dim3A_266 : vector<16xf32> to vector<1x16xf32>
      tpu.vector_store %arg6[%swap3A, %swap3A_267], %swap3A_270 {strides = array<i32>} : memref<40x128xf32, #tpu.memory_space<vmem>>, vector<1x16xf32>,
      %broadcast_in_dim3A_271 = arith.constant 1.000000e+00 : f32
      %broadcast_in_dim3A_272 = vector.broadcast %broadcast_in_dim3A_271 : f32 to vector<16xf32>
      %swap3A_273 = arith.index_cast %scan3A_264 : i32 to index
      %swap3A_274 = arith.constant 16 : index
      %swap3A_275 = tpu.vector_load %arg6[%swap3A_273, %swap3A_274] {strides = array<i32>} : memref<40x128xf32, #tpu.memory_space<vmem>>, vector<1x16xf32>,
      %swap3A_276 = vector.shape_cast %swap3A_275 : vector<1x16xf32> to vector<16xf32>
      %swap3A_277 = vector.shape_cast %broadcast_in_dim3A_272 : vector<16xf32> to vector<1x16xf32>
      tpu.vector_store %arg6[%swap3A_273, %swap3A_274], %swap3A_277 {strides = array<i32>} : memref<40x128xf32, #tpu.memory_space<vmem>>, vector<1x16xf32>,
      %broadcast_in_dim3A_278 = arith.constant 1.000000e+00 : f32
      %broadcast_in_dim3A_279 = vector.broadcast %broadcast_in_dim3A_278 : f32 to vector<16xf32>
      %swap3A_280 = arith.index_cast %scan3A_264 : i32 to index
      %swap3A_281 = arith.constant 32 : index
      %swap3A_282 = tpu.vector_load %arg6[%swap3A_280, %swap3A_281] {strides = array<i32>} : memref<40x128xf32, #tpu.memory_space<vmem>>, vector<1x16xf32>,
      %swap3A_283 = vector.shape_cast %swap3A_282 : vector<1x16xf32> to vector<16xf32>
      %swap3A_284 = vector.shape_cast %broadcast_in_dim3A_279 : vector<16xf32> to vector<1x16xf32>
      tpu.vector_store %arg6[%swap3A_280, %swap3A_281], %swap3A_284 {strides = array<i32>} : memref<40x128xf32, #tpu.memory_space<vmem>>, vector<1x16xf32>,
      %broadcast_in_dim3A_285 = arith.constant 1.000000e+00 : f32
      %broadcast_in_dim3A_286 = vector.broadcast %broadcast_in_dim3A_285 : f32 to vector<16xf32>
      %swap3A_287 = arith.index_cast %scan3A_264 : i32 to index
      %swap3A_288 = arith.constant 48 : index
      %swap3A_289 = tpu.vector_load %arg6[%swap3A_287, %swap3A_288] {strides = array<i32>} : memref<40x128xf32, #tpu.memory_space<vmem>>, vector<1x16xf32>,
      %swap3A_290 = vector.shape_cast %swap3A_289 : vector<1x16xf32> to vector<16xf32>
      %swap3A_291 = vector.shape_cast %broadcast_in_dim3A_286 : vector<16xf32> to vector<1x16xf32>
      tpu.vector_store %arg6[%swap3A_287, %swap3A_288], %swap3A_291 {strides = array<i32>} : memref<40x128xf32, #tpu.memory_space<vmem>>, vector<1x16xf32>,
      %broadcast_in_dim3A_292 = arith.constant 1.000000e+00 : f32
      %broadcast_in_dim3A_293 = vector.broadcast %broadcast_in_dim3A_292 : f32 to vector<16xf32>
      %swap3A_294 = arith.index_cast %scan3A_264 : i32 to index
      %swap3A_295 = arith.constant 64 : index
      %swap3A_296 = tpu.vector_load %arg6[%swap3A_294, %swap3A_295] {strides = array<i32>} : memref<40x128xf32, #tpu.memory_space<vmem>>, vector<1x16xf32>,
      %swap3A_297 = vector.shape_cast %swap3A_296 : vector<1x16xf32> to vector<16xf32>
      %swap3A_298 = vector.shape_cast %broadcast_in_dim3A_293 : vector<16xf32> to vector<1x16xf32>
      tpu.vector_store %arg6[%swap3A_294, %swap3A_295], %swap3A_298 {strides = array<i32>} : memref<40x128xf32, #tpu.memory_space<vmem>>, vector<1x16xf32>,
      %broadcast_in_dim3A_299 = arith.constant 1.000000e+00 : f32
      %broadcast_in_dim3A_300 = vector.broadcast %broadcast_in_dim3A_299 : f32 to vector<16xf32>
      %swap3A_301 = arith.index_cast %scan3A_264 : i32 to index
      %swap3A_302 = arith.constant 80 : index
      %swap3A_303 = tpu.vector_load %arg6[%swap3A_301, %swap3A_302] {strides = array<i32>} : memref<40x128xf32, #tpu.memory_space<vmem>>, vector<1x16xf32>,
      %swap3A_304 = vector.shape_cast %swap3A_303 : vector<1x16xf32> to vector<16xf32>
      %swap3A_305 = vector.shape_cast %broadcast_in_dim3A_300 : vector<16xf32> to vector<1x16xf32>
      tpu.vector_store %arg6[%swap3A_301, %swap3A_302], %swap3A_305 {strides = array<i32>} : memref<40x128xf32, #tpu.memory_space<vmem>>, vector<1x16xf32>,
      %broadcast_in_dim3A_306 = arith.constant 1.000000e+00 : f32
      %broadcast_in_dim3A_307 = vector.broadcast %broadcast_in_dim3A_306 : f32 to vector<16xf32>
      %swap3A_308 = arith.index_cast %scan3A_264 : i32 to index
      %swap3A_309 = arith.constant 96 : index
      %swap3A_310 = tpu.vector_load %arg6[%swap3A_308, %swap3A_309] {strides = array<i32>} : memref<40x128xf32, #tpu.memory_space<vmem>>, vector<1x16xf32>,
      %swap3A_311 = vector.shape_cast %swap3A_310 : vector<1x16xf32> to vector<16xf32>
      %swap3A_312 = vector.shape_cast %broadcast_in_dim3A_307 : vector<16xf32> to vector<1x16xf32>
      tpu.vector_store %arg6[%swap3A_308, %swap3A_309], %swap3A_312 {strides = array<i32>} : memref<40x128xf32, #tpu.memory_space<vmem>>, vector<1x16xf32>,
      %broadcast_in_dim3A_313 = arith.constant 1.000000e+00 : f32
      %broadcast_in_dim3A_314 = vector.broadcast %broadcast_in_dim3A_313 : f32 to vector<16xf32>
      %swap3A_315 = arith.index_cast %scan3A_264 : i32 to index
      %swap3A_316 = arith.constant 112 : index
      %swap3A_317 = tpu.vector_load %arg6[%swap3A_315, %swap3A_316] {strides = array<i32>} : memref<40x128xf32, #tpu.memory_space<vmem>>, vector<1x16xf32>,
      %swap3A_318 = vector.shape_cast %swap3A_317 : vector<1x16xf32> to vector<16xf32>
      %swap3A_319 = vector.shape_cast %broadcast_in_dim3A_314 : vector<16xf32> to vector<1x16xf32>
      tpu.vector_store %arg6[%swap3A_315, %swap3A_316], %swap3A_319 {strides = array<i32>} : memref<40x128xf32, #tpu.memory_space<vmem>>, vector<1x16xf32>,
      %scan3A_320 = arith.constant 0 : i32
      scf.yield %scan3A_320 : i32
    }
    %scan3A_5 = arith.constant 40 : i32
    %scan3A_6 = arith.constant 0 : i32
    %scan3A_7 = arith.constant 0 : i32
    %scan3A_8 = arith.constant 64 : i32
    %scan3A_9 = arith.addi %scan3A_7, %scan3A_8 : i32
    %scan3A_10 = arith.constant 1 : i32
    %scan3A_11 = scf.for %scan3A_264 = %scan3A_7 to %scan3A_9 step %scan3A_10 iter_args(%scan3A_265 = %scan3A_6) -> (i32)  : i32 {
      %broadcast_in_dim3A = arith.constant 0.000000e+00 : f32
      %broadcast_in_dim3A_266 = vector.broadcast %broadcast_in_dim3A : f32 to vector<16xf32>
      %swap3A = arith.index_cast %scan3A_264 : i32 to index
      %swap3A_267 = arith.constant 0 : index
      %swap3A_268 = tpu.vector_load %arg7[%swap3A, %swap3A_267] {strides = array<i32>} : memref<64x128xf32, #tpu.memory_space<vmem>>, vector<1x16xf32>,
      %swap3A_269 = vector.shape_cast %swap3A_268 : vector<1x16xf32> to vector<16xf32>
      %swap3A_270 = vector.shape_cast %broadcast_in_dim3A_266 : vector<16xf32> to vector<1x16xf32>
      tpu.vector_store %arg7[%swap3A, %swap3A_267], %swap3A_270 {strides = array<i32>} : memref<64x128xf32, #tpu.memory_space<vmem>>, vector<1x16xf32>,
      %broadcast_in_dim3A_271 = arith.constant 0.000000e+00 : f32
      %broadcast_in_dim3A_272 = vector.broadcast %broadcast_in_dim3A_271 : f32 to vector<16xf32>
      %swap3A_273 = arith.index_cast %scan3A_264 : i32 to index
      %swap3A_274 = arith.constant 16 : index
      %swap3A_275 = tpu.vector_load %arg7[%swap3A_273, %swap3A_274] {strides = array<i32>} : memref<64x128xf32, #tpu.memory_space<vmem>>, vector<1x16xf32>,
      %swap3A_276 = vector.shape_cast %swap3A_275 : vector<1x16xf32> to vector<16xf32>
      %swap3A_277 = vector.shape_cast %broadcast_in_dim3A_272 : vector<16xf32> to vector<1x16xf32>
      tpu.vector_store %arg7[%swap3A_273, %swap3A_274], %swap3A_277 {strides = array<i32>} : memref<64x128xf32, #tpu.memory_space<vmem>>, vector<1x16xf32>,
      %broadcast_in_dim3A_278 = arith.constant 0.000000e+00 : f32
      %broadcast_in_dim3A_279 = vector.broadcast %broadcast_in_dim3A_278 : f32 to vector<16xf32>
      %swap3A_280 = arith.index_cast %scan3A_264 : i32 to index
      %swap3A_281 = arith.constant 32 : index
      %swap3A_282 = tpu.vector_load %arg7[%swap3A_280, %swap3A_281] {strides = array<i32>} : memref<64x128xf32, #tpu.memory_space<vmem>>, vector<1x16xf32>,
      %swap3A_283 = vector.shape_cast %swap3A_282 : vector<1x16xf32> to vector<16xf32>
      %swap3A_284 = vector.shape_cast %broadcast_in_dim3A_279 : vector<16xf32> to vector<1x16xf32>
      tpu.vector_store %arg7[%swap3A_280, %swap3A_281], %swap3A_284 {strides = array<i32>} : memref<64x128xf32, #tpu.memory_space<vmem>>, vector<1x16xf32>,
      %broadcast_in_dim3A_285 = arith.constant 0.000000e+00 : f32
      %broadcast_in_dim3A_286 = vector.broadcast %broadcast_in_dim3A_285 : f32 to vector<16xf32>
      %swap3A_287 = arith.index_cast %scan3A_264 : i32 to index
      %swap3A_288 = arith.constant 48 : index
      %swap3A_289 = tpu.vector_load %arg7[%swap3A_287, %swap3A_288] {strides = array<i32>} : memref<64x128xf32, #tpu.memory_space<vmem>>, vector<1x16xf32>,
      %swap3A_290 = vector.shape_cast %swap3A_289 : vector<1x16xf32> to vector<16xf32>
      %swap3A_291 = vector.shape_cast %broadcast_in_dim3A_286 : vector<16xf32> to vector<1x16xf32>
      tpu.vector_store %arg7[%swap3A_287, %swap3A_288], %swap3A_291 {strides = array<i32>} : memref<64x128xf32, #tpu.memory_space<vmem>>, vector<1x16xf32>,
      %broadcast_in_dim3A_292 = arith.constant 0.000000e+00 : f32
      %broadcast_in_dim3A_293 = vector.broadcast %broadcast_in_dim3A_292 : f32 to vector<16xf32>
      %swap3A_294 = arith.index_cast %scan3A_264 : i32 to index
      %swap3A_295 = arith.constant 64 : index
      %swap3A_296 = tpu.vector_load %arg7[%swap3A_294, %swap3A_295] {strides = array<i32>} : memref<64x128xf32, #tpu.memory_space<vmem>>, vector<1x16xf32>,
      %swap3A_297 = vector.shape_cast %swap3A_296 : vector<1x16xf32> to vector<16xf32>
      %swap3A_298 = vector.shape_cast %broadcast_in_dim3A_293 : vector<16xf32> to vector<1x16xf32>
      tpu.vector_store %arg7[%swap3A_294, %swap3A_295], %swap3A_298 {strides = array<i32>} : memref<64x128xf32, #tpu.memory_space<vmem>>, vector<1x16xf32>,
      %broadcast_in_dim3A_299 = arith.constant 0.000000e+00 : f32
      %broadcast_in_dim3A_300 = vector.broadcast %broadcast_in_dim3A_299 : f32 to vector<16xf32>
      %swap3A_301 = arith.index_cast %scan3A_264 : i32 to index
      %swap3A_302 = arith.constant 80 : index
      %swap3A_303 = tpu.vector_load %arg7[%swap3A_301, %swap3A_302] {strides = array<i32>} : memref<64x128xf32, #tpu.memory_space<vmem>>, vector<1x16xf32>,
      %swap3A_304 = vector.shape_cast %swap3A_303 : vector<1x16xf32> to vector<16xf32>
      %swap3A_305 = vector.shape_cast %broadcast_in_dim3A_300 : vector<16xf32> to vector<1x16xf32>
      tpu.vector_store %arg7[%swap3A_301, %swap3A_302], %swap3A_305 {strides = array<i32>} : memref<64x128xf32, #tpu.memory_space<vmem>>, vector<1x16xf32>,
      %broadcast_in_dim3A_306 = arith.constant 0.000000e+00 : f32
      %broadcast_in_dim3A_307 = vector.broadcast %broadcast_in_dim3A_306 : f32 to vector<16xf32>
      %swap3A_308 = arith.index_cast %scan3A_264 : i32 to index
      %swap3A_309 = arith.constant 96 : index
      %swap3A_310 = tpu.vector_load %arg7[%swap3A_308, %swap3A_309] {strides = array<i32>} : memref<64x128xf32, #tpu.memory_space<vmem>>, vector<1x16xf32>,
      %swap3A_311 = vector.shape_cast %swap3A_310 : vector<1x16xf32> to vector<16xf32>
      %swap3A_312 = vector.shape_cast %broadcast_in_dim3A_307 : vector<16xf32> to vector<1x16xf32>
      tpu.vector_store %arg7[%swap3A_308, %swap3A_309], %swap3A_312 {strides = array<i32>} : memref<64x128xf32, #tpu.memory_space<vmem>>, vector<1x16xf32>,
      %broadcast_in_dim3A_313 = arith.constant 0.000000e+00 : f32
      %broadcast_in_dim3A_314 = vector.broadcast %broadcast_in_dim3A_313 : f32 to vector<16xf32>
      %swap3A_315 = arith.index_cast %scan3A_264 : i32 to index
      %swap3A_316 = arith.constant 112 : index
      %swap3A_317 = tpu.vector_load %arg7[%swap3A_315, %swap3A_316] {strides = array<i32>} : memref<64x128xf32, #tpu.memory_space<vmem>>, vector<1x16xf32>,
      %swap3A_318 = vector.shape_cast %swap3A_317 : vector<1x16xf32> to vector<16xf32>
      %swap3A_319 = vector.shape_cast %broadcast_in_dim3A_314 : vector<16xf32> to vector<1x16xf32>
      tpu.vector_store %arg7[%swap3A_315, %swap3A_316], %swap3A_319 {strides = array<i32>} : memref<64x128xf32, #tpu.memory_space<vmem>>, vector<1x16xf32>,
      %scan3A_320 = arith.constant 0 : i32
      scf.yield %scan3A_320 : i32
    }
    %scan3A_12 = arith.constant 64 : i32
    %mul3A = arith.constant 640 : i32
    %mul3A_13 = arith.muli %arg1, %mul3A : i32
    %add3A = arith.constant 0 : i32
    %add3A_14 = arith.addi %mul3A_13, %add3A : i32
    %dma_start3A = arith.constant 0 : i32
    %dma_start3A_15 = tpu.memref_slice %arg8[%add3A_14, %dma_start3A] : memref<10240x128xf32, #tpu.memory_space<vmem_shared>> -> memref<64x128xf32, #tpu.memory_space<vmem_shared>>
    %dma_start3A_16 = arith.constant 0 : i32
    %dma_start3A_17 = tpu.memref_slice %arg8[%add3A_14, %dma_start3A_16] : memref<10240x128xf32, #tpu.memory_space<vmem_shared>> -> memref<64x128xf32, #tpu.memory_space<vmem_shared>>
    tpu.enqueue_dma source(%arg7 : memref<64x128xf32, #tpu.memory_space<vmem>>) target(%dma_start3A_17 : memref<64x128xf32, #tpu.memory_space<vmem_shared>>) target_semaphore(%arg9 : memref<!tpu.dma_semaphore, #tpu.memory_space<semaphore_mem>>)
    %mul3A_18 = arith.constant 640 : i32
    %mul3A_19 = arith.muli %arg1, %mul3A_18 : i32
    %add3A_20 = arith.constant 64 : i32
    %add3A_21 = arith.addi %mul3A_19, %add3A_20 : i32
    %dma_start3A_22 = arith.constant 0 : i32
    %dma_start3A_23 = tpu.memref_slice %arg8[%add3A_21, %dma_start3A_22] : memref<10240x128xf32, #tpu.memory_space<vmem_shared>> -> memref<64x128xf32, #tpu.memory_space<vmem_shared>>
    %dma_start3A_24 = arith.constant 0 : i32
    %dma_start3A_25 = tpu.memref_slice %arg8[%add3A_21, %dma_start3A_24] : memref<10240x128xf32, #tpu.memory_space<vmem_shared>> -> memref<64x128xf32, #tpu.memory_space<vmem_shared>>
    tpu.enqueue_dma source(%arg7 : memref<64x128xf32, #tpu.memory_space<vmem>>) target(%dma_start3A_25 : memref<64x128xf32, #tpu.memory_space<vmem_shared>>) target_semaphore(%arg10 : memref<!tpu.dma_semaphore, #tpu.memory_space<semaphore_mem>>)
    %dma_wait3A = arith.constant 0 : i32
    %dma_wait3A_26 = arith.constant 0 : i32
    %dma_wait3A_27 = tpu.memref_slice %arg8[%dma_wait3A, %dma_wait3A_26] : memref<10240x128xf32, #tpu.memory_space<vmem_shared>> -> memref<64x128xf32, #tpu.memory_space<vmem_shared>>
    %dma_wait3A_28 = arith.constant 0 : i32
    %dma_wait3A_29 = arith.constant 0 : i32
    %dma_wait3A_30 = tpu.memref_slice %arg8[%dma_wait3A_28, %dma_wait3A_29] : memref<10240x128xf32, #tpu.memory_space<vmem_shared>> -> memref<64x128xf32, #tpu.memory_space<vmem_shared>>
    tpu.wait_dma2 semaphore(%arg9 : memref<!tpu.dma_semaphore, #tpu.memory_space<semaphore_mem>>) src(%arg7 : memref<64x128xf32, #tpu.memory_space<vmem>>) dst(%dma_wait3A_30 : memref<64x128xf32, #tpu.memory_space<vmem_shared>>)
    %mul3A_31 = arith.constant 640 : i32
    %mul3A_32 = arith.muli %arg1, %mul3A_31 : i32
    %add3A_33 = arith.constant 128 : i32
    %add3A_34 = arith.addi %mul3A_32, %add3A_33 : i32
    %dma_start3A_35 = arith.constant 0 : i32
    %dma_start3A_36 = tpu.memref_slice %arg8[%add3A_34, %dma_start3A_35] : memref<10240x128xf32, #tpu.memory_space<vmem_shared>> -> memref<64x128xf32, #tpu.memory_space<vmem_shared>>
    %dma_start3A_37 = arith.constant 0 : i32
    %dma_start3A_38 = tpu.memref_slice %arg8[%add3A_34, %dma_start3A_37] : memref<10240x128xf32, #tpu.memory_space<vmem_shared>> -> memref<64x128xf32, #tpu.memory_space<vmem_shared>>
    tpu.enqueue_dma source(%arg7 : memref<64x128xf32, #tpu.memory_space<vmem>>) target(%dma_start3A_38 : memref<64x128xf32, #tpu.memory_space<vmem_shared>>) target_semaphore(%arg9 : memref<!tpu.dma_semaphore, #tpu.memory_space<semaphore_mem>>)
    %dma_wait3A_39 = arith.constant 0 : i32
    %dma_wait3A_40 = arith.constant 0 : i32
    %dma_wait3A_41 = tpu.memref_slice %arg8[%dma_wait3A_39, %dma_wait3A_40] : memref<10240x128xf32, #tpu.memory_space<vmem_shared>> -> memref<64x128xf32, #tpu.memory_space<vmem_shared>>
    %dma_wait3A_42 = arith.constant 0 : i32
    %dma_wait3A_43 = arith.constant 0 : i32
    %dma_wait3A_44 = tpu.memref_slice %arg8[%dma_wait3A_42, %dma_wait3A_43] : memref<10240x128xf32, #tpu.memory_space<vmem_shared>> -> memref<64x128xf32, #tpu.memory_space<vmem_shared>>
    tpu.wait_dma2 semaphore(%arg10 : memref<!tpu.dma_semaphore, #tpu.memory_space<semaphore_mem>>) src(%arg7 : memref<64x128xf32, #tpu.memory_space<vmem>>) dst(%dma_wait3A_44 : memref<64x128xf32, #tpu.memory_space<vmem_shared>>)
    %mul3A_45 = arith.constant 640 : i32
    %mul3A_46 = arith.muli %arg1, %mul3A_45 : i32
    %add3A_47 = arith.constant 192 : i32
    %add3A_48 = arith.addi %mul3A_46, %add3A_47 : i32
    %dma_start3A_49 = arith.constant 0 : i32
    %dma_start3A_50 = tpu.memref_slice %arg8[%add3A_48, %dma_start3A_49] : memref<10240x128xf32, #tpu.memory_space<vmem_shared>> -> memref<64x128xf32, #tpu.memory_space<vmem_shared>>
    %dma_start3A_51 = arith.constant 0 : i32
    %dma_start3A_52 = tpu.memref_slice %arg8[%add3A_48, %dma_start3A_51] : memref<10240x128xf32, #tpu.memory_space<vmem_shared>> -> memref<64x128xf32, #tpu.memory_space<vmem_shared>>
    tpu.enqueue_dma source(%arg7 : memref<64x128xf32, #tpu.memory_space<vmem>>) target(%dma_start3A_52 : memref<64x128xf32, #tpu.memory_space<vmem_shared>>) target_semaphore(%arg10 : memref<!tpu.dma_semaphore, #tpu.memory_space<semaphore_mem>>)
    %dma_wait3A_53 = arith.constant 0 : i32
    %dma_wait3A_54 = arith.constant 0 : i32
    %dma_wait3A_55 = tpu.memref_slice %arg8[%dma_wait3A_53, %dma_wait3A_54] : memref<10240x128xf32, #tpu.memory_space<vmem_shared>> -> memref<64x128xf32, #tpu.memory_space<vmem_shared>>
    %dma_wait3A_56 = arith.constant 0 : i32
    %dma_wait3A_57 = arith.constant 0 : i32
    %dma_wait3A_58 = tpu.memref_slice %arg8[%dma_wait3A_56, %dma_wait3A_57] : memref<10240x128xf32, #tpu.memory_space<vmem_shared>> -> memref<64x128xf32, #tpu.memory_space<vmem_shared>>
    tpu.wait_dma2 semaphore(%arg9 : memref<!tpu.dma_semaphore, #tpu.memory_space<semaphore_mem>>) src(%arg7 : memref<64x128xf32, #tpu.memory_space<vmem>>) dst(%dma_wait3A_58 : memref<64x128xf32, #tpu.memory_space<vmem_shared>>)
    %mul3A_59 = arith.constant 640 : i32
    %mul3A_60 = arith.muli %arg1, %mul3A_59 : i32
    %add3A_61 = arith.constant 256 : i32
    %add3A_62 = arith.addi %mul3A_60, %add3A_61 : i32
    %dma_start3A_63 = arith.constant 0 : i32
    %dma_start3A_64 = tpu.memref_slice %arg8[%add3A_62, %dma_start3A_63] : memref<10240x128xf32, #tpu.memory_space<vmem_shared>> -> memref<64x128xf32, #tpu.memory_space<vmem_shared>>
    %dma_start3A_65 = arith.constant 0 : i32
    %dma_start3A_66 = tpu.memref_slice %arg8[%add3A_62, %dma_start3A_65] : memref<10240x128xf32, #tpu.memory_space<vmem_shared>> -> memref<64x128xf32, #tpu.memory_space<vmem_shared>>
    tpu.enqueue_dma source(%arg7 : memref<64x128xf32, #tpu.memory_space<vmem>>) target(%dma_start3A_66 : memref<64x128xf32, #tpu.memory_space<vmem_shared>>) target_semaphore(%arg9 : memref<!tpu.dma_semaphore, #tpu.memory_space<semaphore_mem>>)
    %dma_wait3A_67 = arith.constant 0 : i32
    %dma_wait3A_68 = arith.constant 0 : i32
    %dma_wait3A_69 = tpu.memref_slice %arg8[%dma_wait3A_67, %dma_wait3A_68] : memref<10240x128xf32, #tpu.memory_space<vmem_shared>> -> memref<64x128xf32, #tpu.memory_space<vmem_shared>>
    %dma_wait3A_70 = arith.constant 0 : i32
    %dma_wait3A_71 = arith.constant 0 : i32
    %dma_wait3A_72 = tpu.memref_slice %arg8[%dma_wait3A_70, %dma_wait3A_71] : memref<10240x128xf32, #tpu.memory_space<vmem_shared>> -> memref<64x128xf32, #tpu.memory_space<vmem_shared>>
    tpu.wait_dma2 semaphore(%arg10 : memref<!tpu.dma_semaphore, #tpu.memory_space<semaphore_mem>>) src(%arg7 : memref<64x128xf32, #tpu.memory_space<vmem>>) dst(%dma_wait3A_72 : memref<64x128xf32, #tpu.memory_space<vmem_shared>>)
    %mul3A_73 = arith.constant 640 : i32
    %mul3A_74 = arith.muli %arg1, %mul3A_73 : i32
    %add3A_75 = arith.constant 320 : i32
    %add3A_76 = arith.addi %mul3A_74, %add3A_75 : i32
    %dma_start3A_77 = arith.constant 0 : i32
    %dma_start3A_78 = tpu.memref_slice %arg8[%add3A_76, %dma_start3A_77] : memref<10240x128xf32, #tpu.memory_space<vmem_shared>> -> memref<64x128xf32, #tpu.memory_space<vmem_shared>>
    %dma_start3A_79 = arith.constant 0 : i32
    %dma_start3A_80 = tpu.memref_slice %arg8[%add3A_76, %dma_start3A_79] : memref<10240x128xf32, #tpu.memory_space<vmem_shared>> -> memref<64x128xf32, #tpu.memory_space<vmem_shared>>
    tpu.enqueue_dma source(%arg7 : memref<64x128xf32, #tpu.memory_space<vmem>>) target(%dma_start3A_80 : memref<64x128xf32, #tpu.memory_space<vmem_shared>>) target_semaphore(%arg10 : memref<!tpu.dma_semaphore, #tpu.memory_space<semaphore_mem>>)
    %dma_wait3A_81 = arith.constant 0 : i32
    %dma_wait3A_82 = arith.constant 0 : i32
    %dma_wait3A_83 = tpu.memref_slice %arg8[%dma_wait3A_81, %dma_wait3A_82] : memref<10240x128xf32, #tpu.memory_space<vmem_shared>> -> memref<64x128xf32, #tpu.memory_space<vmem_shared>>
    %dma_wait3A_84 = arith.constant 0 : i32
    %dma_wait3A_85 = arith.constant 0 : i32
    %dma_wait3A_86 = tpu.memref_slice %arg8[%dma_wait3A_84, %dma_wait3A_85] : memref<10240x128xf32, #tpu.memory_space<vmem_shared>> -> memref<64x128xf32, #tpu.memory_space<vmem_shared>>
    tpu.wait_dma2 semaphore(%arg9 : memref<!tpu.dma_semaphore, #tpu.memory_space<semaphore_mem>>) src(%arg7 : memref<64x128xf32, #tpu.memory_space<vmem>>) dst(%dma_wait3A_86 : memref<64x128xf32, #tpu.memory_space<vmem_shared>>)
    %mul3A_87 = arith.constant 640 : i32
    %mul3A_88 = arith.muli %arg1, %mul3A_87 : i32
    %add3A_89 = arith.constant 384 : i32
    %add3A_90 = arith.addi %mul3A_88, %add3A_89 : i32
    %dma_start3A_91 = arith.constant 0 : i32
    %dma_start3A_92 = tpu.memref_slice %arg8[%add3A_90, %dma_start3A_91] : memref<10240x128xf32, #tpu.memory_space<vmem_shared>> -> memref<64x128xf32, #tpu.memory_space<vmem_shared>>
    %dma_start3A_93 = arith.constant 0 : i32
    %dma_start3A_94 = tpu.memref_slice %arg8[%add3A_90, %dma_start3A_93] : memref<10240x128xf32, #tpu.memory_space<vmem_shared>> -> memref<64x128xf32, #tpu.memory_space<vmem_shared>>
    tpu.enqueue_dma source(%arg7 : memref<64x128xf32, #tpu.memory_space<vmem>>) target(%dma_start3A_94 : memref<64x128xf32, #tpu.memory_space<vmem_shared>>) target_semaphore(%arg9 : memref<!tpu.dma_semaphore, #tpu.memory_space<semaphore_mem>>)
    %dma_wait3A_95 = arith.constant 0 : i32
    %dma_wait3A_96 = arith.constant 0 : i32
    %dma_wait3A_97 = tpu.memref_slice %arg8[%dma_wait3A_95, %dma_wait3A_96] : memref<10240x128xf32, #tpu.memory_space<vmem_shared>> -> memref<64x128xf32, #tpu.memory_space<vmem_shared>>
    %dma_wait3A_98 = arith.constant 0 : i32
    %dma_wait3A_99 = arith.constant 0 : i32
    %dma_wait3A_100 = tpu.memref_slice %arg8[%dma_wait3A_98, %dma_wait3A_99] : memref<10240x128xf32, #tpu.memory_space<vmem_shared>> -> memref<64x128xf32, #tpu.memory_space<vmem_shared>>
    tpu.wait_dma2 semaphore(%arg10 : memref<!tpu.dma_semaphore, #tpu.memory_space<semaphore_mem>>) src(%arg7 : memref<64x128xf32, #tpu.memory_space<vmem>>) dst(%dma_wait3A_100 : memref<64x128xf32, #tpu.memory_space<vmem_shared>>)
    %mul3A_101 = arith.constant 640 : i32
    %mul3A_102 = arith.muli %arg1, %mul3A_101 : i32
    %add3A_103 = arith.constant 448 : i32
    %add3A_104 = arith.addi %mul3A_102, %add3A_103 : i32
    %dma_start3A_105 = arith.constant 0 : i32
    %dma_start3A_106 = tpu.memref_slice %arg8[%add3A_104, %dma_start3A_105] : memref<10240x128xf32, #tpu.memory_space<vmem_shared>> -> memref<64x128xf32, #tpu.memory_space<vmem_shared>>
    %dma_start3A_107 = arith.constant 0 : i32
    %dma_start3A_108 = tpu.memref_slice %arg8[%add3A_104, %dma_start3A_107] : memref<10240x128xf32, #tpu.memory_space<vmem_shared>> -> memref<64x128xf32, #tpu.memory_space<vmem_shared>>
    tpu.enqueue_dma source(%arg7 : memref<64x128xf32, #tpu.memory_space<vmem>>) target(%dma_start3A_108 : memref<64x128xf32, #tpu.memory_space<vmem_shared>>) target_semaphore(%arg10 : memref<!tpu.dma_semaphore, #tpu.memory_space<semaphore_mem>>)
    %dma_wait3A_109 = arith.constant 0 : i32
    %dma_wait3A_110 = arith.constant 0 : i32
    %dma_wait3A_111 = tpu.memref_slice %arg8[%dma_wait3A_109, %dma_wait3A_110] : memref<10240x128xf32, #tpu.memory_space<vmem_shared>> -> memref<64x128xf32, #tpu.memory_space<vmem_shared>>
    %dma_wait3A_112 = arith.constant 0 : i32
    %dma_wait3A_113 = arith.constant 0 : i32
    %dma_wait3A_114 = tpu.memref_slice %arg8[%dma_wait3A_112, %dma_wait3A_113] : memref<10240x128xf32, #tpu.memory_space<vmem_shared>> -> memref<64x128xf32, #tpu.memory_space<vmem_shared>>
    tpu.wait_dma2 semaphore(%arg9 : memref<!tpu.dma_semaphore, #tpu.memory_space<semaphore_mem>>) src(%arg7 : memref<64x128xf32, #tpu.memory_space<vmem>>) dst(%dma_wait3A_114 : memref<64x128xf32, #tpu.memory_space<vmem_shared>>)
    %mul3A_115 = arith.constant 640 : i32
    %mul3A_116 = arith.muli %arg1, %mul3A_115 : i32
    %add3A_117 = arith.constant 512 : i32
    %add3A_118 = arith.addi %mul3A_116, %add3A_117 : i32
    %dma_start3A_119 = arith.constant 0 : i32
    %dma_start3A_120 = tpu.memref_slice %arg8[%add3A_118, %dma_start3A_119] : memref<10240x128xf32, #tpu.memory_space<vmem_shared>> -> memref<64x128xf32, #tpu.memory_space<vmem_shared>>
    %dma_start3A_121 = arith.constant 0 : i32
    %dma_start3A_122 = tpu.memref_slice %arg8[%add3A_118, %dma_start3A_121] : memref<10240x128xf32, #tpu.memory_space<vmem_shared>> -> memref<64x128xf32, #tpu.memory_space<vmem_shared>>
    tpu.enqueue_dma source(%arg7 : memref<64x128xf32, #tpu.memory_space<vmem>>) target(%dma_start3A_122 : memref<64x128xf32, #tpu.memory_space<vmem_shared>>) target_semaphore(%arg9 : memref<!tpu.dma_semaphore, #tpu.memory_space<semaphore_mem>>)
    %dma_wait3A_123 = arith.constant 0 : i32
    %dma_wait3A_124 = arith.constant 0 : i32
    %dma_wait3A_125 = tpu.memref_slice %arg8[%dma_wait3A_123, %dma_wait3A_124] : memref<10240x128xf32, #tpu.memory_space<vmem_shared>> -> memref<64x128xf32, #tpu.memory_space<vmem_shared>>
    %dma_wait3A_126 = arith.constant 0 : i32
    %dma_wait3A_127 = arith.constant 0 : i32
    %dma_wait3A_128 = tpu.memref_slice %arg8[%dma_wait3A_126, %dma_wait3A_127] : memref<10240x128xf32, #tpu.memory_space<vmem_shared>> -> memref<64x128xf32, #tpu.memory_space<vmem_shared>>
    tpu.wait_dma2 semaphore(%arg10 : memref<!tpu.dma_semaphore, #tpu.memory_space<semaphore_mem>>) src(%arg7 : memref<64x128xf32, #tpu.memory_space<vmem>>) dst(%dma_wait3A_128 : memref<64x128xf32, #tpu.memory_space<vmem_shared>>)
    %mul3A_129 = arith.constant 640 : i32
    %mul3A_130 = arith.muli %arg1, %mul3A_129 : i32
    %add3A_131 = arith.constant 576 : i32
    %add3A_132 = arith.addi %mul3A_130, %add3A_131 : i32
    %dma_start3A_133 = arith.constant 0 : i32
    %dma_start3A_134 = tpu.memref_slice %arg8[%add3A_132, %dma_start3A_133] : memref<10240x128xf32, #tpu.memory_space<vmem_shared>> -> memref<64x128xf32, #tpu.memory_space<vmem_shared>>
    %dma_start3A_135 = arith.constant 0 : i32
    %dma_start3A_136 = tpu.memref_slice %arg8[%add3A_132, %dma_start3A_135] : memref<10240x128xf32, #tpu.memory_space<vmem_shared>> -> memref<64x128xf32, #tpu.memory_space<vmem_shared>>
    tpu.enqueue_dma source(%arg7 : memref<64x128xf32, #tpu.memory_space<vmem>>) target(%dma_start3A_136 : memref<64x128xf32, #tpu.memory_space<vmem_shared>>) target_semaphore(%arg10 : memref<!tpu.dma_semaphore, #tpu.memory_space<semaphore_mem>>)
    %dma_wait3A_137 = arith.constant 0 : i32
    %dma_wait3A_138 = arith.constant 0 : i32
    %dma_wait3A_139 = tpu.memref_slice %arg8[%dma_wait3A_137, %dma_wait3A_138] : memref<10240x128xf32, #tpu.memory_space<vmem_shared>> -> memref<64x128xf32, #tpu.memory_space<vmem_shared>>
    %dma_wait3A_140 = arith.constant 0 : i32
    %dma_wait3A_141 = arith.constant 0 : i32
    %dma_wait3A_142 = tpu.memref_slice %arg8[%dma_wait3A_140, %dma_wait3A_141] : memref<10240x128xf32, #tpu.memory_space<vmem_shared>> -> memref<64x128xf32, #tpu.memory_space<vmem_shared>>
    tpu.wait_dma2 semaphore(%arg9 : memref<!tpu.dma_semaphore, #tpu.memory_space<semaphore_mem>>) src(%arg7 : memref<64x128xf32, #tpu.memory_space<vmem>>) dst(%dma_wait3A_142 : memref<64x128xf32, #tpu.memory_space<vmem_shared>>)
    %dma_wait3A_143 = arith.constant 0 : i32
    %dma_wait3A_144 = arith.constant 0 : i32
    %dma_wait3A_145 = tpu.memref_slice %arg8[%dma_wait3A_143, %dma_wait3A_144] : memref<10240x128xf32, #tpu.memory_space<vmem_shared>> -> memref<64x128xf32, #tpu.memory_space<vmem_shared>>
    %dma_wait3A_146 = arith.constant 0 : i32
    %dma_wait3A_147 = arith.constant 0 : i32
    %dma_wait3A_148 = tpu.memref_slice %arg8[%dma_wait3A_146, %dma_wait3A_147] : memref<10240x128xf32, #tpu.memory_space<vmem_shared>> -> memref<64x128xf32, #tpu.memory_space<vmem_shared>>
    tpu.wait_dma2 semaphore(%arg10 : memref<!tpu.dma_semaphore, #tpu.memory_space<semaphore_mem>>) src(%arg7 : memref<64x128xf32, #tpu.memory_space<vmem>>) dst(%dma_wait3A_148 : memref<64x128xf32, #tpu.memory_space<vmem_shared>>)
    %eq3A = arith.constant 0 : i32
    %eq3A_149 = arith.cmpi eq, %arg0, %eq3A : i32
    %convert_element_type3A = arith.extui %eq3A_149 : i1 to i32
    %cond3A = arith.constant 0 : i32
    %cond3A_150 = arith.cmpi ne, %convert_element_type3A, %cond3A : i32
    scf.if %cond3A_150 {
      %mul3A_264 = arith.constant 20000 : i32
      %mul3A_265 = arith.muli %arg1, %mul3A_264 : i32
      %add3A_266 = arith.constant 0 : i32
      %add3A_267 = arith.addi %mul3A_265, %add3A_266 : i32
      "tpu.region"() ({
        %run_scoped3A = tpu.sem_alloc : memref<!tpu.dma_semaphore, #tpu.memory_space<semaphore_mem>>
        %dma_start3A_268 = arith.constant 0 : i32
        %dma_start3A_269 = tpu.memref_slice %arg5[%dma_start3A_268] : memref<20000xi32, #tpu.memory_space<vmem>> -> memref<10000xi32, #tpu.memory_space<vmem>>
        %dma_start3A_270 = tpu.memref_slice %arg2[%add3A_267] : memref<320000xi32, #tpu.memory_space<hbm>> -> memref<10000xi32, #tpu.memory_space<hbm>>
        %dma_start3A_271 = arith.constant 0 : i32
        %dma_start3A_272 = tpu.memref_slice %arg5[%dma_start3A_271] : memref<20000xi32, #tpu.memory_space<vmem>> -> memref<10000xi32, #tpu.memory_space<vmem>>
        %dma_start3A_273 = tpu.memref_slice %arg2[%add3A_267] : memref<320000xi32, #tpu.memory_space<hbm>> -> memref<10000xi32, #tpu.memory_space<hbm>>
        tpu.enqueue_dma source(%dma_start3A_273 : memref<10000xi32, #tpu.memory_space<hbm>>) target(%dma_start3A_272 : memref<10000xi32, #tpu.memory_space<vmem>>) target_semaphore(%run_scoped3A : memref<!tpu.dma_semaphore, #tpu.memory_space<semaphore_mem>>)
        %dma_wait3A_274 = arith.constant 0 : i32
        %dma_wait3A_275 = tpu.memref_slice %arg5[%dma_wait3A_274] : memref<20000xi32, #tpu.memory_space<vmem>> -> memref<10000xi32, #tpu.memory_space<vmem>>
        %dma_wait3A_276 = tpu.memref_slice %arg2[%add3A_267] : memref<320000xi32, #tpu.memory_space<hbm>> -> memref<10000xi32, #tpu.memory_space<hbm>>
        %dma_wait3A_277 = arith.constant 0 : i32
        %dma_wait3A_278 = tpu.memref_slice %arg5[%dma_wait3A_277] : memref<20000xi32, #tpu.memory_space<vmem>> -> memref<10000xi32, #tpu.memory_space<vmem>>
        %dma_wait3A_279 = tpu.memref_slice %arg2[%add3A_267] : memref<320000xi32, #tpu.memory_space<hbm>> -> memref<10000xi32, #tpu.memory_space<hbm>>
        tpu.wait_dma2 semaphore(%run_scoped3A : memref<!tpu.dma_semaphore, #tpu.memory_space<semaphore_mem>>) src(%dma_wait3A_279 : memref<10000xi32, #tpu.memory_space<hbm>>) dst(%dma_wait3A_278 : memref<10000xi32, #tpu.memory_space<vmem>>)
        tpu.yield
      }) : () -> ()
    } else {
    }
    %eq3A_151 = arith.constant 1 : i32
    %eq3A_152 = arith.cmpi eq, %arg0, %eq3A_151 : i32
    %convert_element_type3A_153 = arith.extui %eq3A_152 : i1 to i32
    %cond3A_154 = arith.constant 0 : i32
    %cond3A_155 = arith.cmpi ne, %convert_element_type3A_153, %cond3A_154 : i32
    scf.if %cond3A_155 {
      %mul3A_264 = arith.constant 20000 : i32
      %mul3A_265 = arith.muli %arg1, %mul3A_264 : i32
      %add3A_266 = arith.constant 0 : i32
      %add3A_267 = arith.addi %mul3A_265, %add3A_266 : i32
      "tpu.region"() ({
        %run_scoped3A = tpu.sem_alloc : memref<!tpu.dma_semaphore, #tpu.memory_space<semaphore_mem>>
        %dma_start3A_268 = arith.constant 0 : i32
        %dma_start3A_269 = tpu.memref_slice %arg5[%dma_start3A_268] : memref<20000xi32, #tpu.memory_space<vmem>> -> memref<10000xi32, #tpu.memory_space<vmem>>
        %dma_start3A_270 = tpu.memref_slice %arg3[%add3A_267] : memref<320000xi32, #tpu.memory_space<hbm>> -> memref<10000xi32, #tpu.memory_space<hbm>>
        %dma_start3A_271 = arith.constant 0 : i32
        %dma_start3A_272 = tpu.memref_slice %arg5[%dma_start3A_271] : memref<20000xi32, #tpu.memory_space<vmem>> -> memref<10000xi32, #tpu.memory_space<vmem>>
        %dma_start3A_273 = tpu.memref_slice %arg3[%add3A_267] : memref<320000xi32, #tpu.memory_space<hbm>> -> memref<10000xi32, #tpu.memory_space<hbm>>
        tpu.enqueue_dma source(%dma_start3A_273 : memref<10000xi32, #tpu.memory_space<hbm>>) target(%dma_start3A_272 : memref<10000xi32, #tpu.memory_space<vmem>>) target_semaphore(%run_scoped3A : memref<!tpu.dma_semaphore, #tpu.memory_space<semaphore_mem>>)
        %dma_wait3A_274 = arith.constant 0 : i32
        %dma_wait3A_275 = tpu.memref_slice %arg5[%dma_wait3A_274] : memref<20000xi32, #tpu.memory_space<vmem>> -> memref<10000xi32, #tpu.memory_space<vmem>>
        %dma_wait3A_276 = tpu.memref_slice %arg3[%add3A_267] : memref<320000xi32, #tpu.memory_space<hbm>> -> memref<10000xi32, #tpu.memory_space<hbm>>
        %dma_wait3A_277 = arith.constant 0 : i32
        %dma_wait3A_278 = tpu.memref_slice %arg5[%dma_wait3A_277] : memref<20000xi32, #tpu.memory_space<vmem>> -> memref<10000xi32, #tpu.memory_space<vmem>>
        %dma_wait3A_279 = tpu.memref_slice %arg3[%add3A_267] : memref<320000xi32, #tpu.memory_space<hbm>> -> memref<10000xi32, #tpu.memory_space<hbm>>
        tpu.wait_dma2 semaphore(%run_scoped3A : memref<!tpu.dma_semaphore, #tpu.memory_space<semaphore_mem>>) src(%dma_wait3A_279 : memref<10000xi32, #tpu.memory_space<hbm>>) dst(%dma_wait3A_278 : memref<10000xi32, #tpu.memory_space<vmem>>)
        tpu.yield
      }) : () -> ()
    } else {
    }
    %eq3A_156 = arith.constant 0 : i32
    %eq3A_157 = arith.cmpi eq, %arg0, %eq3A_156 : i32
    %convert_element_type3A_158 = arith.extui %eq3A_157 : i1 to i32
    %cond3A_159 = arith.constant 0 : i32
    %cond3A_160 = arith.cmpi ne, %convert_element_type3A_158, %cond3A_159 : i32
    scf.if %cond3A_160 {
      %mul3A_264 = arith.constant 20000 : i32
      %mul3A_265 = arith.muli %arg1, %mul3A_264 : i32
      %add3A_266 = arith.constant 10000 : i32
      %add3A_267 = arith.addi %mul3A_265, %add3A_266 : i32
      "tpu.region"() ({
        %run_scoped3A = tpu.sem_alloc : memref<!tpu.dma_semaphore, #tpu.memory_space<semaphore_mem>>
        %dma_start3A_268 = arith.constant 10000 : i32
        %dma_start3A_269 = tpu.memref_slice %arg5[%dma_start3A_268] : memref<20000xi32, #tpu.memory_space<vmem>> -> memref<10000xi32, #tpu.memory_space<vmem>>
        %dma_start3A_270 = tpu.memref_slice %arg2[%add3A_267] : memref<320000xi32, #tpu.memory_space<hbm>> -> memref<10000xi32, #tpu.memory_space<hbm>>
        %dma_start3A_271 = arith.constant 10000 : i32
        %dma_start3A_272 = tpu.memref_slice %arg5[%dma_start3A_271] : memref<20000xi32, #tpu.memory_space<vmem>> -> memref<10000xi32, #tpu.memory_space<vmem>>
        %dma_start3A_273 = tpu.memref_slice %arg2[%add3A_267] : memref<320000xi32, #tpu.memory_space<hbm>> -> memref<10000xi32, #tpu.memory_space<hbm>>
        tpu.enqueue_dma source(%dma_start3A_273 : memref<10000xi32, #tpu.memory_space<hbm>>) target(%dma_start3A_272 : memref<10000xi32, #tpu.memory_space<vmem>>) target_semaphore(%run_scoped3A : memref<!tpu.dma_semaphore, #tpu.memory_space<semaphore_mem>>)
        %dma_wait3A_274 = arith.constant 10000 : i32
        %dma_wait3A_275 = tpu.memref_slice %arg5[%dma_wait3A_274] : memref<20000xi32, #tpu.memory_space<vmem>> -> memref<10000xi32, #tpu.memory_space<vmem>>
        %dma_wait3A_276 = tpu.memref_slice %arg2[%add3A_267] : memref<320000xi32, #tpu.memory_space<hbm>> -> memref<10000xi32, #tpu.memory_space<hbm>>
        %dma_wait3A_277 = arith.constant 10000 : i32
        %dma_wait3A_278 = tpu.memref_slice %arg5[%dma_wait3A_277] : memref<20000xi32, #tpu.memory_space<vmem>> -> memref<10000xi32, #tpu.memory_space<vmem>>
        %dma_wait3A_279 = tpu.memref_slice %arg2[%add3A_267] : memref<320000xi32, #tpu.memory_space<hbm>> -> memref<10000xi32, #tpu.memory_space<hbm>>
        tpu.wait_dma2 semaphore(%run_scoped3A : memref<!tpu.dma_semaphore, #tpu.memory_space<semaphore_mem>>) src(%dma_wait3A_279 : memref<10000xi32, #tpu.memory_space<hbm>>) dst(%dma_wait3A_278 : memref<10000xi32, #tpu.memory_space<vmem>>)
        tpu.yield
      }) : () -> ()
    } else {
    }
    %eq3A_161 = arith.constant 1 : i32
    %eq3A_162 = arith.cmpi eq, %arg0, %eq3A_161 : i32
    %convert_element_type3A_163 = arith.extui %eq3A_162 : i1 to i32
    %cond3A_164 = arith.constant 0 : i32
    %cond3A_165 = arith.cmpi ne, %convert_element_type3A_163, %cond3A_164 : i32
    scf.if %cond3A_165 {
      %mul3A_264 = arith.constant 20000 : i32
      %mul3A_265 = arith.muli %arg1, %mul3A_264 : i32
      %add3A_266 = arith.constant 10000 : i32
      %add3A_267 = arith.addi %mul3A_265, %add3A_266 : i32
      "tpu.region"() ({
        %run_scoped3A = tpu.sem_alloc : memref<!tpu.dma_semaphore, #tpu.memory_space<semaphore_mem>>
        %dma_start3A_268 = arith.constant 10000 : i32
        %dma_start3A_269 = tpu.memref_slice %arg5[%dma_start3A_268] : memref<20000xi32, #tpu.memory_space<vmem>> -> memref<10000xi32, #tpu.memory_space<vmem>>
        %dma_start3A_270 = tpu.memref_slice %arg3[%add3A_267] : memref<320000xi32, #tpu.memory_space<hbm>> -> memref<10000xi32, #tpu.memory_space<hbm>>
        %dma_start3A_271 = arith.constant 10000 : i32
        %dma_start3A_272 = tpu.memref_slice %arg5[%dma_start3A_271] : memref<20000xi32, #tpu.memory_space<vmem>> -> memref<10000xi32, #tpu.memory_space<vmem>>
        %dma_start3A_273 = tpu.memref_slice %arg3[%add3A_267] : memref<320000xi32, #tpu.memory_space<hbm>> -> memref<10000xi32, #tpu.memory_space<hbm>>
        tpu.enqueue_dma source(%dma_start3A_273 : memref<10000xi32, #tpu.memory_space<hbm>>) target(%dma_start3A_272 : memref<10000xi32, #tpu.memory_space<vmem>>) target_semaphore(%run_scoped3A : memref<!tpu.dma_semaphore, #tpu.memory_space<semaphore_mem>>)
        %dma_wait3A_274 = arith.constant 10000 : i32
        %dma_wait3A_275 = tpu.memref_slice %arg5[%dma_wait3A_274] : memref<20000xi32, #tpu.memory_space<vmem>> -> memref<10000xi32, #tpu.memory_space<vmem>>
        %dma_wait3A_276 = tpu.memref_slice %arg3[%add3A_267] : memref<320000xi32, #tpu.memory_space<hbm>> -> memref<10000xi32, #tpu.memory_space<hbm>>
        %dma_wait3A_277 = arith.constant 10000 : i32
        %dma_wait3A_278 = tpu.memref_slice %arg5[%dma_wait3A_277] : memref<20000xi32, #tpu.memory_space<vmem>> -> memref<10000xi32, #tpu.memory_space<vmem>>
        %dma_wait3A_279 = tpu.memref_slice %arg3[%add3A_267] : memref<320000xi32, #tpu.memory_space<hbm>> -> memref<10000xi32, #tpu.memory_space<hbm>>
        tpu.wait_dma2 semaphore(%run_scoped3A : memref<!tpu.dma_semaphore, #tpu.memory_space<semaphore_mem>>) src(%dma_wait3A_279 : memref<10000xi32, #tpu.memory_space<hbm>>) dst(%dma_wait3A_278 : memref<10000xi32, #tpu.memory_space<vmem>>)
        tpu.yield
      }) : () -> ()
    } else {
    }
    %barrier3A = arith.constant 0 : index
    tpu.barrier barrier_id(%barrier3A)
    %scan3A_166 = arith.constant 0 : i32
    %scan3A_167 = arith.constant 0 : i32
    %scan3A_168 = arith.constant 250 : i32
    %scan3A_169 = arith.addi %scan3A_167, %scan3A_168 : i32
    %scan3A_170 = arith.constant 1 : i32
    %scan3A_171 = scf.for %scan3A_264 = %scan3A_167 to %scan3A_169 step %scan3A_170 iter_args(%scan3A_265 = %scan3A_166) -> (i32)  : i32 {
      %gt3A = arith.constant 0 : i32
      %gt3A_266 = arith.cmpi sgt, %scan3A_264, %gt3A : i32
      %convert_element_type3A_267 = arith.extui %gt3A_266 : i1 to i32
      %cond3A_268 = arith.constant 0 : i32
      %cond3A_269 = arith.cmpi ne, %convert_element_type3A_267, %cond3A_268 : i32
      scf.if %cond3A_269 {
        %dma_wait3A_296 = arith.constant 0 : i32
        %dma_wait3A_297 = tpu.memref_slice %arg5[%dma_wait3A_296] : memref<20000xi32, #tpu.memory_space<vmem>> -> memref<40xi32, #tpu.memory_space<vmem>>
        %dma_wait3A_298 = arith.constant 0 : i32
        %dma_wait3A_299 = arith.constant 0 : i32
        %dma_wait3A_300 = tpu.memref_slice %arg8[%dma_wait3A_298, %dma_wait3A_299] : memref<10240x128xf32, #tpu.memory_space<vmem_shared>> -> memref<10240x128xf32, #tpu.memory_space<vmem_shared>>
        tpu.wait_indirect_dma semaphore(%arg9 : memref<!tpu.dma_semaphore, #tpu.memory_space<semaphore_mem>>) src(%arg6 : memref<40x128xf32, #tpu.memory_space<vmem>>) dst(%dma_wait3A_300 : memref<10240x128xf32, #tpu.memory_space<vmem_shared>>)
      } else {
      }
      %mul3A_270 = arith.constant 2 : i32
      %mul3A_271 = arith.muli %mul3A_270, %scan3A_264 : i32
      %add3A_272 = arith.constant 0 : i32
      %add3A_273 = arith.addi %mul3A_271, %add3A_272 : i32
      %mul3A_274 = arith.constant 40 : i32
      %mul3A_275 = arith.muli %add3A_273, %mul3A_274 : i32
      %dma_start3A_276 = tpu.memref_slice %arg5[%mul3A_275] : memref<20000xi32, #tpu.memory_space<vmem>> -> memref<40xi32, #tpu.memory_space<vmem>>
      %dma_start3A_277 = arith.constant 0 : i32
      %dma_start3A_278 = arith.constant 0 : i32
      %dma_start3A_279 = tpu.memref_slice %arg8[%dma_start3A_277, %dma_start3A_278] : memref<10240x128xf32, #tpu.memory_space<vmem_shared>> -> memref<10240x128xf32, #tpu.memory_space<vmem_shared>>
      tpu.enqueue_indirect_dma source(%arg6 : memref<40x128xf32, #tpu.memory_space<vmem>>) target(%dma_start3A_279 : memref<10240x128xf32, #tpu.memory_space<vmem_shared>>) offsets(%dma_start3A_276 : memref<40xi32, #tpu.memory_space<vmem>>) semaphore(%arg9 : memref<!tpu.dma_semaphore, #tpu.memory_space<semaphore_mem>>) {add = true}
      %gt3A_280 = arith.constant 0 : i32
      %gt3A_281 = arith.cmpi sgt, %scan3A_264, %gt3A_280 : i32
      %convert_element_type3A_282 = arith.extui %gt3A_281 : i1 to i32
      %cond3A_283 = arith.constant 0 : i32
      %cond3A_284 = arith.cmpi ne, %convert_element_type3A_282, %cond3A_283 : i32
      scf.if %cond3A_284 {
        %dma_wait3A_296 = arith.constant 0 : i32
        %dma_wait3A_297 = tpu.memref_slice %arg5[%dma_wait3A_296] : memref<20000xi32, #tpu.memory_space<vmem>> -> memref<40xi32, #tpu.memory_space<vmem>>
        %dma_wait3A_298 = arith.constant 0 : i32
        %dma_wait3A_299 = arith.constant 0 : i32
        %dma_wait3A_300 = tpu.memref_slice %arg8[%dma_wait3A_298, %dma_wait3A_299] : memref<10240x128xf32, #tpu.memory_space<vmem_shared>> -> memref<10240x128xf32, #tpu.memory_space<vmem_shared>>
        tpu.wait_indirect_dma semaphore(%arg10 : memref<!tpu.dma_semaphore, #tpu.memory_space<semaphore_mem>>) src(%arg6 : memref<40x128xf32, #tpu.memory_space<vmem>>) dst(%dma_wait3A_300 : memref<10240x128xf32, #tpu.memory_space<vmem_shared>>)
      } else {
      }
      %mul3A_285 = arith.constant 2 : i32
      %mul3A_286 = arith.muli %mul3A_285, %scan3A_264 : i32
      %add3A_287 = arith.constant 1 : i32
      %add3A_288 = arith.addi %mul3A_286, %add3A_287 : i32
      %mul3A_289 = arith.constant 40 : i32
      %mul3A_290 = arith.muli %add3A_288, %mul3A_289 : i32
      %dma_start3A_291 = tpu.memref_slice %arg5[%mul3A_290] : memref<20000xi32, #tpu.memory_space<vmem>> -> memref<40xi32, #tpu.memory_space<vmem>>
      %dma_start3A_292 = arith.constant 0 : i32
      %dma_start3A_293 = arith.constant 0 : i32
      %dma_start3A_294 = tpu.memref_slice %arg8[%dma_start3A_292, %dma_start3A_293] : memref<10240x128xf32, #tpu.memory_space<vmem_shared>> -> memref<10240x128xf32, #tpu.memory_space<vmem_shared>>
      tpu.enqueue_indirect_dma source(%arg6 : memref<40x128xf32, #tpu.memory_space<vmem>>) target(%dma_start3A_294 : memref<10240x128xf32, #tpu.memory_space<vmem_shared>>) offsets(%dma_start3A_291 : memref<40xi32, #tpu.memory_space<vmem>>) semaphore(%arg10 : memref<!tpu.dma_semaphore, #tpu.memory_space<semaphore_mem>>) {add = true}
      %scan3A_295 = arith.constant 0 : i32
      scf.yield %scan3A_295 : i32
    }
    %scan3A_172 = arith.constant 250 : i32
    %dma_wait3A_173 = arith.constant 0 : i32
    %dma_wait3A_174 = tpu.memref_slice %arg5[%dma_wait3A_173] : memref<20000xi32, #tpu.memory_space<vmem>> -> memref<40xi32, #tpu.memory_space<vmem>>
    %dma_wait3A_175 = arith.constant 0 : i32
    %dma_wait3A_176 = arith.constant 0 : i32
    %dma_wait3A_177 = tpu.memref_slice %arg8[%dma_wait3A_175, %dma_wait3A_176] : memref<10240x128xf32, #tpu.memory_space<vmem_shared>> -> memref<10240x128xf32, #tpu.memory_space<vmem_shared>>
    tpu.wait_indirect_dma semaphore(%arg9 : memref<!tpu.dma_semaphore, #tpu.memory_space<semaphore_mem>>) src(%arg6 : memref<40x128xf32, #tpu.memory_space<vmem>>) dst(%dma_wait3A_177 : memref<10240x128xf32, #tpu.memory_space<vmem_shared>>)
    %dma_wait3A_178 = arith.constant 0 : i32
    %dma_wait3A_179 = tpu.memref_slice %arg5[%dma_wait3A_178] : memref<20000xi32, #tpu.memory_space<vmem>> -> memref<40xi32, #tpu.memory_space<vmem>>
    %dma_wait3A_180 = arith.constant 0 : i32
    %dma_wait3A_181 = arith.constant 0 : i32
    %dma_wait3A_182 = tpu.memref_slice %arg8[%dma_wait3A_180, %dma_wait3A_181] : memref<10240x128xf32, #tpu.memory_space<vmem_shared>> -> memref<10240x128xf32, #tpu.memory_space<vmem_shared>>
    tpu.wait_indirect_dma semaphore(%arg10 : memref<!tpu.dma_semaphore, #tpu.memory_space<semaphore_mem>>) src(%arg6 : memref<40x128xf32, #tpu.memory_space<vmem>>) dst(%dma_wait3A_182 : memref<10240x128xf32, #tpu.memory_space<vmem_shared>>)
    %barrier3A_183 = arith.constant 0 : index
    tpu.barrier barrier_id(%barrier3A_183)
    %mul3A_184 = arith.constant 640 : i32
    %mul3A_185 = arith.muli %arg1, %mul3A_184 : i32
    %add3A_186 = arith.constant 0 : i32
    %add3A_187 = arith.addi %mul3A_185, %add3A_186 : i32
    "tpu.region"() ({
      %run_scoped3A = tpu.sem_alloc : memref<!tpu.dma_semaphore, #tpu.memory_space<semaphore_mem>>
      %dma_start3A_264 = arith.constant 0 : i32
      %dma_start3A_265 = tpu.memref_slice %arg8[%add3A_187, %dma_start3A_264] : memref<10240x128xf32, #tpu.memory_space<vmem_shared>> -> memref<64x128xf32, #tpu.memory_space<vmem_shared>>
      %dma_start3A_266 = arith.constant 0 : i32
      %dma_start3A_267 = tpu.memref_slice %arg8[%add3A_187, %dma_start3A_266] : memref<10240x128xf32, #tpu.memory_space<vmem_shared>> -> memref<64x128xf32, #tpu.memory_space<vmem_shared>>
      tpu.enqueue_dma source(%dma_start3A_267 : memref<64x128xf32, #tpu.memory_space<vmem_shared>>) target(%arg7 : memref<64x128xf32, #tpu.memory_space<vmem>>) target_semaphore(%run_scoped3A : memref<!tpu.dma_semaphore, #tpu.memory_space<semaphore_mem>>)
      %dma_wait3A_268 = arith.constant 0 : i32
      %dma_wait3A_269 = tpu.memref_slice %arg8[%add3A_187, %dma_wait3A_268] : memref<10240x128xf32, #tpu.memory_space<vmem_shared>> -> memref<64x128xf32, #tpu.memory_space<vmem_shared>>
      %dma_wait3A_270 = arith.constant 0 : i32
      %dma_wait3A_271 = tpu.memref_slice %arg8[%add3A_187, %dma_wait3A_270] : memref<10240x128xf32, #tpu.memory_space<vmem_shared>> -> memref<64x128xf32, #tpu.memory_space<vmem_shared>>
      tpu.wait_dma2 semaphore(%run_scoped3A : memref<!tpu.dma_semaphore, #tpu.memory_space<semaphore_mem>>) src(%dma_wait3A_271 : memref<64x128xf32, #tpu.memory_space<vmem_shared>>) dst(%arg7 : memref<64x128xf32, #tpu.memory_space<vmem>>)
      tpu.yield
    }) : () -> ()
    %mul3A_188 = arith.constant 640 : i32
    %mul3A_189 = arith.muli %arg1, %mul3A_188 : i32
    %add3A_190 = arith.constant 0 : i32
    %add3A_191 = arith.addi %mul3A_189, %add3A_190 : i32
    "tpu.region"() ({
      %run_scoped3A = tpu.sem_alloc : memref<!tpu.dma_semaphore, #tpu.memory_space<semaphore_mem>>
      %dma_start3A_264 = arith.constant 0 : i32
      %dma_start3A_265 = tpu.memref_slice %arg4[%arg0, %add3A_191, %dma_start3A_264] : memref<2x10240x128xf32, #tpu.memory_space<hbm>> -> memref<1x64x128xf32, #tpu.memory_space<hbm>>
      %dma_start3A_266 = tpu.memref_squeeze %dma_start3A_265 : memref<1x64x128xf32, #tpu.memory_space<hbm>> -> memref<64x128xf32, #tpu.memory_space<hbm>>
      %dma_start3A_267 = arith.constant 0 : i32
      %dma_start3A_268 = tpu.memref_slice %arg4[%arg0, %add3A_191, %dma_start3A_267] : memref<2x10240x128xf32, #tpu.memory_space<hbm>> -> memref<1x64x128xf32, #tpu.memory_space<hbm>>
      %dma_start3A_269 = tpu.memref_squeeze %dma_start3A_268 : memref<1x64x128xf32, #tpu.memory_space<hbm>> -> memref<64x128xf32, #tpu.memory_space<hbm>>
      tpu.enqueue_dma source(%arg7 : memref<64x128xf32, #tpu.memory_space<vmem>>) target(%dma_start3A_269 : memref<64x128xf32, #tpu.memory_space<hbm>>) target_semaphore(%run_scoped3A : memref<!tpu.dma_semaphore, #tpu.memory_space<semaphore_mem>>)
      %dma_wait3A_270 = arith.constant 0 : i32
      %dma_wait3A_271 = tpu.memref_slice %arg4[%arg0, %add3A_191, %dma_wait3A_270] : memref<2x10240x128xf32, #tpu.memory_space<hbm>> -> memref<1x64x128xf32, #tpu.memory_space<hbm>>
      %dma_wait3A_272 = tpu.memref_squeeze %dma_wait3A_271 : memref<1x64x128xf32, #tpu.memory_space<hbm>> -> memref<64x128xf32, #tpu.memory_space<hbm>>
      %dma_wait3A_273 = arith.constant 0 : i32
      %dma_wait3A_274 = tpu.memref_slice %arg4[%arg0, %add3A_191, %dma_wait3A_273] : memref<2x10240x128xf32, #tpu.memory_space<hbm>> -> memref<1x64x128xf32, #tpu.memory_space<hbm>>
      %dma_wait3A_275 = tpu.memref_squeeze %dma_wait3A_274 : memref<1x64x128xf32, #tpu.memory_space<hbm>> -> memref<64x128xf32, #tpu.memory_space<hbm>>
      tpu.wait_dma2 semaphore(%run_scoped3A : memref<!tpu.dma_semaphore, #tpu.memory_space<semaphore_mem>>) src(%arg7 : memref<64x128xf32, #tpu.memory_space<vmem>>) dst(%dma_wait3A_275 : memref<64x128xf32, #tpu.memory_space<hbm>>)
      tpu.yield
    }) : () -> ()
    %mul3A_192 = arith.constant 640 : i32
    %mul3A_193 = arith.muli %arg1, %mul3A_192 : i32
    %add3A_194 = arith.constant 64 : i32
    %add3A_195 = arith.addi %mul3A_193, %add3A_194 : i32
    "tpu.region"() ({
      %run_scoped3A = tpu.sem_alloc : memref<!tpu.dma_semaphore, #tpu.memory_space<semaphore_mem>>
      %dma_start3A_264 = arith.constant 0 : i32
      %dma_start3A_265 = tpu.memref_slice %arg8[%add3A_195, %dma_start3A_264] : memref<10240x128xf32, #tpu.memory_space<vmem_shared>> -> memref<64x128xf32, #tpu.memory_space<vmem_shared>>
      %dma_start3A_266 = arith.constant 0 : i32
      %dma_start3A_267 = tpu.memref_slice %arg8[%add3A_195, %dma_start3A_266] : memref<10240x128xf32, #tpu.memory_space<vmem_shared>> -> memref<64x128xf32, #tpu.memory_space<vmem_shared>>
      tpu.enqueue_dma source(%dma_start3A_267 : memref<64x128xf32, #tpu.memory_space<vmem_shared>>) target(%arg7 : memref<64x128xf32, #tpu.memory_space<vmem>>) target_semaphore(%run_scoped3A : memref<!tpu.dma_semaphore, #tpu.memory_space<semaphore_mem>>)
      %dma_wait3A_268 = arith.constant 0 : i32
      %dma_wait3A_269 = tpu.memref_slice %arg8[%add3A_195, %dma_wait3A_268] : memref<10240x128xf32, #tpu.memory_space<vmem_shared>> -> memref<64x128xf32, #tpu.memory_space<vmem_shared>>
      %dma_wait3A_270 = arith.constant 0 : i32
      %dma_wait3A_271 = tpu.memref_slice %arg8[%add3A_195, %dma_wait3A_270] : memref<10240x128xf32, #tpu.memory_space<vmem_shared>> -> memref<64x128xf32, #tpu.memory_space<vmem_shared>>
      tpu.wait_dma2 semaphore(%run_scoped3A : memref<!tpu.dma_semaphore, #tpu.memory_space<semaphore_mem>>) src(%dma_wait3A_271 : memref<64x128xf32, #tpu.memory_space<vmem_shared>>) dst(%arg7 : memref<64x128xf32, #tpu.memory_space<vmem>>)
      tpu.yield
    }) : () -> ()
    %mul3A_196 = arith.constant 640 : i32
    %mul3A_197 = arith.muli %arg1, %mul3A_196 : i32
    %add3A_198 = arith.constant 64 : i32
    %add3A_199 = arith.addi %mul3A_197, %add3A_198 : i32
    "tpu.region"() ({
      %run_scoped3A = tpu.sem_alloc : memref<!tpu.dma_semaphore, #tpu.memory_space<semaphore_mem>>
      %dma_start3A_264 = arith.constant 0 : i32
      %dma_start3A_265 = tpu.memref_slice %arg4[%arg0, %add3A_199, %dma_start3A_264] : memref<2x10240x128xf32, #tpu.memory_space<hbm>> -> memref<1x64x128xf32, #tpu.memory_space<hbm>>
      %dma_start3A_266 = tpu.memref_squeeze %dma_start3A_265 : memref<1x64x128xf32, #tpu.memory_space<hbm>> -> memref<64x128xf32, #tpu.memory_space<hbm>>
      %dma_start3A_267 = arith.constant 0 : i32
      %dma_start3A_268 = tpu.memref_slice %arg4[%arg0, %add3A_199, %dma_start3A_267] : memref<2x10240x128xf32, #tpu.memory_space<hbm>> -> memref<1x64x128xf32, #tpu.memory_space<hbm>>
      %dma_start3A_269 = tpu.memref_squeeze %dma_start3A_268 : memref<1x64x128xf32, #tpu.memory_space<hbm>> -> memref<64x128xf32, #tpu.memory_space<hbm>>
      tpu.enqueue_dma source(%arg7 : memref<64x128xf32, #tpu.memory_space<vmem>>) target(%dma_start3A_269 : memref<64x128xf32, #tpu.memory_space<hbm>>) target_semaphore(%run_scoped3A : memref<!tpu.dma_semaphore, #tpu.memory_space<semaphore_mem>>)
      %dma_wait3A_270 = arith.constant 0 : i32
      %dma_wait3A_271 = tpu.memref_slice %arg4[%arg0, %add3A_199, %dma_wait3A_270] : memref<2x10240x128xf32, #tpu.memory_space<hbm>> -> memref<1x64x128xf32, #tpu.memory_space<hbm>>
      %dma_wait3A_272 = tpu.memref_squeeze %dma_wait3A_271 : memref<1x64x128xf32, #tpu.memory_space<hbm>> -> memref<64x128xf32, #tpu.memory_space<hbm>>
      %dma_wait3A_273 = arith.constant 0 : i32
      %dma_wait3A_274 = tpu.memref_slice %arg4[%arg0, %add3A_199, %dma_wait3A_273] : memref<2x10240x128xf32, #tpu.memory_space<hbm>> -> memref<1x64x128xf32, #tpu.memory_space<hbm>>
      %dma_wait3A_275 = tpu.memref_squeeze %dma_wait3A_274 : memref<1x64x128xf32, #tpu.memory_space<hbm>> -> memref<64x128xf32, #tpu.memory_space<hbm>>
      tpu.wait_dma2 semaphore(%run_scoped3A : memref<!tpu.dma_semaphore, #tpu.memory_space<semaphore_mem>>) src(%arg7 : memref<64x128xf32, #tpu.memory_space<vmem>>) dst(%dma_wait3A_275 : memref<64x128xf32, #tpu.memory_space<hbm>>)
      tpu.yield
    }) : () -> ()
    %mul3A_200 = arith.constant 640 : i32
    %mul3A_201 = arith.muli %arg1, %mul3A_200 : i32
    %add3A_202 = arith.constant 128 : i32
    %add3A_203 = arith.addi %mul3A_201, %add3A_202 : i32
    "tpu.region"() ({
      %run_scoped3A = tpu.sem_alloc : memref<!tpu.dma_semaphore, #tpu.memory_space<semaphore_mem>>
      %dma_start3A_264 = arith.constant 0 : i32
      %dma_start3A_265 = tpu.memref_slice %arg8[%add3A_203, %dma_start3A_264] : memref<10240x128xf32, #tpu.memory_space<vmem_shared>> -> memref<64x128xf32, #tpu.memory_space<vmem_shared>>
      %dma_start3A_266 = arith.constant 0 : i32
      %dma_start3A_267 = tpu.memref_slice %arg8[%add3A_203, %dma_start3A_266] : memref<10240x128xf32, #tpu.memory_space<vmem_shared>> -> memref<64x128xf32, #tpu.memory_space<vmem_shared>>
      tpu.enqueue_dma source(%dma_start3A_267 : memref<64x128xf32, #tpu.memory_space<vmem_shared>>) target(%arg7 : memref<64x128xf32, #tpu.memory_space<vmem>>) target_semaphore(%run_scoped3A : memref<!tpu.dma_semaphore, #tpu.memory_space<semaphore_mem>>)
      %dma_wait3A_268 = arith.constant 0 : i32
      %dma_wait3A_269 = tpu.memref_slice %arg8[%add3A_203, %dma_wait3A_268] : memref<10240x128xf32, #tpu.memory_space<vmem_shared>> -> memref<64x128xf32, #tpu.memory_space<vmem_shared>>
      %dma_wait3A_270 = arith.constant 0 : i32
      %dma_wait3A_271 = tpu.memref_slice %arg8[%add3A_203, %dma_wait3A_270] : memref<10240x128xf32, #tpu.memory_space<vmem_shared>> -> memref<64x128xf32, #tpu.memory_space<vmem_shared>>
      tpu.wait_dma2 semaphore(%run_scoped3A : memref<!tpu.dma_semaphore, #tpu.memory_space<semaphore_mem>>) src(%dma_wait3A_271 : memref<64x128xf32, #tpu.memory_space<vmem_shared>>) dst(%arg7 : memref<64x128xf32, #tpu.memory_space<vmem>>)
      tpu.yield
    }) : () -> ()
    %mul3A_204 = arith.constant 640 : i32
    %mul3A_205 = arith.muli %arg1, %mul3A_204 : i32
    %add3A_206 = arith.constant 128 : i32
    %add3A_207 = arith.addi %mul3A_205, %add3A_206 : i32
    "tpu.region"() ({
      %run_scoped3A = tpu.sem_alloc : memref<!tpu.dma_semaphore, #tpu.memory_space<semaphore_mem>>
      %dma_start3A_264 = arith.constant 0 : i32
      %dma_start3A_265 = tpu.memref_slice %arg4[%arg0, %add3A_207, %dma_start3A_264] : memref<2x10240x128xf32, #tpu.memory_space<hbm>> -> memref<1x64x128xf32, #tpu.memory_space<hbm>>
      %dma_start3A_266 = tpu.memref_squeeze %dma_start3A_265 : memref<1x64x128xf32, #tpu.memory_space<hbm>> -> memref<64x128xf32, #tpu.memory_space<hbm>>
      %dma_start3A_267 = arith.constant 0 : i32
      %dma_start3A_268 = tpu.memref_slice %arg4[%arg0, %add3A_207, %dma_start3A_267] : memref<2x10240x128xf32, #tpu.memory_space<hbm>> -> memref<1x64x128xf32, #tpu.memory_space<hbm>>
      %dma_start3A_269 = tpu.memref_squeeze %dma_start3A_268 : memref<1x64x128xf32, #tpu.memory_space<hbm>> -> memref<64x128xf32, #tpu.memory_space<hbm>>
      tpu.enqueue_dma source(%arg7 : memref<64x128xf32, #tpu.memory_space<vmem>>) target(%dma_start3A_269 : memref<64x128xf32, #tpu.memory_space<hbm>>) target_semaphore(%run_scoped3A : memref<!tpu.dma_semaphore, #tpu.memory_space<semaphore_mem>>)
      %dma_wait3A_270 = arith.constant 0 : i32
      %dma_wait3A_271 = tpu.memref_slice %arg4[%arg0, %add3A_207, %dma_wait3A_270] : memref<2x10240x128xf32, #tpu.memory_space<hbm>> -> memref<1x64x128xf32, #tpu.memory_space<hbm>>
      %dma_wait3A_272 = tpu.memref_squeeze %dma_wait3A_271 : memref<1x64x128xf32, #tpu.memory_space<hbm>> -> memref<64x128xf32, #tpu.memory_space<hbm>>
      %dma_wait3A_273 = arith.constant 0 : i32
      %dma_wait3A_274 = tpu.memref_slice %arg4[%arg0, %add3A_207, %dma_wait3A_273] : memref<2x10240x128xf32, #tpu.memory_space<hbm>> -> memref<1x64x128xf32, #tpu.memory_space<hbm>>
      %dma_wait3A_275 = tpu.memref_squeeze %dma_wait3A_274 : memref<1x64x128xf32, #tpu.memory_space<hbm>> -> memref<64x128xf32, #tpu.memory_space<hbm>>
      tpu.wait_dma2 semaphore(%run_scoped3A : memref<!tpu.dma_semaphore, #tpu.memory_space<semaphore_mem>>) src(%arg7 : memref<64x128xf32, #tpu.memory_space<vmem>>) dst(%dma_wait3A_275 : memref<64x128xf32, #tpu.memory_space<hbm>>)
      tpu.yield
    }) : () -> ()
    %mul3A_208 = arith.constant 640 : i32
    %mul3A_209 = arith.muli %arg1, %mul3A_208 : i32
    %add3A_210 = arith.constant 192 : i32
    %add3A_211 = arith.addi %mul3A_209, %add3A_210 : i32
    "tpu.region"() ({
      %run_scoped3A = tpu.sem_alloc : memref<!tpu.dma_semaphore, #tpu.memory_space<semaphore_mem>>
      %dma_start3A_264 = arith.constant 0 : i32
      %dma_start3A_265 = tpu.memref_slice %arg8[%add3A_211, %dma_start3A_264] : memref<10240x128xf32, #tpu.memory_space<vmem_shared>> -> memref<64x128xf32, #tpu.memory_space<vmem_shared>>
      %dma_start3A_266 = arith.constant 0 : i32
      %dma_start3A_267 = tpu.memref_slice %arg8[%add3A_211, %dma_start3A_266] : memref<10240x128xf32, #tpu.memory_space<vmem_shared>> -> memref<64x128xf32, #tpu.memory_space<vmem_shared>>
      tpu.enqueue_dma source(%dma_start3A_267 : memref<64x128xf32, #tpu.memory_space<vmem_shared>>) target(%arg7 : memref<64x128xf32, #tpu.memory_space<vmem>>) target_semaphore(%run_scoped3A : memref<!tpu.dma_semaphore, #tpu.memory_space<semaphore_mem>>)
      %dma_wait3A_268 = arith.constant 0 : i32
      %dma_wait3A_269 = tpu.memref_slice %arg8[%add3A_211, %dma_wait3A_268] : memref<10240x128xf32, #tpu.memory_space<vmem_shared>> -> memref<64x128xf32, #tpu.memory_space<vmem_shared>>
      %dma_wait3A_270 = arith.constant 0 : i32
      %dma_wait3A_271 = tpu.memref_slice %arg8[%add3A_211, %dma_wait3A_270] : memref<10240x128xf32, #tpu.memory_space<vmem_shared>> -> memref<64x128xf32, #tpu.memory_space<vmem_shared>>
      tpu.wait_dma2 semaphore(%run_scoped3A : memref<!tpu.dma_semaphore, #tpu.memory_space<semaphore_mem>>) src(%dma_wait3A_271 : memref<64x128xf32, #tpu.memory_space<vmem_shared>>) dst(%arg7 : memref<64x128xf32, #tpu.memory_space<vmem>>)
      tpu.yield
    }) : () -> ()
    %mul3A_212 = arith.constant 640 : i32
    %mul3A_213 = arith.muli %arg1, %mul3A_212 : i32
    %add3A_214 = arith.constant 192 : i32
    %add3A_215 = arith.addi %mul3A_213, %add3A_214 : i32
    "tpu.region"() ({
      %run_scoped3A = tpu.sem_alloc : memref<!tpu.dma_semaphore, #tpu.memory_space<semaphore_mem>>
      %dma_start3A_264 = arith.constant 0 : i32
      %dma_start3A_265 = tpu.memref_slice %arg4[%arg0, %add3A_215, %dma_start3A_264] : memref<2x10240x128xf32, #tpu.memory_space<hbm>> -> memref<1x64x128xf32, #tpu.memory_space<hbm>>
      %dma_start3A_266 = tpu.memref_squeeze %dma_start3A_265 : memref<1x64x128xf32, #tpu.memory_space<hbm>> -> memref<64x128xf32, #tpu.memory_space<hbm>>
      %dma_start3A_267 = arith.constant 0 : i32
      %dma_start3A_268 = tpu.memref_slice %arg4[%arg0, %add3A_215, %dma_start3A_267] : memref<2x10240x128xf32, #tpu.memory_space<hbm>> -> memref<1x64x128xf32, #tpu.memory_space<hbm>>
      %dma_start3A_269 = tpu.memref_squeeze %dma_start3A_268 : memref<1x64x128xf32, #tpu.memory_space<hbm>> -> memref<64x128xf32, #tpu.memory_space<hbm>>
      tpu.enqueue_dma source(%arg7 : memref<64x128xf32, #tpu.memory_space<vmem>>) target(%dma_start3A_269 : memref<64x128xf32, #tpu.memory_space<hbm>>) target_semaphore(%run_scoped3A : memref<!tpu.dma_semaphore, #tpu.memory_space<semaphore_mem>>)
      %dma_wait3A_270 = arith.constant 0 : i32
      %dma_wait3A_271 = tpu.memref_slice %arg4[%arg0, %add3A_215, %dma_wait3A_270] : memref<2x10240x128xf32, #tpu.memory_space<hbm>> -> memref<1x64x128xf32, #tpu.memory_space<hbm>>
      %dma_wait3A_272 = tpu.memref_squeeze %dma_wait3A_271 : memref<1x64x128xf32, #tpu.memory_space<hbm>> -> memref<64x128xf32, #tpu.memory_space<hbm>>
      %dma_wait3A_273 = arith.constant 0 : i32
      %dma_wait3A_274 = tpu.memref_slice %arg4[%arg0, %add3A_215, %dma_wait3A_273] : memref<2x10240x128xf32, #tpu.memory_space<hbm>> -> memref<1x64x128xf32, #tpu.memory_space<hbm>>
      %dma_wait3A_275 = tpu.memref_squeeze %dma_wait3A_274 : memref<1x64x128xf32, #tpu.memory_space<hbm>> -> memref<64x128xf32, #tpu.memory_space<hbm>>
      tpu.wait_dma2 semaphore(%run_scoped3A : memref<!tpu.dma_semaphore, #tpu.memory_space<semaphore_mem>>) src(%arg7 : memref<64x128xf32, #tpu.memory_space<vmem>>) dst(%dma_wait3A_275 : memref<64x128xf32, #tpu.memory_space<hbm>>)
      tpu.yield
    }) : () -> ()
    %mul3A_216 = arith.constant 640 : i32
    %mul3A_217 = arith.muli %arg1, %mul3A_216 : i32
    %add3A_218 = arith.constant 256 : i32
    %add3A_219 = arith.addi %mul3A_217, %add3A_218 : i32
    "tpu.region"() ({
      %run_scoped3A = tpu.sem_alloc : memref<!tpu.dma_semaphore, #tpu.memory_space<semaphore_mem>>
      %dma_start3A_264 = arith.constant 0 : i32
      %dma_start3A_265 = tpu.memref_slice %arg8[%add3A_219, %dma_start3A_264] : memref<10240x128xf32, #tpu.memory_space<vmem_shared>> -> memref<64x128xf32, #tpu.memory_space<vmem_shared>>
      %dma_start3A_266 = arith.constant 0 : i32
      %dma_start3A_267 = tpu.memref_slice %arg8[%add3A_219, %dma_start3A_266] : memref<10240x128xf32, #tpu.memory_space<vmem_shared>> -> memref<64x128xf32, #tpu.memory_space<vmem_shared>>
      tpu.enqueue_dma source(%dma_start3A_267 : memref<64x128xf32, #tpu.memory_space<vmem_shared>>) target(%arg7 : memref<64x128xf32, #tpu.memory_space<vmem>>) target_semaphore(%run_scoped3A : memref<!tpu.dma_semaphore, #tpu.memory_space<semaphore_mem>>)
      %dma_wait3A_268 = arith.constant 0 : i32
      %dma_wait3A_269 = tpu.memref_slice %arg8[%add3A_219, %dma_wait3A_268] : memref<10240x128xf32, #tpu.memory_space<vmem_shared>> -> memref<64x128xf32, #tpu.memory_space<vmem_shared>>
      %dma_wait3A_270 = arith.constant 0 : i32
      %dma_wait3A_271 = tpu.memref_slice %arg8[%add3A_219, %dma_wait3A_270] : memref<10240x128xf32, #tpu.memory_space<vmem_shared>> -> memref<64x128xf32, #tpu.memory_space<vmem_shared>>
      tpu.wait_dma2 semaphore(%run_scoped3A : memref<!tpu.dma_semaphore, #tpu.memory_space<semaphore_mem>>) src(%dma_wait3A_271 : memref<64x128xf32, #tpu.memory_space<vmem_shared>>) dst(%arg7 : memref<64x128xf32, #tpu.memory_space<vmem>>)
      tpu.yield
    }) : () -> ()
    %mul3A_220 = arith.constant 640 : i32
    %mul3A_221 = arith.muli %arg1, %mul3A_220 : i32
    %add3A_222 = arith.constant 256 : i32
    %add3A_223 = arith.addi %mul3A_221, %add3A_222 : i32
    "tpu.region"() ({
      %run_scoped3A = tpu.sem_alloc : memref<!tpu.dma_semaphore, #tpu.memory_space<semaphore_mem>>
      %dma_start3A_264 = arith.constant 0 : i32
      %dma_start3A_265 = tpu.memref_slice %arg4[%arg0, %add3A_223, %dma_start3A_264] : memref<2x10240x128xf32, #tpu.memory_space<hbm>> -> memref<1x64x128xf32, #tpu.memory_space<hbm>>
      %dma_start3A_266 = tpu.memref_squeeze %dma_start3A_265 : memref<1x64x128xf32, #tpu.memory_space<hbm>> -> memref<64x128xf32, #tpu.memory_space<hbm>>
      %dma_start3A_267 = arith.constant 0 : i32
      %dma_start3A_268 = tpu.memref_slice %arg4[%arg0, %add3A_223, %dma_start3A_267] : memref<2x10240x128xf32, #tpu.memory_space<hbm>> -> memref<1x64x128xf32, #tpu.memory_space<hbm>>
      %dma_start3A_269 = tpu.memref_squeeze %dma_start3A_268 : memref<1x64x128xf32, #tpu.memory_space<hbm>> -> memref<64x128xf32, #tpu.memory_space<hbm>>
      tpu.enqueue_dma source(%arg7 : memref<64x128xf32, #tpu.memory_space<vmem>>) target(%dma_start3A_269 : memref<64x128xf32, #tpu.memory_space<hbm>>) target_semaphore(%run_scoped3A : memref<!tpu.dma_semaphore, #tpu.memory_space<semaphore_mem>>)
      %dma_wait3A_270 = arith.constant 0 : i32
      %dma_wait3A_271 = tpu.memref_slice %arg4[%arg0, %add3A_223, %dma_wait3A_270] : memref<2x10240x128xf32, #tpu.memory_space<hbm>> -> memref<1x64x128xf32, #tpu.memory_space<hbm>>
      %dma_wait3A_272 = tpu.memref_squeeze %dma_wait3A_271 : memref<1x64x128xf32, #tpu.memory_space<hbm>> -> memref<64x128xf32, #tpu.memory_space<hbm>>
      %dma_wait3A_273 = arith.constant 0 : i32
      %dma_wait3A_274 = tpu.memref_slice %arg4[%arg0, %add3A_223, %dma_wait3A_273] : memref<2x10240x128xf32, #tpu.memory_space<hbm>> -> memref<1x64x128xf32, #tpu.memory_space<hbm>>
      %dma_wait3A_275 = tpu.memref_squeeze %dma_wait3A_274 : memref<1x64x128xf32, #tpu.memory_space<hbm>> -> memref<64x128xf32, #tpu.memory_space<hbm>>
      tpu.wait_dma2 semaphore(%run_scoped3A : memref<!tpu.dma_semaphore, #tpu.memory_space<semaphore_mem>>) src(%arg7 : memref<64x128xf32, #tpu.memory_space<vmem>>) dst(%dma_wait3A_275 : memref<64x128xf32, #tpu.memory_space<hbm>>)
      tpu.yield
    }) : () -> ()
    %mul3A_224 = arith.constant 640 : i32
    %mul3A_225 = arith.muli %arg1, %mul3A_224 : i32
    %add3A_226 = arith.constant 320 : i32
    %add3A_227 = arith.addi %mul3A_225, %add3A_226 : i32
    "tpu.region"() ({
      %run_scoped3A = tpu.sem_alloc : memref<!tpu.dma_semaphore, #tpu.memory_space<semaphore_mem>>
      %dma_start3A_264 = arith.constant 0 : i32
      %dma_start3A_265 = tpu.memref_slice %arg8[%add3A_227, %dma_start3A_264] : memref<10240x128xf32, #tpu.memory_space<vmem_shared>> -> memref<64x128xf32, #tpu.memory_space<vmem_shared>>
      %dma_start3A_266 = arith.constant 0 : i32
      %dma_start3A_267 = tpu.memref_slice %arg8[%add3A_227, %dma_start3A_266] : memref<10240x128xf32, #tpu.memory_space<vmem_shared>> -> memref<64x128xf32, #tpu.memory_space<vmem_shared>>
      tpu.enqueue_dma source(%dma_start3A_267 : memref<64x128xf32, #tpu.memory_space<vmem_shared>>) target(%arg7 : memref<64x128xf32, #tpu.memory_space<vmem>>) target_semaphore(%run_scoped3A : memref<!tpu.dma_semaphore, #tpu.memory_space<semaphore_mem>>)
      %dma_wait3A_268 = arith.constant 0 : i32
      %dma_wait3A_269 = tpu.memref_slice %arg8[%add3A_227, %dma_wait3A_268] : memref<10240x128xf32, #tpu.memory_space<vmem_shared>> -> memref<64x128xf32, #tpu.memory_space<vmem_shared>>
      %dma_wait3A_270 = arith.constant 0 : i32
      %dma_wait3A_271 = tpu.memref_slice %arg8[%add3A_227, %dma_wait3A_270] : memref<10240x128xf32, #tpu.memory_space<vmem_shared>> -> memref<64x128xf32, #tpu.memory_space<vmem_shared>>
      tpu.wait_dma2 semaphore(%run_scoped3A : memref<!tpu.dma_semaphore, #tpu.memory_space<semaphore_mem>>) src(%dma_wait3A_271 : memref<64x128xf32, #tpu.memory_space<vmem_shared>>) dst(%arg7 : memref<64x128xf32, #tpu.memory_space<vmem>>)
      tpu.yield
    }) : () -> ()
    %mul3A_228 = arith.constant 640 : i32
    %mul3A_229 = arith.muli %arg1, %mul3A_228 : i32
    %add3A_230 = arith.constant 320 : i32
    %add3A_231 = arith.addi %mul3A_229, %add3A_230 : i32
    "tpu.region"() ({
      %run_scoped3A = tpu.sem_alloc : memref<!tpu.dma_semaphore, #tpu.memory_space<semaphore_mem>>
      %dma_start3A_264 = arith.constant 0 : i32
      %dma_start3A_265 = tpu.memref_slice %arg4[%arg0, %add3A_231, %dma_start3A_264] : memref<2x10240x128xf32, #tpu.memory_space<hbm>> -> memref<1x64x128xf32, #tpu.memory_space<hbm>>
      %dma_start3A_266 = tpu.memref_squeeze %dma_start3A_265 : memref<1x64x128xf32, #tpu.memory_space<hbm>> -> memref<64x128xf32, #tpu.memory_space<hbm>>
      %dma_start3A_267 = arith.constant 0 : i32
      %dma_start3A_268 = tpu.memref_slice %arg4[%arg0, %add3A_231, %dma_start3A_267] : memref<2x10240x128xf32, #tpu.memory_space<hbm>> -> memref<1x64x128xf32, #tpu.memory_space<hbm>>
      %dma_start3A_269 = tpu.memref_squeeze %dma_start3A_268 : memref<1x64x128xf32, #tpu.memory_space<hbm>> -> memref<64x128xf32, #tpu.memory_space<hbm>>
      tpu.enqueue_dma source(%arg7 : memref<64x128xf32, #tpu.memory_space<vmem>>) target(%dma_start3A_269 : memref<64x128xf32, #tpu.memory_space<hbm>>) target_semaphore(%run_scoped3A : memref<!tpu.dma_semaphore, #tpu.memory_space<semaphore_mem>>)
      %dma_wait3A_270 = arith.constant 0 : i32
      %dma_wait3A_271 = tpu.memref_slice %arg4[%arg0, %add3A_231, %dma_wait3A_270] : memref<2x10240x128xf32, #tpu.memory_space<hbm>> -> memref<1x64x128xf32, #tpu.memory_space<hbm>>
      %dma_wait3A_272 = tpu.memref_squeeze %dma_wait3A_271 : memref<1x64x128xf32, #tpu.memory_space<hbm>> -> memref<64x128xf32, #tpu.memory_space<hbm>>
      %dma_wait3A_273 = arith.constant 0 : i32
      %dma_wait3A_274 = tpu.memref_slice %arg4[%arg0, %add3A_231, %dma_wait3A_273] : memref<2x10240x128xf32, #tpu.memory_space<hbm>> -> memref<1x64x128xf32, #tpu.memory_space<hbm>>
      %dma_wait3A_275 = tpu.memref_squeeze %dma_wait3A_274 : memref<1x64x128xf32, #tpu.memory_space<hbm>> -> memref<64x128xf32, #tpu.memory_space<hbm>>
      tpu.wait_dma2 semaphore(%run_scoped3A : memref<!tpu.dma_semaphore, #tpu.memory_space<semaphore_mem>>) src(%arg7 : memref<64x128xf32, #tpu.memory_space<vmem>>) dst(%dma_wait3A_275 : memref<64x128xf32, #tpu.memory_space<hbm>>)
      tpu.yield
    }) : () -> ()
    %mul3A_232 = arith.constant 640 : i32
    %mul3A_233 = arith.muli %arg1, %mul3A_232 : i32
    %add3A_234 = arith.constant 384 : i32
    %add3A_235 = arith.addi %mul3A_233, %add3A_234 : i32
    "tpu.region"() ({
      %run_scoped3A = tpu.sem_alloc : memref<!tpu.dma_semaphore, #tpu.memory_space<semaphore_mem>>
      %dma_start3A_264 = arith.constant 0 : i32
      %dma_start3A_265 = tpu.memref_slice %arg8[%add3A_235, %dma_start3A_264] : memref<10240x128xf32, #tpu.memory_space<vmem_shared>> -> memref<64x128xf32, #tpu.memory_space<vmem_shared>>
      %dma_start3A_266 = arith.constant 0 : i32
      %dma_start3A_267 = tpu.memref_slice %arg8[%add3A_235, %dma_start3A_266] : memref<10240x128xf32, #tpu.memory_space<vmem_shared>> -> memref<64x128xf32, #tpu.memory_space<vmem_shared>>
      tpu.enqueue_dma source(%dma_start3A_267 : memref<64x128xf32, #tpu.memory_space<vmem_shared>>) target(%arg7 : memref<64x128xf32, #tpu.memory_space<vmem>>) target_semaphore(%run_scoped3A : memref<!tpu.dma_semaphore, #tpu.memory_space<semaphore_mem>>)
      %dma_wait3A_268 = arith.constant 0 : i32
      %dma_wait3A_269 = tpu.memref_slice %arg8[%add3A_235, %dma_wait3A_268] : memref<10240x128xf32, #tpu.memory_space<vmem_shared>> -> memref<64x128xf32, #tpu.memory_space<vmem_shared>>
      %dma_wait3A_270 = arith.constant 0 : i32
      %dma_wait3A_271 = tpu.memref_slice %arg8[%add3A_235, %dma_wait3A_270] : memref<10240x128xf32, #tpu.memory_space<vmem_shared>> -> memref<64x128xf32, #tpu.memory_space<vmem_shared>>
      tpu.wait_dma2 semaphore(%run_scoped3A : memref<!tpu.dma_semaphore, #tpu.memory_space<semaphore_mem>>) src(%dma_wait3A_271 : memref<64x128xf32, #tpu.memory_space<vmem_shared>>) dst(%arg7 : memref<64x128xf32, #tpu.memory_space<vmem>>)
      tpu.yield
    }) : () -> ()
    %mul3A_236 = arith.constant 640 : i32
    %mul3A_237 = arith.muli %arg1, %mul3A_236 : i32
    %add3A_238 = arith.constant 384 : i32
    %add3A_239 = arith.addi %mul3A_237, %add3A_238 : i32
    "tpu.region"() ({
      %run_scoped3A = tpu.sem_alloc : memref<!tpu.dma_semaphore, #tpu.memory_space<semaphore_mem>>
      %dma_start3A_264 = arith.constant 0 : i32
      %dma_start3A_265 = tpu.memref_slice %arg4[%arg0, %add3A_239, %dma_start3A_264] : memref<2x10240x128xf32, #tpu.memory_space<hbm>> -> memref<1x64x128xf32, #tpu.memory_space<hbm>>
      %dma_start3A_266 = tpu.memref_squeeze %dma_start3A_265 : memref<1x64x128xf32, #tpu.memory_space<hbm>> -> memref<64x128xf32, #tpu.memory_space<hbm>>
      %dma_start3A_267 = arith.constant 0 : i32
      %dma_start3A_268 = tpu.memref_slice %arg4[%arg0, %add3A_239, %dma_start3A_267] : memref<2x10240x128xf32, #tpu.memory_space<hbm>> -> memref<1x64x128xf32, #tpu.memory_space<hbm>>
      %dma_start3A_269 = tpu.memref_squeeze %dma_start3A_268 : memref<1x64x128xf32, #tpu.memory_space<hbm>> -> memref<64x128xf32, #tpu.memory_space<hbm>>
      tpu.enqueue_dma source(%arg7 : memref<64x128xf32, #tpu.memory_space<vmem>>) target(%dma_start3A_269 : memref<64x128xf32, #tpu.memory_space<hbm>>) target_semaphore(%run_scoped3A : memref<!tpu.dma_semaphore, #tpu.memory_space<semaphore_mem>>)
      %dma_wait3A_270 = arith.constant 0 : i32
      %dma_wait3A_271 = tpu.memref_slice %arg4[%arg0, %add3A_239, %dma_wait3A_270] : memref<2x10240x128xf32, #tpu.memory_space<hbm>> -> memref<1x64x128xf32, #tpu.memory_space<hbm>>
      %dma_wait3A_272 = tpu.memref_squeeze %dma_wait3A_271 : memref<1x64x128xf32, #tpu.memory_space<hbm>> -> memref<64x128xf32, #tpu.memory_space<hbm>>
      %dma_wait3A_273 = arith.constant 0 : i32
      %dma_wait3A_274 = tpu.memref_slice %arg4[%arg0, %add3A_239, %dma_wait3A_273] : memref<2x10240x128xf32, #tpu.memory_space<hbm>> -> memref<1x64x128xf32, #tpu.memory_space<hbm>>
      %dma_wait3A_275 = tpu.memref_squeeze %dma_wait3A_274 : memref<1x64x128xf32, #tpu.memory_space<hbm>> -> memref<64x128xf32, #tpu.memory_space<hbm>>
      tpu.wait_dma2 semaphore(%run_scoped3A : memref<!tpu.dma_semaphore, #tpu.memory_space<semaphore_mem>>) src(%arg7 : memref<64x128xf32, #tpu.memory_space<vmem>>) dst(%dma_wait3A_275 : memref<64x128xf32, #tpu.memory_space<hbm>>)
      tpu.yield
    }) : () -> ()
    %mul3A_240 = arith.constant 640 : i32
    %mul3A_241 = arith.muli %arg1, %mul3A_240 : i32
    %add3A_242 = arith.constant 448 : i32
    %add3A_243 = arith.addi %mul3A_241, %add3A_242 : i32
    "tpu.region"() ({
      %run_scoped3A = tpu.sem_alloc : memref<!tpu.dma_semaphore, #tpu.memory_space<semaphore_mem>>
      %dma_start3A_264 = arith.constant 0 : i32
      %dma_start3A_265 = tpu.memref_slice %arg8[%add3A_243, %dma_start3A_264] : memref<10240x128xf32, #tpu.memory_space<vmem_shared>> -> memref<64x128xf32, #tpu.memory_space<vmem_shared>>
      %dma_start3A_266 = arith.constant 0 : i32
      %dma_start3A_267 = tpu.memref_slice %arg8[%add3A_243, %dma_start3A_266] : memref<10240x128xf32, #tpu.memory_space<vmem_shared>> -> memref<64x128xf32, #tpu.memory_space<vmem_shared>>
      tpu.enqueue_dma source(%dma_start3A_267 : memref<64x128xf32, #tpu.memory_space<vmem_shared>>) target(%arg7 : memref<64x128xf32, #tpu.memory_space<vmem>>) target_semaphore(%run_scoped3A : memref<!tpu.dma_semaphore, #tpu.memory_space<semaphore_mem>>)
      %dma_wait3A_268 = arith.constant 0 : i32
      %dma_wait3A_269 = tpu.memref_slice %arg8[%add3A_243, %dma_wait3A_268] : memref<10240x128xf32, #tpu.memory_space<vmem_shared>> -> memref<64x128xf32, #tpu.memory_space<vmem_shared>>
      %dma_wait3A_270 = arith.constant 0 : i32
      %dma_wait3A_271 = tpu.memref_slice %arg8[%add3A_243, %dma_wait3A_270] : memref<10240x128xf32, #tpu.memory_space<vmem_shared>> -> memref<64x128xf32, #tpu.memory_space<vmem_shared>>
      tpu.wait_dma2 semaphore(%run_scoped3A : memref<!tpu.dma_semaphore, #tpu.memory_space<semaphore_mem>>) src(%dma_wait3A_271 : memref<64x128xf32, #tpu.memory_space<vmem_shared>>) dst(%arg7 : memref<64x128xf32, #tpu.memory_space<vmem>>)
      tpu.yield
    }) : () -> ()
    %mul3A_244 = arith.constant 640 : i32
    %mul3A_245 = arith.muli %arg1, %mul3A_244 : i32
    %add3A_246 = arith.constant 448 : i32
    %add3A_247 = arith.addi %mul3A_245, %add3A_246 : i32
    "tpu.region"() ({
      %run_scoped3A = tpu.sem_alloc : memref<!tpu.dma_semaphore, #tpu.memory_space<semaphore_mem>>
      %dma_start3A_264 = arith.constant 0 : i32
      %dma_start3A_265 = tpu.memref_slice %arg4[%arg0, %add3A_247, %dma_start3A_264] : memref<2x10240x128xf32, #tpu.memory_space<hbm>> -> memref<1x64x128xf32, #tpu.memory_space<hbm>>
      %dma_start3A_266 = tpu.memref_squeeze %dma_start3A_265 : memref<1x64x128xf32, #tpu.memory_space<hbm>> -> memref<64x128xf32, #tpu.memory_space<hbm>>
      %dma_start3A_267 = arith.constant 0 : i32
      %dma_start3A_268 = tpu.memref_slice %arg4[%arg0, %add3A_247, %dma_start3A_267] : memref<2x10240x128xf32, #tpu.memory_space<hbm>> -> memref<1x64x128xf32, #tpu.memory_space<hbm>>
      %dma_start3A_269 = tpu.memref_squeeze %dma_start3A_268 : memref<1x64x128xf32, #tpu.memory_space<hbm>> -> memref<64x128xf32, #tpu.memory_space<hbm>>
      tpu.enqueue_dma source(%arg7 : memref<64x128xf32, #tpu.memory_space<vmem>>) target(%dma_start3A_269 : memref<64x128xf32, #tpu.memory_space<hbm>>) target_semaphore(%run_scoped3A : memref<!tpu.dma_semaphore, #tpu.memory_space<semaphore_mem>>)
      %dma_wait3A_270 = arith.constant 0 : i32
      %dma_wait3A_271 = tpu.memref_slice %arg4[%arg0, %add3A_247, %dma_wait3A_270] : memref<2x10240x128xf32, #tpu.memory_space<hbm>> -> memref<1x64x128xf32, #tpu.memory_space<hbm>>
      %dma_wait3A_272 = tpu.memref_squeeze %dma_wait3A_271 : memref<1x64x128xf32, #tpu.memory_space<hbm>> -> memref<64x128xf32, #tpu.memory_space<hbm>>
      %dma_wait3A_273 = arith.constant 0 : i32
      %dma_wait3A_274 = tpu.memref_slice %arg4[%arg0, %add3A_247, %dma_wait3A_273] : memref<2x10240x128xf32, #tpu.memory_space<hbm>> -> memref<1x64x128xf32, #tpu.memory_space<hbm>>
      %dma_wait3A_275 = tpu.memref_squeeze %dma_wait3A_274 : memref<1x64x128xf32, #tpu.memory_space<hbm>> -> memref<64x128xf32, #tpu.memory_space<hbm>>
      tpu.wait_dma2 semaphore(%run_scoped3A : memref<!tpu.dma_semaphore, #tpu.memory_space<semaphore_mem>>) src(%arg7 : memref<64x128xf32, #tpu.memory_space<vmem>>) dst(%dma_wait3A_275 : memref<64x128xf32, #tpu.memory_space<hbm>>)
      tpu.yield
    }) : () -> ()
    %mul3A_248 = arith.constant 640 : i32
    %mul3A_249 = arith.muli %arg1, %mul3A_248 : i32
    %add3A_250 = arith.constant 512 : i32
    %add3A_251 = arith.addi %mul3A_249, %add3A_250 : i32
    "tpu.region"() ({
      %run_scoped3A = tpu.sem_alloc : memref<!tpu.dma_semaphore, #tpu.memory_space<semaphore_mem>>
      %dma_start3A_264 = arith.constant 0 : i32
      %dma_start3A_265 = tpu.memref_slice %arg8[%add3A_251, %dma_start3A_264] : memref<10240x128xf32, #tpu.memory_space<vmem_shared>> -> memref<64x128xf32, #tpu.memory_space<vmem_shared>>
      %dma_start3A_266 = arith.constant 0 : i32
      %dma_start3A_267 = tpu.memref_slice %arg8[%add3A_251, %dma_start3A_266] : memref<10240x128xf32, #tpu.memory_space<vmem_shared>> -> memref<64x128xf32, #tpu.memory_space<vmem_shared>>
      tpu.enqueue_dma source(%dma_start3A_267 : memref<64x128xf32, #tpu.memory_space<vmem_shared>>) target(%arg7 : memref<64x128xf32, #tpu.memory_space<vmem>>) target_semaphore(%run_scoped3A : memref<!tpu.dma_semaphore, #tpu.memory_space<semaphore_mem>>)
      %dma_wait3A_268 = arith.constant 0 : i32
      %dma_wait3A_269 = tpu.memref_slice %arg8[%add3A_251, %dma_wait3A_268] : memref<10240x128xf32, #tpu.memory_space<vmem_shared>> -> memref<64x128xf32, #tpu.memory_space<vmem_shared>>
      %dma_wait3A_270 = arith.constant 0 : i32
      %dma_wait3A_271 = tpu.memref_slice %arg8[%add3A_251, %dma_wait3A_270] : memref<10240x128xf32, #tpu.memory_space<vmem_shared>> -> memref<64x128xf32, #tpu.memory_space<vmem_shared>>
      tpu.wait_dma2 semaphore(%run_scoped3A : memref<!tpu.dma_semaphore, #tpu.memory_space<semaphore_mem>>) src(%dma_wait3A_271 : memref<64x128xf32, #tpu.memory_space<vmem_shared>>) dst(%arg7 : memref<64x128xf32, #tpu.memory_space<vmem>>)
      tpu.yield
    }) : () -> ()
    %mul3A_252 = arith.constant 640 : i32
    %mul3A_253 = arith.muli %arg1, %mul3A_252 : i32
    %add3A_254 = arith.constant 512 : i32
    %add3A_255 = arith.addi %mul3A_253, %add3A_254 : i32
    "tpu.region"() ({
      %run_scoped3A = tpu.sem_alloc : memref<!tpu.dma_semaphore, #tpu.memory_space<semaphore_mem>>
      %dma_start3A_264 = arith.constant 0 : i32
      %dma_start3A_265 = tpu.memref_slice %arg4[%arg0, %add3A_255, %dma_start3A_264] : memref<2x10240x128xf32, #tpu.memory_space<hbm>> -> memref<1x64x128xf32, #tpu.memory_space<hbm>>
      %dma_start3A_266 = tpu.memref_squeeze %dma_start3A_265 : memref<1x64x128xf32, #tpu.memory_space<hbm>> -> memref<64x128xf32, #tpu.memory_space<hbm>>
      %dma_start3A_267 = arith.constant 0 : i32
      %dma_start3A_268 = tpu.memref_slice %arg4[%arg0, %add3A_255, %dma_start3A_267] : memref<2x10240x128xf32, #tpu.memory_space<hbm>> -> memref<1x64x128xf32, #tpu.memory_space<hbm>>
      %dma_start3A_269 = tpu.memref_squeeze %dma_start3A_268 : memref<1x64x128xf32, #tpu.memory_space<hbm>> -> memref<64x128xf32, #tpu.memory_space<hbm>>
      tpu.enqueue_dma source(%arg7 : memref<64x128xf32, #tpu.memory_space<vmem>>) target(%dma_start3A_269 : memref<64x128xf32, #tpu.memory_space<hbm>>) target_semaphore(%run_scoped3A : memref<!tpu.dma_semaphore, #tpu.memory_space<semaphore_mem>>)
      %dma_wait3A_270 = arith.constant 0 : i32
      %dma_wait3A_271 = tpu.memref_slice %arg4[%arg0, %add3A_255, %dma_wait3A_270] : memref<2x10240x128xf32, #tpu.memory_space<hbm>> -> memref<1x64x128xf32, #tpu.memory_space<hbm>>
      %dma_wait3A_272 = tpu.memref_squeeze %dma_wait3A_271 : memref<1x64x128xf32, #tpu.memory_space<hbm>> -> memref<64x128xf32, #tpu.memory_space<hbm>>
      %dma_wait3A_273 = arith.constant 0 : i32
      %dma_wait3A_274 = tpu.memref_slice %arg4[%arg0, %add3A_255, %dma_wait3A_273] : memref<2x10240x128xf32, #tpu.memory_space<hbm>> -> memref<1x64x128xf32, #tpu.memory_space<hbm>>
      %dma_wait3A_275 = tpu.memref_squeeze %dma_wait3A_274 : memref<1x64x128xf32, #tpu.memory_space<hbm>> -> memref<64x128xf32, #tpu.memory_space<hbm>>
      tpu.wait_dma2 semaphore(%run_scoped3A : memref<!tpu.dma_semaphore, #tpu.memory_space<semaphore_mem>>) src(%arg7 : memref<64x128xf32, #tpu.memory_space<vmem>>) dst(%dma_wait3A_275 : memref<64x128xf32, #tpu.memory_space<hbm>>)
      tpu.yield
    }) : () -> ()
    %mul3A_256 = arith.constant 640 : i32
    %mul3A_257 = arith.muli %arg1, %mul3A_256 : i32
    %add3A_258 = arith.constant 576 : i32
    %add3A_259 = arith.addi %mul3A_257, %add3A_258 : i32
    "tpu.region"() ({
      %run_scoped3A = tpu.sem_alloc : memref<!tpu.dma_semaphore, #tpu.memory_space<semaphore_mem>>
      %dma_start3A_264 = arith.constant 0 : i32
      %dma_start3A_265 = tpu.memref_slice %arg8[%add3A_259, %dma_start3A_264] : memref<10240x128xf32, #tpu.memory_space<vmem_shared>> -> memref<64x128xf32, #tpu.memory_space<vmem_shared>>
      %dma_start3A_266 = arith.constant 0 : i32
      %dma_start3A_267 = tpu.memref_slice %arg8[%add3A_259, %dma_start3A_266] : memref<10240x128xf32, #tpu.memory_space<vmem_shared>> -> memref<64x128xf32, #tpu.memory_space<vmem_shared>>
      tpu.enqueue_dma source(%dma_start3A_267 : memref<64x128xf32, #tpu.memory_space<vmem_shared>>) target(%arg7 : memref<64x128xf32, #tpu.memory_space<vmem>>) target_semaphore(%run_scoped3A : memref<!tpu.dma_semaphore, #tpu.memory_space<semaphore_mem>>)
      %dma_wait3A_268 = arith.constant 0 : i32
      %dma_wait3A_269 = tpu.memref_slice %arg8[%add3A_259, %dma_wait3A_268] : memref<10240x128xf32, #tpu.memory_space<vmem_shared>> -> memref<64x128xf32, #tpu.memory_space<vmem_shared>>
      %dma_wait3A_270 = arith.constant 0 : i32
      %dma_wait3A_271 = tpu.memref_slice %arg8[%add3A_259, %dma_wait3A_270] : memref<10240x128xf32, #tpu.memory_space<vmem_shared>> -> memref<64x128xf32, #tpu.memory_space<vmem_shared>>
      tpu.wait_dma2 semaphore(%run_scoped3A : memref<!tpu.dma_semaphore, #tpu.memory_space<semaphore_mem>>) src(%dma_wait3A_271 : memref<64x128xf32, #tpu.memory_space<vmem_shared>>) dst(%arg7 : memref<64x128xf32, #tpu.memory_space<vmem>>)
      tpu.yield
    }) : () -> ()
    %mul3A_260 = arith.constant 640 : i32
    %mul3A_261 = arith.muli %arg1, %mul3A_260 : i32
    %add3A_262 = arith.constant 576 : i32
    %add3A_263 = arith.addi %mul3A_261, %add3A_262 : i32
    "tpu.region"() ({
      %run_scoped3A = tpu.sem_alloc : memref<!tpu.dma_semaphore, #tpu.memory_space<semaphore_mem>>
      %dma_start3A_264 = arith.constant 0 : i32
      %dma_start3A_265 = tpu.memref_slice %arg4[%arg0, %add3A_263, %dma_start3A_264] : memref<2x10240x128xf32, #tpu.memory_space<hbm>> -> memref<1x64x128xf32, #tpu.memory_space<hbm>>
      %dma_start3A_266 = tpu.memref_squeeze %dma_start3A_265 : memref<1x64x128xf32, #tpu.memory_space<hbm>> -> memref<64x128xf32, #tpu.memory_space<hbm>>
      %dma_start3A_267 = arith.constant 0 : i32
      %dma_start3A_268 = tpu.memref_slice %arg4[%arg0, %add3A_263, %dma_start3A_267] : memref<2x10240x128xf32, #tpu.memory_space<hbm>> -> memref<1x64x128xf32, #tpu.memory_space<hbm>>
      %dma_start3A_269 = tpu.memref_squeeze %dma_start3A_268 : memref<1x64x128xf32, #tpu.memory_space<hbm>> -> memref<64x128xf32, #tpu.memory_space<hbm>>
      tpu.enqueue_dma source(%arg7 : memref<64x128xf32, #tpu.memory_space<vmem>>) target(%dma_start3A_269 : memref<64x128xf32, #tpu.memory_space<hbm>>) target_semaphore(%run_scoped3A : memref<!tpu.dma_semaphore, #tpu.memory_space<semaphore_mem>>)
      %dma_wait3A_270 = arith.constant 0 : i32
      %dma_wait3A_271 = tpu.memref_slice %arg4[%arg0, %add3A_263, %dma_wait3A_270] : memref<2x10240x128xf32, #tpu.memory_space<hbm>> -> memref<1x64x128xf32, #tpu.memory_space<hbm>>
      %dma_wait3A_272 = tpu.memref_squeeze %dma_wait3A_271 : memref<1x64x128xf32, #tpu.memory_space<hbm>> -> memref<64x128xf32, #tpu.memory_space<hbm>>
      %dma_wait3A_273 = arith.constant 0 : i32
      %dma_wait3A_274 = tpu.memref_slice %arg4[%arg0, %add3A_263, %dma_wait3A_273] : memref<2x10240x128xf32, #tpu.memory_space<hbm>> -> memref<1x64x128xf32, #tpu.memory_space<hbm>>
      %dma_wait3A_275 = tpu.memref_squeeze %dma_wait3A_274 : memref<1x64x128xf32, #tpu.memory_space<hbm>> -> memref<64x128xf32, #tpu.memory_space<hbm>>
      tpu.wait_dma2 semaphore(%run_scoped3A : memref<!tpu.dma_semaphore, #tpu.memory_space<semaphore_mem>>) src(%arg7 : memref<64x128xf32, #tpu.memory_space<vmem>>) dst(%dma_wait3A_275 : memref<64x128xf32, #tpu.memory_space<hbm>>)
      tpu.yield
    }) : () -> ()
    return
  }
}

#map = affine_map<(d0, d1) -> (0, 0)>
#map1 = affine_map<(d0, d1) -> (0)>
#map2 = affine_map<(d0, d1) -> (0, 0, 0)>
module attributes {stable_mosaic.version = 14 : i64} {
  func.func @_agg_body(%arg0: i32, %arg1: i32, %arg2: memref<10240x128xf32, #tpu.memory_space<hbm>>, %arg3: memref<320000xi32, #tpu.memory_space<hbm>>, %arg4: memref<320000xi32, #tpu.memory_space<hbm>>, %arg5: memref<2x10240x128xf32, #tpu.memory_space<hbm>>, %arg6: memref<10000xi32, #tpu.memory_space<vmem>>, %arg7: memref<10000xi32, #tpu.memory_space<vmem>>, %arg8: memref<40x128xf32, #tpu.memory_space<vmem>>, %arg9: memref<40x128xf32, #tpu.memory_space<vmem>>, %arg10: memref<40x128xf32, #tpu.memory_space<vmem>>, %arg11: memref<40x128xf32, #tpu.memory_space<vmem>>, %arg12: memref<64x128xf32, #tpu.memory_space<vmem>>, %arg13: memref<10240x128xf32, #tpu.memory_space<vmem_shared>>, %arg14: memref<!tpu.dma_semaphore, #tpu.memory_space<semaphore_mem>>, %arg15: memref<!tpu.dma_semaphore, #tpu.memory_space<semaphore_mem>>, %arg16: memref<!tpu.dma_semaphore, #tpu.memory_space<semaphore_mem>>, %arg17: memref<!tpu.dma_semaphore, #tpu.memory_space<semaphore_mem>>, %arg18: memref<!tpu.dma_semaphore, #tpu.memory_space<semaphore_mem>>, %arg19: memref<!tpu.dma_semaphore, #tpu.memory_space<semaphore_mem>>, %arg20: memref<!tpu.dma_semaphore, #tpu.memory_space<semaphore_mem>>, %arg21: memref<!tpu.dma_semaphore, #tpu.memory_space<semaphore_mem>>) attributes {dimension_semantics = [#tpu.dimension_semantics<core_parallel>, #tpu.dimension_semantics<subcore_parallel>], iteration_bounds = array<i64: 2, 16>, scalar_prefetch = 0 : i64, scratch_operands = 16 : i64, tpu.core_type = #tpu.core_type<sc_vector_subcore>, window_params = [{transform_indices = #map}, {transform_indices = #map1}, {transform_indices = #map1}, {transform_indices = #map2}]} {
    %mul3A = arith.constant 2 : i32
    %mul3A_0 = arith.muli %arg1, %mul3A : i32
    %add3A = arith.addi %mul3A_0, %arg0 : i32
    %scan3A = arith.constant 0 : i32
    %scan3A_1 = arith.constant 0 : i32
    %scan3A_2 = arith.constant 64 : i32
    %scan3A_3 = arith.addi %scan3A_1, %scan3A_2 : i32
    %scan3A_4 = arith.constant 1 : i32
    %scan3A_5 = scf.for %scan3A_285 = %scan3A_1 to %scan3A_3 step %scan3A_4 iter_args(%scan3A_286 = %scan3A) -> (i32)  : i32 {
      %broadcast_in_dim3A = arith.constant 0.000000e+00 : f32
      %broadcast_in_dim3A_287 = vector.broadcast %broadcast_in_dim3A : f32 to vector<16xf32>
      %swap3A = arith.index_cast %scan3A_285 : i32 to index
      %swap3A_288 = arith.constant 0 : index
      %swap3A_289 = tpu.vector_load %arg12[%swap3A, %swap3A_288] {strides = array<i32>} : memref<64x128xf32, #tpu.memory_space<vmem>>, vector<1x16xf32>,
      %swap3A_290 = vector.shape_cast %swap3A_289 : vector<1x16xf32> to vector<16xf32>
      %swap3A_291 = vector.shape_cast %broadcast_in_dim3A_287 : vector<16xf32> to vector<1x16xf32>
      tpu.vector_store %arg12[%swap3A, %swap3A_288], %swap3A_291 {strides = array<i32>} : memref<64x128xf32, #tpu.memory_space<vmem>>, vector<1x16xf32>,
      %broadcast_in_dim3A_292 = arith.constant 0.000000e+00 : f32
      %broadcast_in_dim3A_293 = vector.broadcast %broadcast_in_dim3A_292 : f32 to vector<16xf32>
      %swap3A_294 = arith.index_cast %scan3A_285 : i32 to index
      %swap3A_295 = arith.constant 16 : index
      %swap3A_296 = tpu.vector_load %arg12[%swap3A_294, %swap3A_295] {strides = array<i32>} : memref<64x128xf32, #tpu.memory_space<vmem>>, vector<1x16xf32>,
      %swap3A_297 = vector.shape_cast %swap3A_296 : vector<1x16xf32> to vector<16xf32>
      %swap3A_298 = vector.shape_cast %broadcast_in_dim3A_293 : vector<16xf32> to vector<1x16xf32>
      tpu.vector_store %arg12[%swap3A_294, %swap3A_295], %swap3A_298 {strides = array<i32>} : memref<64x128xf32, #tpu.memory_space<vmem>>, vector<1x16xf32>,
      %broadcast_in_dim3A_299 = arith.constant 0.000000e+00 : f32
      %broadcast_in_dim3A_300 = vector.broadcast %broadcast_in_dim3A_299 : f32 to vector<16xf32>
      %swap3A_301 = arith.index_cast %scan3A_285 : i32 to index
      %swap3A_302 = arith.constant 32 : index
      %swap3A_303 = tpu.vector_load %arg12[%swap3A_301, %swap3A_302] {strides = array<i32>} : memref<64x128xf32, #tpu.memory_space<vmem>>, vector<1x16xf32>,
      %swap3A_304 = vector.shape_cast %swap3A_303 : vector<1x16xf32> to vector<16xf32>
      %swap3A_305 = vector.shape_cast %broadcast_in_dim3A_300 : vector<16xf32> to vector<1x16xf32>
      tpu.vector_store %arg12[%swap3A_301, %swap3A_302], %swap3A_305 {strides = array<i32>} : memref<64x128xf32, #tpu.memory_space<vmem>>, vector<1x16xf32>,
      %broadcast_in_dim3A_306 = arith.constant 0.000000e+00 : f32
      %broadcast_in_dim3A_307 = vector.broadcast %broadcast_in_dim3A_306 : f32 to vector<16xf32>
      %swap3A_308 = arith.index_cast %scan3A_285 : i32 to index
      %swap3A_309 = arith.constant 48 : index
      %swap3A_310 = tpu.vector_load %arg12[%swap3A_308, %swap3A_309] {strides = array<i32>} : memref<64x128xf32, #tpu.memory_space<vmem>>, vector<1x16xf32>,
      %swap3A_311 = vector.shape_cast %swap3A_310 : vector<1x16xf32> to vector<16xf32>
      %swap3A_312 = vector.shape_cast %broadcast_in_dim3A_307 : vector<16xf32> to vector<1x16xf32>
      tpu.vector_store %arg12[%swap3A_308, %swap3A_309], %swap3A_312 {strides = array<i32>} : memref<64x128xf32, #tpu.memory_space<vmem>>, vector<1x16xf32>,
      %broadcast_in_dim3A_313 = arith.constant 0.000000e+00 : f32
      %broadcast_in_dim3A_314 = vector.broadcast %broadcast_in_dim3A_313 : f32 to vector<16xf32>
      %swap3A_315 = arith.index_cast %scan3A_285 : i32 to index
      %swap3A_316 = arith.constant 64 : index
      %swap3A_317 = tpu.vector_load %arg12[%swap3A_315, %swap3A_316] {strides = array<i32>} : memref<64x128xf32, #tpu.memory_space<vmem>>, vector<1x16xf32>,
      %swap3A_318 = vector.shape_cast %swap3A_317 : vector<1x16xf32> to vector<16xf32>
      %swap3A_319 = vector.shape_cast %broadcast_in_dim3A_314 : vector<16xf32> to vector<1x16xf32>
      tpu.vector_store %arg12[%swap3A_315, %swap3A_316], %swap3A_319 {strides = array<i32>} : memref<64x128xf32, #tpu.memory_space<vmem>>, vector<1x16xf32>,
      %broadcast_in_dim3A_320 = arith.constant 0.000000e+00 : f32
      %broadcast_in_dim3A_321 = vector.broadcast %broadcast_in_dim3A_320 : f32 to vector<16xf32>
      %swap3A_322 = arith.index_cast %scan3A_285 : i32 to index
      %swap3A_323 = arith.constant 80 : index
      %swap3A_324 = tpu.vector_load %arg12[%swap3A_322, %swap3A_323] {strides = array<i32>} : memref<64x128xf32, #tpu.memory_space<vmem>>, vector<1x16xf32>,
      %swap3A_325 = vector.shape_cast %swap3A_324 : vector<1x16xf32> to vector<16xf32>
      %swap3A_326 = vector.shape_cast %broadcast_in_dim3A_321 : vector<16xf32> to vector<1x16xf32>
      tpu.vector_store %arg12[%swap3A_322, %swap3A_323], %swap3A_326 {strides = array<i32>} : memref<64x128xf32, #tpu.memory_space<vmem>>, vector<1x16xf32>,
      %broadcast_in_dim3A_327 = arith.constant 0.000000e+00 : f32
      %broadcast_in_dim3A_328 = vector.broadcast %broadcast_in_dim3A_327 : f32 to vector<16xf32>
      %swap3A_329 = arith.index_cast %scan3A_285 : i32 to index
      %swap3A_330 = arith.constant 96 : index
      %swap3A_331 = tpu.vector_load %arg12[%swap3A_329, %swap3A_330] {strides = array<i32>} : memref<64x128xf32, #tpu.memory_space<vmem>>, vector<1x16xf32>,
      %swap3A_332 = vector.shape_cast %swap3A_331 : vector<1x16xf32> to vector<16xf32>
      %swap3A_333 = vector.shape_cast %broadcast_in_dim3A_328 : vector<16xf32> to vector<1x16xf32>
      tpu.vector_store %arg12[%swap3A_329, %swap3A_330], %swap3A_333 {strides = array<i32>} : memref<64x128xf32, #tpu.memory_space<vmem>>, vector<1x16xf32>,
      %broadcast_in_dim3A_334 = arith.constant 0.000000e+00 : f32
      %broadcast_in_dim3A_335 = vector.broadcast %broadcast_in_dim3A_334 : f32 to vector<16xf32>
      %swap3A_336 = arith.index_cast %scan3A_285 : i32 to index
      %swap3A_337 = arith.constant 112 : index
      %swap3A_338 = tpu.vector_load %arg12[%swap3A_336, %swap3A_337] {strides = array<i32>} : memref<64x128xf32, #tpu.memory_space<vmem>>, vector<1x16xf32>,
      %swap3A_339 = vector.shape_cast %swap3A_338 : vector<1x16xf32> to vector<16xf32>
      %swap3A_340 = vector.shape_cast %broadcast_in_dim3A_335 : vector<16xf32> to vector<1x16xf32>
      tpu.vector_store %arg12[%swap3A_336, %swap3A_337], %swap3A_340 {strides = array<i32>} : memref<64x128xf32, #tpu.memory_space<vmem>>, vector<1x16xf32>,
      %scan3A_341 = arith.constant 0 : i32
      scf.yield %scan3A_341 : i32
    }
    %scan3A_6 = arith.constant 64 : i32
    %mul3A_7 = arith.constant 640 : i32
    %mul3A_8 = arith.muli %arg1, %mul3A_7 : i32
    %add3A_9 = arith.constant 0 : i32
    %add3A_10 = arith.addi %mul3A_8, %add3A_9 : i32
    %dma_start3A = arith.constant 0 : i32
    %dma_start3A_11 = tpu.memref_slice %arg13[%add3A_10, %dma_start3A] : memref<10240x128xf32, #tpu.memory_space<vmem_shared>> -> memref<64x128xf32, #tpu.memory_space<vmem_shared>>
    %dma_start3A_12 = arith.constant 0 : i32
    %dma_start3A_13 = tpu.memref_slice %arg13[%add3A_10, %dma_start3A_12] : memref<10240x128xf32, #tpu.memory_space<vmem_shared>> -> memref<64x128xf32, #tpu.memory_space<vmem_shared>>
    tpu.enqueue_dma source(%arg12 : memref<64x128xf32, #tpu.memory_space<vmem>>) target(%dma_start3A_13 : memref<64x128xf32, #tpu.memory_space<vmem_shared>>) target_semaphore(%arg14 : memref<!tpu.dma_semaphore, #tpu.memory_space<semaphore_mem>>)
    %mul3A_14 = arith.constant 640 : i32
    %mul3A_15 = arith.muli %arg1, %mul3A_14 : i32
    %add3A_16 = arith.constant 64 : i32
    %add3A_17 = arith.addi %mul3A_15, %add3A_16 : i32
    %dma_start3A_18 = arith.constant 0 : i32
    %dma_start3A_19 = tpu.memref_slice %arg13[%add3A_17, %dma_start3A_18] : memref<10240x128xf32, #tpu.memory_space<vmem_shared>> -> memref<64x128xf32, #tpu.memory_space<vmem_shared>>
    %dma_start3A_20 = arith.constant 0 : i32
    %dma_start3A_21 = tpu.memref_slice %arg13[%add3A_17, %dma_start3A_20] : memref<10240x128xf32, #tpu.memory_space<vmem_shared>> -> memref<64x128xf32, #tpu.memory_space<vmem_shared>>
    tpu.enqueue_dma source(%arg12 : memref<64x128xf32, #tpu.memory_space<vmem>>) target(%dma_start3A_21 : memref<64x128xf32, #tpu.memory_space<vmem_shared>>) target_semaphore(%arg15 : memref<!tpu.dma_semaphore, #tpu.memory_space<semaphore_mem>>)
    %dma_wait3A = arith.constant 0 : i32
    %dma_wait3A_22 = arith.constant 0 : i32
    %dma_wait3A_23 = tpu.memref_slice %arg13[%dma_wait3A, %dma_wait3A_22] : memref<10240x128xf32, #tpu.memory_space<vmem_shared>> -> memref<64x128xf32, #tpu.memory_space<vmem_shared>>
    %dma_wait3A_24 = arith.constant 0 : i32
    %dma_wait3A_25 = arith.constant 0 : i32
    %dma_wait3A_26 = tpu.memref_slice %arg13[%dma_wait3A_24, %dma_wait3A_25] : memref<10240x128xf32, #tpu.memory_space<vmem_shared>> -> memref<64x128xf32, #tpu.memory_space<vmem_shared>>
    tpu.wait_dma2 semaphore(%arg14 : memref<!tpu.dma_semaphore, #tpu.memory_space<semaphore_mem>>) src(%arg12 : memref<64x128xf32, #tpu.memory_space<vmem>>) dst(%dma_wait3A_26 : memref<64x128xf32, #tpu.memory_space<vmem_shared>>)
    %mul3A_27 = arith.constant 640 : i32
    %mul3A_28 = arith.muli %arg1, %mul3A_27 : i32
    %add3A_29 = arith.constant 128 : i32
    %add3A_30 = arith.addi %mul3A_28, %add3A_29 : i32
    %dma_start3A_31 = arith.constant 0 : i32
    %dma_start3A_32 = tpu.memref_slice %arg13[%add3A_30, %dma_start3A_31] : memref<10240x128xf32, #tpu.memory_space<vmem_shared>> -> memref<64x128xf32, #tpu.memory_space<vmem_shared>>
    %dma_start3A_33 = arith.constant 0 : i32
    %dma_start3A_34 = tpu.memref_slice %arg13[%add3A_30, %dma_start3A_33] : memref<10240x128xf32, #tpu.memory_space<vmem_shared>> -> memref<64x128xf32, #tpu.memory_space<vmem_shared>>
    tpu.enqueue_dma source(%arg12 : memref<64x128xf32, #tpu.memory_space<vmem>>) target(%dma_start3A_34 : memref<64x128xf32, #tpu.memory_space<vmem_shared>>) target_semaphore(%arg14 : memref<!tpu.dma_semaphore, #tpu.memory_space<semaphore_mem>>)
    %dma_wait3A_35 = arith.constant 0 : i32
    %dma_wait3A_36 = arith.constant 0 : i32
    %dma_wait3A_37 = tpu.memref_slice %arg13[%dma_wait3A_35, %dma_wait3A_36] : memref<10240x128xf32, #tpu.memory_space<vmem_shared>> -> memref<64x128xf32, #tpu.memory_space<vmem_shared>>
    %dma_wait3A_38 = arith.constant 0 : i32
    %dma_wait3A_39 = arith.constant 0 : i32
    %dma_wait3A_40 = tpu.memref_slice %arg13[%dma_wait3A_38, %dma_wait3A_39] : memref<10240x128xf32, #tpu.memory_space<vmem_shared>> -> memref<64x128xf32, #tpu.memory_space<vmem_shared>>
    tpu.wait_dma2 semaphore(%arg15 : memref<!tpu.dma_semaphore, #tpu.memory_space<semaphore_mem>>) src(%arg12 : memref<64x128xf32, #tpu.memory_space<vmem>>) dst(%dma_wait3A_40 : memref<64x128xf32, #tpu.memory_space<vmem_shared>>)
    %mul3A_41 = arith.constant 640 : i32
    %mul3A_42 = arith.muli %arg1, %mul3A_41 : i32
    %add3A_43 = arith.constant 192 : i32
    %add3A_44 = arith.addi %mul3A_42, %add3A_43 : i32
    %dma_start3A_45 = arith.constant 0 : i32
    %dma_start3A_46 = tpu.memref_slice %arg13[%add3A_44, %dma_start3A_45] : memref<10240x128xf32, #tpu.memory_space<vmem_shared>> -> memref<64x128xf32, #tpu.memory_space<vmem_shared>>
    %dma_start3A_47 = arith.constant 0 : i32
    %dma_start3A_48 = tpu.memref_slice %arg13[%add3A_44, %dma_start3A_47] : memref<10240x128xf32, #tpu.memory_space<vmem_shared>> -> memref<64x128xf32, #tpu.memory_space<vmem_shared>>
    tpu.enqueue_dma source(%arg12 : memref<64x128xf32, #tpu.memory_space<vmem>>) target(%dma_start3A_48 : memref<64x128xf32, #tpu.memory_space<vmem_shared>>) target_semaphore(%arg15 : memref<!tpu.dma_semaphore, #tpu.memory_space<semaphore_mem>>)
    %dma_wait3A_49 = arith.constant 0 : i32
    %dma_wait3A_50 = arith.constant 0 : i32
    %dma_wait3A_51 = tpu.memref_slice %arg13[%dma_wait3A_49, %dma_wait3A_50] : memref<10240x128xf32, #tpu.memory_space<vmem_shared>> -> memref<64x128xf32, #tpu.memory_space<vmem_shared>>
    %dma_wait3A_52 = arith.constant 0 : i32
    %dma_wait3A_53 = arith.constant 0 : i32
    %dma_wait3A_54 = tpu.memref_slice %arg13[%dma_wait3A_52, %dma_wait3A_53] : memref<10240x128xf32, #tpu.memory_space<vmem_shared>> -> memref<64x128xf32, #tpu.memory_space<vmem_shared>>
    tpu.wait_dma2 semaphore(%arg14 : memref<!tpu.dma_semaphore, #tpu.memory_space<semaphore_mem>>) src(%arg12 : memref<64x128xf32, #tpu.memory_space<vmem>>) dst(%dma_wait3A_54 : memref<64x128xf32, #tpu.memory_space<vmem_shared>>)
    %mul3A_55 = arith.constant 640 : i32
    %mul3A_56 = arith.muli %arg1, %mul3A_55 : i32
    %add3A_57 = arith.constant 256 : i32
    %add3A_58 = arith.addi %mul3A_56, %add3A_57 : i32
    %dma_start3A_59 = arith.constant 0 : i32
    %dma_start3A_60 = tpu.memref_slice %arg13[%add3A_58, %dma_start3A_59] : memref<10240x128xf32, #tpu.memory_space<vmem_shared>> -> memref<64x128xf32, #tpu.memory_space<vmem_shared>>
    %dma_start3A_61 = arith.constant 0 : i32
    %dma_start3A_62 = tpu.memref_slice %arg13[%add3A_58, %dma_start3A_61] : memref<10240x128xf32, #tpu.memory_space<vmem_shared>> -> memref<64x128xf32, #tpu.memory_space<vmem_shared>>
    tpu.enqueue_dma source(%arg12 : memref<64x128xf32, #tpu.memory_space<vmem>>) target(%dma_start3A_62 : memref<64x128xf32, #tpu.memory_space<vmem_shared>>) target_semaphore(%arg14 : memref<!tpu.dma_semaphore, #tpu.memory_space<semaphore_mem>>)
    %dma_wait3A_63 = arith.constant 0 : i32
    %dma_wait3A_64 = arith.constant 0 : i32
    %dma_wait3A_65 = tpu.memref_slice %arg13[%dma_wait3A_63, %dma_wait3A_64] : memref<10240x128xf32, #tpu.memory_space<vmem_shared>> -> memref<64x128xf32, #tpu.memory_space<vmem_shared>>
    %dma_wait3A_66 = arith.constant 0 : i32
    %dma_wait3A_67 = arith.constant 0 : i32
    %dma_wait3A_68 = tpu.memref_slice %arg13[%dma_wait3A_66, %dma_wait3A_67] : memref<10240x128xf32, #tpu.memory_space<vmem_shared>> -> memref<64x128xf32, #tpu.memory_space<vmem_shared>>
    tpu.wait_dma2 semaphore(%arg15 : memref<!tpu.dma_semaphore, #tpu.memory_space<semaphore_mem>>) src(%arg12 : memref<64x128xf32, #tpu.memory_space<vmem>>) dst(%dma_wait3A_68 : memref<64x128xf32, #tpu.memory_space<vmem_shared>>)
    %mul3A_69 = arith.constant 640 : i32
    %mul3A_70 = arith.muli %arg1, %mul3A_69 : i32
    %add3A_71 = arith.constant 320 : i32
    %add3A_72 = arith.addi %mul3A_70, %add3A_71 : i32
    %dma_start3A_73 = arith.constant 0 : i32
    %dma_start3A_74 = tpu.memref_slice %arg13[%add3A_72, %dma_start3A_73] : memref<10240x128xf32, #tpu.memory_space<vmem_shared>> -> memref<64x128xf32, #tpu.memory_space<vmem_shared>>
    %dma_start3A_75 = arith.constant 0 : i32
    %dma_start3A_76 = tpu.memref_slice %arg13[%add3A_72, %dma_start3A_75] : memref<10240x128xf32, #tpu.memory_space<vmem_shared>> -> memref<64x128xf32, #tpu.memory_space<vmem_shared>>
    tpu.enqueue_dma source(%arg12 : memref<64x128xf32, #tpu.memory_space<vmem>>) target(%dma_start3A_76 : memref<64x128xf32, #tpu.memory_space<vmem_shared>>) target_semaphore(%arg15 : memref<!tpu.dma_semaphore, #tpu.memory_space<semaphore_mem>>)
    %dma_wait3A_77 = arith.constant 0 : i32
    %dma_wait3A_78 = arith.constant 0 : i32
    %dma_wait3A_79 = tpu.memref_slice %arg13[%dma_wait3A_77, %dma_wait3A_78] : memref<10240x128xf32, #tpu.memory_space<vmem_shared>> -> memref<64x128xf32, #tpu.memory_space<vmem_shared>>
    %dma_wait3A_80 = arith.constant 0 : i32
    %dma_wait3A_81 = arith.constant 0 : i32
    %dma_wait3A_82 = tpu.memref_slice %arg13[%dma_wait3A_80, %dma_wait3A_81] : memref<10240x128xf32, #tpu.memory_space<vmem_shared>> -> memref<64x128xf32, #tpu.memory_space<vmem_shared>>
    tpu.wait_dma2 semaphore(%arg14 : memref<!tpu.dma_semaphore, #tpu.memory_space<semaphore_mem>>) src(%arg12 : memref<64x128xf32, #tpu.memory_space<vmem>>) dst(%dma_wait3A_82 : memref<64x128xf32, #tpu.memory_space<vmem_shared>>)
    %mul3A_83 = arith.constant 640 : i32
    %mul3A_84 = arith.muli %arg1, %mul3A_83 : i32
    %add3A_85 = arith.constant 384 : i32
    %add3A_86 = arith.addi %mul3A_84, %add3A_85 : i32
    %dma_start3A_87 = arith.constant 0 : i32
    %dma_start3A_88 = tpu.memref_slice %arg13[%add3A_86, %dma_start3A_87] : memref<10240x128xf32, #tpu.memory_space<vmem_shared>> -> memref<64x128xf32, #tpu.memory_space<vmem_shared>>
    %dma_start3A_89 = arith.constant 0 : i32
    %dma_start3A_90 = tpu.memref_slice %arg13[%add3A_86, %dma_start3A_89] : memref<10240x128xf32, #tpu.memory_space<vmem_shared>> -> memref<64x128xf32, #tpu.memory_space<vmem_shared>>
    tpu.enqueue_dma source(%arg12 : memref<64x128xf32, #tpu.memory_space<vmem>>) target(%dma_start3A_90 : memref<64x128xf32, #tpu.memory_space<vmem_shared>>) target_semaphore(%arg14 : memref<!tpu.dma_semaphore, #tpu.memory_space<semaphore_mem>>)
    %dma_wait3A_91 = arith.constant 0 : i32
    %dma_wait3A_92 = arith.constant 0 : i32
    %dma_wait3A_93 = tpu.memref_slice %arg13[%dma_wait3A_91, %dma_wait3A_92] : memref<10240x128xf32, #tpu.memory_space<vmem_shared>> -> memref<64x128xf32, #tpu.memory_space<vmem_shared>>
    %dma_wait3A_94 = arith.constant 0 : i32
    %dma_wait3A_95 = arith.constant 0 : i32
    %dma_wait3A_96 = tpu.memref_slice %arg13[%dma_wait3A_94, %dma_wait3A_95] : memref<10240x128xf32, #tpu.memory_space<vmem_shared>> -> memref<64x128xf32, #tpu.memory_space<vmem_shared>>
    tpu.wait_dma2 semaphore(%arg15 : memref<!tpu.dma_semaphore, #tpu.memory_space<semaphore_mem>>) src(%arg12 : memref<64x128xf32, #tpu.memory_space<vmem>>) dst(%dma_wait3A_96 : memref<64x128xf32, #tpu.memory_space<vmem_shared>>)
    %mul3A_97 = arith.constant 640 : i32
    %mul3A_98 = arith.muli %arg1, %mul3A_97 : i32
    %add3A_99 = arith.constant 448 : i32
    %add3A_100 = arith.addi %mul3A_98, %add3A_99 : i32
    %dma_start3A_101 = arith.constant 0 : i32
    %dma_start3A_102 = tpu.memref_slice %arg13[%add3A_100, %dma_start3A_101] : memref<10240x128xf32, #tpu.memory_space<vmem_shared>> -> memref<64x128xf32, #tpu.memory_space<vmem_shared>>
    %dma_start3A_103 = arith.constant 0 : i32
    %dma_start3A_104 = tpu.memref_slice %arg13[%add3A_100, %dma_start3A_103] : memref<10240x128xf32, #tpu.memory_space<vmem_shared>> -> memref<64x128xf32, #tpu.memory_space<vmem_shared>>
    tpu.enqueue_dma source(%arg12 : memref<64x128xf32, #tpu.memory_space<vmem>>) target(%dma_start3A_104 : memref<64x128xf32, #tpu.memory_space<vmem_shared>>) target_semaphore(%arg15 : memref<!tpu.dma_semaphore, #tpu.memory_space<semaphore_mem>>)
    %dma_wait3A_105 = arith.constant 0 : i32
    %dma_wait3A_106 = arith.constant 0 : i32
    %dma_wait3A_107 = tpu.memref_slice %arg13[%dma_wait3A_105, %dma_wait3A_106] : memref<10240x128xf32, #tpu.memory_space<vmem_shared>> -> memref<64x128xf32, #tpu.memory_space<vmem_shared>>
    %dma_wait3A_108 = arith.constant 0 : i32
    %dma_wait3A_109 = arith.constant 0 : i32
    %dma_wait3A_110 = tpu.memref_slice %arg13[%dma_wait3A_108, %dma_wait3A_109] : memref<10240x128xf32, #tpu.memory_space<vmem_shared>> -> memref<64x128xf32, #tpu.memory_space<vmem_shared>>
    tpu.wait_dma2 semaphore(%arg14 : memref<!tpu.dma_semaphore, #tpu.memory_space<semaphore_mem>>) src(%arg12 : memref<64x128xf32, #tpu.memory_space<vmem>>) dst(%dma_wait3A_110 : memref<64x128xf32, #tpu.memory_space<vmem_shared>>)
    %mul3A_111 = arith.constant 640 : i32
    %mul3A_112 = arith.muli %arg1, %mul3A_111 : i32
    %add3A_113 = arith.constant 512 : i32
    %add3A_114 = arith.addi %mul3A_112, %add3A_113 : i32
    %dma_start3A_115 = arith.constant 0 : i32
    %dma_start3A_116 = tpu.memref_slice %arg13[%add3A_114, %dma_start3A_115] : memref<10240x128xf32, #tpu.memory_space<vmem_shared>> -> memref<64x128xf32, #tpu.memory_space<vmem_shared>>
    %dma_start3A_117 = arith.constant 0 : i32
    %dma_start3A_118 = tpu.memref_slice %arg13[%add3A_114, %dma_start3A_117] : memref<10240x128xf32, #tpu.memory_space<vmem_shared>> -> memref<64x128xf32, #tpu.memory_space<vmem_shared>>
    tpu.enqueue_dma source(%arg12 : memref<64x128xf32, #tpu.memory_space<vmem>>) target(%dma_start3A_118 : memref<64x128xf32, #tpu.memory_space<vmem_shared>>) target_semaphore(%arg14 : memref<!tpu.dma_semaphore, #tpu.memory_space<semaphore_mem>>)
    %dma_wait3A_119 = arith.constant 0 : i32
    %dma_wait3A_120 = arith.constant 0 : i32
    %dma_wait3A_121 = tpu.memref_slice %arg13[%dma_wait3A_119, %dma_wait3A_120] : memref<10240x128xf32, #tpu.memory_space<vmem_shared>> -> memref<64x128xf32, #tpu.memory_space<vmem_shared>>
    %dma_wait3A_122 = arith.constant 0 : i32
    %dma_wait3A_123 = arith.constant 0 : i32
    %dma_wait3A_124 = tpu.memref_slice %arg13[%dma_wait3A_122, %dma_wait3A_123] : memref<10240x128xf32, #tpu.memory_space<vmem_shared>> -> memref<64x128xf32, #tpu.memory_space<vmem_shared>>
    tpu.wait_dma2 semaphore(%arg15 : memref<!tpu.dma_semaphore, #tpu.memory_space<semaphore_mem>>) src(%arg12 : memref<64x128xf32, #tpu.memory_space<vmem>>) dst(%dma_wait3A_124 : memref<64x128xf32, #tpu.memory_space<vmem_shared>>)
    %mul3A_125 = arith.constant 640 : i32
    %mul3A_126 = arith.muli %arg1, %mul3A_125 : i32
    %add3A_127 = arith.constant 576 : i32
    %add3A_128 = arith.addi %mul3A_126, %add3A_127 : i32
    %dma_start3A_129 = arith.constant 0 : i32
    %dma_start3A_130 = tpu.memref_slice %arg13[%add3A_128, %dma_start3A_129] : memref<10240x128xf32, #tpu.memory_space<vmem_shared>> -> memref<64x128xf32, #tpu.memory_space<vmem_shared>>
    %dma_start3A_131 = arith.constant 0 : i32
    %dma_start3A_132 = tpu.memref_slice %arg13[%add3A_128, %dma_start3A_131] : memref<10240x128xf32, #tpu.memory_space<vmem_shared>> -> memref<64x128xf32, #tpu.memory_space<vmem_shared>>
    tpu.enqueue_dma source(%arg12 : memref<64x128xf32, #tpu.memory_space<vmem>>) target(%dma_start3A_132 : memref<64x128xf32, #tpu.memory_space<vmem_shared>>) target_semaphore(%arg15 : memref<!tpu.dma_semaphore, #tpu.memory_space<semaphore_mem>>)
    %dma_wait3A_133 = arith.constant 0 : i32
    %dma_wait3A_134 = arith.constant 0 : i32
    %dma_wait3A_135 = tpu.memref_slice %arg13[%dma_wait3A_133, %dma_wait3A_134] : memref<10240x128xf32, #tpu.memory_space<vmem_shared>> -> memref<64x128xf32, #tpu.memory_space<vmem_shared>>
    %dma_wait3A_136 = arith.constant 0 : i32
    %dma_wait3A_137 = arith.constant 0 : i32
    %dma_wait3A_138 = tpu.memref_slice %arg13[%dma_wait3A_136, %dma_wait3A_137] : memref<10240x128xf32, #tpu.memory_space<vmem_shared>> -> memref<64x128xf32, #tpu.memory_space<vmem_shared>>
    tpu.wait_dma2 semaphore(%arg14 : memref<!tpu.dma_semaphore, #tpu.memory_space<semaphore_mem>>) src(%arg12 : memref<64x128xf32, #tpu.memory_space<vmem>>) dst(%dma_wait3A_138 : memref<64x128xf32, #tpu.memory_space<vmem_shared>>)
    %dma_wait3A_139 = arith.constant 0 : i32
    %dma_wait3A_140 = arith.constant 0 : i32
    %dma_wait3A_141 = tpu.memref_slice %arg13[%dma_wait3A_139, %dma_wait3A_140] : memref<10240x128xf32, #tpu.memory_space<vmem_shared>> -> memref<64x128xf32, #tpu.memory_space<vmem_shared>>
    %dma_wait3A_142 = arith.constant 0 : i32
    %dma_wait3A_143 = arith.constant 0 : i32
    %dma_wait3A_144 = tpu.memref_slice %arg13[%dma_wait3A_142, %dma_wait3A_143] : memref<10240x128xf32, #tpu.memory_space<vmem_shared>> -> memref<64x128xf32, #tpu.memory_space<vmem_shared>>
    tpu.wait_dma2 semaphore(%arg15 : memref<!tpu.dma_semaphore, #tpu.memory_space<semaphore_mem>>) src(%arg12 : memref<64x128xf32, #tpu.memory_space<vmem>>) dst(%dma_wait3A_144 : memref<64x128xf32, #tpu.memory_space<vmem_shared>>)
    %mul3A_145 = arith.constant 10000 : i32
    %mul3A_146 = arith.muli %add3A, %mul3A_145 : i32
    "tpu.region"() ({
      %run_scoped3A = tpu.sem_alloc : memref<!tpu.dma_semaphore, #tpu.memory_space<semaphore_mem>>
      %dma_start3A_285 = tpu.memref_slice %arg3[%mul3A_146] : memref<320000xi32, #tpu.memory_space<hbm>> -> memref<10000xi32, #tpu.memory_space<hbm>>
      %dma_start3A_286 = tpu.memref_slice %arg3[%mul3A_146] : memref<320000xi32, #tpu.memory_space<hbm>> -> memref<10000xi32, #tpu.memory_space<hbm>>
      tpu.enqueue_dma source(%dma_start3A_286 : memref<10000xi32, #tpu.memory_space<hbm>>) target(%arg6 : memref<10000xi32, #tpu.memory_space<vmem>>) target_semaphore(%run_scoped3A : memref<!tpu.dma_semaphore, #tpu.memory_space<semaphore_mem>>)
      %dma_wait3A_287 = tpu.memref_slice %arg3[%mul3A_146] : memref<320000xi32, #tpu.memory_space<hbm>> -> memref<10000xi32, #tpu.memory_space<hbm>>
      %dma_wait3A_288 = tpu.memref_slice %arg3[%mul3A_146] : memref<320000xi32, #tpu.memory_space<hbm>> -> memref<10000xi32, #tpu.memory_space<hbm>>
      tpu.wait_dma2 semaphore(%run_scoped3A : memref<!tpu.dma_semaphore, #tpu.memory_space<semaphore_mem>>) src(%dma_wait3A_288 : memref<10000xi32, #tpu.memory_space<hbm>>) dst(%arg6 : memref<10000xi32, #tpu.memory_space<vmem>>)
      tpu.yield
    }) : () -> ()
    "tpu.region"() ({
      %run_scoped3A = tpu.sem_alloc : memref<!tpu.dma_semaphore, #tpu.memory_space<semaphore_mem>>
      %dma_start3A_285 = tpu.memref_slice %arg4[%mul3A_146] : memref<320000xi32, #tpu.memory_space<hbm>> -> memref<10000xi32, #tpu.memory_space<hbm>>
      %dma_start3A_286 = tpu.memref_slice %arg4[%mul3A_146] : memref<320000xi32, #tpu.memory_space<hbm>> -> memref<10000xi32, #tpu.memory_space<hbm>>
      tpu.enqueue_dma source(%dma_start3A_286 : memref<10000xi32, #tpu.memory_space<hbm>>) target(%arg7 : memref<10000xi32, #tpu.memory_space<vmem>>) target_semaphore(%run_scoped3A : memref<!tpu.dma_semaphore, #tpu.memory_space<semaphore_mem>>)
      %dma_wait3A_287 = tpu.memref_slice %arg4[%mul3A_146] : memref<320000xi32, #tpu.memory_space<hbm>> -> memref<10000xi32, #tpu.memory_space<hbm>>
      %dma_wait3A_288 = tpu.memref_slice %arg4[%mul3A_146] : memref<320000xi32, #tpu.memory_space<hbm>> -> memref<10000xi32, #tpu.memory_space<hbm>>
      tpu.wait_dma2 semaphore(%run_scoped3A : memref<!tpu.dma_semaphore, #tpu.memory_space<semaphore_mem>>) src(%dma_wait3A_288 : memref<10000xi32, #tpu.memory_space<hbm>>) dst(%arg7 : memref<10000xi32, #tpu.memory_space<vmem>>)
      tpu.yield
    }) : () -> ()
    %barrier3A = arith.constant 0 : index
    tpu.barrier barrier_id(%barrier3A)
    %dma_start3A_147 = arith.constant 0 : i32
    %dma_start3A_148 = tpu.memref_slice %arg6[%dma_start3A_147] : memref<10000xi32, #tpu.memory_space<vmem>> -> memref<40xi32, #tpu.memory_space<vmem>>
    %dma_start3A_149 = arith.constant 0 : i32
    %dma_start3A_150 = arith.constant 0 : i32
    %dma_start3A_151 = tpu.memref_slice %arg2[%dma_start3A_149, %dma_start3A_150] : memref<10240x128xf32, #tpu.memory_space<hbm>> -> memref<10240x128xf32, #tpu.memory_space<hbm>>
    tpu.enqueue_indirect_dma source(%dma_start3A_151 : memref<10240x128xf32, #tpu.memory_space<hbm>>) target(%arg8 : memref<40x128xf32, #tpu.memory_space<vmem>>) offsets(%dma_start3A_148 : memref<40xi32, #tpu.memory_space<vmem>>) semaphore(%arg14 : memref<!tpu.dma_semaphore, #tpu.memory_space<semaphore_mem>>)
    %dma_start3A_152 = arith.constant 40 : i32
    %dma_start3A_153 = tpu.memref_slice %arg6[%dma_start3A_152] : memref<10000xi32, #tpu.memory_space<vmem>> -> memref<40xi32, #tpu.memory_space<vmem>>
    %dma_start3A_154 = arith.constant 0 : i32
    %dma_start3A_155 = arith.constant 0 : i32
    %dma_start3A_156 = tpu.memref_slice %arg2[%dma_start3A_154, %dma_start3A_155] : memref<10240x128xf32, #tpu.memory_space<hbm>> -> memref<10240x128xf32, #tpu.memory_space<hbm>>
    tpu.enqueue_indirect_dma source(%dma_start3A_156 : memref<10240x128xf32, #tpu.memory_space<hbm>>) target(%arg9 : memref<40x128xf32, #tpu.memory_space<vmem>>) offsets(%dma_start3A_153 : memref<40xi32, #tpu.memory_space<vmem>>) semaphore(%arg15 : memref<!tpu.dma_semaphore, #tpu.memory_space<semaphore_mem>>)
    %scan3A_157 = arith.constant 0 : i32
    %scan3A_158 = arith.constant 0 : i32
    %scan3A_159 = arith.constant 62 : i32
    %scan3A_160 = arith.addi %scan3A_158, %scan3A_159 : i32
    %scan3A_161 = arith.constant 1 : i32
    %scan3A_162 = scf.for %scan3A_285 = %scan3A_158 to %scan3A_160 step %scan3A_161 iter_args(%scan3A_286 = %scan3A_157) -> (i32)  : i32 {
      %mul3A_287 = arith.constant 4 : i32
      %mul3A_288 = arith.muli %mul3A_287, %scan3A_285 : i32
      %add3A_289 = arith.constant 0 : i32
      %add3A_290 = arith.addi %mul3A_288, %add3A_289 : i32
      %mul3A_291 = arith.constant 40 : i32
      %mul3A_292 = arith.muli %add3A_290, %mul3A_291 : i32
      %dma_wait3A_293 = tpu.memref_slice %arg6[%mul3A_292] : memref<10000xi32, #tpu.memory_space<vmem>> -> memref<40xi32, #tpu.memory_space<vmem>>
      %dma_wait3A_294 = arith.constant 0 : i32
      %dma_wait3A_295 = arith.constant 0 : i32
      %dma_wait3A_296 = tpu.memref_slice %arg2[%dma_wait3A_294, %dma_wait3A_295] : memref<10240x128xf32, #tpu.memory_space<hbm>> -> memref<10240x128xf32, #tpu.memory_space<hbm>>
      tpu.wait_indirect_dma semaphore(%arg14 : memref<!tpu.dma_semaphore, #tpu.memory_space<semaphore_mem>>) src(%dma_wait3A_296 : memref<10240x128xf32, #tpu.memory_space<hbm>>) dst(%arg8 : memref<40x128xf32, #tpu.memory_space<vmem>>)
      %mul3A_297 = arith.constant 40 : i32
      %mul3A_298 = arith.muli %add3A_290, %mul3A_297 : i32
      %dma_start3A_299 = tpu.memref_slice %arg7[%mul3A_298] : memref<10000xi32, #tpu.memory_space<vmem>> -> memref<40xi32, #tpu.memory_space<vmem>>
      %dma_start3A_300 = arith.constant 0 : i32
      %dma_start3A_301 = arith.constant 0 : i32
      %dma_start3A_302 = tpu.memref_slice %arg13[%dma_start3A_300, %dma_start3A_301] : memref<10240x128xf32, #tpu.memory_space<vmem_shared>> -> memref<10240x128xf32, #tpu.memory_space<vmem_shared>>
      tpu.enqueue_indirect_dma source(%arg8 : memref<40x128xf32, #tpu.memory_space<vmem>>) target(%dma_start3A_302 : memref<10240x128xf32, #tpu.memory_space<vmem_shared>>) offsets(%dma_start3A_299 : memref<40xi32, #tpu.memory_space<vmem>>) semaphore(%arg18 : memref<!tpu.dma_semaphore, #tpu.memory_space<semaphore_mem>>) {add = true}
      %gt3A = arith.constant 0 : i32
      %gt3A_303 = arith.cmpi sgt, %scan3A_285, %gt3A : i32
      %convert_element_type3A = arith.extui %gt3A_303 : i1 to i32
      %cond3A = arith.constant 0 : i32
      %cond3A_304 = arith.cmpi ne, %convert_element_type3A, %cond3A : i32
      scf.if %cond3A_304 {
        %dma_wait3A_401 = arith.constant 0 : i32
        %dma_wait3A_402 = tpu.memref_slice %arg7[%dma_wait3A_401] : memref<10000xi32, #tpu.memory_space<vmem>> -> memref<40xi32, #tpu.memory_space<vmem>>
        %dma_wait3A_403 = arith.constant 0 : i32
        %dma_wait3A_404 = arith.constant 0 : i32
        %dma_wait3A_405 = tpu.memref_slice %arg13[%dma_wait3A_403, %dma_wait3A_404] : memref<10240x128xf32, #tpu.memory_space<vmem_shared>> -> memref<10240x128xf32, #tpu.memory_space<vmem_shared>>
        tpu.wait_indirect_dma semaphore(%arg20 : memref<!tpu.dma_semaphore, #tpu.memory_space<semaphore_mem>>) src(%arg10 : memref<40x128xf32, #tpu.memory_space<vmem>>) dst(%dma_wait3A_405 : memref<10240x128xf32, #tpu.memory_space<vmem_shared>>)
      } else {
      }
      %add3A_305 = arith.constant 2 : i32
      %add3A_306 = arith.addi %add3A_290, %add3A_305 : i32
      %mul3A_307 = arith.constant 40 : i32
      %mul3A_308 = arith.muli %add3A_306, %mul3A_307 : i32
      %dma_start3A_309 = tpu.memref_slice %arg6[%mul3A_308] : memref<10000xi32, #tpu.memory_space<vmem>> -> memref<40xi32, #tpu.memory_space<vmem>>
      %dma_start3A_310 = arith.constant 0 : i32
      %dma_start3A_311 = arith.constant 0 : i32
      %dma_start3A_312 = tpu.memref_slice %arg2[%dma_start3A_310, %dma_start3A_311] : memref<10240x128xf32, #tpu.memory_space<hbm>> -> memref<10240x128xf32, #tpu.memory_space<hbm>>
      tpu.enqueue_indirect_dma source(%dma_start3A_312 : memref<10240x128xf32, #tpu.memory_space<hbm>>) target(%arg10 : memref<40x128xf32, #tpu.memory_space<vmem>>) offsets(%dma_start3A_309 : memref<40xi32, #tpu.memory_space<vmem>>) semaphore(%arg16 : memref<!tpu.dma_semaphore, #tpu.memory_space<semaphore_mem>>)
      %mul3A_313 = arith.constant 4 : i32
      %mul3A_314 = arith.muli %mul3A_313, %scan3A_285 : i32
      %add3A_315 = arith.constant 1 : i32
      %add3A_316 = arith.addi %mul3A_314, %add3A_315 : i32
      %mul3A_317 = arith.constant 40 : i32
      %mul3A_318 = arith.muli %add3A_316, %mul3A_317 : i32
      %dma_wait3A_319 = tpu.memref_slice %arg6[%mul3A_318] : memref<10000xi32, #tpu.memory_space<vmem>> -> memref<40xi32, #tpu.memory_space<vmem>>
      %dma_wait3A_320 = arith.constant 0 : i32
      %dma_wait3A_321 = arith.constant 0 : i32
      %dma_wait3A_322 = tpu.memref_slice %arg2[%dma_wait3A_320, %dma_wait3A_321] : memref<10240x128xf32, #tpu.memory_space<hbm>> -> memref<10240x128xf32, #tpu.memory_space<hbm>>
      tpu.wait_indirect_dma semaphore(%arg15 : memref<!tpu.dma_semaphore, #tpu.memory_space<semaphore_mem>>) src(%dma_wait3A_322 : memref<10240x128xf32, #tpu.memory_space<hbm>>) dst(%arg9 : memref<40x128xf32, #tpu.memory_space<vmem>>)
      %mul3A_323 = arith.constant 40 : i32
      %mul3A_324 = arith.muli %add3A_316, %mul3A_323 : i32
      %dma_start3A_325 = tpu.memref_slice %arg7[%mul3A_324] : memref<10000xi32, #tpu.memory_space<vmem>> -> memref<40xi32, #tpu.memory_space<vmem>>
      %dma_start3A_326 = arith.constant 0 : i32
      %dma_start3A_327 = arith.constant 0 : i32
      %dma_start3A_328 = tpu.memref_slice %arg13[%dma_start3A_326, %dma_start3A_327] : memref<10240x128xf32, #tpu.memory_space<vmem_shared>> -> memref<10240x128xf32, #tpu.memory_space<vmem_shared>>
      tpu.enqueue_indirect_dma source(%arg9 : memref<40x128xf32, #tpu.memory_space<vmem>>) target(%dma_start3A_328 : memref<10240x128xf32, #tpu.memory_space<vmem_shared>>) offsets(%dma_start3A_325 : memref<40xi32, #tpu.memory_space<vmem>>) semaphore(%arg19 : memref<!tpu.dma_semaphore, #tpu.memory_space<semaphore_mem>>) {add = true}
      %gt3A_329 = arith.constant 0 : i32
      %gt3A_330 = arith.cmpi sgt, %scan3A_285, %gt3A_329 : i32
      %convert_element_type3A_331 = arith.extui %gt3A_330 : i1 to i32
      %cond3A_332 = arith.constant 0 : i32
      %cond3A_333 = arith.cmpi ne, %convert_element_type3A_331, %cond3A_332 : i32
      scf.if %cond3A_333 {
        %dma_wait3A_401 = arith.constant 0 : i32
        %dma_wait3A_402 = tpu.memref_slice %arg7[%dma_wait3A_401] : memref<10000xi32, #tpu.memory_space<vmem>> -> memref<40xi32, #tpu.memory_space<vmem>>
        %dma_wait3A_403 = arith.constant 0 : i32
        %dma_wait3A_404 = arith.constant 0 : i32
        %dma_wait3A_405 = tpu.memref_slice %arg13[%dma_wait3A_403, %dma_wait3A_404] : memref<10240x128xf32, #tpu.memory_space<vmem_shared>> -> memref<10240x128xf32, #tpu.memory_space<vmem_shared>>
        tpu.wait_indirect_dma semaphore(%arg21 : memref<!tpu.dma_semaphore, #tpu.memory_space<semaphore_mem>>) src(%arg11 : memref<40x128xf32, #tpu.memory_space<vmem>>) dst(%dma_wait3A_405 : memref<10240x128xf32, #tpu.memory_space<vmem_shared>>)
      } else {
      }
      %add3A_334 = arith.constant 2 : i32
      %add3A_335 = arith.addi %add3A_316, %add3A_334 : i32
      %mul3A_336 = arith.constant 40 : i32
      %mul3A_337 = arith.muli %add3A_335, %mul3A_336 : i32
      %dma_start3A_338 = tpu.memref_slice %arg6[%mul3A_337] : memref<10000xi32, #tpu.memory_space<vmem>> -> memref<40xi32, #tpu.memory_space<vmem>>
      %dma_start3A_339 = arith.constant 0 : i32
      %dma_start3A_340 = arith.constant 0 : i32
      %dma_start3A_341 = tpu.memref_slice %arg2[%dma_start3A_339, %dma_start3A_340] : memref<10240x128xf32, #tpu.memory_space<hbm>> -> memref<10240x128xf32, #tpu.memory_space<hbm>>
      tpu.enqueue_indirect_dma source(%dma_start3A_341 : memref<10240x128xf32, #tpu.memory_space<hbm>>) target(%arg11 : memref<40x128xf32, #tpu.memory_space<vmem>>) offsets(%dma_start3A_338 : memref<40xi32, #tpu.memory_space<vmem>>) semaphore(%arg17 : memref<!tpu.dma_semaphore, #tpu.memory_space<semaphore_mem>>)
      %mul3A_342 = arith.constant 4 : i32
      %mul3A_343 = arith.muli %mul3A_342, %scan3A_285 : i32
      %add3A_344 = arith.constant 2 : i32
      %add3A_345 = arith.addi %mul3A_343, %add3A_344 : i32
      %mul3A_346 = arith.constant 40 : i32
      %mul3A_347 = arith.muli %add3A_345, %mul3A_346 : i32
      %dma_wait3A_348 = tpu.memref_slice %arg6[%mul3A_347] : memref<10000xi32, #tpu.memory_space<vmem>> -> memref<40xi32, #tpu.memory_space<vmem>>
      %dma_wait3A_349 = arith.constant 0 : i32
      %dma_wait3A_350 = arith.constant 0 : i32
      %dma_wait3A_351 = tpu.memref_slice %arg2[%dma_wait3A_349, %dma_wait3A_350] : memref<10240x128xf32, #tpu.memory_space<hbm>> -> memref<10240x128xf32, #tpu.memory_space<hbm>>
      tpu.wait_indirect_dma semaphore(%arg16 : memref<!tpu.dma_semaphore, #tpu.memory_space<semaphore_mem>>) src(%dma_wait3A_351 : memref<10240x128xf32, #tpu.memory_space<hbm>>) dst(%arg10 : memref<40x128xf32, #tpu.memory_space<vmem>>)
      %mul3A_352 = arith.constant 40 : i32
      %mul3A_353 = arith.muli %add3A_345, %mul3A_352 : i32
      %dma_start3A_354 = tpu.memref_slice %arg7[%mul3A_353] : memref<10000xi32, #tpu.memory_space<vmem>> -> memref<40xi32, #tpu.memory_space<vmem>>
      %dma_start3A_355 = arith.constant 0 : i32
      %dma_start3A_356 = arith.constant 0 : i32
      %dma_start3A_357 = tpu.memref_slice %arg13[%dma_start3A_355, %dma_start3A_356] : memref<10240x128xf32, #tpu.memory_space<vmem_shared>> -> memref<10240x128xf32, #tpu.memory_space<vmem_shared>>
      tpu.enqueue_indirect_dma source(%arg10 : memref<40x128xf32, #tpu.memory_space<vmem>>) target(%dma_start3A_357 : memref<10240x128xf32, #tpu.memory_space<vmem_shared>>) offsets(%dma_start3A_354 : memref<40xi32, #tpu.memory_space<vmem>>) semaphore(%arg20 : memref<!tpu.dma_semaphore, #tpu.memory_space<semaphore_mem>>) {add = true}
      %dma_wait3A_358 = arith.constant 0 : i32
      %dma_wait3A_359 = tpu.memref_slice %arg7[%dma_wait3A_358] : memref<10000xi32, #tpu.memory_space<vmem>> -> memref<40xi32, #tpu.memory_space<vmem>>
      %dma_wait3A_360 = arith.constant 0 : i32
      %dma_wait3A_361 = arith.constant 0 : i32
      %dma_wait3A_362 = tpu.memref_slice %arg13[%dma_wait3A_360, %dma_wait3A_361] : memref<10240x128xf32, #tpu.memory_space<vmem_shared>> -> memref<10240x128xf32, #tpu.memory_space<vmem_shared>>
      tpu.wait_indirect_dma semaphore(%arg18 : memref<!tpu.dma_semaphore, #tpu.memory_space<semaphore_mem>>) src(%arg8 : memref<40x128xf32, #tpu.memory_space<vmem>>) dst(%dma_wait3A_362 : memref<10240x128xf32, #tpu.memory_space<vmem_shared>>)
      %add3A_363 = arith.constant 2 : i32
      %add3A_364 = arith.addi %add3A_345, %add3A_363 : i32
      %mul3A_365 = arith.constant 40 : i32
      %mul3A_366 = arith.muli %add3A_364, %mul3A_365 : i32
      %dma_start3A_367 = tpu.memref_slice %arg6[%mul3A_366] : memref<10000xi32, #tpu.memory_space<vmem>> -> memref<40xi32, #tpu.memory_space<vmem>>
      %dma_start3A_368 = arith.constant 0 : i32
      %dma_start3A_369 = arith.constant 0 : i32
      %dma_start3A_370 = tpu.memref_slice %arg2[%dma_start3A_368, %dma_start3A_369] : memref<10240x128xf32, #tpu.memory_space<hbm>> -> memref<10240x128xf32, #tpu.memory_space<hbm>>
      tpu.enqueue_indirect_dma source(%dma_start3A_370 : memref<10240x128xf32, #tpu.memory_space<hbm>>) target(%arg8 : memref<40x128xf32, #tpu.memory_space<vmem>>) offsets(%dma_start3A_367 : memref<40xi32, #tpu.memory_space<vmem>>) semaphore(%arg14 : memref<!tpu.dma_semaphore, #tpu.memory_space<semaphore_mem>>)
      %mul3A_371 = arith.constant 4 : i32
      %mul3A_372 = arith.muli %mul3A_371, %scan3A_285 : i32
      %add3A_373 = arith.constant 3 : i32
      %add3A_374 = arith.addi %mul3A_372, %add3A_373 : i32
      %mul3A_375 = arith.constant 40 : i32
      %mul3A_376 = arith.muli %add3A_374, %mul3A_375 : i32
      %dma_wait3A_377 = tpu.memref_slice %arg6[%mul3A_376] : memref<10000xi32, #tpu.memory_space<vmem>> -> memref<40xi32, #tpu.memory_space<vmem>>
      %dma_wait3A_378 = arith.constant 0 : i32
      %dma_wait3A_379 = arith.constant 0 : i32
      %dma_wait3A_380 = tpu.memref_slice %arg2[%dma_wait3A_378, %dma_wait3A_379] : memref<10240x128xf32, #tpu.memory_space<hbm>> -> memref<10240x128xf32, #tpu.memory_space<hbm>>
      tpu.wait_indirect_dma semaphore(%arg17 : memref<!tpu.dma_semaphore, #tpu.memory_space<semaphore_mem>>) src(%dma_wait3A_380 : memref<10240x128xf32, #tpu.memory_space<hbm>>) dst(%arg11 : memref<40x128xf32, #tpu.memory_space<vmem>>)
      %mul3A_381 = arith.constant 40 : i32
      %mul3A_382 = arith.muli %add3A_374, %mul3A_381 : i32
      %dma_start3A_383 = tpu.memref_slice %arg7[%mul3A_382] : memref<10000xi32, #tpu.memory_space<vmem>> -> memref<40xi32, #tpu.memory_space<vmem>>
      %dma_start3A_384 = arith.constant 0 : i32
      %dma_start3A_385 = arith.constant 0 : i32
      %dma_start3A_386 = tpu.memref_slice %arg13[%dma_start3A_384, %dma_start3A_385] : memref<10240x128xf32, #tpu.memory_space<vmem_shared>> -> memref<10240x128xf32, #tpu.memory_space<vmem_shared>>
      tpu.enqueue_indirect_dma source(%arg11 : memref<40x128xf32, #tpu.memory_space<vmem>>) target(%dma_start3A_386 : memref<10240x128xf32, #tpu.memory_space<vmem_shared>>) offsets(%dma_start3A_383 : memref<40xi32, #tpu.memory_space<vmem>>) semaphore(%arg21 : memref<!tpu.dma_semaphore, #tpu.memory_space<semaphore_mem>>) {add = true}
      %dma_wait3A_387 = arith.constant 0 : i32
      %dma_wait3A_388 = tpu.memref_slice %arg7[%dma_wait3A_387] : memref<10000xi32, #tpu.memory_space<vmem>> -> memref<40xi32, #tpu.memory_space<vmem>>
      %dma_wait3A_389 = arith.constant 0 : i32
      %dma_wait3A_390 = arith.constant 0 : i32
      %dma_wait3A_391 = tpu.memref_slice %arg13[%dma_wait3A_389, %dma_wait3A_390] : memref<10240x128xf32, #tpu.memory_space<vmem_shared>> -> memref<10240x128xf32, #tpu.memory_space<vmem_shared>>
      tpu.wait_indirect_dma semaphore(%arg19 : memref<!tpu.dma_semaphore, #tpu.memory_space<semaphore_mem>>) src(%arg9 : memref<40x128xf32, #tpu.memory_space<vmem>>) dst(%dma_wait3A_391 : memref<10240x128xf32, #tpu.memory_space<vmem_shared>>)
      %add3A_392 = arith.constant 2 : i32
      %add3A_393 = arith.addi %add3A_374, %add3A_392 : i32
      %mul3A_394 = arith.constant 40 : i32
      %mul3A_395 = arith.muli %add3A_393, %mul3A_394 : i32
      %dma_start3A_396 = tpu.memref_slice %arg6[%mul3A_395] : memref<10000xi32, #tpu.memory_space<vmem>> -> memref<40xi32, #tpu.memory_space<vmem>>
      %dma_start3A_397 = arith.constant 0 : i32
      %dma_start3A_398 = arith.constant 0 : i32
      %dma_start3A_399 = tpu.memref_slice %arg2[%dma_start3A_397, %dma_start3A_398] : memref<10240x128xf32, #tpu.memory_space<hbm>> -> memref<10240x128xf32, #tpu.memory_space<hbm>>
      tpu.enqueue_indirect_dma source(%dma_start3A_399 : memref<10240x128xf32, #tpu.memory_space<hbm>>) target(%arg9 : memref<40x128xf32, #tpu.memory_space<vmem>>) offsets(%dma_start3A_396 : memref<40xi32, #tpu.memory_space<vmem>>) semaphore(%arg15 : memref<!tpu.dma_semaphore, #tpu.memory_space<semaphore_mem>>)
      %scan3A_400 = arith.constant 0 : i32
      scf.yield %scan3A_400 : i32
    }
    %scan3A_163 = arith.constant 62 : i32
    %dma_wait3A_164 = arith.constant 9920 : i32
    %dma_wait3A_165 = tpu.memref_slice %arg6[%dma_wait3A_164] : memref<10000xi32, #tpu.memory_space<vmem>> -> memref<40xi32, #tpu.memory_space<vmem>>
    %dma_wait3A_166 = arith.constant 0 : i32
    %dma_wait3A_167 = arith.constant 0 : i32
    %dma_wait3A_168 = tpu.memref_slice %arg2[%dma_wait3A_166, %dma_wait3A_167] : memref<10240x128xf32, #tpu.memory_space<hbm>> -> memref<10240x128xf32, #tpu.memory_space<hbm>>
    tpu.wait_indirect_dma semaphore(%arg14 : memref<!tpu.dma_semaphore, #tpu.memory_space<semaphore_mem>>) src(%dma_wait3A_168 : memref<10240x128xf32, #tpu.memory_space<hbm>>) dst(%arg8 : memref<40x128xf32, #tpu.memory_space<vmem>>)
    %dma_start3A_169 = arith.constant 9920 : i32
    %dma_start3A_170 = tpu.memref_slice %arg7[%dma_start3A_169] : memref<10000xi32, #tpu.memory_space<vmem>> -> memref<40xi32, #tpu.memory_space<vmem>>
    %dma_start3A_171 = arith.constant 0 : i32
    %dma_start3A_172 = arith.constant 0 : i32
    %dma_start3A_173 = tpu.memref_slice %arg13[%dma_start3A_171, %dma_start3A_172] : memref<10240x128xf32, #tpu.memory_space<vmem_shared>> -> memref<10240x128xf32, #tpu.memory_space<vmem_shared>>
    tpu.enqueue_indirect_dma source(%arg8 : memref<40x128xf32, #tpu.memory_space<vmem>>) target(%dma_start3A_173 : memref<10240x128xf32, #tpu.memory_space<vmem_shared>>) offsets(%dma_start3A_170 : memref<40xi32, #tpu.memory_space<vmem>>) semaphore(%arg18 : memref<!tpu.dma_semaphore, #tpu.memory_space<semaphore_mem>>) {add = true}
    %dma_wait3A_174 = arith.constant 9960 : i32
    %dma_wait3A_175 = tpu.memref_slice %arg6[%dma_wait3A_174] : memref<10000xi32, #tpu.memory_space<vmem>> -> memref<40xi32, #tpu.memory_space<vmem>>
    %dma_wait3A_176 = arith.constant 0 : i32
    %dma_wait3A_177 = arith.constant 0 : i32
    %dma_wait3A_178 = tpu.memref_slice %arg2[%dma_wait3A_176, %dma_wait3A_177] : memref<10240x128xf32, #tpu.memory_space<hbm>> -> memref<10240x128xf32, #tpu.memory_space<hbm>>
    tpu.wait_indirect_dma semaphore(%arg15 : memref<!tpu.dma_semaphore, #tpu.memory_space<semaphore_mem>>) src(%dma_wait3A_178 : memref<10240x128xf32, #tpu.memory_space<hbm>>) dst(%arg9 : memref<40x128xf32, #tpu.memory_space<vmem>>)
    %dma_start3A_179 = arith.constant 9960 : i32
    %dma_start3A_180 = tpu.memref_slice %arg7[%dma_start3A_179] : memref<10000xi32, #tpu.memory_space<vmem>> -> memref<40xi32, #tpu.memory_space<vmem>>
    %dma_start3A_181 = arith.constant 0 : i32
    %dma_start3A_182 = arith.constant 0 : i32
    %dma_start3A_183 = tpu.memref_slice %arg13[%dma_start3A_181, %dma_start3A_182] : memref<10240x128xf32, #tpu.memory_space<vmem_shared>> -> memref<10240x128xf32, #tpu.memory_space<vmem_shared>>
    tpu.enqueue_indirect_dma source(%arg9 : memref<40x128xf32, #tpu.memory_space<vmem>>) target(%dma_start3A_183 : memref<10240x128xf32, #tpu.memory_space<vmem_shared>>) offsets(%dma_start3A_180 : memref<40xi32, #tpu.memory_space<vmem>>) semaphore(%arg19 : memref<!tpu.dma_semaphore, #tpu.memory_space<semaphore_mem>>) {add = true}
    %dma_wait3A_184 = arith.constant 0 : i32
    %dma_wait3A_185 = tpu.memref_slice %arg7[%dma_wait3A_184] : memref<10000xi32, #tpu.memory_space<vmem>> -> memref<40xi32, #tpu.memory_space<vmem>>
    %dma_wait3A_186 = arith.constant 0 : i32
    %dma_wait3A_187 = arith.constant 0 : i32
    %dma_wait3A_188 = tpu.memref_slice %arg13[%dma_wait3A_186, %dma_wait3A_187] : memref<10240x128xf32, #tpu.memory_space<vmem_shared>> -> memref<10240x128xf32, #tpu.memory_space<vmem_shared>>
    tpu.wait_indirect_dma semaphore(%arg18 : memref<!tpu.dma_semaphore, #tpu.memory_space<semaphore_mem>>) src(%arg8 : memref<40x128xf32, #tpu.memory_space<vmem>>) dst(%dma_wait3A_188 : memref<10240x128xf32, #tpu.memory_space<vmem_shared>>)
    %dma_wait3A_189 = arith.constant 0 : i32
    %dma_wait3A_190 = tpu.memref_slice %arg7[%dma_wait3A_189] : memref<10000xi32, #tpu.memory_space<vmem>> -> memref<40xi32, #tpu.memory_space<vmem>>
    %dma_wait3A_191 = arith.constant 0 : i32
    %dma_wait3A_192 = arith.constant 0 : i32
    %dma_wait3A_193 = tpu.memref_slice %arg13[%dma_wait3A_191, %dma_wait3A_192] : memref<10240x128xf32, #tpu.memory_space<vmem_shared>> -> memref<10240x128xf32, #tpu.memory_space<vmem_shared>>
    tpu.wait_indirect_dma semaphore(%arg19 : memref<!tpu.dma_semaphore, #tpu.memory_space<semaphore_mem>>) src(%arg9 : memref<40x128xf32, #tpu.memory_space<vmem>>) dst(%dma_wait3A_193 : memref<10240x128xf32, #tpu.memory_space<vmem_shared>>)
    %dma_wait3A_194 = arith.constant 0 : i32
    %dma_wait3A_195 = tpu.memref_slice %arg7[%dma_wait3A_194] : memref<10000xi32, #tpu.memory_space<vmem>> -> memref<40xi32, #tpu.memory_space<vmem>>
    %dma_wait3A_196 = arith.constant 0 : i32
    %dma_wait3A_197 = arith.constant 0 : i32
    %dma_wait3A_198 = tpu.memref_slice %arg13[%dma_wait3A_196, %dma_wait3A_197] : memref<10240x128xf32, #tpu.memory_space<vmem_shared>> -> memref<10240x128xf32, #tpu.memory_space<vmem_shared>>
    tpu.wait_indirect_dma semaphore(%arg20 : memref<!tpu.dma_semaphore, #tpu.memory_space<semaphore_mem>>) src(%arg10 : memref<40x128xf32, #tpu.memory_space<vmem>>) dst(%dma_wait3A_198 : memref<10240x128xf32, #tpu.memory_space<vmem_shared>>)
    %dma_wait3A_199 = arith.constant 0 : i32
    %dma_wait3A_200 = tpu.memref_slice %arg7[%dma_wait3A_199] : memref<10000xi32, #tpu.memory_space<vmem>> -> memref<40xi32, #tpu.memory_space<vmem>>
    %dma_wait3A_201 = arith.constant 0 : i32
    %dma_wait3A_202 = arith.constant 0 : i32
    %dma_wait3A_203 = tpu.memref_slice %arg13[%dma_wait3A_201, %dma_wait3A_202] : memref<10240x128xf32, #tpu.memory_space<vmem_shared>> -> memref<10240x128xf32, #tpu.memory_space<vmem_shared>>
    tpu.wait_indirect_dma semaphore(%arg21 : memref<!tpu.dma_semaphore, #tpu.memory_space<semaphore_mem>>) src(%arg11 : memref<40x128xf32, #tpu.memory_space<vmem>>) dst(%dma_wait3A_203 : memref<10240x128xf32, #tpu.memory_space<vmem_shared>>)
    %barrier3A_204 = arith.constant 0 : index
    tpu.barrier barrier_id(%barrier3A_204)
    %mul3A_205 = arith.constant 640 : i32
    %mul3A_206 = arith.muli %arg1, %mul3A_205 : i32
    %add3A_207 = arith.constant 0 : i32
    %add3A_208 = arith.addi %mul3A_206, %add3A_207 : i32
    "tpu.region"() ({
      %run_scoped3A = tpu.sem_alloc : memref<!tpu.dma_semaphore, #tpu.memory_space<semaphore_mem>>
      %dma_start3A_285 = arith.constant 0 : i32
      %dma_start3A_286 = tpu.memref_slice %arg13[%add3A_208, %dma_start3A_285] : memref<10240x128xf32, #tpu.memory_space<vmem_shared>> -> memref<64x128xf32, #tpu.memory_space<vmem_shared>>
      %dma_start3A_287 = arith.constant 0 : i32
      %dma_start3A_288 = tpu.memref_slice %arg13[%add3A_208, %dma_start3A_287] : memref<10240x128xf32, #tpu.memory_space<vmem_shared>> -> memref<64x128xf32, #tpu.memory_space<vmem_shared>>
      tpu.enqueue_dma source(%dma_start3A_288 : memref<64x128xf32, #tpu.memory_space<vmem_shared>>) target(%arg12 : memref<64x128xf32, #tpu.memory_space<vmem>>) target_semaphore(%run_scoped3A : memref<!tpu.dma_semaphore, #tpu.memory_space<semaphore_mem>>)
      %dma_wait3A_289 = arith.constant 0 : i32
      %dma_wait3A_290 = tpu.memref_slice %arg13[%add3A_208, %dma_wait3A_289] : memref<10240x128xf32, #tpu.memory_space<vmem_shared>> -> memref<64x128xf32, #tpu.memory_space<vmem_shared>>
      %dma_wait3A_291 = arith.constant 0 : i32
      %dma_wait3A_292 = tpu.memref_slice %arg13[%add3A_208, %dma_wait3A_291] : memref<10240x128xf32, #tpu.memory_space<vmem_shared>> -> memref<64x128xf32, #tpu.memory_space<vmem_shared>>
      tpu.wait_dma2 semaphore(%run_scoped3A : memref<!tpu.dma_semaphore, #tpu.memory_space<semaphore_mem>>) src(%dma_wait3A_292 : memref<64x128xf32, #tpu.memory_space<vmem_shared>>) dst(%arg12 : memref<64x128xf32, #tpu.memory_space<vmem>>)
      tpu.yield
    }) : () -> ()
    %mul3A_209 = arith.constant 640 : i32
    %mul3A_210 = arith.muli %arg1, %mul3A_209 : i32
    %add3A_211 = arith.constant 0 : i32
    %add3A_212 = arith.addi %mul3A_210, %add3A_211 : i32
    "tpu.region"() ({
      %run_scoped3A = tpu.sem_alloc : memref<!tpu.dma_semaphore, #tpu.memory_space<semaphore_mem>>
      %dma_start3A_285 = arith.constant 0 : i32
      %dma_start3A_286 = tpu.memref_slice %arg5[%arg0, %add3A_212, %dma_start3A_285] : memref<2x10240x128xf32, #tpu.memory_space<hbm>> -> memref<1x64x128xf32, #tpu.memory_space<hbm>>
      %dma_start3A_287 = tpu.memref_squeeze %dma_start3A_286 : memref<1x64x128xf32, #tpu.memory_space<hbm>> -> memref<64x128xf32, #tpu.memory_space<hbm>>
      %dma_start3A_288 = arith.constant 0 : i32
      %dma_start3A_289 = tpu.memref_slice %arg5[%arg0, %add3A_212, %dma_start3A_288] : memref<2x10240x128xf32, #tpu.memory_space<hbm>> -> memref<1x64x128xf32, #tpu.memory_space<hbm>>
      %dma_start3A_290 = tpu.memref_squeeze %dma_start3A_289 : memref<1x64x128xf32, #tpu.memory_space<hbm>> -> memref<64x128xf32, #tpu.memory_space<hbm>>
      tpu.enqueue_dma source(%arg12 : memref<64x128xf32, #tpu.memory_space<vmem>>) target(%dma_start3A_290 : memref<64x128xf32, #tpu.memory_space<hbm>>) target_semaphore(%run_scoped3A : memref<!tpu.dma_semaphore, #tpu.memory_space<semaphore_mem>>)
      %dma_wait3A_291 = arith.constant 0 : i32
      %dma_wait3A_292 = tpu.memref_slice %arg5[%arg0, %add3A_212, %dma_wait3A_291] : memref<2x10240x128xf32, #tpu.memory_space<hbm>> -> memref<1x64x128xf32, #tpu.memory_space<hbm>>
      %dma_wait3A_293 = tpu.memref_squeeze %dma_wait3A_292 : memref<1x64x128xf32, #tpu.memory_space<hbm>> -> memref<64x128xf32, #tpu.memory_space<hbm>>
      %dma_wait3A_294 = arith.constant 0 : i32
      %dma_wait3A_295 = tpu.memref_slice %arg5[%arg0, %add3A_212, %dma_wait3A_294] : memref<2x10240x128xf32, #tpu.memory_space<hbm>> -> memref<1x64x128xf32, #tpu.memory_space<hbm>>
      %dma_wait3A_296 = tpu.memref_squeeze %dma_wait3A_295 : memref<1x64x128xf32, #tpu.memory_space<hbm>> -> memref<64x128xf32, #tpu.memory_space<hbm>>
      tpu.wait_dma2 semaphore(%run_scoped3A : memref<!tpu.dma_semaphore, #tpu.memory_space<semaphore_mem>>) src(%arg12 : memref<64x128xf32, #tpu.memory_space<vmem>>) dst(%dma_wait3A_296 : memref<64x128xf32, #tpu.memory_space<hbm>>)
      tpu.yield
    }) : () -> ()
    %mul3A_213 = arith.constant 640 : i32
    %mul3A_214 = arith.muli %arg1, %mul3A_213 : i32
    %add3A_215 = arith.constant 64 : i32
    %add3A_216 = arith.addi %mul3A_214, %add3A_215 : i32
    "tpu.region"() ({
      %run_scoped3A = tpu.sem_alloc : memref<!tpu.dma_semaphore, #tpu.memory_space<semaphore_mem>>
      %dma_start3A_285 = arith.constant 0 : i32
      %dma_start3A_286 = tpu.memref_slice %arg13[%add3A_216, %dma_start3A_285] : memref<10240x128xf32, #tpu.memory_space<vmem_shared>> -> memref<64x128xf32, #tpu.memory_space<vmem_shared>>
      %dma_start3A_287 = arith.constant 0 : i32
      %dma_start3A_288 = tpu.memref_slice %arg13[%add3A_216, %dma_start3A_287] : memref<10240x128xf32, #tpu.memory_space<vmem_shared>> -> memref<64x128xf32, #tpu.memory_space<vmem_shared>>
      tpu.enqueue_dma source(%dma_start3A_288 : memref<64x128xf32, #tpu.memory_space<vmem_shared>>) target(%arg12 : memref<64x128xf32, #tpu.memory_space<vmem>>) target_semaphore(%run_scoped3A : memref<!tpu.dma_semaphore, #tpu.memory_space<semaphore_mem>>)
      %dma_wait3A_289 = arith.constant 0 : i32
      %dma_wait3A_290 = tpu.memref_slice %arg13[%add3A_216, %dma_wait3A_289] : memref<10240x128xf32, #tpu.memory_space<vmem_shared>> -> memref<64x128xf32, #tpu.memory_space<vmem_shared>>
      %dma_wait3A_291 = arith.constant 0 : i32
      %dma_wait3A_292 = tpu.memref_slice %arg13[%add3A_216, %dma_wait3A_291] : memref<10240x128xf32, #tpu.memory_space<vmem_shared>> -> memref<64x128xf32, #tpu.memory_space<vmem_shared>>
      tpu.wait_dma2 semaphore(%run_scoped3A : memref<!tpu.dma_semaphore, #tpu.memory_space<semaphore_mem>>) src(%dma_wait3A_292 : memref<64x128xf32, #tpu.memory_space<vmem_shared>>) dst(%arg12 : memref<64x128xf32, #tpu.memory_space<vmem>>)
      tpu.yield
    }) : () -> ()
    %mul3A_217 = arith.constant 640 : i32
    %mul3A_218 = arith.muli %arg1, %mul3A_217 : i32
    %add3A_219 = arith.constant 64 : i32
    %add3A_220 = arith.addi %mul3A_218, %add3A_219 : i32
    "tpu.region"() ({
      %run_scoped3A = tpu.sem_alloc : memref<!tpu.dma_semaphore, #tpu.memory_space<semaphore_mem>>
      %dma_start3A_285 = arith.constant 0 : i32
      %dma_start3A_286 = tpu.memref_slice %arg5[%arg0, %add3A_220, %dma_start3A_285] : memref<2x10240x128xf32, #tpu.memory_space<hbm>> -> memref<1x64x128xf32, #tpu.memory_space<hbm>>
      %dma_start3A_287 = tpu.memref_squeeze %dma_start3A_286 : memref<1x64x128xf32, #tpu.memory_space<hbm>> -> memref<64x128xf32, #tpu.memory_space<hbm>>
      %dma_start3A_288 = arith.constant 0 : i32
      %dma_start3A_289 = tpu.memref_slice %arg5[%arg0, %add3A_220, %dma_start3A_288] : memref<2x10240x128xf32, #tpu.memory_space<hbm>> -> memref<1x64x128xf32, #tpu.memory_space<hbm>>
      %dma_start3A_290 = tpu.memref_squeeze %dma_start3A_289 : memref<1x64x128xf32, #tpu.memory_space<hbm>> -> memref<64x128xf32, #tpu.memory_space<hbm>>
      tpu.enqueue_dma source(%arg12 : memref<64x128xf32, #tpu.memory_space<vmem>>) target(%dma_start3A_290 : memref<64x128xf32, #tpu.memory_space<hbm>>) target_semaphore(%run_scoped3A : memref<!tpu.dma_semaphore, #tpu.memory_space<semaphore_mem>>)
      %dma_wait3A_291 = arith.constant 0 : i32
      %dma_wait3A_292 = tpu.memref_slice %arg5[%arg0, %add3A_220, %dma_wait3A_291] : memref<2x10240x128xf32, #tpu.memory_space<hbm>> -> memref<1x64x128xf32, #tpu.memory_space<hbm>>
      %dma_wait3A_293 = tpu.memref_squeeze %dma_wait3A_292 : memref<1x64x128xf32, #tpu.memory_space<hbm>> -> memref<64x128xf32, #tpu.memory_space<hbm>>
      %dma_wait3A_294 = arith.constant 0 : i32
      %dma_wait3A_295 = tpu.memref_slice %arg5[%arg0, %add3A_220, %dma_wait3A_294] : memref<2x10240x128xf32, #tpu.memory_space<hbm>> -> memref<1x64x128xf32, #tpu.memory_space<hbm>>
      %dma_wait3A_296 = tpu.memref_squeeze %dma_wait3A_295 : memref<1x64x128xf32, #tpu.memory_space<hbm>> -> memref<64x128xf32, #tpu.memory_space<hbm>>
      tpu.wait_dma2 semaphore(%run_scoped3A : memref<!tpu.dma_semaphore, #tpu.memory_space<semaphore_mem>>) src(%arg12 : memref<64x128xf32, #tpu.memory_space<vmem>>) dst(%dma_wait3A_296 : memref<64x128xf32, #tpu.memory_space<hbm>>)
      tpu.yield
    }) : () -> ()
    %mul3A_221 = arith.constant 640 : i32
    %mul3A_222 = arith.muli %arg1, %mul3A_221 : i32
    %add3A_223 = arith.constant 128 : i32
    %add3A_224 = arith.addi %mul3A_222, %add3A_223 : i32
    "tpu.region"() ({
      %run_scoped3A = tpu.sem_alloc : memref<!tpu.dma_semaphore, #tpu.memory_space<semaphore_mem>>
      %dma_start3A_285 = arith.constant 0 : i32
      %dma_start3A_286 = tpu.memref_slice %arg13[%add3A_224, %dma_start3A_285] : memref<10240x128xf32, #tpu.memory_space<vmem_shared>> -> memref<64x128xf32, #tpu.memory_space<vmem_shared>>
      %dma_start3A_287 = arith.constant 0 : i32
      %dma_start3A_288 = tpu.memref_slice %arg13[%add3A_224, %dma_start3A_287] : memref<10240x128xf32, #tpu.memory_space<vmem_shared>> -> memref<64x128xf32, #tpu.memory_space<vmem_shared>>
      tpu.enqueue_dma source(%dma_start3A_288 : memref<64x128xf32, #tpu.memory_space<vmem_shared>>) target(%arg12 : memref<64x128xf32, #tpu.memory_space<vmem>>) target_semaphore(%run_scoped3A : memref<!tpu.dma_semaphore, #tpu.memory_space<semaphore_mem>>)
      %dma_wait3A_289 = arith.constant 0 : i32
      %dma_wait3A_290 = tpu.memref_slice %arg13[%add3A_224, %dma_wait3A_289] : memref<10240x128xf32, #tpu.memory_space<vmem_shared>> -> memref<64x128xf32, #tpu.memory_space<vmem_shared>>
      %dma_wait3A_291 = arith.constant 0 : i32
      %dma_wait3A_292 = tpu.memref_slice %arg13[%add3A_224, %dma_wait3A_291] : memref<10240x128xf32, #tpu.memory_space<vmem_shared>> -> memref<64x128xf32, #tpu.memory_space<vmem_shared>>
      tpu.wait_dma2 semaphore(%run_scoped3A : memref<!tpu.dma_semaphore, #tpu.memory_space<semaphore_mem>>) src(%dma_wait3A_292 : memref<64x128xf32, #tpu.memory_space<vmem_shared>>) dst(%arg12 : memref<64x128xf32, #tpu.memory_space<vmem>>)
      tpu.yield
    }) : () -> ()
    %mul3A_225 = arith.constant 640 : i32
    %mul3A_226 = arith.muli %arg1, %mul3A_225 : i32
    %add3A_227 = arith.constant 128 : i32
    %add3A_228 = arith.addi %mul3A_226, %add3A_227 : i32
    "tpu.region"() ({
      %run_scoped3A = tpu.sem_alloc : memref<!tpu.dma_semaphore, #tpu.memory_space<semaphore_mem>>
      %dma_start3A_285 = arith.constant 0 : i32
      %dma_start3A_286 = tpu.memref_slice %arg5[%arg0, %add3A_228, %dma_start3A_285] : memref<2x10240x128xf32, #tpu.memory_space<hbm>> -> memref<1x64x128xf32, #tpu.memory_space<hbm>>
      %dma_start3A_287 = tpu.memref_squeeze %dma_start3A_286 : memref<1x64x128xf32, #tpu.memory_space<hbm>> -> memref<64x128xf32, #tpu.memory_space<hbm>>
      %dma_start3A_288 = arith.constant 0 : i32
      %dma_start3A_289 = tpu.memref_slice %arg5[%arg0, %add3A_228, %dma_start3A_288] : memref<2x10240x128xf32, #tpu.memory_space<hbm>> -> memref<1x64x128xf32, #tpu.memory_space<hbm>>
      %dma_start3A_290 = tpu.memref_squeeze %dma_start3A_289 : memref<1x64x128xf32, #tpu.memory_space<hbm>> -> memref<64x128xf32, #tpu.memory_space<hbm>>
      tpu.enqueue_dma source(%arg12 : memref<64x128xf32, #tpu.memory_space<vmem>>) target(%dma_start3A_290 : memref<64x128xf32, #tpu.memory_space<hbm>>) target_semaphore(%run_scoped3A : memref<!tpu.dma_semaphore, #tpu.memory_space<semaphore_mem>>)
      %dma_wait3A_291 = arith.constant 0 : i32
      %dma_wait3A_292 = tpu.memref_slice %arg5[%arg0, %add3A_228, %dma_wait3A_291] : memref<2x10240x128xf32, #tpu.memory_space<hbm>> -> memref<1x64x128xf32, #tpu.memory_space<hbm>>
      %dma_wait3A_293 = tpu.memref_squeeze %dma_wait3A_292 : memref<1x64x128xf32, #tpu.memory_space<hbm>> -> memref<64x128xf32, #tpu.memory_space<hbm>>
      %dma_wait3A_294 = arith.constant 0 : i32
      %dma_wait3A_295 = tpu.memref_slice %arg5[%arg0, %add3A_228, %dma_wait3A_294] : memref<2x10240x128xf32, #tpu.memory_space<hbm>> -> memref<1x64x128xf32, #tpu.memory_space<hbm>>
      %dma_wait3A_296 = tpu.memref_squeeze %dma_wait3A_295 : memref<1x64x128xf32, #tpu.memory_space<hbm>> -> memref<64x128xf32, #tpu.memory_space<hbm>>
      tpu.wait_dma2 semaphore(%run_scoped3A : memref<!tpu.dma_semaphore, #tpu.memory_space<semaphore_mem>>) src(%arg12 : memref<64x128xf32, #tpu.memory_space<vmem>>) dst(%dma_wait3A_296 : memref<64x128xf32, #tpu.memory_space<hbm>>)
      tpu.yield
    }) : () -> ()
    %mul3A_229 = arith.constant 640 : i32
    %mul3A_230 = arith.muli %arg1, %mul3A_229 : i32
    %add3A_231 = arith.constant 192 : i32
    %add3A_232 = arith.addi %mul3A_230, %add3A_231 : i32
    "tpu.region"() ({
      %run_scoped3A = tpu.sem_alloc : memref<!tpu.dma_semaphore, #tpu.memory_space<semaphore_mem>>
      %dma_start3A_285 = arith.constant 0 : i32
      %dma_start3A_286 = tpu.memref_slice %arg13[%add3A_232, %dma_start3A_285] : memref<10240x128xf32, #tpu.memory_space<vmem_shared>> -> memref<64x128xf32, #tpu.memory_space<vmem_shared>>
      %dma_start3A_287 = arith.constant 0 : i32
      %dma_start3A_288 = tpu.memref_slice %arg13[%add3A_232, %dma_start3A_287] : memref<10240x128xf32, #tpu.memory_space<vmem_shared>> -> memref<64x128xf32, #tpu.memory_space<vmem_shared>>
      tpu.enqueue_dma source(%dma_start3A_288 : memref<64x128xf32, #tpu.memory_space<vmem_shared>>) target(%arg12 : memref<64x128xf32, #tpu.memory_space<vmem>>) target_semaphore(%run_scoped3A : memref<!tpu.dma_semaphore, #tpu.memory_space<semaphore_mem>>)
      %dma_wait3A_289 = arith.constant 0 : i32
      %dma_wait3A_290 = tpu.memref_slice %arg13[%add3A_232, %dma_wait3A_289] : memref<10240x128xf32, #tpu.memory_space<vmem_shared>> -> memref<64x128xf32, #tpu.memory_space<vmem_shared>>
      %dma_wait3A_291 = arith.constant 0 : i32
      %dma_wait3A_292 = tpu.memref_slice %arg13[%add3A_232, %dma_wait3A_291] : memref<10240x128xf32, #tpu.memory_space<vmem_shared>> -> memref<64x128xf32, #tpu.memory_space<vmem_shared>>
      tpu.wait_dma2 semaphore(%run_scoped3A : memref<!tpu.dma_semaphore, #tpu.memory_space<semaphore_mem>>) src(%dma_wait3A_292 : memref<64x128xf32, #tpu.memory_space<vmem_shared>>) dst(%arg12 : memref<64x128xf32, #tpu.memory_space<vmem>>)
      tpu.yield
    }) : () -> ()
    %mul3A_233 = arith.constant 640 : i32
    %mul3A_234 = arith.muli %arg1, %mul3A_233 : i32
    %add3A_235 = arith.constant 192 : i32
    %add3A_236 = arith.addi %mul3A_234, %add3A_235 : i32
    "tpu.region"() ({
      %run_scoped3A = tpu.sem_alloc : memref<!tpu.dma_semaphore, #tpu.memory_space<semaphore_mem>>
      %dma_start3A_285 = arith.constant 0 : i32
      %dma_start3A_286 = tpu.memref_slice %arg5[%arg0, %add3A_236, %dma_start3A_285] : memref<2x10240x128xf32, #tpu.memory_space<hbm>> -> memref<1x64x128xf32, #tpu.memory_space<hbm>>
      %dma_start3A_287 = tpu.memref_squeeze %dma_start3A_286 : memref<1x64x128xf32, #tpu.memory_space<hbm>> -> memref<64x128xf32, #tpu.memory_space<hbm>>
      %dma_start3A_288 = arith.constant 0 : i32
      %dma_start3A_289 = tpu.memref_slice %arg5[%arg0, %add3A_236, %dma_start3A_288] : memref<2x10240x128xf32, #tpu.memory_space<hbm>> -> memref<1x64x128xf32, #tpu.memory_space<hbm>>
      %dma_start3A_290 = tpu.memref_squeeze %dma_start3A_289 : memref<1x64x128xf32, #tpu.memory_space<hbm>> -> memref<64x128xf32, #tpu.memory_space<hbm>>
      tpu.enqueue_dma source(%arg12 : memref<64x128xf32, #tpu.memory_space<vmem>>) target(%dma_start3A_290 : memref<64x128xf32, #tpu.memory_space<hbm>>) target_semaphore(%run_scoped3A : memref<!tpu.dma_semaphore, #tpu.memory_space<semaphore_mem>>)
      %dma_wait3A_291 = arith.constant 0 : i32
      %dma_wait3A_292 = tpu.memref_slice %arg5[%arg0, %add3A_236, %dma_wait3A_291] : memref<2x10240x128xf32, #tpu.memory_space<hbm>> -> memref<1x64x128xf32, #tpu.memory_space<hbm>>
      %dma_wait3A_293 = tpu.memref_squeeze %dma_wait3A_292 : memref<1x64x128xf32, #tpu.memory_space<hbm>> -> memref<64x128xf32, #tpu.memory_space<hbm>>
      %dma_wait3A_294 = arith.constant 0 : i32
      %dma_wait3A_295 = tpu.memref_slice %arg5[%arg0, %add3A_236, %dma_wait3A_294] : memref<2x10240x128xf32, #tpu.memory_space<hbm>> -> memref<1x64x128xf32, #tpu.memory_space<hbm>>
      %dma_wait3A_296 = tpu.memref_squeeze %dma_wait3A_295 : memref<1x64x128xf32, #tpu.memory_space<hbm>> -> memref<64x128xf32, #tpu.memory_space<hbm>>
      tpu.wait_dma2 semaphore(%run_scoped3A : memref<!tpu.dma_semaphore, #tpu.memory_space<semaphore_mem>>) src(%arg12 : memref<64x128xf32, #tpu.memory_space<vmem>>) dst(%dma_wait3A_296 : memref<64x128xf32, #tpu.memory_space<hbm>>)
      tpu.yield
    }) : () -> ()
    %mul3A_237 = arith.constant 640 : i32
    %mul3A_238 = arith.muli %arg1, %mul3A_237 : i32
    %add3A_239 = arith.constant 256 : i32
    %add3A_240 = arith.addi %mul3A_238, %add3A_239 : i32
    "tpu.region"() ({
      %run_scoped3A = tpu.sem_alloc : memref<!tpu.dma_semaphore, #tpu.memory_space<semaphore_mem>>
      %dma_start3A_285 = arith.constant 0 : i32
      %dma_start3A_286 = tpu.memref_slice %arg13[%add3A_240, %dma_start3A_285] : memref<10240x128xf32, #tpu.memory_space<vmem_shared>> -> memref<64x128xf32, #tpu.memory_space<vmem_shared>>
      %dma_start3A_287 = arith.constant 0 : i32
      %dma_start3A_288 = tpu.memref_slice %arg13[%add3A_240, %dma_start3A_287] : memref<10240x128xf32, #tpu.memory_space<vmem_shared>> -> memref<64x128xf32, #tpu.memory_space<vmem_shared>>
      tpu.enqueue_dma source(%dma_start3A_288 : memref<64x128xf32, #tpu.memory_space<vmem_shared>>) target(%arg12 : memref<64x128xf32, #tpu.memory_space<vmem>>) target_semaphore(%run_scoped3A : memref<!tpu.dma_semaphore, #tpu.memory_space<semaphore_mem>>)
      %dma_wait3A_289 = arith.constant 0 : i32
      %dma_wait3A_290 = tpu.memref_slice %arg13[%add3A_240, %dma_wait3A_289] : memref<10240x128xf32, #tpu.memory_space<vmem_shared>> -> memref<64x128xf32, #tpu.memory_space<vmem_shared>>
      %dma_wait3A_291 = arith.constant 0 : i32
      %dma_wait3A_292 = tpu.memref_slice %arg13[%add3A_240, %dma_wait3A_291] : memref<10240x128xf32, #tpu.memory_space<vmem_shared>> -> memref<64x128xf32, #tpu.memory_space<vmem_shared>>
      tpu.wait_dma2 semaphore(%run_scoped3A : memref<!tpu.dma_semaphore, #tpu.memory_space<semaphore_mem>>) src(%dma_wait3A_292 : memref<64x128xf32, #tpu.memory_space<vmem_shared>>) dst(%arg12 : memref<64x128xf32, #tpu.memory_space<vmem>>)
      tpu.yield
    }) : () -> ()
    %mul3A_241 = arith.constant 640 : i32
    %mul3A_242 = arith.muli %arg1, %mul3A_241 : i32
    %add3A_243 = arith.constant 256 : i32
    %add3A_244 = arith.addi %mul3A_242, %add3A_243 : i32
    "tpu.region"() ({
      %run_scoped3A = tpu.sem_alloc : memref<!tpu.dma_semaphore, #tpu.memory_space<semaphore_mem>>
      %dma_start3A_285 = arith.constant 0 : i32
      %dma_start3A_286 = tpu.memref_slice %arg5[%arg0, %add3A_244, %dma_start3A_285] : memref<2x10240x128xf32, #tpu.memory_space<hbm>> -> memref<1x64x128xf32, #tpu.memory_space<hbm>>
      %dma_start3A_287 = tpu.memref_squeeze %dma_start3A_286 : memref<1x64x128xf32, #tpu.memory_space<hbm>> -> memref<64x128xf32, #tpu.memory_space<hbm>>
      %dma_start3A_288 = arith.constant 0 : i32
      %dma_start3A_289 = tpu.memref_slice %arg5[%arg0, %add3A_244, %dma_start3A_288] : memref<2x10240x128xf32, #tpu.memory_space<hbm>> -> memref<1x64x128xf32, #tpu.memory_space<hbm>>
      %dma_start3A_290 = tpu.memref_squeeze %dma_start3A_289 : memref<1x64x128xf32, #tpu.memory_space<hbm>> -> memref<64x128xf32, #tpu.memory_space<hbm>>
      tpu.enqueue_dma source(%arg12 : memref<64x128xf32, #tpu.memory_space<vmem>>) target(%dma_start3A_290 : memref<64x128xf32, #tpu.memory_space<hbm>>) target_semaphore(%run_scoped3A : memref<!tpu.dma_semaphore, #tpu.memory_space<semaphore_mem>>)
      %dma_wait3A_291 = arith.constant 0 : i32
      %dma_wait3A_292 = tpu.memref_slice %arg5[%arg0, %add3A_244, %dma_wait3A_291] : memref<2x10240x128xf32, #tpu.memory_space<hbm>> -> memref<1x64x128xf32, #tpu.memory_space<hbm>>
      %dma_wait3A_293 = tpu.memref_squeeze %dma_wait3A_292 : memref<1x64x128xf32, #tpu.memory_space<hbm>> -> memref<64x128xf32, #tpu.memory_space<hbm>>
      %dma_wait3A_294 = arith.constant 0 : i32
      %dma_wait3A_295 = tpu.memref_slice %arg5[%arg0, %add3A_244, %dma_wait3A_294] : memref<2x10240x128xf32, #tpu.memory_space<hbm>> -> memref<1x64x128xf32, #tpu.memory_space<hbm>>
      %dma_wait3A_296 = tpu.memref_squeeze %dma_wait3A_295 : memref<1x64x128xf32, #tpu.memory_space<hbm>> -> memref<64x128xf32, #tpu.memory_space<hbm>>
      tpu.wait_dma2 semaphore(%run_scoped3A : memref<!tpu.dma_semaphore, #tpu.memory_space<semaphore_mem>>) src(%arg12 : memref<64x128xf32, #tpu.memory_space<vmem>>) dst(%dma_wait3A_296 : memref<64x128xf32, #tpu.memory_space<hbm>>)
      tpu.yield
    }) : () -> ()
    %mul3A_245 = arith.constant 640 : i32
    %mul3A_246 = arith.muli %arg1, %mul3A_245 : i32
    %add3A_247 = arith.constant 320 : i32
    %add3A_248 = arith.addi %mul3A_246, %add3A_247 : i32
    "tpu.region"() ({
      %run_scoped3A = tpu.sem_alloc : memref<!tpu.dma_semaphore, #tpu.memory_space<semaphore_mem>>
      %dma_start3A_285 = arith.constant 0 : i32
      %dma_start3A_286 = tpu.memref_slice %arg13[%add3A_248, %dma_start3A_285] : memref<10240x128xf32, #tpu.memory_space<vmem_shared>> -> memref<64x128xf32, #tpu.memory_space<vmem_shared>>
      %dma_start3A_287 = arith.constant 0 : i32
      %dma_start3A_288 = tpu.memref_slice %arg13[%add3A_248, %dma_start3A_287] : memref<10240x128xf32, #tpu.memory_space<vmem_shared>> -> memref<64x128xf32, #tpu.memory_space<vmem_shared>>
      tpu.enqueue_dma source(%dma_start3A_288 : memref<64x128xf32, #tpu.memory_space<vmem_shared>>) target(%arg12 : memref<64x128xf32, #tpu.memory_space<vmem>>) target_semaphore(%run_scoped3A : memref<!tpu.dma_semaphore, #tpu.memory_space<semaphore_mem>>)
      %dma_wait3A_289 = arith.constant 0 : i32
      %dma_wait3A_290 = tpu.memref_slice %arg13[%add3A_248, %dma_wait3A_289] : memref<10240x128xf32, #tpu.memory_space<vmem_shared>> -> memref<64x128xf32, #tpu.memory_space<vmem_shared>>
      %dma_wait3A_291 = arith.constant 0 : i32
      %dma_wait3A_292 = tpu.memref_slice %arg13[%add3A_248, %dma_wait3A_291] : memref<10240x128xf32, #tpu.memory_space<vmem_shared>> -> memref<64x128xf32, #tpu.memory_space<vmem_shared>>
      tpu.wait_dma2 semaphore(%run_scoped3A : memref<!tpu.dma_semaphore, #tpu.memory_space<semaphore_mem>>) src(%dma_wait3A_292 : memref<64x128xf32, #tpu.memory_space<vmem_shared>>) dst(%arg12 : memref<64x128xf32, #tpu.memory_space<vmem>>)
      tpu.yield
    }) : () -> ()
    %mul3A_249 = arith.constant 640 : i32
    %mul3A_250 = arith.muli %arg1, %mul3A_249 : i32
    %add3A_251 = arith.constant 320 : i32
    %add3A_252 = arith.addi %mul3A_250, %add3A_251 : i32
    "tpu.region"() ({
      %run_scoped3A = tpu.sem_alloc : memref<!tpu.dma_semaphore, #tpu.memory_space<semaphore_mem>>
      %dma_start3A_285 = arith.constant 0 : i32
      %dma_start3A_286 = tpu.memref_slice %arg5[%arg0, %add3A_252, %dma_start3A_285] : memref<2x10240x128xf32, #tpu.memory_space<hbm>> -> memref<1x64x128xf32, #tpu.memory_space<hbm>>
      %dma_start3A_287 = tpu.memref_squeeze %dma_start3A_286 : memref<1x64x128xf32, #tpu.memory_space<hbm>> -> memref<64x128xf32, #tpu.memory_space<hbm>>
      %dma_start3A_288 = arith.constant 0 : i32
      %dma_start3A_289 = tpu.memref_slice %arg5[%arg0, %add3A_252, %dma_start3A_288] : memref<2x10240x128xf32, #tpu.memory_space<hbm>> -> memref<1x64x128xf32, #tpu.memory_space<hbm>>
      %dma_start3A_290 = tpu.memref_squeeze %dma_start3A_289 : memref<1x64x128xf32, #tpu.memory_space<hbm>> -> memref<64x128xf32, #tpu.memory_space<hbm>>
      tpu.enqueue_dma source(%arg12 : memref<64x128xf32, #tpu.memory_space<vmem>>) target(%dma_start3A_290 : memref<64x128xf32, #tpu.memory_space<hbm>>) target_semaphore(%run_scoped3A : memref<!tpu.dma_semaphore, #tpu.memory_space<semaphore_mem>>)
      %dma_wait3A_291 = arith.constant 0 : i32
      %dma_wait3A_292 = tpu.memref_slice %arg5[%arg0, %add3A_252, %dma_wait3A_291] : memref<2x10240x128xf32, #tpu.memory_space<hbm>> -> memref<1x64x128xf32, #tpu.memory_space<hbm>>
      %dma_wait3A_293 = tpu.memref_squeeze %dma_wait3A_292 : memref<1x64x128xf32, #tpu.memory_space<hbm>> -> memref<64x128xf32, #tpu.memory_space<hbm>>
      %dma_wait3A_294 = arith.constant 0 : i32
      %dma_wait3A_295 = tpu.memref_slice %arg5[%arg0, %add3A_252, %dma_wait3A_294] : memref<2x10240x128xf32, #tpu.memory_space<hbm>> -> memref<1x64x128xf32, #tpu.memory_space<hbm>>
      %dma_wait3A_296 = tpu.memref_squeeze %dma_wait3A_295 : memref<1x64x128xf32, #tpu.memory_space<hbm>> -> memref<64x128xf32, #tpu.memory_space<hbm>>
      tpu.wait_dma2 semaphore(%run_scoped3A : memref<!tpu.dma_semaphore, #tpu.memory_space<semaphore_mem>>) src(%arg12 : memref<64x128xf32, #tpu.memory_space<vmem>>) dst(%dma_wait3A_296 : memref<64x128xf32, #tpu.memory_space<hbm>>)
      tpu.yield
    }) : () -> ()
    %mul3A_253 = arith.constant 640 : i32
    %mul3A_254 = arith.muli %arg1, %mul3A_253 : i32
    %add3A_255 = arith.constant 384 : i32
    %add3A_256 = arith.addi %mul3A_254, %add3A_255 : i32
    "tpu.region"() ({
      %run_scoped3A = tpu.sem_alloc : memref<!tpu.dma_semaphore, #tpu.memory_space<semaphore_mem>>
      %dma_start3A_285 = arith.constant 0 : i32
      %dma_start3A_286 = tpu.memref_slice %arg13[%add3A_256, %dma_start3A_285] : memref<10240x128xf32, #tpu.memory_space<vmem_shared>> -> memref<64x128xf32, #tpu.memory_space<vmem_shared>>
      %dma_start3A_287 = arith.constant 0 : i32
      %dma_start3A_288 = tpu.memref_slice %arg13[%add3A_256, %dma_start3A_287] : memref<10240x128xf32, #tpu.memory_space<vmem_shared>> -> memref<64x128xf32, #tpu.memory_space<vmem_shared>>
      tpu.enqueue_dma source(%dma_start3A_288 : memref<64x128xf32, #tpu.memory_space<vmem_shared>>) target(%arg12 : memref<64x128xf32, #tpu.memory_space<vmem>>) target_semaphore(%run_scoped3A : memref<!tpu.dma_semaphore, #tpu.memory_space<semaphore_mem>>)
      %dma_wait3A_289 = arith.constant 0 : i32
      %dma_wait3A_290 = tpu.memref_slice %arg13[%add3A_256, %dma_wait3A_289] : memref<10240x128xf32, #tpu.memory_space<vmem_shared>> -> memref<64x128xf32, #tpu.memory_space<vmem_shared>>
      %dma_wait3A_291 = arith.constant 0 : i32
      %dma_wait3A_292 = tpu.memref_slice %arg13[%add3A_256, %dma_wait3A_291] : memref<10240x128xf32, #tpu.memory_space<vmem_shared>> -> memref<64x128xf32, #tpu.memory_space<vmem_shared>>
      tpu.wait_dma2 semaphore(%run_scoped3A : memref<!tpu.dma_semaphore, #tpu.memory_space<semaphore_mem>>) src(%dma_wait3A_292 : memref<64x128xf32, #tpu.memory_space<vmem_shared>>) dst(%arg12 : memref<64x128xf32, #tpu.memory_space<vmem>>)
      tpu.yield
    }) : () -> ()
    %mul3A_257 = arith.constant 640 : i32
    %mul3A_258 = arith.muli %arg1, %mul3A_257 : i32
    %add3A_259 = arith.constant 384 : i32
    %add3A_260 = arith.addi %mul3A_258, %add3A_259 : i32
    "tpu.region"() ({
      %run_scoped3A = tpu.sem_alloc : memref<!tpu.dma_semaphore, #tpu.memory_space<semaphore_mem>>
      %dma_start3A_285 = arith.constant 0 : i32
      %dma_start3A_286 = tpu.memref_slice %arg5[%arg0, %add3A_260, %dma_start3A_285] : memref<2x10240x128xf32, #tpu.memory_space<hbm>> -> memref<1x64x128xf32, #tpu.memory_space<hbm>>
      %dma_start3A_287 = tpu.memref_squeeze %dma_start3A_286 : memref<1x64x128xf32, #tpu.memory_space<hbm>> -> memref<64x128xf32, #tpu.memory_space<hbm>>
      %dma_start3A_288 = arith.constant 0 : i32
      %dma_start3A_289 = tpu.memref_slice %arg5[%arg0, %add3A_260, %dma_start3A_288] : memref<2x10240x128xf32, #tpu.memory_space<hbm>> -> memref<1x64x128xf32, #tpu.memory_space<hbm>>
      %dma_start3A_290 = tpu.memref_squeeze %dma_start3A_289 : memref<1x64x128xf32, #tpu.memory_space<hbm>> -> memref<64x128xf32, #tpu.memory_space<hbm>>
      tpu.enqueue_dma source(%arg12 : memref<64x128xf32, #tpu.memory_space<vmem>>) target(%dma_start3A_290 : memref<64x128xf32, #tpu.memory_space<hbm>>) target_semaphore(%run_scoped3A : memref<!tpu.dma_semaphore, #tpu.memory_space<semaphore_mem>>)
      %dma_wait3A_291 = arith.constant 0 : i32
      %dma_wait3A_292 = tpu.memref_slice %arg5[%arg0, %add3A_260, %dma_wait3A_291] : memref<2x10240x128xf32, #tpu.memory_space<hbm>> -> memref<1x64x128xf32, #tpu.memory_space<hbm>>
      %dma_wait3A_293 = tpu.memref_squeeze %dma_wait3A_292 : memref<1x64x128xf32, #tpu.memory_space<hbm>> -> memref<64x128xf32, #tpu.memory_space<hbm>>
      %dma_wait3A_294 = arith.constant 0 : i32
      %dma_wait3A_295 = tpu.memref_slice %arg5[%arg0, %add3A_260, %dma_wait3A_294] : memref<2x10240x128xf32, #tpu.memory_space<hbm>> -> memref<1x64x128xf32, #tpu.memory_space<hbm>>
      %dma_wait3A_296 = tpu.memref_squeeze %dma_wait3A_295 : memref<1x64x128xf32, #tpu.memory_space<hbm>> -> memref<64x128xf32, #tpu.memory_space<hbm>>
      tpu.wait_dma2 semaphore(%run_scoped3A : memref<!tpu.dma_semaphore, #tpu.memory_space<semaphore_mem>>) src(%arg12 : memref<64x128xf32, #tpu.memory_space<vmem>>) dst(%dma_wait3A_296 : memref<64x128xf32, #tpu.memory_space<hbm>>)
      tpu.yield
    }) : () -> ()
    %mul3A_261 = arith.constant 640 : i32
    %mul3A_262 = arith.muli %arg1, %mul3A_261 : i32
    %add3A_263 = arith.constant 448 : i32
    %add3A_264 = arith.addi %mul3A_262, %add3A_263 : i32
    "tpu.region"() ({
      %run_scoped3A = tpu.sem_alloc : memref<!tpu.dma_semaphore, #tpu.memory_space<semaphore_mem>>
      %dma_start3A_285 = arith.constant 0 : i32
      %dma_start3A_286 = tpu.memref_slice %arg13[%add3A_264, %dma_start3A_285] : memref<10240x128xf32, #tpu.memory_space<vmem_shared>> -> memref<64x128xf32, #tpu.memory_space<vmem_shared>>
      %dma_start3A_287 = arith.constant 0 : i32
      %dma_start3A_288 = tpu.memref_slice %arg13[%add3A_264, %dma_start3A_287] : memref<10240x128xf32, #tpu.memory_space<vmem_shared>> -> memref<64x128xf32, #tpu.memory_space<vmem_shared>>
      tpu.enqueue_dma source(%dma_start3A_288 : memref<64x128xf32, #tpu.memory_space<vmem_shared>>) target(%arg12 : memref<64x128xf32, #tpu.memory_space<vmem>>) target_semaphore(%run_scoped3A : memref<!tpu.dma_semaphore, #tpu.memory_space<semaphore_mem>>)
      %dma_wait3A_289 = arith.constant 0 : i32
      %dma_wait3A_290 = tpu.memref_slice %arg13[%add3A_264, %dma_wait3A_289] : memref<10240x128xf32, #tpu.memory_space<vmem_shared>> -> memref<64x128xf32, #tpu.memory_space<vmem_shared>>
      %dma_wait3A_291 = arith.constant 0 : i32
      %dma_wait3A_292 = tpu.memref_slice %arg13[%add3A_264, %dma_wait3A_291] : memref<10240x128xf32, #tpu.memory_space<vmem_shared>> -> memref<64x128xf32, #tpu.memory_space<vmem_shared>>
      tpu.wait_dma2 semaphore(%run_scoped3A : memref<!tpu.dma_semaphore, #tpu.memory_space<semaphore_mem>>) src(%dma_wait3A_292 : memref<64x128xf32, #tpu.memory_space<vmem_shared>>) dst(%arg12 : memref<64x128xf32, #tpu.memory_space<vmem>>)
      tpu.yield
    }) : () -> ()
    %mul3A_265 = arith.constant 640 : i32
    %mul3A_266 = arith.muli %arg1, %mul3A_265 : i32
    %add3A_267 = arith.constant 448 : i32
    %add3A_268 = arith.addi %mul3A_266, %add3A_267 : i32
    "tpu.region"() ({
      %run_scoped3A = tpu.sem_alloc : memref<!tpu.dma_semaphore, #tpu.memory_space<semaphore_mem>>
      %dma_start3A_285 = arith.constant 0 : i32
      %dma_start3A_286 = tpu.memref_slice %arg5[%arg0, %add3A_268, %dma_start3A_285] : memref<2x10240x128xf32, #tpu.memory_space<hbm>> -> memref<1x64x128xf32, #tpu.memory_space<hbm>>
      %dma_start3A_287 = tpu.memref_squeeze %dma_start3A_286 : memref<1x64x128xf32, #tpu.memory_space<hbm>> -> memref<64x128xf32, #tpu.memory_space<hbm>>
      %dma_start3A_288 = arith.constant 0 : i32
      %dma_start3A_289 = tpu.memref_slice %arg5[%arg0, %add3A_268, %dma_start3A_288] : memref<2x10240x128xf32, #tpu.memory_space<hbm>> -> memref<1x64x128xf32, #tpu.memory_space<hbm>>
      %dma_start3A_290 = tpu.memref_squeeze %dma_start3A_289 : memref<1x64x128xf32, #tpu.memory_space<hbm>> -> memref<64x128xf32, #tpu.memory_space<hbm>>
      tpu.enqueue_dma source(%arg12 : memref<64x128xf32, #tpu.memory_space<vmem>>) target(%dma_start3A_290 : memref<64x128xf32, #tpu.memory_space<hbm>>) target_semaphore(%run_scoped3A : memref<!tpu.dma_semaphore, #tpu.memory_space<semaphore_mem>>)
      %dma_wait3A_291 = arith.constant 0 : i32
      %dma_wait3A_292 = tpu.memref_slice %arg5[%arg0, %add3A_268, %dma_wait3A_291] : memref<2x10240x128xf32, #tpu.memory_space<hbm>> -> memref<1x64x128xf32, #tpu.memory_space<hbm>>
      %dma_wait3A_293 = tpu.memref_squeeze %dma_wait3A_292 : memref<1x64x128xf32, #tpu.memory_space<hbm>> -> memref<64x128xf32, #tpu.memory_space<hbm>>
      %dma_wait3A_294 = arith.constant 0 : i32
      %dma_wait3A_295 = tpu.memref_slice %arg5[%arg0, %add3A_268, %dma_wait3A_294] : memref<2x10240x128xf32, #tpu.memory_space<hbm>> -> memref<1x64x128xf32, #tpu.memory_space<hbm>>
      %dma_wait3A_296 = tpu.memref_squeeze %dma_wait3A_295 : memref<1x64x128xf32, #tpu.memory_space<hbm>> -> memref<64x128xf32, #tpu.memory_space<hbm>>
      tpu.wait_dma2 semaphore(%run_scoped3A : memref<!tpu.dma_semaphore, #tpu.memory_space<semaphore_mem>>) src(%arg12 : memref<64x128xf32, #tpu.memory_space<vmem>>) dst(%dma_wait3A_296 : memref<64x128xf32, #tpu.memory_space<hbm>>)
      tpu.yield
    }) : () -> ()
    %mul3A_269 = arith.constant 640 : i32
    %mul3A_270 = arith.muli %arg1, %mul3A_269 : i32
    %add3A_271 = arith.constant 512 : i32
    %add3A_272 = arith.addi %mul3A_270, %add3A_271 : i32
    "tpu.region"() ({
      %run_scoped3A = tpu.sem_alloc : memref<!tpu.dma_semaphore, #tpu.memory_space<semaphore_mem>>
      %dma_start3A_285 = arith.constant 0 : i32
      %dma_start3A_286 = tpu.memref_slice %arg13[%add3A_272, %dma_start3A_285] : memref<10240x128xf32, #tpu.memory_space<vmem_shared>> -> memref<64x128xf32, #tpu.memory_space<vmem_shared>>
      %dma_start3A_287 = arith.constant 0 : i32
      %dma_start3A_288 = tpu.memref_slice %arg13[%add3A_272, %dma_start3A_287] : memref<10240x128xf32, #tpu.memory_space<vmem_shared>> -> memref<64x128xf32, #tpu.memory_space<vmem_shared>>
      tpu.enqueue_dma source(%dma_start3A_288 : memref<64x128xf32, #tpu.memory_space<vmem_shared>>) target(%arg12 : memref<64x128xf32, #tpu.memory_space<vmem>>) target_semaphore(%run_scoped3A : memref<!tpu.dma_semaphore, #tpu.memory_space<semaphore_mem>>)
      %dma_wait3A_289 = arith.constant 0 : i32
      %dma_wait3A_290 = tpu.memref_slice %arg13[%add3A_272, %dma_wait3A_289] : memref<10240x128xf32, #tpu.memory_space<vmem_shared>> -> memref<64x128xf32, #tpu.memory_space<vmem_shared>>
      %dma_wait3A_291 = arith.constant 0 : i32
      %dma_wait3A_292 = tpu.memref_slice %arg13[%add3A_272, %dma_wait3A_291] : memref<10240x128xf32, #tpu.memory_space<vmem_shared>> -> memref<64x128xf32, #tpu.memory_space<vmem_shared>>
      tpu.wait_dma2 semaphore(%run_scoped3A : memref<!tpu.dma_semaphore, #tpu.memory_space<semaphore_mem>>) src(%dma_wait3A_292 : memref<64x128xf32, #tpu.memory_space<vmem_shared>>) dst(%arg12 : memref<64x128xf32, #tpu.memory_space<vmem>>)
      tpu.yield
    }) : () -> ()
    %mul3A_273 = arith.constant 640 : i32
    %mul3A_274 = arith.muli %arg1, %mul3A_273 : i32
    %add3A_275 = arith.constant 512 : i32
    %add3A_276 = arith.addi %mul3A_274, %add3A_275 : i32
    "tpu.region"() ({
      %run_scoped3A = tpu.sem_alloc : memref<!tpu.dma_semaphore, #tpu.memory_space<semaphore_mem>>
      %dma_start3A_285 = arith.constant 0 : i32
      %dma_start3A_286 = tpu.memref_slice %arg5[%arg0, %add3A_276, %dma_start3A_285] : memref<2x10240x128xf32, #tpu.memory_space<hbm>> -> memref<1x64x128xf32, #tpu.memory_space<hbm>>
      %dma_start3A_287 = tpu.memref_squeeze %dma_start3A_286 : memref<1x64x128xf32, #tpu.memory_space<hbm>> -> memref<64x128xf32, #tpu.memory_space<hbm>>
      %dma_start3A_288 = arith.constant 0 : i32
      %dma_start3A_289 = tpu.memref_slice %arg5[%arg0, %add3A_276, %dma_start3A_288] : memref<2x10240x128xf32, #tpu.memory_space<hbm>> -> memref<1x64x128xf32, #tpu.memory_space<hbm>>
      %dma_start3A_290 = tpu.memref_squeeze %dma_start3A_289 : memref<1x64x128xf32, #tpu.memory_space<hbm>> -> memref<64x128xf32, #tpu.memory_space<hbm>>
      tpu.enqueue_dma source(%arg12 : memref<64x128xf32, #tpu.memory_space<vmem>>) target(%dma_start3A_290 : memref<64x128xf32, #tpu.memory_space<hbm>>) target_semaphore(%run_scoped3A : memref<!tpu.dma_semaphore, #tpu.memory_space<semaphore_mem>>)
      %dma_wait3A_291 = arith.constant 0 : i32
      %dma_wait3A_292 = tpu.memref_slice %arg5[%arg0, %add3A_276, %dma_wait3A_291] : memref<2x10240x128xf32, #tpu.memory_space<hbm>> -> memref<1x64x128xf32, #tpu.memory_space<hbm>>
      %dma_wait3A_293 = tpu.memref_squeeze %dma_wait3A_292 : memref<1x64x128xf32, #tpu.memory_space<hbm>> -> memref<64x128xf32, #tpu.memory_space<hbm>>
      %dma_wait3A_294 = arith.constant 0 : i32
      %dma_wait3A_295 = tpu.memref_slice %arg5[%arg0, %add3A_276, %dma_wait3A_294] : memref<2x10240x128xf32, #tpu.memory_space<hbm>> -> memref<1x64x128xf32, #tpu.memory_space<hbm>>
      %dma_wait3A_296 = tpu.memref_squeeze %dma_wait3A_295 : memref<1x64x128xf32, #tpu.memory_space<hbm>> -> memref<64x128xf32, #tpu.memory_space<hbm>>
      tpu.wait_dma2 semaphore(%run_scoped3A : memref<!tpu.dma_semaphore, #tpu.memory_space<semaphore_mem>>) src(%arg12 : memref<64x128xf32, #tpu.memory_space<vmem>>) dst(%dma_wait3A_296 : memref<64x128xf32, #tpu.memory_space<hbm>>)
      tpu.yield
    }) : () -> ()
    %mul3A_277 = arith.constant 640 : i32
    %mul3A_278 = arith.muli %arg1, %mul3A_277 : i32
    %add3A_279 = arith.constant 576 : i32
    %add3A_280 = arith.addi %mul3A_278, %add3A_279 : i32
    "tpu.region"() ({
      %run_scoped3A = tpu.sem_alloc : memref<!tpu.dma_semaphore, #tpu.memory_space<semaphore_mem>>
      %dma_start3A_285 = arith.constant 0 : i32
      %dma_start3A_286 = tpu.memref_slice %arg13[%add3A_280, %dma_start3A_285] : memref<10240x128xf32, #tpu.memory_space<vmem_shared>> -> memref<64x128xf32, #tpu.memory_space<vmem_shared>>
      %dma_start3A_287 = arith.constant 0 : i32
      %dma_start3A_288 = tpu.memref_slice %arg13[%add3A_280, %dma_start3A_287] : memref<10240x128xf32, #tpu.memory_space<vmem_shared>> -> memref<64x128xf32, #tpu.memory_space<vmem_shared>>
      tpu.enqueue_dma source(%dma_start3A_288 : memref<64x128xf32, #tpu.memory_space<vmem_shared>>) target(%arg12 : memref<64x128xf32, #tpu.memory_space<vmem>>) target_semaphore(%run_scoped3A : memref<!tpu.dma_semaphore, #tpu.memory_space<semaphore_mem>>)
      %dma_wait3A_289 = arith.constant 0 : i32
      %dma_wait3A_290 = tpu.memref_slice %arg13[%add3A_280, %dma_wait3A_289] : memref<10240x128xf32, #tpu.memory_space<vmem_shared>> -> memref<64x128xf32, #tpu.memory_space<vmem_shared>>
      %dma_wait3A_291 = arith.constant 0 : i32
      %dma_wait3A_292 = tpu.memref_slice %arg13[%add3A_280, %dma_wait3A_291] : memref<10240x128xf32, #tpu.memory_space<vmem_shared>> -> memref<64x128xf32, #tpu.memory_space<vmem_shared>>
      tpu.wait_dma2 semaphore(%run_scoped3A : memref<!tpu.dma_semaphore, #tpu.memory_space<semaphore_mem>>) src(%dma_wait3A_292 : memref<64x128xf32, #tpu.memory_space<vmem_shared>>) dst(%arg12 : memref<64x128xf32, #tpu.memory_space<vmem>>)
      tpu.yield
    }) : () -> ()
    %mul3A_281 = arith.constant 640 : i32
    %mul3A_282 = arith.muli %arg1, %mul3A_281 : i32
    %add3A_283 = arith.constant 576 : i32
    %add3A_284 = arith.addi %mul3A_282, %add3A_283 : i32
    "tpu.region"() ({
      %run_scoped3A = tpu.sem_alloc : memref<!tpu.dma_semaphore, #tpu.memory_space<semaphore_mem>>
      %dma_start3A_285 = arith.constant 0 : i32
      %dma_start3A_286 = tpu.memref_slice %arg5[%arg0, %add3A_284, %dma_start3A_285] : memref<2x10240x128xf32, #tpu.memory_space<hbm>> -> memref<1x64x128xf32, #tpu.memory_space<hbm>>
      %dma_start3A_287 = tpu.memref_squeeze %dma_start3A_286 : memref<1x64x128xf32, #tpu.memory_space<hbm>> -> memref<64x128xf32, #tpu.memory_space<hbm>>
      %dma_start3A_288 = arith.constant 0 : i32
      %dma_start3A_289 = tpu.memref_slice %arg5[%arg0, %add3A_284, %dma_start3A_288] : memref<2x10240x128xf32, #tpu.memory_space<hbm>> -> memref<1x64x128xf32, #tpu.memory_space<hbm>>
      %dma_start3A_290 = tpu.memref_squeeze %dma_start3A_289 : memref<1x64x128xf32, #tpu.memory_space<hbm>> -> memref<64x128xf32, #tpu.memory_space<hbm>>
      tpu.enqueue_dma source(%arg12 : memref<64x128xf32, #tpu.memory_space<vmem>>) target(%dma_start3A_290 : memref<64x128xf32, #tpu.memory_space<hbm>>) target_semaphore(%run_scoped3A : memref<!tpu.dma_semaphore, #tpu.memory_space<semaphore_mem>>)
      %dma_wait3A_291 = arith.constant 0 : i32
      %dma_wait3A_292 = tpu.memref_slice %arg5[%arg0, %add3A_284, %dma_wait3A_291] : memref<2x10240x128xf32, #tpu.memory_space<hbm>> -> memref<1x64x128xf32, #tpu.memory_space<hbm>>
      %dma_wait3A_293 = tpu.memref_squeeze %dma_wait3A_292 : memref<1x64x128xf32, #tpu.memory_space<hbm>> -> memref<64x128xf32, #tpu.memory_space<hbm>>
      %dma_wait3A_294 = arith.constant 0 : i32
      %dma_wait3A_295 = tpu.memref_slice %arg5[%arg0, %add3A_284, %dma_wait3A_294] : memref<2x10240x128xf32, #tpu.memory_space<hbm>> -> memref<1x64x128xf32, #tpu.memory_space<hbm>>
      %dma_wait3A_296 = tpu.memref_squeeze %dma_wait3A_295 : memref<1x64x128xf32, #tpu.memory_space<hbm>> -> memref<64x128xf32, #tpu.memory_space<hbm>>
      tpu.wait_dma2 semaphore(%run_scoped3A : memref<!tpu.dma_semaphore, #tpu.memory_space<semaphore_mem>>) src(%arg12 : memref<64x128xf32, #tpu.memory_space<vmem>>) dst(%dma_wait3A_296 : memref<64x128xf32, #tpu.memory_space<hbm>>)
      tpu.yield
    }) : () -> ()
    return
  }
}

#map = affine_map<(d0, d1) -> (0, 0)>
#map1 = affine_map<(d0, d1) -> (0)>
#map2 = affine_map<(d0, d1) -> (0, 0, 0)>
module attributes {stable_mosaic.version = 14 : i64} {
  func.func @_agg_body(%arg0: i32, %arg1: i32, %arg2: memref<10240x128xf32, #tpu.memory_space<hbm>>, %arg3: memref<320000xi32, #tpu.memory_space<hbm>>, %arg4: memref<320000xi32, #tpu.memory_space<hbm>>, %arg5: memref<2x10240x128xf32, #tpu.memory_space<hbm>>, %arg6: memref<10000xi32, #tpu.memory_space<vmem>>, %arg7: memref<10000xi32, #tpu.memory_space<vmem>>, %arg8: memref<40x128xf32, #tpu.memory_space<vmem>>, %arg9: memref<40x128xf32, #tpu.memory_space<vmem>>, %arg10: memref<40x128xf32, #tpu.memory_space<vmem>>, %arg11: memref<40x128xf32, #tpu.memory_space<vmem>>, %arg12: memref<64x128xf32, #tpu.memory_space<vmem>>, %arg13: memref<10240x128xf32, #tpu.memory_space<vmem_shared>>, %arg14: memref<!tpu.dma_semaphore, #tpu.memory_space<semaphore_mem>>, %arg15: memref<!tpu.dma_semaphore, #tpu.memory_space<semaphore_mem>>, %arg16: memref<!tpu.dma_semaphore, #tpu.memory_space<semaphore_mem>>, %arg17: memref<!tpu.dma_semaphore, #tpu.memory_space<semaphore_mem>>, %arg18: memref<!tpu.dma_semaphore, #tpu.memory_space<semaphore_mem>>, %arg19: memref<!tpu.dma_semaphore, #tpu.memory_space<semaphore_mem>>, %arg20: memref<!tpu.dma_semaphore, #tpu.memory_space<semaphore_mem>>, %arg21: memref<!tpu.dma_semaphore, #tpu.memory_space<semaphore_mem>>) attributes {dimension_semantics = [#tpu.dimension_semantics<core_parallel>, #tpu.dimension_semantics<subcore_parallel>], iteration_bounds = array<i64: 2, 16>, scalar_prefetch = 0 : i64, scratch_operands = 16 : i64, tpu.core_type = #tpu.core_type<sc_vector_subcore>, window_params = [{transform_indices = #map}, {transform_indices = #map1}, {transform_indices = #map1}, {transform_indices = #map2}]} {
    %mul3A = arith.constant 2 : i32
    %mul3A_0 = arith.muli %arg1, %mul3A : i32
    %add3A = arith.addi %mul3A_0, %arg0 : i32
    %scan3A = arith.constant 0 : i32
    %scan3A_1 = arith.constant 0 : i32
    %scan3A_2 = arith.constant 64 : i32
    %scan3A_3 = arith.addi %scan3A_1, %scan3A_2 : i32
    %scan3A_4 = arith.constant 1 : i32
    %scan3A_5 = scf.for %scan3A_285 = %scan3A_1 to %scan3A_3 step %scan3A_4 iter_args(%scan3A_286 = %scan3A) -> (i32)  : i32 {
      %broadcast_in_dim3A = arith.constant 0.000000e+00 : f32
      %broadcast_in_dim3A_287 = vector.broadcast %broadcast_in_dim3A : f32 to vector<16xf32>
      %swap3A = arith.index_cast %scan3A_285 : i32 to index
      %swap3A_288 = arith.constant 0 : index
      %swap3A_289 = tpu.vector_load %arg12[%swap3A, %swap3A_288] {strides = array<i32>} : memref<64x128xf32, #tpu.memory_space<vmem>>, vector<1x16xf32>,
      %swap3A_290 = vector.shape_cast %swap3A_289 : vector<1x16xf32> to vector<16xf32>
      %swap3A_291 = vector.shape_cast %broadcast_in_dim3A_287 : vector<16xf32> to vector<1x16xf32>
      tpu.vector_store %arg12[%swap3A, %swap3A_288], %swap3A_291 {strides = array<i32>} : memref<64x128xf32, #tpu.memory_space<vmem>>, vector<1x16xf32>,
      %broadcast_in_dim3A_292 = arith.constant 0.000000e+00 : f32
      %broadcast_in_dim3A_293 = vector.broadcast %broadcast_in_dim3A_292 : f32 to vector<16xf32>
      %swap3A_294 = arith.index_cast %scan3A_285 : i32 to index
      %swap3A_295 = arith.constant 16 : index
      %swap3A_296 = tpu.vector_load %arg12[%swap3A_294, %swap3A_295] {strides = array<i32>} : memref<64x128xf32, #tpu.memory_space<vmem>>, vector<1x16xf32>,
      %swap3A_297 = vector.shape_cast %swap3A_296 : vector<1x16xf32> to vector<16xf32>
      %swap3A_298 = vector.shape_cast %broadcast_in_dim3A_293 : vector<16xf32> to vector<1x16xf32>
      tpu.vector_store %arg12[%swap3A_294, %swap3A_295], %swap3A_298 {strides = array<i32>} : memref<64x128xf32, #tpu.memory_space<vmem>>, vector<1x16xf32>,
      %broadcast_in_dim3A_299 = arith.constant 0.000000e+00 : f32
      %broadcast_in_dim3A_300 = vector.broadcast %broadcast_in_dim3A_299 : f32 to vector<16xf32>
      %swap3A_301 = arith.index_cast %scan3A_285 : i32 to index
      %swap3A_302 = arith.constant 32 : index
      %swap3A_303 = tpu.vector_load %arg12[%swap3A_301, %swap3A_302] {strides = array<i32>} : memref<64x128xf32, #tpu.memory_space<vmem>>, vector<1x16xf32>,
      %swap3A_304 = vector.shape_cast %swap3A_303 : vector<1x16xf32> to vector<16xf32>
      %swap3A_305 = vector.shape_cast %broadcast_in_dim3A_300 : vector<16xf32> to vector<1x16xf32>
      tpu.vector_store %arg12[%swap3A_301, %swap3A_302], %swap3A_305 {strides = array<i32>} : memref<64x128xf32, #tpu.memory_space<vmem>>, vector<1x16xf32>,
      %broadcast_in_dim3A_306 = arith.constant 0.000000e+00 : f32
      %broadcast_in_dim3A_307 = vector.broadcast %broadcast_in_dim3A_306 : f32 to vector<16xf32>
      %swap3A_308 = arith.index_cast %scan3A_285 : i32 to index
      %swap3A_309 = arith.constant 48 : index
      %swap3A_310 = tpu.vector_load %arg12[%swap3A_308, %swap3A_309] {strides = array<i32>} : memref<64x128xf32, #tpu.memory_space<vmem>>, vector<1x16xf32>,
      %swap3A_311 = vector.shape_cast %swap3A_310 : vector<1x16xf32> to vector<16xf32>
      %swap3A_312 = vector.shape_cast %broadcast_in_dim3A_307 : vector<16xf32> to vector<1x16xf32>
      tpu.vector_store %arg12[%swap3A_308, %swap3A_309], %swap3A_312 {strides = array<i32>} : memref<64x128xf32, #tpu.memory_space<vmem>>, vector<1x16xf32>,
      %broadcast_in_dim3A_313 = arith.constant 0.000000e+00 : f32
      %broadcast_in_dim3A_314 = vector.broadcast %broadcast_in_dim3A_313 : f32 to vector<16xf32>
      %swap3A_315 = arith.index_cast %scan3A_285 : i32 to index
      %swap3A_316 = arith.constant 64 : index
      %swap3A_317 = tpu.vector_load %arg12[%swap3A_315, %swap3A_316] {strides = array<i32>} : memref<64x128xf32, #tpu.memory_space<vmem>>, vector<1x16xf32>,
      %swap3A_318 = vector.shape_cast %swap3A_317 : vector<1x16xf32> to vector<16xf32>
      %swap3A_319 = vector.shape_cast %broadcast_in_dim3A_314 : vector<16xf32> to vector<1x16xf32>
      tpu.vector_store %arg12[%swap3A_315, %swap3A_316], %swap3A_319 {strides = array<i32>} : memref<64x128xf32, #tpu.memory_space<vmem>>, vector<1x16xf32>,
      %broadcast_in_dim3A_320 = arith.constant 0.000000e+00 : f32
      %broadcast_in_dim3A_321 = vector.broadcast %broadcast_in_dim3A_320 : f32 to vector<16xf32>
      %swap3A_322 = arith.index_cast %scan3A_285 : i32 to index
      %swap3A_323 = arith.constant 80 : index
      %swap3A_324 = tpu.vector_load %arg12[%swap3A_322, %swap3A_323] {strides = array<i32>} : memref<64x128xf32, #tpu.memory_space<vmem>>, vector<1x16xf32>,
      %swap3A_325 = vector.shape_cast %swap3A_324 : vector<1x16xf32> to vector<16xf32>
      %swap3A_326 = vector.shape_cast %broadcast_in_dim3A_321 : vector<16xf32> to vector<1x16xf32>
      tpu.vector_store %arg12[%swap3A_322, %swap3A_323], %swap3A_326 {strides = array<i32>} : memref<64x128xf32, #tpu.memory_space<vmem>>, vector<1x16xf32>,
      %broadcast_in_dim3A_327 = arith.constant 0.000000e+00 : f32
      %broadcast_in_dim3A_328 = vector.broadcast %broadcast_in_dim3A_327 : f32 to vector<16xf32>
      %swap3A_329 = arith.index_cast %scan3A_285 : i32 to index
      %swap3A_330 = arith.constant 96 : index
      %swap3A_331 = tpu.vector_load %arg12[%swap3A_329, %swap3A_330] {strides = array<i32>} : memref<64x128xf32, #tpu.memory_space<vmem>>, vector<1x16xf32>,
      %swap3A_332 = vector.shape_cast %swap3A_331 : vector<1x16xf32> to vector<16xf32>
      %swap3A_333 = vector.shape_cast %broadcast_in_dim3A_328 : vector<16xf32> to vector<1x16xf32>
      tpu.vector_store %arg12[%swap3A_329, %swap3A_330], %swap3A_333 {strides = array<i32>} : memref<64x128xf32, #tpu.memory_space<vmem>>, vector<1x16xf32>,
      %broadcast_in_dim3A_334 = arith.constant 0.000000e+00 : f32
      %broadcast_in_dim3A_335 = vector.broadcast %broadcast_in_dim3A_334 : f32 to vector<16xf32>
      %swap3A_336 = arith.index_cast %scan3A_285 : i32 to index
      %swap3A_337 = arith.constant 112 : index
      %swap3A_338 = tpu.vector_load %arg12[%swap3A_336, %swap3A_337] {strides = array<i32>} : memref<64x128xf32, #tpu.memory_space<vmem>>, vector<1x16xf32>,
      %swap3A_339 = vector.shape_cast %swap3A_338 : vector<1x16xf32> to vector<16xf32>
      %swap3A_340 = vector.shape_cast %broadcast_in_dim3A_335 : vector<16xf32> to vector<1x16xf32>
      tpu.vector_store %arg12[%swap3A_336, %swap3A_337], %swap3A_340 {strides = array<i32>} : memref<64x128xf32, #tpu.memory_space<vmem>>, vector<1x16xf32>,
      %scan3A_341 = arith.constant 0 : i32
      scf.yield %scan3A_341 : i32
    }
    %scan3A_6 = arith.constant 64 : i32
    %mul3A_7 = arith.constant 640 : i32
    %mul3A_8 = arith.muli %arg1, %mul3A_7 : i32
    %add3A_9 = arith.constant 0 : i32
    %add3A_10 = arith.addi %mul3A_8, %add3A_9 : i32
    %dma_start3A = arith.constant 0 : i32
    %dma_start3A_11 = tpu.memref_slice %arg13[%add3A_10, %dma_start3A] : memref<10240x128xf32, #tpu.memory_space<vmem_shared>> -> memref<64x128xf32, #tpu.memory_space<vmem_shared>>
    %dma_start3A_12 = arith.constant 0 : i32
    %dma_start3A_13 = tpu.memref_slice %arg13[%add3A_10, %dma_start3A_12] : memref<10240x128xf32, #tpu.memory_space<vmem_shared>> -> memref<64x128xf32, #tpu.memory_space<vmem_shared>>
    tpu.enqueue_dma source(%arg12 : memref<64x128xf32, #tpu.memory_space<vmem>>) target(%dma_start3A_13 : memref<64x128xf32, #tpu.memory_space<vmem_shared>>) target_semaphore(%arg14 : memref<!tpu.dma_semaphore, #tpu.memory_space<semaphore_mem>>)
    %mul3A_14 = arith.constant 640 : i32
    %mul3A_15 = arith.muli %arg1, %mul3A_14 : i32
    %add3A_16 = arith.constant 64 : i32
    %add3A_17 = arith.addi %mul3A_15, %add3A_16 : i32
    %dma_start3A_18 = arith.constant 0 : i32
    %dma_start3A_19 = tpu.memref_slice %arg13[%add3A_17, %dma_start3A_18] : memref<10240x128xf32, #tpu.memory_space<vmem_shared>> -> memref<64x128xf32, #tpu.memory_space<vmem_shared>>
    %dma_start3A_20 = arith.constant 0 : i32
    %dma_start3A_21 = tpu.memref_slice %arg13[%add3A_17, %dma_start3A_20] : memref<10240x128xf32, #tpu.memory_space<vmem_shared>> -> memref<64x128xf32, #tpu.memory_space<vmem_shared>>
    tpu.enqueue_dma source(%arg12 : memref<64x128xf32, #tpu.memory_space<vmem>>) target(%dma_start3A_21 : memref<64x128xf32, #tpu.memory_space<vmem_shared>>) target_semaphore(%arg15 : memref<!tpu.dma_semaphore, #tpu.memory_space<semaphore_mem>>)
    %dma_wait3A = arith.constant 0 : i32
    %dma_wait3A_22 = arith.constant 0 : i32
    %dma_wait3A_23 = tpu.memref_slice %arg13[%dma_wait3A, %dma_wait3A_22] : memref<10240x128xf32, #tpu.memory_space<vmem_shared>> -> memref<64x128xf32, #tpu.memory_space<vmem_shared>>
    %dma_wait3A_24 = arith.constant 0 : i32
    %dma_wait3A_25 = arith.constant 0 : i32
    %dma_wait3A_26 = tpu.memref_slice %arg13[%dma_wait3A_24, %dma_wait3A_25] : memref<10240x128xf32, #tpu.memory_space<vmem_shared>> -> memref<64x128xf32, #tpu.memory_space<vmem_shared>>
    tpu.wait_dma2 semaphore(%arg14 : memref<!tpu.dma_semaphore, #tpu.memory_space<semaphore_mem>>) src(%arg12 : memref<64x128xf32, #tpu.memory_space<vmem>>) dst(%dma_wait3A_26 : memref<64x128xf32, #tpu.memory_space<vmem_shared>>)
    %mul3A_27 = arith.constant 640 : i32
    %mul3A_28 = arith.muli %arg1, %mul3A_27 : i32
    %add3A_29 = arith.constant 128 : i32
    %add3A_30 = arith.addi %mul3A_28, %add3A_29 : i32
    %dma_start3A_31 = arith.constant 0 : i32
    %dma_start3A_32 = tpu.memref_slice %arg13[%add3A_30, %dma_start3A_31] : memref<10240x128xf32, #tpu.memory_space<vmem_shared>> -> memref<64x128xf32, #tpu.memory_space<vmem_shared>>
    %dma_start3A_33 = arith.constant 0 : i32
    %dma_start3A_34 = tpu.memref_slice %arg13[%add3A_30, %dma_start3A_33] : memref<10240x128xf32, #tpu.memory_space<vmem_shared>> -> memref<64x128xf32, #tpu.memory_space<vmem_shared>>
    tpu.enqueue_dma source(%arg12 : memref<64x128xf32, #tpu.memory_space<vmem>>) target(%dma_start3A_34 : memref<64x128xf32, #tpu.memory_space<vmem_shared>>) target_semaphore(%arg14 : memref<!tpu.dma_semaphore, #tpu.memory_space<semaphore_mem>>)
    %dma_wait3A_35 = arith.constant 0 : i32
    %dma_wait3A_36 = arith.constant 0 : i32
    %dma_wait3A_37 = tpu.memref_slice %arg13[%dma_wait3A_35, %dma_wait3A_36] : memref<10240x128xf32, #tpu.memory_space<vmem_shared>> -> memref<64x128xf32, #tpu.memory_space<vmem_shared>>
    %dma_wait3A_38 = arith.constant 0 : i32
    %dma_wait3A_39 = arith.constant 0 : i32
    %dma_wait3A_40 = tpu.memref_slice %arg13[%dma_wait3A_38, %dma_wait3A_39] : memref<10240x128xf32, #tpu.memory_space<vmem_shared>> -> memref<64x128xf32, #tpu.memory_space<vmem_shared>>
    tpu.wait_dma2 semaphore(%arg15 : memref<!tpu.dma_semaphore, #tpu.memory_space<semaphore_mem>>) src(%arg12 : memref<64x128xf32, #tpu.memory_space<vmem>>) dst(%dma_wait3A_40 : memref<64x128xf32, #tpu.memory_space<vmem_shared>>)
    %mul3A_41 = arith.constant 640 : i32
    %mul3A_42 = arith.muli %arg1, %mul3A_41 : i32
    %add3A_43 = arith.constant 192 : i32
    %add3A_44 = arith.addi %mul3A_42, %add3A_43 : i32
    %dma_start3A_45 = arith.constant 0 : i32
    %dma_start3A_46 = tpu.memref_slice %arg13[%add3A_44, %dma_start3A_45] : memref<10240x128xf32, #tpu.memory_space<vmem_shared>> -> memref<64x128xf32, #tpu.memory_space<vmem_shared>>
    %dma_start3A_47 = arith.constant 0 : i32
    %dma_start3A_48 = tpu.memref_slice %arg13[%add3A_44, %dma_start3A_47] : memref<10240x128xf32, #tpu.memory_space<vmem_shared>> -> memref<64x128xf32, #tpu.memory_space<vmem_shared>>
    tpu.enqueue_dma source(%arg12 : memref<64x128xf32, #tpu.memory_space<vmem>>) target(%dma_start3A_48 : memref<64x128xf32, #tpu.memory_space<vmem_shared>>) target_semaphore(%arg15 : memref<!tpu.dma_semaphore, #tpu.memory_space<semaphore_mem>>)
    %dma_wait3A_49 = arith.constant 0 : i32
    %dma_wait3A_50 = arith.constant 0 : i32
    %dma_wait3A_51 = tpu.memref_slice %arg13[%dma_wait3A_49, %dma_wait3A_50] : memref<10240x128xf32, #tpu.memory_space<vmem_shared>> -> memref<64x128xf32, #tpu.memory_space<vmem_shared>>
    %dma_wait3A_52 = arith.constant 0 : i32
    %dma_wait3A_53 = arith.constant 0 : i32
    %dma_wait3A_54 = tpu.memref_slice %arg13[%dma_wait3A_52, %dma_wait3A_53] : memref<10240x128xf32, #tpu.memory_space<vmem_shared>> -> memref<64x128xf32, #tpu.memory_space<vmem_shared>>
    tpu.wait_dma2 semaphore(%arg14 : memref<!tpu.dma_semaphore, #tpu.memory_space<semaphore_mem>>) src(%arg12 : memref<64x128xf32, #tpu.memory_space<vmem>>) dst(%dma_wait3A_54 : memref<64x128xf32, #tpu.memory_space<vmem_shared>>)
    %mul3A_55 = arith.constant 640 : i32
    %mul3A_56 = arith.muli %arg1, %mul3A_55 : i32
    %add3A_57 = arith.constant 256 : i32
    %add3A_58 = arith.addi %mul3A_56, %add3A_57 : i32
    %dma_start3A_59 = arith.constant 0 : i32
    %dma_start3A_60 = tpu.memref_slice %arg13[%add3A_58, %dma_start3A_59] : memref<10240x128xf32, #tpu.memory_space<vmem_shared>> -> memref<64x128xf32, #tpu.memory_space<vmem_shared>>
    %dma_start3A_61 = arith.constant 0 : i32
    %dma_start3A_62 = tpu.memref_slice %arg13[%add3A_58, %dma_start3A_61] : memref<10240x128xf32, #tpu.memory_space<vmem_shared>> -> memref<64x128xf32, #tpu.memory_space<vmem_shared>>
    tpu.enqueue_dma source(%arg12 : memref<64x128xf32, #tpu.memory_space<vmem>>) target(%dma_start3A_62 : memref<64x128xf32, #tpu.memory_space<vmem_shared>>) target_semaphore(%arg14 : memref<!tpu.dma_semaphore, #tpu.memory_space<semaphore_mem>>)
    %dma_wait3A_63 = arith.constant 0 : i32
    %dma_wait3A_64 = arith.constant 0 : i32
    %dma_wait3A_65 = tpu.memref_slice %arg13[%dma_wait3A_63, %dma_wait3A_64] : memref<10240x128xf32, #tpu.memory_space<vmem_shared>> -> memref<64x128xf32, #tpu.memory_space<vmem_shared>>
    %dma_wait3A_66 = arith.constant 0 : i32
    %dma_wait3A_67 = arith.constant 0 : i32
    %dma_wait3A_68 = tpu.memref_slice %arg13[%dma_wait3A_66, %dma_wait3A_67] : memref<10240x128xf32, #tpu.memory_space<vmem_shared>> -> memref<64x128xf32, #tpu.memory_space<vmem_shared>>
    tpu.wait_dma2 semaphore(%arg15 : memref<!tpu.dma_semaphore, #tpu.memory_space<semaphore_mem>>) src(%arg12 : memref<64x128xf32, #tpu.memory_space<vmem>>) dst(%dma_wait3A_68 : memref<64x128xf32, #tpu.memory_space<vmem_shared>>)
    %mul3A_69 = arith.constant 640 : i32
    %mul3A_70 = arith.muli %arg1, %mul3A_69 : i32
    %add3A_71 = arith.constant 320 : i32
    %add3A_72 = arith.addi %mul3A_70, %add3A_71 : i32
    %dma_start3A_73 = arith.constant 0 : i32
    %dma_start3A_74 = tpu.memref_slice %arg13[%add3A_72, %dma_start3A_73] : memref<10240x128xf32, #tpu.memory_space<vmem_shared>> -> memref<64x128xf32, #tpu.memory_space<vmem_shared>>
    %dma_start3A_75 = arith.constant 0 : i32
    %dma_start3A_76 = tpu.memref_slice %arg13[%add3A_72, %dma_start3A_75] : memref<10240x128xf32, #tpu.memory_space<vmem_shared>> -> memref<64x128xf32, #tpu.memory_space<vmem_shared>>
    tpu.enqueue_dma source(%arg12 : memref<64x128xf32, #tpu.memory_space<vmem>>) target(%dma_start3A_76 : memref<64x128xf32, #tpu.memory_space<vmem_shared>>) target_semaphore(%arg15 : memref<!tpu.dma_semaphore, #tpu.memory_space<semaphore_mem>>)
    %dma_wait3A_77 = arith.constant 0 : i32
    %dma_wait3A_78 = arith.constant 0 : i32
    %dma_wait3A_79 = tpu.memref_slice %arg13[%dma_wait3A_77, %dma_wait3A_78] : memref<10240x128xf32, #tpu.memory_space<vmem_shared>> -> memref<64x128xf32, #tpu.memory_space<vmem_shared>>
    %dma_wait3A_80 = arith.constant 0 : i32
    %dma_wait3A_81 = arith.constant 0 : i32
    %dma_wait3A_82 = tpu.memref_slice %arg13[%dma_wait3A_80, %dma_wait3A_81] : memref<10240x128xf32, #tpu.memory_space<vmem_shared>> -> memref<64x128xf32, #tpu.memory_space<vmem_shared>>
    tpu.wait_dma2 semaphore(%arg14 : memref<!tpu.dma_semaphore, #tpu.memory_space<semaphore_mem>>) src(%arg12 : memref<64x128xf32, #tpu.memory_space<vmem>>) dst(%dma_wait3A_82 : memref<64x128xf32, #tpu.memory_space<vmem_shared>>)
    %mul3A_83 = arith.constant 640 : i32
    %mul3A_84 = arith.muli %arg1, %mul3A_83 : i32
    %add3A_85 = arith.constant 384 : i32
    %add3A_86 = arith.addi %mul3A_84, %add3A_85 : i32
    %dma_start3A_87 = arith.constant 0 : i32
    %dma_start3A_88 = tpu.memref_slice %arg13[%add3A_86, %dma_start3A_87] : memref<10240x128xf32, #tpu.memory_space<vmem_shared>> -> memref<64x128xf32, #tpu.memory_space<vmem_shared>>
    %dma_start3A_89 = arith.constant 0 : i32
    %dma_start3A_90 = tpu.memref_slice %arg13[%add3A_86, %dma_start3A_89] : memref<10240x128xf32, #tpu.memory_space<vmem_shared>> -> memref<64x128xf32, #tpu.memory_space<vmem_shared>>
    tpu.enqueue_dma source(%arg12 : memref<64x128xf32, #tpu.memory_space<vmem>>) target(%dma_start3A_90 : memref<64x128xf32, #tpu.memory_space<vmem_shared>>) target_semaphore(%arg14 : memref<!tpu.dma_semaphore, #tpu.memory_space<semaphore_mem>>)
    %dma_wait3A_91 = arith.constant 0 : i32
    %dma_wait3A_92 = arith.constant 0 : i32
    %dma_wait3A_93 = tpu.memref_slice %arg13[%dma_wait3A_91, %dma_wait3A_92] : memref<10240x128xf32, #tpu.memory_space<vmem_shared>> -> memref<64x128xf32, #tpu.memory_space<vmem_shared>>
    %dma_wait3A_94 = arith.constant 0 : i32
    %dma_wait3A_95 = arith.constant 0 : i32
    %dma_wait3A_96 = tpu.memref_slice %arg13[%dma_wait3A_94, %dma_wait3A_95] : memref<10240x128xf32, #tpu.memory_space<vmem_shared>> -> memref<64x128xf32, #tpu.memory_space<vmem_shared>>
    tpu.wait_dma2 semaphore(%arg15 : memref<!tpu.dma_semaphore, #tpu.memory_space<semaphore_mem>>) src(%arg12 : memref<64x128xf32, #tpu.memory_space<vmem>>) dst(%dma_wait3A_96 : memref<64x128xf32, #tpu.memory_space<vmem_shared>>)
    %mul3A_97 = arith.constant 640 : i32
    %mul3A_98 = arith.muli %arg1, %mul3A_97 : i32
    %add3A_99 = arith.constant 448 : i32
    %add3A_100 = arith.addi %mul3A_98, %add3A_99 : i32
    %dma_start3A_101 = arith.constant 0 : i32
    %dma_start3A_102 = tpu.memref_slice %arg13[%add3A_100, %dma_start3A_101] : memref<10240x128xf32, #tpu.memory_space<vmem_shared>> -> memref<64x128xf32, #tpu.memory_space<vmem_shared>>
    %dma_start3A_103 = arith.constant 0 : i32
    %dma_start3A_104 = tpu.memref_slice %arg13[%add3A_100, %dma_start3A_103] : memref<10240x128xf32, #tpu.memory_space<vmem_shared>> -> memref<64x128xf32, #tpu.memory_space<vmem_shared>>
    tpu.enqueue_dma source(%arg12 : memref<64x128xf32, #tpu.memory_space<vmem>>) target(%dma_start3A_104 : memref<64x128xf32, #tpu.memory_space<vmem_shared>>) target_semaphore(%arg15 : memref<!tpu.dma_semaphore, #tpu.memory_space<semaphore_mem>>)
    %dma_wait3A_105 = arith.constant 0 : i32
    %dma_wait3A_106 = arith.constant 0 : i32
    %dma_wait3A_107 = tpu.memref_slice %arg13[%dma_wait3A_105, %dma_wait3A_106] : memref<10240x128xf32, #tpu.memory_space<vmem_shared>> -> memref<64x128xf32, #tpu.memory_space<vmem_shared>>
    %dma_wait3A_108 = arith.constant 0 : i32
    %dma_wait3A_109 = arith.constant 0 : i32
    %dma_wait3A_110 = tpu.memref_slice %arg13[%dma_wait3A_108, %dma_wait3A_109] : memref<10240x128xf32, #tpu.memory_space<vmem_shared>> -> memref<64x128xf32, #tpu.memory_space<vmem_shared>>
    tpu.wait_dma2 semaphore(%arg14 : memref<!tpu.dma_semaphore, #tpu.memory_space<semaphore_mem>>) src(%arg12 : memref<64x128xf32, #tpu.memory_space<vmem>>) dst(%dma_wait3A_110 : memref<64x128xf32, #tpu.memory_space<vmem_shared>>)
    %mul3A_111 = arith.constant 640 : i32
    %mul3A_112 = arith.muli %arg1, %mul3A_111 : i32
    %add3A_113 = arith.constant 512 : i32
    %add3A_114 = arith.addi %mul3A_112, %add3A_113 : i32
    %dma_start3A_115 = arith.constant 0 : i32
    %dma_start3A_116 = tpu.memref_slice %arg13[%add3A_114, %dma_start3A_115] : memref<10240x128xf32, #tpu.memory_space<vmem_shared>> -> memref<64x128xf32, #tpu.memory_space<vmem_shared>>
    %dma_start3A_117 = arith.constant 0 : i32
    %dma_start3A_118 = tpu.memref_slice %arg13[%add3A_114, %dma_start3A_117] : memref<10240x128xf32, #tpu.memory_space<vmem_shared>> -> memref<64x128xf32, #tpu.memory_space<vmem_shared>>
    tpu.enqueue_dma source(%arg12 : memref<64x128xf32, #tpu.memory_space<vmem>>) target(%dma_start3A_118 : memref<64x128xf32, #tpu.memory_space<vmem_shared>>) target_semaphore(%arg14 : memref<!tpu.dma_semaphore, #tpu.memory_space<semaphore_mem>>)
    %dma_wait3A_119 = arith.constant 0 : i32
    %dma_wait3A_120 = arith.constant 0 : i32
    %dma_wait3A_121 = tpu.memref_slice %arg13[%dma_wait3A_119, %dma_wait3A_120] : memref<10240x128xf32, #tpu.memory_space<vmem_shared>> -> memref<64x128xf32, #tpu.memory_space<vmem_shared>>
    %dma_wait3A_122 = arith.constant 0 : i32
    %dma_wait3A_123 = arith.constant 0 : i32
    %dma_wait3A_124 = tpu.memref_slice %arg13[%dma_wait3A_122, %dma_wait3A_123] : memref<10240x128xf32, #tpu.memory_space<vmem_shared>> -> memref<64x128xf32, #tpu.memory_space<vmem_shared>>
    tpu.wait_dma2 semaphore(%arg15 : memref<!tpu.dma_semaphore, #tpu.memory_space<semaphore_mem>>) src(%arg12 : memref<64x128xf32, #tpu.memory_space<vmem>>) dst(%dma_wait3A_124 : memref<64x128xf32, #tpu.memory_space<vmem_shared>>)
    %mul3A_125 = arith.constant 640 : i32
    %mul3A_126 = arith.muli %arg1, %mul3A_125 : i32
    %add3A_127 = arith.constant 576 : i32
    %add3A_128 = arith.addi %mul3A_126, %add3A_127 : i32
    %dma_start3A_129 = arith.constant 0 : i32
    %dma_start3A_130 = tpu.memref_slice %arg13[%add3A_128, %dma_start3A_129] : memref<10240x128xf32, #tpu.memory_space<vmem_shared>> -> memref<64x128xf32, #tpu.memory_space<vmem_shared>>
    %dma_start3A_131 = arith.constant 0 : i32
    %dma_start3A_132 = tpu.memref_slice %arg13[%add3A_128, %dma_start3A_131] : memref<10240x128xf32, #tpu.memory_space<vmem_shared>> -> memref<64x128xf32, #tpu.memory_space<vmem_shared>>
    tpu.enqueue_dma source(%arg12 : memref<64x128xf32, #tpu.memory_space<vmem>>) target(%dma_start3A_132 : memref<64x128xf32, #tpu.memory_space<vmem_shared>>) target_semaphore(%arg15 : memref<!tpu.dma_semaphore, #tpu.memory_space<semaphore_mem>>)
    %dma_wait3A_133 = arith.constant 0 : i32
    %dma_wait3A_134 = arith.constant 0 : i32
    %dma_wait3A_135 = tpu.memref_slice %arg13[%dma_wait3A_133, %dma_wait3A_134] : memref<10240x128xf32, #tpu.memory_space<vmem_shared>> -> memref<64x128xf32, #tpu.memory_space<vmem_shared>>
    %dma_wait3A_136 = arith.constant 0 : i32
    %dma_wait3A_137 = arith.constant 0 : i32
    %dma_wait3A_138 = tpu.memref_slice %arg13[%dma_wait3A_136, %dma_wait3A_137] : memref<10240x128xf32, #tpu.memory_space<vmem_shared>> -> memref<64x128xf32, #tpu.memory_space<vmem_shared>>
    tpu.wait_dma2 semaphore(%arg14 : memref<!tpu.dma_semaphore, #tpu.memory_space<semaphore_mem>>) src(%arg12 : memref<64x128xf32, #tpu.memory_space<vmem>>) dst(%dma_wait3A_138 : memref<64x128xf32, #tpu.memory_space<vmem_shared>>)
    %dma_wait3A_139 = arith.constant 0 : i32
    %dma_wait3A_140 = arith.constant 0 : i32
    %dma_wait3A_141 = tpu.memref_slice %arg13[%dma_wait3A_139, %dma_wait3A_140] : memref<10240x128xf32, #tpu.memory_space<vmem_shared>> -> memref<64x128xf32, #tpu.memory_space<vmem_shared>>
    %dma_wait3A_142 = arith.constant 0 : i32
    %dma_wait3A_143 = arith.constant 0 : i32
    %dma_wait3A_144 = tpu.memref_slice %arg13[%dma_wait3A_142, %dma_wait3A_143] : memref<10240x128xf32, #tpu.memory_space<vmem_shared>> -> memref<64x128xf32, #tpu.memory_space<vmem_shared>>
    tpu.wait_dma2 semaphore(%arg15 : memref<!tpu.dma_semaphore, #tpu.memory_space<semaphore_mem>>) src(%arg12 : memref<64x128xf32, #tpu.memory_space<vmem>>) dst(%dma_wait3A_144 : memref<64x128xf32, #tpu.memory_space<vmem_shared>>)
    %mul3A_145 = arith.constant 10000 : i32
    %mul3A_146 = arith.muli %add3A, %mul3A_145 : i32
    "tpu.region"() ({
      %run_scoped3A = tpu.sem_alloc : memref<!tpu.dma_semaphore, #tpu.memory_space<semaphore_mem>>
      %dma_start3A_285 = tpu.memref_slice %arg3[%mul3A_146] : memref<320000xi32, #tpu.memory_space<hbm>> -> memref<10000xi32, #tpu.memory_space<hbm>>
      %dma_start3A_286 = tpu.memref_slice %arg3[%mul3A_146] : memref<320000xi32, #tpu.memory_space<hbm>> -> memref<10000xi32, #tpu.memory_space<hbm>>
      tpu.enqueue_dma source(%dma_start3A_286 : memref<10000xi32, #tpu.memory_space<hbm>>) target(%arg6 : memref<10000xi32, #tpu.memory_space<vmem>>) target_semaphore(%run_scoped3A : memref<!tpu.dma_semaphore, #tpu.memory_space<semaphore_mem>>)
      %dma_wait3A_287 = tpu.memref_slice %arg3[%mul3A_146] : memref<320000xi32, #tpu.memory_space<hbm>> -> memref<10000xi32, #tpu.memory_space<hbm>>
      %dma_wait3A_288 = tpu.memref_slice %arg3[%mul3A_146] : memref<320000xi32, #tpu.memory_space<hbm>> -> memref<10000xi32, #tpu.memory_space<hbm>>
      tpu.wait_dma2 semaphore(%run_scoped3A : memref<!tpu.dma_semaphore, #tpu.memory_space<semaphore_mem>>) src(%dma_wait3A_288 : memref<10000xi32, #tpu.memory_space<hbm>>) dst(%arg6 : memref<10000xi32, #tpu.memory_space<vmem>>)
      tpu.yield
    }) : () -> ()
    "tpu.region"() ({
      %run_scoped3A = tpu.sem_alloc : memref<!tpu.dma_semaphore, #tpu.memory_space<semaphore_mem>>
      %dma_start3A_285 = tpu.memref_slice %arg4[%mul3A_146] : memref<320000xi32, #tpu.memory_space<hbm>> -> memref<10000xi32, #tpu.memory_space<hbm>>
      %dma_start3A_286 = tpu.memref_slice %arg4[%mul3A_146] : memref<320000xi32, #tpu.memory_space<hbm>> -> memref<10000xi32, #tpu.memory_space<hbm>>
      tpu.enqueue_dma source(%dma_start3A_286 : memref<10000xi32, #tpu.memory_space<hbm>>) target(%arg7 : memref<10000xi32, #tpu.memory_space<vmem>>) target_semaphore(%run_scoped3A : memref<!tpu.dma_semaphore, #tpu.memory_space<semaphore_mem>>)
      %dma_wait3A_287 = tpu.memref_slice %arg4[%mul3A_146] : memref<320000xi32, #tpu.memory_space<hbm>> -> memref<10000xi32, #tpu.memory_space<hbm>>
      %dma_wait3A_288 = tpu.memref_slice %arg4[%mul3A_146] : memref<320000xi32, #tpu.memory_space<hbm>> -> memref<10000xi32, #tpu.memory_space<hbm>>
      tpu.wait_dma2 semaphore(%run_scoped3A : memref<!tpu.dma_semaphore, #tpu.memory_space<semaphore_mem>>) src(%dma_wait3A_288 : memref<10000xi32, #tpu.memory_space<hbm>>) dst(%arg7 : memref<10000xi32, #tpu.memory_space<vmem>>)
      tpu.yield
    }) : () -> ()
    %barrier3A = arith.constant 0 : index
    tpu.barrier barrier_id(%barrier3A)
    %dma_start3A_147 = arith.constant 0 : i32
    %dma_start3A_148 = tpu.memref_slice %arg6[%dma_start3A_147] : memref<10000xi32, #tpu.memory_space<vmem>> -> memref<40xi32, #tpu.memory_space<vmem>>
    %dma_start3A_149 = arith.constant 0 : i32
    %dma_start3A_150 = arith.constant 0 : i32
    %dma_start3A_151 = tpu.memref_slice %arg2[%dma_start3A_149, %dma_start3A_150] : memref<10240x128xf32, #tpu.memory_space<hbm>> -> memref<10240x128xf32, #tpu.memory_space<hbm>>
    tpu.enqueue_indirect_dma source(%dma_start3A_151 : memref<10240x128xf32, #tpu.memory_space<hbm>>) target(%arg8 : memref<40x128xf32, #tpu.memory_space<vmem>>) offsets(%dma_start3A_148 : memref<40xi32, #tpu.memory_space<vmem>>) semaphore(%arg14 : memref<!tpu.dma_semaphore, #tpu.memory_space<semaphore_mem>>)
    %dma_start3A_152 = arith.constant 40 : i32
    %dma_start3A_153 = tpu.memref_slice %arg6[%dma_start3A_152] : memref<10000xi32, #tpu.memory_space<vmem>> -> memref<40xi32, #tpu.memory_space<vmem>>
    %dma_start3A_154 = arith.constant 0 : i32
    %dma_start3A_155 = arith.constant 0 : i32
    %dma_start3A_156 = tpu.memref_slice %arg2[%dma_start3A_154, %dma_start3A_155] : memref<10240x128xf32, #tpu.memory_space<hbm>> -> memref<10240x128xf32, #tpu.memory_space<hbm>>
    tpu.enqueue_indirect_dma source(%dma_start3A_156 : memref<10240x128xf32, #tpu.memory_space<hbm>>) target(%arg9 : memref<40x128xf32, #tpu.memory_space<vmem>>) offsets(%dma_start3A_153 : memref<40xi32, #tpu.memory_space<vmem>>) semaphore(%arg15 : memref<!tpu.dma_semaphore, #tpu.memory_space<semaphore_mem>>)
    %scan3A_157 = arith.constant 0 : i32
    %scan3A_158 = arith.constant 0 : i32
    %scan3A_159 = arith.constant 62 : i32
    %scan3A_160 = arith.addi %scan3A_158, %scan3A_159 : i32
    %scan3A_161 = arith.constant 1 : i32
    %scan3A_162 = scf.for %scan3A_285 = %scan3A_158 to %scan3A_160 step %scan3A_161 iter_args(%scan3A_286 = %scan3A_157) -> (i32)  : i32 {
      %mul3A_287 = arith.constant 4 : i32
      %mul3A_288 = arith.muli %mul3A_287, %scan3A_285 : i32
      %add3A_289 = arith.constant 0 : i32
      %add3A_290 = arith.addi %mul3A_288, %add3A_289 : i32
      %mul3A_291 = arith.constant 40 : i32
      %mul3A_292 = arith.muli %add3A_290, %mul3A_291 : i32
      %dma_wait3A_293 = tpu.memref_slice %arg6[%mul3A_292] : memref<10000xi32, #tpu.memory_space<vmem>> -> memref<40xi32, #tpu.memory_space<vmem>>
      %dma_wait3A_294 = arith.constant 0 : i32
      %dma_wait3A_295 = arith.constant 0 : i32
      %dma_wait3A_296 = tpu.memref_slice %arg2[%dma_wait3A_294, %dma_wait3A_295] : memref<10240x128xf32, #tpu.memory_space<hbm>> -> memref<10240x128xf32, #tpu.memory_space<hbm>>
      tpu.wait_indirect_dma semaphore(%arg14 : memref<!tpu.dma_semaphore, #tpu.memory_space<semaphore_mem>>) src(%dma_wait3A_296 : memref<10240x128xf32, #tpu.memory_space<hbm>>) dst(%arg8 : memref<40x128xf32, #tpu.memory_space<vmem>>)
      %mul3A_297 = arith.constant 40 : i32
      %mul3A_298 = arith.muli %add3A_290, %mul3A_297 : i32
      %dma_start3A_299 = tpu.memref_slice %arg7[%mul3A_298] : memref<10000xi32, #tpu.memory_space<vmem>> -> memref<40xi32, #tpu.memory_space<vmem>>
      %dma_start3A_300 = arith.constant 0 : i32
      %dma_start3A_301 = arith.constant 0 : i32
      %dma_start3A_302 = tpu.memref_slice %arg13[%dma_start3A_300, %dma_start3A_301] : memref<10240x128xf32, #tpu.memory_space<vmem_shared>> -> memref<10240x128xf32, #tpu.memory_space<vmem_shared>>
      tpu.enqueue_indirect_dma source(%arg8 : memref<40x128xf32, #tpu.memory_space<vmem>>) target(%dma_start3A_302 : memref<10240x128xf32, #tpu.memory_space<vmem_shared>>) offsets(%dma_start3A_299 : memref<40xi32, #tpu.memory_space<vmem>>) semaphore(%arg18 : memref<!tpu.dma_semaphore, #tpu.memory_space<semaphore_mem>>) {add = true}
      %gt3A = arith.constant 0 : i32
      %gt3A_303 = arith.cmpi sgt, %scan3A_285, %gt3A : i32
      %convert_element_type3A = arith.extui %gt3A_303 : i1 to i32
      %cond3A = arith.constant 0 : i32
      %cond3A_304 = arith.cmpi ne, %convert_element_type3A, %cond3A : i32
      scf.if %cond3A_304 {
        %dma_wait3A_401 = arith.constant 0 : i32
        %dma_wait3A_402 = tpu.memref_slice %arg7[%dma_wait3A_401] : memref<10000xi32, #tpu.memory_space<vmem>> -> memref<40xi32, #tpu.memory_space<vmem>>
        %dma_wait3A_403 = arith.constant 0 : i32
        %dma_wait3A_404 = arith.constant 0 : i32
        %dma_wait3A_405 = tpu.memref_slice %arg13[%dma_wait3A_403, %dma_wait3A_404] : memref<10240x128xf32, #tpu.memory_space<vmem_shared>> -> memref<10240x128xf32, #tpu.memory_space<vmem_shared>>
        tpu.wait_indirect_dma semaphore(%arg20 : memref<!tpu.dma_semaphore, #tpu.memory_space<semaphore_mem>>) src(%arg10 : memref<40x128xf32, #tpu.memory_space<vmem>>) dst(%dma_wait3A_405 : memref<10240x128xf32, #tpu.memory_space<vmem_shared>>)
      } else {
      }
      %add3A_305 = arith.constant 2 : i32
      %add3A_306 = arith.addi %add3A_290, %add3A_305 : i32
      %mul3A_307 = arith.constant 40 : i32
      %mul3A_308 = arith.muli %add3A_306, %mul3A_307 : i32
      %dma_start3A_309 = tpu.memref_slice %arg6[%mul3A_308] : memref<10000xi32, #tpu.memory_space<vmem>> -> memref<40xi32, #tpu.memory_space<vmem>>
      %dma_start3A_310 = arith.constant 0 : i32
      %dma_start3A_311 = arith.constant 0 : i32
      %dma_start3A_312 = tpu.memref_slice %arg2[%dma_start3A_310, %dma_start3A_311] : memref<10240x128xf32, #tpu.memory_space<hbm>> -> memref<10240x128xf32, #tpu.memory_space<hbm>>
      tpu.enqueue_indirect_dma source(%dma_start3A_312 : memref<10240x128xf32, #tpu.memory_space<hbm>>) target(%arg10 : memref<40x128xf32, #tpu.memory_space<vmem>>) offsets(%dma_start3A_309 : memref<40xi32, #tpu.memory_space<vmem>>) semaphore(%arg16 : memref<!tpu.dma_semaphore, #tpu.memory_space<semaphore_mem>>)
      %mul3A_313 = arith.constant 4 : i32
      %mul3A_314 = arith.muli %mul3A_313, %scan3A_285 : i32
      %add3A_315 = arith.constant 1 : i32
      %add3A_316 = arith.addi %mul3A_314, %add3A_315 : i32
      %mul3A_317 = arith.constant 40 : i32
      %mul3A_318 = arith.muli %add3A_316, %mul3A_317 : i32
      %dma_wait3A_319 = tpu.memref_slice %arg6[%mul3A_318] : memref<10000xi32, #tpu.memory_space<vmem>> -> memref<40xi32, #tpu.memory_space<vmem>>
      %dma_wait3A_320 = arith.constant 0 : i32
      %dma_wait3A_321 = arith.constant 0 : i32
      %dma_wait3A_322 = tpu.memref_slice %arg2[%dma_wait3A_320, %dma_wait3A_321] : memref<10240x128xf32, #tpu.memory_space<hbm>> -> memref<10240x128xf32, #tpu.memory_space<hbm>>
      tpu.wait_indirect_dma semaphore(%arg15 : memref<!tpu.dma_semaphore, #tpu.memory_space<semaphore_mem>>) src(%dma_wait3A_322 : memref<10240x128xf32, #tpu.memory_space<hbm>>) dst(%arg9 : memref<40x128xf32, #tpu.memory_space<vmem>>)
      %mul3A_323 = arith.constant 40 : i32
      %mul3A_324 = arith.muli %add3A_316, %mul3A_323 : i32
      %dma_start3A_325 = tpu.memref_slice %arg7[%mul3A_324] : memref<10000xi32, #tpu.memory_space<vmem>> -> memref<40xi32, #tpu.memory_space<vmem>>
      %dma_start3A_326 = arith.constant 0 : i32
      %dma_start3A_327 = arith.constant 0 : i32
      %dma_start3A_328 = tpu.memref_slice %arg13[%dma_start3A_326, %dma_start3A_327] : memref<10240x128xf32, #tpu.memory_space<vmem_shared>> -> memref<10240x128xf32, #tpu.memory_space<vmem_shared>>
      tpu.enqueue_indirect_dma source(%arg9 : memref<40x128xf32, #tpu.memory_space<vmem>>) target(%dma_start3A_328 : memref<10240x128xf32, #tpu.memory_space<vmem_shared>>) offsets(%dma_start3A_325 : memref<40xi32, #tpu.memory_space<vmem>>) semaphore(%arg19 : memref<!tpu.dma_semaphore, #tpu.memory_space<semaphore_mem>>) {add = true}
      %gt3A_329 = arith.constant 0 : i32
      %gt3A_330 = arith.cmpi sgt, %scan3A_285, %gt3A_329 : i32
      %convert_element_type3A_331 = arith.extui %gt3A_330 : i1 to i32
      %cond3A_332 = arith.constant 0 : i32
      %cond3A_333 = arith.cmpi ne, %convert_element_type3A_331, %cond3A_332 : i32
      scf.if %cond3A_333 {
        %dma_wait3A_401 = arith.constant 0 : i32
        %dma_wait3A_402 = tpu.memref_slice %arg7[%dma_wait3A_401] : memref<10000xi32, #tpu.memory_space<vmem>> -> memref<40xi32, #tpu.memory_space<vmem>>
        %dma_wait3A_403 = arith.constant 0 : i32
        %dma_wait3A_404 = arith.constant 0 : i32
        %dma_wait3A_405 = tpu.memref_slice %arg13[%dma_wait3A_403, %dma_wait3A_404] : memref<10240x128xf32, #tpu.memory_space<vmem_shared>> -> memref<10240x128xf32, #tpu.memory_space<vmem_shared>>
        tpu.wait_indirect_dma semaphore(%arg21 : memref<!tpu.dma_semaphore, #tpu.memory_space<semaphore_mem>>) src(%arg11 : memref<40x128xf32, #tpu.memory_space<vmem>>) dst(%dma_wait3A_405 : memref<10240x128xf32, #tpu.memory_space<vmem_shared>>)
      } else {
      }
      %add3A_334 = arith.constant 2 : i32
      %add3A_335 = arith.addi %add3A_316, %add3A_334 : i32
      %mul3A_336 = arith.constant 40 : i32
      %mul3A_337 = arith.muli %add3A_335, %mul3A_336 : i32
      %dma_start3A_338 = tpu.memref_slice %arg6[%mul3A_337] : memref<10000xi32, #tpu.memory_space<vmem>> -> memref<40xi32, #tpu.memory_space<vmem>>
      %dma_start3A_339 = arith.constant 0 : i32
      %dma_start3A_340 = arith.constant 0 : i32
      %dma_start3A_341 = tpu.memref_slice %arg2[%dma_start3A_339, %dma_start3A_340] : memref<10240x128xf32, #tpu.memory_space<hbm>> -> memref<10240x128xf32, #tpu.memory_space<hbm>>
      tpu.enqueue_indirect_dma source(%dma_start3A_341 : memref<10240x128xf32, #tpu.memory_space<hbm>>) target(%arg11 : memref<40x128xf32, #tpu.memory_space<vmem>>) offsets(%dma_start3A_338 : memref<40xi32, #tpu.memory_space<vmem>>) semaphore(%arg17 : memref<!tpu.dma_semaphore, #tpu.memory_space<semaphore_mem>>)
      %mul3A_342 = arith.constant 4 : i32
      %mul3A_343 = arith.muli %mul3A_342, %scan3A_285 : i32
      %add3A_344 = arith.constant 2 : i32
      %add3A_345 = arith.addi %mul3A_343, %add3A_344 : i32
      %mul3A_346 = arith.constant 40 : i32
      %mul3A_347 = arith.muli %add3A_345, %mul3A_346 : i32
      %dma_wait3A_348 = tpu.memref_slice %arg6[%mul3A_347] : memref<10000xi32, #tpu.memory_space<vmem>> -> memref<40xi32, #tpu.memory_space<vmem>>
      %dma_wait3A_349 = arith.constant 0 : i32
      %dma_wait3A_350 = arith.constant 0 : i32
      %dma_wait3A_351 = tpu.memref_slice %arg2[%dma_wait3A_349, %dma_wait3A_350] : memref<10240x128xf32, #tpu.memory_space<hbm>> -> memref<10240x128xf32, #tpu.memory_space<hbm>>
      tpu.wait_indirect_dma semaphore(%arg16 : memref<!tpu.dma_semaphore, #tpu.memory_space<semaphore_mem>>) src(%dma_wait3A_351 : memref<10240x128xf32, #tpu.memory_space<hbm>>) dst(%arg10 : memref<40x128xf32, #tpu.memory_space<vmem>>)
      %mul3A_352 = arith.constant 40 : i32
      %mul3A_353 = arith.muli %add3A_345, %mul3A_352 : i32
      %dma_start3A_354 = tpu.memref_slice %arg7[%mul3A_353] : memref<10000xi32, #tpu.memory_space<vmem>> -> memref<40xi32, #tpu.memory_space<vmem>>
      %dma_start3A_355 = arith.constant 0 : i32
      %dma_start3A_356 = arith.constant 0 : i32
      %dma_start3A_357 = tpu.memref_slice %arg13[%dma_start3A_355, %dma_start3A_356] : memref<10240x128xf32, #tpu.memory_space<vmem_shared>> -> memref<10240x128xf32, #tpu.memory_space<vmem_shared>>
      tpu.enqueue_indirect_dma source(%arg10 : memref<40x128xf32, #tpu.memory_space<vmem>>) target(%dma_start3A_357 : memref<10240x128xf32, #tpu.memory_space<vmem_shared>>) offsets(%dma_start3A_354 : memref<40xi32, #tpu.memory_space<vmem>>) semaphore(%arg20 : memref<!tpu.dma_semaphore, #tpu.memory_space<semaphore_mem>>) {add = true}
      %dma_wait3A_358 = arith.constant 0 : i32
      %dma_wait3A_359 = tpu.memref_slice %arg7[%dma_wait3A_358] : memref<10000xi32, #tpu.memory_space<vmem>> -> memref<40xi32, #tpu.memory_space<vmem>>
      %dma_wait3A_360 = arith.constant 0 : i32
      %dma_wait3A_361 = arith.constant 0 : i32
      %dma_wait3A_362 = tpu.memref_slice %arg13[%dma_wait3A_360, %dma_wait3A_361] : memref<10240x128xf32, #tpu.memory_space<vmem_shared>> -> memref<10240x128xf32, #tpu.memory_space<vmem_shared>>
      tpu.wait_indirect_dma semaphore(%arg18 : memref<!tpu.dma_semaphore, #tpu.memory_space<semaphore_mem>>) src(%arg8 : memref<40x128xf32, #tpu.memory_space<vmem>>) dst(%dma_wait3A_362 : memref<10240x128xf32, #tpu.memory_space<vmem_shared>>)
      %add3A_363 = arith.constant 2 : i32
      %add3A_364 = arith.addi %add3A_345, %add3A_363 : i32
      %mul3A_365 = arith.constant 40 : i32
      %mul3A_366 = arith.muli %add3A_364, %mul3A_365 : i32
      %dma_start3A_367 = tpu.memref_slice %arg6[%mul3A_366] : memref<10000xi32, #tpu.memory_space<vmem>> -> memref<40xi32, #tpu.memory_space<vmem>>
      %dma_start3A_368 = arith.constant 0 : i32
      %dma_start3A_369 = arith.constant 0 : i32
      %dma_start3A_370 = tpu.memref_slice %arg2[%dma_start3A_368, %dma_start3A_369] : memref<10240x128xf32, #tpu.memory_space<hbm>> -> memref<10240x128xf32, #tpu.memory_space<hbm>>
      tpu.enqueue_indirect_dma source(%dma_start3A_370 : memref<10240x128xf32, #tpu.memory_space<hbm>>) target(%arg8 : memref<40x128xf32, #tpu.memory_space<vmem>>) offsets(%dma_start3A_367 : memref<40xi32, #tpu.memory_space<vmem>>) semaphore(%arg14 : memref<!tpu.dma_semaphore, #tpu.memory_space<semaphore_mem>>)
      %mul3A_371 = arith.constant 4 : i32
      %mul3A_372 = arith.muli %mul3A_371, %scan3A_285 : i32
      %add3A_373 = arith.constant 3 : i32
      %add3A_374 = arith.addi %mul3A_372, %add3A_373 : i32
      %mul3A_375 = arith.constant 40 : i32
      %mul3A_376 = arith.muli %add3A_374, %mul3A_375 : i32
      %dma_wait3A_377 = tpu.memref_slice %arg6[%mul3A_376] : memref<10000xi32, #tpu.memory_space<vmem>> -> memref<40xi32, #tpu.memory_space<vmem>>
      %dma_wait3A_378 = arith.constant 0 : i32
      %dma_wait3A_379 = arith.constant 0 : i32
      %dma_wait3A_380 = tpu.memref_slice %arg2[%dma_wait3A_378, %dma_wait3A_379] : memref<10240x128xf32, #tpu.memory_space<hbm>> -> memref<10240x128xf32, #tpu.memory_space<hbm>>
      tpu.wait_indirect_dma semaphore(%arg17 : memref<!tpu.dma_semaphore, #tpu.memory_space<semaphore_mem>>) src(%dma_wait3A_380 : memref<10240x128xf32, #tpu.memory_space<hbm>>) dst(%arg11 : memref<40x128xf32, #tpu.memory_space<vmem>>)
      %mul3A_381 = arith.constant 40 : i32
      %mul3A_382 = arith.muli %add3A_374, %mul3A_381 : i32
      %dma_start3A_383 = tpu.memref_slice %arg7[%mul3A_382] : memref<10000xi32, #tpu.memory_space<vmem>> -> memref<40xi32, #tpu.memory_space<vmem>>
      %dma_start3A_384 = arith.constant 0 : i32
      %dma_start3A_385 = arith.constant 0 : i32
      %dma_start3A_386 = tpu.memref_slice %arg13[%dma_start3A_384, %dma_start3A_385] : memref<10240x128xf32, #tpu.memory_space<vmem_shared>> -> memref<10240x128xf32, #tpu.memory_space<vmem_shared>>
      tpu.enqueue_indirect_dma source(%arg11 : memref<40x128xf32, #tpu.memory_space<vmem>>) target(%dma_start3A_386 : memref<10240x128xf32, #tpu.memory_space<vmem_shared>>) offsets(%dma_start3A_383 : memref<40xi32, #tpu.memory_space<vmem>>) semaphore(%arg21 : memref<!tpu.dma_semaphore, #tpu.memory_space<semaphore_mem>>) {add = true}
      %dma_wait3A_387 = arith.constant 0 : i32
      %dma_wait3A_388 = tpu.memref_slice %arg7[%dma_wait3A_387] : memref<10000xi32, #tpu.memory_space<vmem>> -> memref<40xi32, #tpu.memory_space<vmem>>
      %dma_wait3A_389 = arith.constant 0 : i32
      %dma_wait3A_390 = arith.constant 0 : i32
      %dma_wait3A_391 = tpu.memref_slice %arg13[%dma_wait3A_389, %dma_wait3A_390] : memref<10240x128xf32, #tpu.memory_space<vmem_shared>> -> memref<10240x128xf32, #tpu.memory_space<vmem_shared>>
      tpu.wait_indirect_dma semaphore(%arg19 : memref<!tpu.dma_semaphore, #tpu.memory_space<semaphore_mem>>) src(%arg9 : memref<40x128xf32, #tpu.memory_space<vmem>>) dst(%dma_wait3A_391 : memref<10240x128xf32, #tpu.memory_space<vmem_shared>>)
      %add3A_392 = arith.constant 2 : i32
      %add3A_393 = arith.addi %add3A_374, %add3A_392 : i32
      %mul3A_394 = arith.constant 40 : i32
      %mul3A_395 = arith.muli %add3A_393, %mul3A_394 : i32
      %dma_start3A_396 = tpu.memref_slice %arg6[%mul3A_395] : memref<10000xi32, #tpu.memory_space<vmem>> -> memref<40xi32, #tpu.memory_space<vmem>>
      %dma_start3A_397 = arith.constant 0 : i32
      %dma_start3A_398 = arith.constant 0 : i32
      %dma_start3A_399 = tpu.memref_slice %arg2[%dma_start3A_397, %dma_start3A_398] : memref<10240x128xf32, #tpu.memory_space<hbm>> -> memref<10240x128xf32, #tpu.memory_space<hbm>>
      tpu.enqueue_indirect_dma source(%dma_start3A_399 : memref<10240x128xf32, #tpu.memory_space<hbm>>) target(%arg9 : memref<40x128xf32, #tpu.memory_space<vmem>>) offsets(%dma_start3A_396 : memref<40xi32, #tpu.memory_space<vmem>>) semaphore(%arg15 : memref<!tpu.dma_semaphore, #tpu.memory_space<semaphore_mem>>)
      %scan3A_400 = arith.constant 0 : i32
      scf.yield %scan3A_400 : i32
    }
    %scan3A_163 = arith.constant 62 : i32
    %dma_wait3A_164 = arith.constant 9920 : i32
    %dma_wait3A_165 = tpu.memref_slice %arg6[%dma_wait3A_164] : memref<10000xi32, #tpu.memory_space<vmem>> -> memref<40xi32, #tpu.memory_space<vmem>>
    %dma_wait3A_166 = arith.constant 0 : i32
    %dma_wait3A_167 = arith.constant 0 : i32
    %dma_wait3A_168 = tpu.memref_slice %arg2[%dma_wait3A_166, %dma_wait3A_167] : memref<10240x128xf32, #tpu.memory_space<hbm>> -> memref<10240x128xf32, #tpu.memory_space<hbm>>
    tpu.wait_indirect_dma semaphore(%arg14 : memref<!tpu.dma_semaphore, #tpu.memory_space<semaphore_mem>>) src(%dma_wait3A_168 : memref<10240x128xf32, #tpu.memory_space<hbm>>) dst(%arg8 : memref<40x128xf32, #tpu.memory_space<vmem>>)
    %dma_start3A_169 = arith.constant 9920 : i32
    %dma_start3A_170 = tpu.memref_slice %arg7[%dma_start3A_169] : memref<10000xi32, #tpu.memory_space<vmem>> -> memref<40xi32, #tpu.memory_space<vmem>>
    %dma_start3A_171 = arith.constant 0 : i32
    %dma_start3A_172 = arith.constant 0 : i32
    %dma_start3A_173 = tpu.memref_slice %arg13[%dma_start3A_171, %dma_start3A_172] : memref<10240x128xf32, #tpu.memory_space<vmem_shared>> -> memref<10240x128xf32, #tpu.memory_space<vmem_shared>>
    tpu.enqueue_indirect_dma source(%arg8 : memref<40x128xf32, #tpu.memory_space<vmem>>) target(%dma_start3A_173 : memref<10240x128xf32, #tpu.memory_space<vmem_shared>>) offsets(%dma_start3A_170 : memref<40xi32, #tpu.memory_space<vmem>>) semaphore(%arg18 : memref<!tpu.dma_semaphore, #tpu.memory_space<semaphore_mem>>) {add = true}
    %dma_wait3A_174 = arith.constant 9960 : i32
    %dma_wait3A_175 = tpu.memref_slice %arg6[%dma_wait3A_174] : memref<10000xi32, #tpu.memory_space<vmem>> -> memref<40xi32, #tpu.memory_space<vmem>>
    %dma_wait3A_176 = arith.constant 0 : i32
    %dma_wait3A_177 = arith.constant 0 : i32
    %dma_wait3A_178 = tpu.memref_slice %arg2[%dma_wait3A_176, %dma_wait3A_177] : memref<10240x128xf32, #tpu.memory_space<hbm>> -> memref<10240x128xf32, #tpu.memory_space<hbm>>
    tpu.wait_indirect_dma semaphore(%arg15 : memref<!tpu.dma_semaphore, #tpu.memory_space<semaphore_mem>>) src(%dma_wait3A_178 : memref<10240x128xf32, #tpu.memory_space<hbm>>) dst(%arg9 : memref<40x128xf32, #tpu.memory_space<vmem>>)
    %dma_start3A_179 = arith.constant 9960 : i32
    %dma_start3A_180 = tpu.memref_slice %arg7[%dma_start3A_179] : memref<10000xi32, #tpu.memory_space<vmem>> -> memref<40xi32, #tpu.memory_space<vmem>>
    %dma_start3A_181 = arith.constant 0 : i32
    %dma_start3A_182 = arith.constant 0 : i32
    %dma_start3A_183 = tpu.memref_slice %arg13[%dma_start3A_181, %dma_start3A_182] : memref<10240x128xf32, #tpu.memory_space<vmem_shared>> -> memref<10240x128xf32, #tpu.memory_space<vmem_shared>>
    tpu.enqueue_indirect_dma source(%arg9 : memref<40x128xf32, #tpu.memory_space<vmem>>) target(%dma_start3A_183 : memref<10240x128xf32, #tpu.memory_space<vmem_shared>>) offsets(%dma_start3A_180 : memref<40xi32, #tpu.memory_space<vmem>>) semaphore(%arg19 : memref<!tpu.dma_semaphore, #tpu.memory_space<semaphore_mem>>) {add = true}
    %dma_wait3A_184 = arith.constant 0 : i32
    %dma_wait3A_185 = tpu.memref_slice %arg7[%dma_wait3A_184] : memref<10000xi32, #tpu.memory_space<vmem>> -> memref<40xi32, #tpu.memory_space<vmem>>
    %dma_wait3A_186 = arith.constant 0 : i32
    %dma_wait3A_187 = arith.constant 0 : i32
    %dma_wait3A_188 = tpu.memref_slice %arg13[%dma_wait3A_186, %dma_wait3A_187] : memref<10240x128xf32, #tpu.memory_space<vmem_shared>> -> memref<10240x128xf32, #tpu.memory_space<vmem_shared>>
    tpu.wait_indirect_dma semaphore(%arg18 : memref<!tpu.dma_semaphore, #tpu.memory_space<semaphore_mem>>) src(%arg8 : memref<40x128xf32, #tpu.memory_space<vmem>>) dst(%dma_wait3A_188 : memref<10240x128xf32, #tpu.memory_space<vmem_shared>>)
    %dma_wait3A_189 = arith.constant 0 : i32
    %dma_wait3A_190 = tpu.memref_slice %arg7[%dma_wait3A_189] : memref<10000xi32, #tpu.memory_space<vmem>> -> memref<40xi32, #tpu.memory_space<vmem>>
    %dma_wait3A_191 = arith.constant 0 : i32
    %dma_wait3A_192 = arith.constant 0 : i32
    %dma_wait3A_193 = tpu.memref_slice %arg13[%dma_wait3A_191, %dma_wait3A_192] : memref<10240x128xf32, #tpu.memory_space<vmem_shared>> -> memref<10240x128xf32, #tpu.memory_space<vmem_shared>>
    tpu.wait_indirect_dma semaphore(%arg19 : memref<!tpu.dma_semaphore, #tpu.memory_space<semaphore_mem>>) src(%arg9 : memref<40x128xf32, #tpu.memory_space<vmem>>) dst(%dma_wait3A_193 : memref<10240x128xf32, #tpu.memory_space<vmem_shared>>)
    %dma_wait3A_194 = arith.constant 0 : i32
    %dma_wait3A_195 = tpu.memref_slice %arg7[%dma_wait3A_194] : memref<10000xi32, #tpu.memory_space<vmem>> -> memref<40xi32, #tpu.memory_space<vmem>>
    %dma_wait3A_196 = arith.constant 0 : i32
    %dma_wait3A_197 = arith.constant 0 : i32
    %dma_wait3A_198 = tpu.memref_slice %arg13[%dma_wait3A_196, %dma_wait3A_197] : memref<10240x128xf32, #tpu.memory_space<vmem_shared>> -> memref<10240x128xf32, #tpu.memory_space<vmem_shared>>
    tpu.wait_indirect_dma semaphore(%arg20 : memref<!tpu.dma_semaphore, #tpu.memory_space<semaphore_mem>>) src(%arg10 : memref<40x128xf32, #tpu.memory_space<vmem>>) dst(%dma_wait3A_198 : memref<10240x128xf32, #tpu.memory_space<vmem_shared>>)
    %dma_wait3A_199 = arith.constant 0 : i32
    %dma_wait3A_200 = tpu.memref_slice %arg7[%dma_wait3A_199] : memref<10000xi32, #tpu.memory_space<vmem>> -> memref<40xi32, #tpu.memory_space<vmem>>
    %dma_wait3A_201 = arith.constant 0 : i32
    %dma_wait3A_202 = arith.constant 0 : i32
    %dma_wait3A_203 = tpu.memref_slice %arg13[%dma_wait3A_201, %dma_wait3A_202] : memref<10240x128xf32, #tpu.memory_space<vmem_shared>> -> memref<10240x128xf32, #tpu.memory_space<vmem_shared>>
    tpu.wait_indirect_dma semaphore(%arg21 : memref<!tpu.dma_semaphore, #tpu.memory_space<semaphore_mem>>) src(%arg11 : memref<40x128xf32, #tpu.memory_space<vmem>>) dst(%dma_wait3A_203 : memref<10240x128xf32, #tpu.memory_space<vmem_shared>>)
    %barrier3A_204 = arith.constant 0 : index
    tpu.barrier barrier_id(%barrier3A_204)
    %mul3A_205 = arith.constant 640 : i32
    %mul3A_206 = arith.muli %arg1, %mul3A_205 : i32
    %add3A_207 = arith.constant 0 : i32
    %add3A_208 = arith.addi %mul3A_206, %add3A_207 : i32
    "tpu.region"() ({
      %run_scoped3A = tpu.sem_alloc : memref<!tpu.dma_semaphore, #tpu.memory_space<semaphore_mem>>
      %dma_start3A_285 = arith.constant 0 : i32
      %dma_start3A_286 = tpu.memref_slice %arg13[%add3A_208, %dma_start3A_285] : memref<10240x128xf32, #tpu.memory_space<vmem_shared>> -> memref<64x128xf32, #tpu.memory_space<vmem_shared>>
      %dma_start3A_287 = arith.constant 0 : i32
      %dma_start3A_288 = tpu.memref_slice %arg13[%add3A_208, %dma_start3A_287] : memref<10240x128xf32, #tpu.memory_space<vmem_shared>> -> memref<64x128xf32, #tpu.memory_space<vmem_shared>>
      tpu.enqueue_dma source(%dma_start3A_288 : memref<64x128xf32, #tpu.memory_space<vmem_shared>>) target(%arg12 : memref<64x128xf32, #tpu.memory_space<vmem>>) target_semaphore(%run_scoped3A : memref<!tpu.dma_semaphore, #tpu.memory_space<semaphore_mem>>)
      %dma_wait3A_289 = arith.constant 0 : i32
      %dma_wait3A_290 = tpu.memref_slice %arg13[%add3A_208, %dma_wait3A_289] : memref<10240x128xf32, #tpu.memory_space<vmem_shared>> -> memref<64x128xf32, #tpu.memory_space<vmem_shared>>
      %dma_wait3A_291 = arith.constant 0 : i32
      %dma_wait3A_292 = tpu.memref_slice %arg13[%add3A_208, %dma_wait3A_291] : memref<10240x128xf32, #tpu.memory_space<vmem_shared>> -> memref<64x128xf32, #tpu.memory_space<vmem_shared>>
      tpu.wait_dma2 semaphore(%run_scoped3A : memref<!tpu.dma_semaphore, #tpu.memory_space<semaphore_mem>>) src(%dma_wait3A_292 : memref<64x128xf32, #tpu.memory_space<vmem_shared>>) dst(%arg12 : memref<64x128xf32, #tpu.memory_space<vmem>>)
      tpu.yield
    }) : () -> ()
    %mul3A_209 = arith.constant 640 : i32
    %mul3A_210 = arith.muli %arg1, %mul3A_209 : i32
    %add3A_211 = arith.constant 0 : i32
    %add3A_212 = arith.addi %mul3A_210, %add3A_211 : i32
    "tpu.region"() ({
      %run_scoped3A = tpu.sem_alloc : memref<!tpu.dma_semaphore, #tpu.memory_space<semaphore_mem>>
      %dma_start3A_285 = arith.constant 0 : i32
      %dma_start3A_286 = tpu.memref_slice %arg5[%arg0, %add3A_212, %dma_start3A_285] : memref<2x10240x128xf32, #tpu.memory_space<hbm>> -> memref<1x64x128xf32, #tpu.memory_space<hbm>>
      %dma_start3A_287 = tpu.memref_squeeze %dma_start3A_286 : memref<1x64x128xf32, #tpu.memory_space<hbm>> -> memref<64x128xf32, #tpu.memory_space<hbm>>
      %dma_start3A_288 = arith.constant 0 : i32
      %dma_start3A_289 = tpu.memref_slice %arg5[%arg0, %add3A_212, %dma_start3A_288] : memref<2x10240x128xf32, #tpu.memory_space<hbm>> -> memref<1x64x128xf32, #tpu.memory_space<hbm>>
      %dma_start3A_290 = tpu.memref_squeeze %dma_start3A_289 : memref<1x64x128xf32, #tpu.memory_space<hbm>> -> memref<64x128xf32, #tpu.memory_space<hbm>>
      tpu.enqueue_dma source(%arg12 : memref<64x128xf32, #tpu.memory_space<vmem>>) target(%dma_start3A_290 : memref<64x128xf32, #tpu.memory_space<hbm>>) target_semaphore(%run_scoped3A : memref<!tpu.dma_semaphore, #tpu.memory_space<semaphore_mem>>)
      %dma_wait3A_291 = arith.constant 0 : i32
      %dma_wait3A_292 = tpu.memref_slice %arg5[%arg0, %add3A_212, %dma_wait3A_291] : memref<2x10240x128xf32, #tpu.memory_space<hbm>> -> memref<1x64x128xf32, #tpu.memory_space<hbm>>
      %dma_wait3A_293 = tpu.memref_squeeze %dma_wait3A_292 : memref<1x64x128xf32, #tpu.memory_space<hbm>> -> memref<64x128xf32, #tpu.memory_space<hbm>>
      %dma_wait3A_294 = arith.constant 0 : i32
      %dma_wait3A_295 = tpu.memref_slice %arg5[%arg0, %add3A_212, %dma_wait3A_294] : memref<2x10240x128xf32, #tpu.memory_space<hbm>> -> memref<1x64x128xf32, #tpu.memory_space<hbm>>
      %dma_wait3A_296 = tpu.memref_squeeze %dma_wait3A_295 : memref<1x64x128xf32, #tpu.memory_space<hbm>> -> memref<64x128xf32, #tpu.memory_space<hbm>>
      tpu.wait_dma2 semaphore(%run_scoped3A : memref<!tpu.dma_semaphore, #tpu.memory_space<semaphore_mem>>) src(%arg12 : memref<64x128xf32, #tpu.memory_space<vmem>>) dst(%dma_wait3A_296 : memref<64x128xf32, #tpu.memory_space<hbm>>)
      tpu.yield
    }) : () -> ()
    %mul3A_213 = arith.constant 640 : i32
    %mul3A_214 = arith.muli %arg1, %mul3A_213 : i32
    %add3A_215 = arith.constant 64 : i32
    %add3A_216 = arith.addi %mul3A_214, %add3A_215 : i32
    "tpu.region"() ({
      %run_scoped3A = tpu.sem_alloc : memref<!tpu.dma_semaphore, #tpu.memory_space<semaphore_mem>>
      %dma_start3A_285 = arith.constant 0 : i32
      %dma_start3A_286 = tpu.memref_slice %arg13[%add3A_216, %dma_start3A_285] : memref<10240x128xf32, #tpu.memory_space<vmem_shared>> -> memref<64x128xf32, #tpu.memory_space<vmem_shared>>
      %dma_start3A_287 = arith.constant 0 : i32
      %dma_start3A_288 = tpu.memref_slice %arg13[%add3A_216, %dma_start3A_287] : memref<10240x128xf32, #tpu.memory_space<vmem_shared>> -> memref<64x128xf32, #tpu.memory_space<vmem_shared>>
      tpu.enqueue_dma source(%dma_start3A_288 : memref<64x128xf32, #tpu.memory_space<vmem_shared>>) target(%arg12 : memref<64x128xf32, #tpu.memory_space<vmem>>) target_semaphore(%run_scoped3A : memref<!tpu.dma_semaphore, #tpu.memory_space<semaphore_mem>>)
      %dma_wait3A_289 = arith.constant 0 : i32
      %dma_wait3A_290 = tpu.memref_slice %arg13[%add3A_216, %dma_wait3A_289] : memref<10240x128xf32, #tpu.memory_space<vmem_shared>> -> memref<64x128xf32, #tpu.memory_space<vmem_shared>>
      %dma_wait3A_291 = arith.constant 0 : i32
      %dma_wait3A_292 = tpu.memref_slice %arg13[%add3A_216, %dma_wait3A_291] : memref<10240x128xf32, #tpu.memory_space<vmem_shared>> -> memref<64x128xf32, #tpu.memory_space<vmem_shared>>
      tpu.wait_dma2 semaphore(%run_scoped3A : memref<!tpu.dma_semaphore, #tpu.memory_space<semaphore_mem>>) src(%dma_wait3A_292 : memref<64x128xf32, #tpu.memory_space<vmem_shared>>) dst(%arg12 : memref<64x128xf32, #tpu.memory_space<vmem>>)
      tpu.yield
    }) : () -> ()
    %mul3A_217 = arith.constant 640 : i32
    %mul3A_218 = arith.muli %arg1, %mul3A_217 : i32
    %add3A_219 = arith.constant 64 : i32
    %add3A_220 = arith.addi %mul3A_218, %add3A_219 : i32
    "tpu.region"() ({
      %run_scoped3A = tpu.sem_alloc : memref<!tpu.dma_semaphore, #tpu.memory_space<semaphore_mem>>
      %dma_start3A_285 = arith.constant 0 : i32
      %dma_start3A_286 = tpu.memref_slice %arg5[%arg0, %add3A_220, %dma_start3A_285] : memref<2x10240x128xf32, #tpu.memory_space<hbm>> -> memref<1x64x128xf32, #tpu.memory_space<hbm>>
      %dma_start3A_287 = tpu.memref_squeeze %dma_start3A_286 : memref<1x64x128xf32, #tpu.memory_space<hbm>> -> memref<64x128xf32, #tpu.memory_space<hbm>>
      %dma_start3A_288 = arith.constant 0 : i32
      %dma_start3A_289 = tpu.memref_slice %arg5[%arg0, %add3A_220, %dma_start3A_288] : memref<2x10240x128xf32, #tpu.memory_space<hbm>> -> memref<1x64x128xf32, #tpu.memory_space<hbm>>
      %dma_start3A_290 = tpu.memref_squeeze %dma_start3A_289 : memref<1x64x128xf32, #tpu.memory_space<hbm>> -> memref<64x128xf32, #tpu.memory_space<hbm>>
      tpu.enqueue_dma source(%arg12 : memref<64x128xf32, #tpu.memory_space<vmem>>) target(%dma_start3A_290 : memref<64x128xf32, #tpu.memory_space<hbm>>) target_semaphore(%run_scoped3A : memref<!tpu.dma_semaphore, #tpu.memory_space<semaphore_mem>>)
      %dma_wait3A_291 = arith.constant 0 : i32
      %dma_wait3A_292 = tpu.memref_slice %arg5[%arg0, %add3A_220, %dma_wait3A_291] : memref<2x10240x128xf32, #tpu.memory_space<hbm>> -> memref<1x64x128xf32, #tpu.memory_space<hbm>>
      %dma_wait3A_293 = tpu.memref_squeeze %dma_wait3A_292 : memref<1x64x128xf32, #tpu.memory_space<hbm>> -> memref<64x128xf32, #tpu.memory_space<hbm>>
      %dma_wait3A_294 = arith.constant 0 : i32
      %dma_wait3A_295 = tpu.memref_slice %arg5[%arg0, %add3A_220, %dma_wait3A_294] : memref<2x10240x128xf32, #tpu.memory_space<hbm>> -> memref<1x64x128xf32, #tpu.memory_space<hbm>>
      %dma_wait3A_296 = tpu.memref_squeeze %dma_wait3A_295 : memref<1x64x128xf32, #tpu.memory_space<hbm>> -> memref<64x128xf32, #tpu.memory_space<hbm>>
      tpu.wait_dma2 semaphore(%run_scoped3A : memref<!tpu.dma_semaphore, #tpu.memory_space<semaphore_mem>>) src(%arg12 : memref<64x128xf32, #tpu.memory_space<vmem>>) dst(%dma_wait3A_296 : memref<64x128xf32, #tpu.memory_space<hbm>>)
      tpu.yield
    }) : () -> ()
    %mul3A_221 = arith.constant 640 : i32
    %mul3A_222 = arith.muli %arg1, %mul3A_221 : i32
    %add3A_223 = arith.constant 128 : i32
    %add3A_224 = arith.addi %mul3A_222, %add3A_223 : i32
    "tpu.region"() ({
      %run_scoped3A = tpu.sem_alloc : memref<!tpu.dma_semaphore, #tpu.memory_space<semaphore_mem>>
      %dma_start3A_285 = arith.constant 0 : i32
      %dma_start3A_286 = tpu.memref_slice %arg13[%add3A_224, %dma_start3A_285] : memref<10240x128xf32, #tpu.memory_space<vmem_shared>> -> memref<64x128xf32, #tpu.memory_space<vmem_shared>>
      %dma_start3A_287 = arith.constant 0 : i32
      %dma_start3A_288 = tpu.memref_slice %arg13[%add3A_224, %dma_start3A_287] : memref<10240x128xf32, #tpu.memory_space<vmem_shared>> -> memref<64x128xf32, #tpu.memory_space<vmem_shared>>
      tpu.enqueue_dma source(%dma_start3A_288 : memref<64x128xf32, #tpu.memory_space<vmem_shared>>) target(%arg12 : memref<64x128xf32, #tpu.memory_space<vmem>>) target_semaphore(%run_scoped3A : memref<!tpu.dma_semaphore, #tpu.memory_space<semaphore_mem>>)
      %dma_wait3A_289 = arith.constant 0 : i32
      %dma_wait3A_290 = tpu.memref_slice %arg13[%add3A_224, %dma_wait3A_289] : memref<10240x128xf32, #tpu.memory_space<vmem_shared>> -> memref<64x128xf32, #tpu.memory_space<vmem_shared>>
      %dma_wait3A_291 = arith.constant 0 : i32
      %dma_wait3A_292 = tpu.memref_slice %arg13[%add3A_224, %dma_wait3A_291] : memref<10240x128xf32, #tpu.memory_space<vmem_shared>> -> memref<64x128xf32, #tpu.memory_space<vmem_shared>>
      tpu.wait_dma2 semaphore(%run_scoped3A : memref<!tpu.dma_semaphore, #tpu.memory_space<semaphore_mem>>) src(%dma_wait3A_292 : memref<64x128xf32, #tpu.memory_space<vmem_shared>>) dst(%arg12 : memref<64x128xf32, #tpu.memory_space<vmem>>)
      tpu.yield
    }) : () -> ()
    %mul3A_225 = arith.constant 640 : i32
    %mul3A_226 = arith.muli %arg1, %mul3A_225 : i32
    %add3A_227 = arith.constant 128 : i32
    %add3A_228 = arith.addi %mul3A_226, %add3A_227 : i32
    "tpu.region"() ({
      %run_scoped3A = tpu.sem_alloc : memref<!tpu.dma_semaphore, #tpu.memory_space<semaphore_mem>>
      %dma_start3A_285 = arith.constant 0 : i32
      %dma_start3A_286 = tpu.memref_slice %arg5[%arg0, %add3A_228, %dma_start3A_285] : memref<2x10240x128xf32, #tpu.memory_space<hbm>> -> memref<1x64x128xf32, #tpu.memory_space<hbm>>
      %dma_start3A_287 = tpu.memref_squeeze %dma_start3A_286 : memref<1x64x128xf32, #tpu.memory_space<hbm>> -> memref<64x128xf32, #tpu.memory_space<hbm>>
      %dma_start3A_288 = arith.constant 0 : i32
      %dma_start3A_289 = tpu.memref_slice %arg5[%arg0, %add3A_228, %dma_start3A_288] : memref<2x10240x128xf32, #tpu.memory_space<hbm>> -> memref<1x64x128xf32, #tpu.memory_space<hbm>>
      %dma_start3A_290 = tpu.memref_squeeze %dma_start3A_289 : memref<1x64x128xf32, #tpu.memory_space<hbm>> -> memref<64x128xf32, #tpu.memory_space<hbm>>
      tpu.enqueue_dma source(%arg12 : memref<64x128xf32, #tpu.memory_space<vmem>>) target(%dma_start3A_290 : memref<64x128xf32, #tpu.memory_space<hbm>>) target_semaphore(%run_scoped3A : memref<!tpu.dma_semaphore, #tpu.memory_space<semaphore_mem>>)
      %dma_wait3A_291 = arith.constant 0 : i32
      %dma_wait3A_292 = tpu.memref_slice %arg5[%arg0, %add3A_228, %dma_wait3A_291] : memref<2x10240x128xf32, #tpu.memory_space<hbm>> -> memref<1x64x128xf32, #tpu.memory_space<hbm>>
      %dma_wait3A_293 = tpu.memref_squeeze %dma_wait3A_292 : memref<1x64x128xf32, #tpu.memory_space<hbm>> -> memref<64x128xf32, #tpu.memory_space<hbm>>
      %dma_wait3A_294 = arith.constant 0 : i32
      %dma_wait3A_295 = tpu.memref_slice %arg5[%arg0, %add3A_228, %dma_wait3A_294] : memref<2x10240x128xf32, #tpu.memory_space<hbm>> -> memref<1x64x128xf32, #tpu.memory_space<hbm>>
      %dma_wait3A_296 = tpu.memref_squeeze %dma_wait3A_295 : memref<1x64x128xf32, #tpu.memory_space<hbm>> -> memref<64x128xf32, #tpu.memory_space<hbm>>
      tpu.wait_dma2 semaphore(%run_scoped3A : memref<!tpu.dma_semaphore, #tpu.memory_space<semaphore_mem>>) src(%arg12 : memref<64x128xf32, #tpu.memory_space<vmem>>) dst(%dma_wait3A_296 : memref<64x128xf32, #tpu.memory_space<hbm>>)
      tpu.yield
    }) : () -> ()
    %mul3A_229 = arith.constant 640 : i32
    %mul3A_230 = arith.muli %arg1, %mul3A_229 : i32
    %add3A_231 = arith.constant 192 : i32
    %add3A_232 = arith.addi %mul3A_230, %add3A_231 : i32
    "tpu.region"() ({
      %run_scoped3A = tpu.sem_alloc : memref<!tpu.dma_semaphore, #tpu.memory_space<semaphore_mem>>
      %dma_start3A_285 = arith.constant 0 : i32
      %dma_start3A_286 = tpu.memref_slice %arg13[%add3A_232, %dma_start3A_285] : memref<10240x128xf32, #tpu.memory_space<vmem_shared>> -> memref<64x128xf32, #tpu.memory_space<vmem_shared>>
      %dma_start3A_287 = arith.constant 0 : i32
      %dma_start3A_288 = tpu.memref_slice %arg13[%add3A_232, %dma_start3A_287] : memref<10240x128xf32, #tpu.memory_space<vmem_shared>> -> memref<64x128xf32, #tpu.memory_space<vmem_shared>>
      tpu.enqueue_dma source(%dma_start3A_288 : memref<64x128xf32, #tpu.memory_space<vmem_shared>>) target(%arg12 : memref<64x128xf32, #tpu.memory_space<vmem>>) target_semaphore(%run_scoped3A : memref<!tpu.dma_semaphore, #tpu.memory_space<semaphore_mem>>)
      %dma_wait3A_289 = arith.constant 0 : i32
      %dma_wait3A_290 = tpu.memref_slice %arg13[%add3A_232, %dma_wait3A_289] : memref<10240x128xf32, #tpu.memory_space<vmem_shared>> -> memref<64x128xf32, #tpu.memory_space<vmem_shared>>
      %dma_wait3A_291 = arith.constant 0 : i32
      %dma_wait3A_292 = tpu.memref_slice %arg13[%add3A_232, %dma_wait3A_291] : memref<10240x128xf32, #tpu.memory_space<vmem_shared>> -> memref<64x128xf32, #tpu.memory_space<vmem_shared>>
      tpu.wait_dma2 semaphore(%run_scoped3A : memref<!tpu.dma_semaphore, #tpu.memory_space<semaphore_mem>>) src(%dma_wait3A_292 : memref<64x128xf32, #tpu.memory_space<vmem_shared>>) dst(%arg12 : memref<64x128xf32, #tpu.memory_space<vmem>>)
      tpu.yield
    }) : () -> ()
    %mul3A_233 = arith.constant 640 : i32
    %mul3A_234 = arith.muli %arg1, %mul3A_233 : i32
    %add3A_235 = arith.constant 192 : i32
    %add3A_236 = arith.addi %mul3A_234, %add3A_235 : i32
    "tpu.region"() ({
      %run_scoped3A = tpu.sem_alloc : memref<!tpu.dma_semaphore, #tpu.memory_space<semaphore_mem>>
      %dma_start3A_285 = arith.constant 0 : i32
      %dma_start3A_286 = tpu.memref_slice %arg5[%arg0, %add3A_236, %dma_start3A_285] : memref<2x10240x128xf32, #tpu.memory_space<hbm>> -> memref<1x64x128xf32, #tpu.memory_space<hbm>>
      %dma_start3A_287 = tpu.memref_squeeze %dma_start3A_286 : memref<1x64x128xf32, #tpu.memory_space<hbm>> -> memref<64x128xf32, #tpu.memory_space<hbm>>
      %dma_start3A_288 = arith.constant 0 : i32
      %dma_start3A_289 = tpu.memref_slice %arg5[%arg0, %add3A_236, %dma_start3A_288] : memref<2x10240x128xf32, #tpu.memory_space<hbm>> -> memref<1x64x128xf32, #tpu.memory_space<hbm>>
      %dma_start3A_290 = tpu.memref_squeeze %dma_start3A_289 : memref<1x64x128xf32, #tpu.memory_space<hbm>> -> memref<64x128xf32, #tpu.memory_space<hbm>>
      tpu.enqueue_dma source(%arg12 : memref<64x128xf32, #tpu.memory_space<vmem>>) target(%dma_start3A_290 : memref<64x128xf32, #tpu.memory_space<hbm>>) target_semaphore(%run_scoped3A : memref<!tpu.dma_semaphore, #tpu.memory_space<semaphore_mem>>)
      %dma_wait3A_291 = arith.constant 0 : i32
      %dma_wait3A_292 = tpu.memref_slice %arg5[%arg0, %add3A_236, %dma_wait3A_291] : memref<2x10240x128xf32, #tpu.memory_space<hbm>> -> memref<1x64x128xf32, #tpu.memory_space<hbm>>
      %dma_wait3A_293 = tpu.memref_squeeze %dma_wait3A_292 : memref<1x64x128xf32, #tpu.memory_space<hbm>> -> memref<64x128xf32, #tpu.memory_space<hbm>>
      %dma_wait3A_294 = arith.constant 0 : i32
      %dma_wait3A_295 = tpu.memref_slice %arg5[%arg0, %add3A_236, %dma_wait3A_294] : memref<2x10240x128xf32, #tpu.memory_space<hbm>> -> memref<1x64x128xf32, #tpu.memory_space<hbm>>
      %dma_wait3A_296 = tpu.memref_squeeze %dma_wait3A_295 : memref<1x64x128xf32, #tpu.memory_space<hbm>> -> memref<64x128xf32, #tpu.memory_space<hbm>>
      tpu.wait_dma2 semaphore(%run_scoped3A : memref<!tpu.dma_semaphore, #tpu.memory_space<semaphore_mem>>) src(%arg12 : memref<64x128xf32, #tpu.memory_space<vmem>>) dst(%dma_wait3A_296 : memref<64x128xf32, #tpu.memory_space<hbm>>)
      tpu.yield
    }) : () -> ()
    %mul3A_237 = arith.constant 640 : i32
    %mul3A_238 = arith.muli %arg1, %mul3A_237 : i32
    %add3A_239 = arith.constant 256 : i32
    %add3A_240 = arith.addi %mul3A_238, %add3A_239 : i32
    "tpu.region"() ({
      %run_scoped3A = tpu.sem_alloc : memref<!tpu.dma_semaphore, #tpu.memory_space<semaphore_mem>>
      %dma_start3A_285 = arith.constant 0 : i32
      %dma_start3A_286 = tpu.memref_slice %arg13[%add3A_240, %dma_start3A_285] : memref<10240x128xf32, #tpu.memory_space<vmem_shared>> -> memref<64x128xf32, #tpu.memory_space<vmem_shared>>
      %dma_start3A_287 = arith.constant 0 : i32
      %dma_start3A_288 = tpu.memref_slice %arg13[%add3A_240, %dma_start3A_287] : memref<10240x128xf32, #tpu.memory_space<vmem_shared>> -> memref<64x128xf32, #tpu.memory_space<vmem_shared>>
      tpu.enqueue_dma source(%dma_start3A_288 : memref<64x128xf32, #tpu.memory_space<vmem_shared>>) target(%arg12 : memref<64x128xf32, #tpu.memory_space<vmem>>) target_semaphore(%run_scoped3A : memref<!tpu.dma_semaphore, #tpu.memory_space<semaphore_mem>>)
      %dma_wait3A_289 = arith.constant 0 : i32
      %dma_wait3A_290 = tpu.memref_slice %arg13[%add3A_240, %dma_wait3A_289] : memref<10240x128xf32, #tpu.memory_space<vmem_shared>> -> memref<64x128xf32, #tpu.memory_space<vmem_shared>>
      %dma_wait3A_291 = arith.constant 0 : i32
      %dma_wait3A_292 = tpu.memref_slice %arg13[%add3A_240, %dma_wait3A_291] : memref<10240x128xf32, #tpu.memory_space<vmem_shared>> -> memref<64x128xf32, #tpu.memory_space<vmem_shared>>
      tpu.wait_dma2 semaphore(%run_scoped3A : memref<!tpu.dma_semaphore, #tpu.memory_space<semaphore_mem>>) src(%dma_wait3A_292 : memref<64x128xf32, #tpu.memory_space<vmem_shared>>) dst(%arg12 : memref<64x128xf32, #tpu.memory_space<vmem>>)
      tpu.yield
    }) : () -> ()
    %mul3A_241 = arith.constant 640 : i32
    %mul3A_242 = arith.muli %arg1, %mul3A_241 : i32
    %add3A_243 = arith.constant 256 : i32
    %add3A_244 = arith.addi %mul3A_242, %add3A_243 : i32
    "tpu.region"() ({
      %run_scoped3A = tpu.sem_alloc : memref<!tpu.dma_semaphore, #tpu.memory_space<semaphore_mem>>
      %dma_start3A_285 = arith.constant 0 : i32
      %dma_start3A_286 = tpu.memref_slice %arg5[%arg0, %add3A_244, %dma_start3A_285] : memref<2x10240x128xf32, #tpu.memory_space<hbm>> -> memref<1x64x128xf32, #tpu.memory_space<hbm>>
      %dma_start3A_287 = tpu.memref_squeeze %dma_start3A_286 : memref<1x64x128xf32, #tpu.memory_space<hbm>> -> memref<64x128xf32, #tpu.memory_space<hbm>>
      %dma_start3A_288 = arith.constant 0 : i32
      %dma_start3A_289 = tpu.memref_slice %arg5[%arg0, %add3A_244, %dma_start3A_288] : memref<2x10240x128xf32, #tpu.memory_space<hbm>> -> memref<1x64x128xf32, #tpu.memory_space<hbm>>
      %dma_start3A_290 = tpu.memref_squeeze %dma_start3A_289 : memref<1x64x128xf32, #tpu.memory_space<hbm>> -> memref<64x128xf32, #tpu.memory_space<hbm>>
      tpu.enqueue_dma source(%arg12 : memref<64x128xf32, #tpu.memory_space<vmem>>) target(%dma_start3A_290 : memref<64x128xf32, #tpu.memory_space<hbm>>) target_semaphore(%run_scoped3A : memref<!tpu.dma_semaphore, #tpu.memory_space<semaphore_mem>>)
      %dma_wait3A_291 = arith.constant 0 : i32
      %dma_wait3A_292 = tpu.memref_slice %arg5[%arg0, %add3A_244, %dma_wait3A_291] : memref<2x10240x128xf32, #tpu.memory_space<hbm>> -> memref<1x64x128xf32, #tpu.memory_space<hbm>>
      %dma_wait3A_293 = tpu.memref_squeeze %dma_wait3A_292 : memref<1x64x128xf32, #tpu.memory_space<hbm>> -> memref<64x128xf32, #tpu.memory_space<hbm>>
      %dma_wait3A_294 = arith.constant 0 : i32
      %dma_wait3A_295 = tpu.memref_slice %arg5[%arg0, %add3A_244, %dma_wait3A_294] : memref<2x10240x128xf32, #tpu.memory_space<hbm>> -> memref<1x64x128xf32, #tpu.memory_space<hbm>>
      %dma_wait3A_296 = tpu.memref_squeeze %dma_wait3A_295 : memref<1x64x128xf32, #tpu.memory_space<hbm>> -> memref<64x128xf32, #tpu.memory_space<hbm>>
      tpu.wait_dma2 semaphore(%run_scoped3A : memref<!tpu.dma_semaphore, #tpu.memory_space<semaphore_mem>>) src(%arg12 : memref<64x128xf32, #tpu.memory_space<vmem>>) dst(%dma_wait3A_296 : memref<64x128xf32, #tpu.memory_space<hbm>>)
      tpu.yield
    }) : () -> ()
    %mul3A_245 = arith.constant 640 : i32
    %mul3A_246 = arith.muli %arg1, %mul3A_245 : i32
    %add3A_247 = arith.constant 320 : i32
    %add3A_248 = arith.addi %mul3A_246, %add3A_247 : i32
    "tpu.region"() ({
      %run_scoped3A = tpu.sem_alloc : memref<!tpu.dma_semaphore, #tpu.memory_space<semaphore_mem>>
      %dma_start3A_285 = arith.constant 0 : i32
      %dma_start3A_286 = tpu.memref_slice %arg13[%add3A_248, %dma_start3A_285] : memref<10240x128xf32, #tpu.memory_space<vmem_shared>> -> memref<64x128xf32, #tpu.memory_space<vmem_shared>>
      %dma_start3A_287 = arith.constant 0 : i32
      %dma_start3A_288 = tpu.memref_slice %arg13[%add3A_248, %dma_start3A_287] : memref<10240x128xf32, #tpu.memory_space<vmem_shared>> -> memref<64x128xf32, #tpu.memory_space<vmem_shared>>
      tpu.enqueue_dma source(%dma_start3A_288 : memref<64x128xf32, #tpu.memory_space<vmem_shared>>) target(%arg12 : memref<64x128xf32, #tpu.memory_space<vmem>>) target_semaphore(%run_scoped3A : memref<!tpu.dma_semaphore, #tpu.memory_space<semaphore_mem>>)
      %dma_wait3A_289 = arith.constant 0 : i32
      %dma_wait3A_290 = tpu.memref_slice %arg13[%add3A_248, %dma_wait3A_289] : memref<10240x128xf32, #tpu.memory_space<vmem_shared>> -> memref<64x128xf32, #tpu.memory_space<vmem_shared>>
      %dma_wait3A_291 = arith.constant 0 : i32
      %dma_wait3A_292 = tpu.memref_slice %arg13[%add3A_248, %dma_wait3A_291] : memref<10240x128xf32, #tpu.memory_space<vmem_shared>> -> memref<64x128xf32, #tpu.memory_space<vmem_shared>>
      tpu.wait_dma2 semaphore(%run_scoped3A : memref<!tpu.dma_semaphore, #tpu.memory_space<semaphore_mem>>) src(%dma_wait3A_292 : memref<64x128xf32, #tpu.memory_space<vmem_shared>>) dst(%arg12 : memref<64x128xf32, #tpu.memory_space<vmem>>)
      tpu.yield
    }) : () -> ()
    %mul3A_249 = arith.constant 640 : i32
    %mul3A_250 = arith.muli %arg1, %mul3A_249 : i32
    %add3A_251 = arith.constant 320 : i32
    %add3A_252 = arith.addi %mul3A_250, %add3A_251 : i32
    "tpu.region"() ({
      %run_scoped3A = tpu.sem_alloc : memref<!tpu.dma_semaphore, #tpu.memory_space<semaphore_mem>>
      %dma_start3A_285 = arith.constant 0 : i32
      %dma_start3A_286 = tpu.memref_slice %arg5[%arg0, %add3A_252, %dma_start3A_285] : memref<2x10240x128xf32, #tpu.memory_space<hbm>> -> memref<1x64x128xf32, #tpu.memory_space<hbm>>
      %dma_start3A_287 = tpu.memref_squeeze %dma_start3A_286 : memref<1x64x128xf32, #tpu.memory_space<hbm>> -> memref<64x128xf32, #tpu.memory_space<hbm>>
      %dma_start3A_288 = arith.constant 0 : i32
      %dma_start3A_289 = tpu.memref_slice %arg5[%arg0, %add3A_252, %dma_start3A_288] : memref<2x10240x128xf32, #tpu.memory_space<hbm>> -> memref<1x64x128xf32, #tpu.memory_space<hbm>>
      %dma_start3A_290 = tpu.memref_squeeze %dma_start3A_289 : memref<1x64x128xf32, #tpu.memory_space<hbm>> -> memref<64x128xf32, #tpu.memory_space<hbm>>
      tpu.enqueue_dma source(%arg12 : memref<64x128xf32, #tpu.memory_space<vmem>>) target(%dma_start3A_290 : memref<64x128xf32, #tpu.memory_space<hbm>>) target_semaphore(%run_scoped3A : memref<!tpu.dma_semaphore, #tpu.memory_space<semaphore_mem>>)
      %dma_wait3A_291 = arith.constant 0 : i32
      %dma_wait3A_292 = tpu.memref_slice %arg5[%arg0, %add3A_252, %dma_wait3A_291] : memref<2x10240x128xf32, #tpu.memory_space<hbm>> -> memref<1x64x128xf32, #tpu.memory_space<hbm>>
      %dma_wait3A_293 = tpu.memref_squeeze %dma_wait3A_292 : memref<1x64x128xf32, #tpu.memory_space<hbm>> -> memref<64x128xf32, #tpu.memory_space<hbm>>
      %dma_wait3A_294 = arith.constant 0 : i32
      %dma_wait3A_295 = tpu.memref_slice %arg5[%arg0, %add3A_252, %dma_wait3A_294] : memref<2x10240x128xf32, #tpu.memory_space<hbm>> -> memref<1x64x128xf32, #tpu.memory_space<hbm>>
      %dma_wait3A_296 = tpu.memref_squeeze %dma_wait3A_295 : memref<1x64x128xf32, #tpu.memory_space<hbm>> -> memref<64x128xf32, #tpu.memory_space<hbm>>
      tpu.wait_dma2 semaphore(%run_scoped3A : memref<!tpu.dma_semaphore, #tpu.memory_space<semaphore_mem>>) src(%arg12 : memref<64x128xf32, #tpu.memory_space<vmem>>) dst(%dma_wait3A_296 : memref<64x128xf32, #tpu.memory_space<hbm>>)
      tpu.yield
    }) : () -> ()
    %mul3A_253 = arith.constant 640 : i32
    %mul3A_254 = arith.muli %arg1, %mul3A_253 : i32
    %add3A_255 = arith.constant 384 : i32
    %add3A_256 = arith.addi %mul3A_254, %add3A_255 : i32
    "tpu.region"() ({
      %run_scoped3A = tpu.sem_alloc : memref<!tpu.dma_semaphore, #tpu.memory_space<semaphore_mem>>
      %dma_start3A_285 = arith.constant 0 : i32
      %dma_start3A_286 = tpu.memref_slice %arg13[%add3A_256, %dma_start3A_285] : memref<10240x128xf32, #tpu.memory_space<vmem_shared>> -> memref<64x128xf32, #tpu.memory_space<vmem_shared>>
      %dma_start3A_287 = arith.constant 0 : i32
      %dma_start3A_288 = tpu.memref_slice %arg13[%add3A_256, %dma_start3A_287] : memref<10240x128xf32, #tpu.memory_space<vmem_shared>> -> memref<64x128xf32, #tpu.memory_space<vmem_shared>>
      tpu.enqueue_dma source(%dma_start3A_288 : memref<64x128xf32, #tpu.memory_space<vmem_shared>>) target(%arg12 : memref<64x128xf32, #tpu.memory_space<vmem>>) target_semaphore(%run_scoped3A : memref<!tpu.dma_semaphore, #tpu.memory_space<semaphore_mem>>)
      %dma_wait3A_289 = arith.constant 0 : i32
      %dma_wait3A_290 = tpu.memref_slice %arg13[%add3A_256, %dma_wait3A_289] : memref<10240x128xf32, #tpu.memory_space<vmem_shared>> -> memref<64x128xf32, #tpu.memory_space<vmem_shared>>
      %dma_wait3A_291 = arith.constant 0 : i32
      %dma_wait3A_292 = tpu.memref_slice %arg13[%add3A_256, %dma_wait3A_291] : memref<10240x128xf32, #tpu.memory_space<vmem_shared>> -> memref<64x128xf32, #tpu.memory_space<vmem_shared>>
      tpu.wait_dma2 semaphore(%run_scoped3A : memref<!tpu.dma_semaphore, #tpu.memory_space<semaphore_mem>>) src(%dma_wait3A_292 : memref<64x128xf32, #tpu.memory_space<vmem_shared>>) dst(%arg12 : memref<64x128xf32, #tpu.memory_space<vmem>>)
      tpu.yield
    }) : () -> ()
    %mul3A_257 = arith.constant 640 : i32
    %mul3A_258 = arith.muli %arg1, %mul3A_257 : i32
    %add3A_259 = arith.constant 384 : i32
    %add3A_260 = arith.addi %mul3A_258, %add3A_259 : i32
    "tpu.region"() ({
      %run_scoped3A = tpu.sem_alloc : memref<!tpu.dma_semaphore, #tpu.memory_space<semaphore_mem>>
      %dma_start3A_285 = arith.constant 0 : i32
      %dma_start3A_286 = tpu.memref_slice %arg5[%arg0, %add3A_260, %dma_start3A_285] : memref<2x10240x128xf32, #tpu.memory_space<hbm>> -> memref<1x64x128xf32, #tpu.memory_space<hbm>>
      %dma_start3A_287 = tpu.memref_squeeze %dma_start3A_286 : memref<1x64x128xf32, #tpu.memory_space<hbm>> -> memref<64x128xf32, #tpu.memory_space<hbm>>
      %dma_start3A_288 = arith.constant 0 : i32
      %dma_start3A_289 = tpu.memref_slice %arg5[%arg0, %add3A_260, %dma_start3A_288] : memref<2x10240x128xf32, #tpu.memory_space<hbm>> -> memref<1x64x128xf32, #tpu.memory_space<hbm>>
      %dma_start3A_290 = tpu.memref_squeeze %dma_start3A_289 : memref<1x64x128xf32, #tpu.memory_space<hbm>> -> memref<64x128xf32, #tpu.memory_space<hbm>>
      tpu.enqueue_dma source(%arg12 : memref<64x128xf32, #tpu.memory_space<vmem>>) target(%dma_start3A_290 : memref<64x128xf32, #tpu.memory_space<hbm>>) target_semaphore(%run_scoped3A : memref<!tpu.dma_semaphore, #tpu.memory_space<semaphore_mem>>)
      %dma_wait3A_291 = arith.constant 0 : i32
      %dma_wait3A_292 = tpu.memref_slice %arg5[%arg0, %add3A_260, %dma_wait3A_291] : memref<2x10240x128xf32, #tpu.memory_space<hbm>> -> memref<1x64x128xf32, #tpu.memory_space<hbm>>
      %dma_wait3A_293 = tpu.memref_squeeze %dma_wait3A_292 : memref<1x64x128xf32, #tpu.memory_space<hbm>> -> memref<64x128xf32, #tpu.memory_space<hbm>>
      %dma_wait3A_294 = arith.constant 0 : i32
      %dma_wait3A_295 = tpu.memref_slice %arg5[%arg0, %add3A_260, %dma_wait3A_294] : memref<2x10240x128xf32, #tpu.memory_space<hbm>> -> memref<1x64x128xf32, #tpu.memory_space<hbm>>
      %dma_wait3A_296 = tpu.memref_squeeze %dma_wait3A_295 : memref<1x64x128xf32, #tpu.memory_space<hbm>> -> memref<64x128xf32, #tpu.memory_space<hbm>>
      tpu.wait_dma2 semaphore(%run_scoped3A : memref<!tpu.dma_semaphore, #tpu.memory_space<semaphore_mem>>) src(%arg12 : memref<64x128xf32, #tpu.memory_space<vmem>>) dst(%dma_wait3A_296 : memref<64x128xf32, #tpu.memory_space<hbm>>)
      tpu.yield
    }) : () -> ()
    %mul3A_261 = arith.constant 640 : i32
    %mul3A_262 = arith.muli %arg1, %mul3A_261 : i32
    %add3A_263 = arith.constant 448 : i32
    %add3A_264 = arith.addi %mul3A_262, %add3A_263 : i32
    "tpu.region"() ({
      %run_scoped3A = tpu.sem_alloc : memref<!tpu.dma_semaphore, #tpu.memory_space<semaphore_mem>>
      %dma_start3A_285 = arith.constant 0 : i32
      %dma_start3A_286 = tpu.memref_slice %arg13[%add3A_264, %dma_start3A_285] : memref<10240x128xf32, #tpu.memory_space<vmem_shared>> -> memref<64x128xf32, #tpu.memory_space<vmem_shared>>
      %dma_start3A_287 = arith.constant 0 : i32
      %dma_start3A_288 = tpu.memref_slice %arg13[%add3A_264, %dma_start3A_287] : memref<10240x128xf32, #tpu.memory_space<vmem_shared>> -> memref<64x128xf32, #tpu.memory_space<vmem_shared>>
      tpu.enqueue_dma source(%dma_start3A_288 : memref<64x128xf32, #tpu.memory_space<vmem_shared>>) target(%arg12 : memref<64x128xf32, #tpu.memory_space<vmem>>) target_semaphore(%run_scoped3A : memref<!tpu.dma_semaphore, #tpu.memory_space<semaphore_mem>>)
      %dma_wait3A_289 = arith.constant 0 : i32
      %dma_wait3A_290 = tpu.memref_slice %arg13[%add3A_264, %dma_wait3A_289] : memref<10240x128xf32, #tpu.memory_space<vmem_shared>> -> memref<64x128xf32, #tpu.memory_space<vmem_shared>>
      %dma_wait3A_291 = arith.constant 0 : i32
      %dma_wait3A_292 = tpu.memref_slice %arg13[%add3A_264, %dma_wait3A_291] : memref<10240x128xf32, #tpu.memory_space<vmem_shared>> -> memref<64x128xf32, #tpu.memory_space<vmem_shared>>
      tpu.wait_dma2 semaphore(%run_scoped3A : memref<!tpu.dma_semaphore, #tpu.memory_space<semaphore_mem>>) src(%dma_wait3A_292 : memref<64x128xf32, #tpu.memory_space<vmem_shared>>) dst(%arg12 : memref<64x128xf32, #tpu.memory_space<vmem>>)
      tpu.yield
    }) : () -> ()
    %mul3A_265 = arith.constant 640 : i32
    %mul3A_266 = arith.muli %arg1, %mul3A_265 : i32
    %add3A_267 = arith.constant 448 : i32
    %add3A_268 = arith.addi %mul3A_266, %add3A_267 : i32
    "tpu.region"() ({
      %run_scoped3A = tpu.sem_alloc : memref<!tpu.dma_semaphore, #tpu.memory_space<semaphore_mem>>
      %dma_start3A_285 = arith.constant 0 : i32
      %dma_start3A_286 = tpu.memref_slice %arg5[%arg0, %add3A_268, %dma_start3A_285] : memref<2x10240x128xf32, #tpu.memory_space<hbm>> -> memref<1x64x128xf32, #tpu.memory_space<hbm>>
      %dma_start3A_287 = tpu.memref_squeeze %dma_start3A_286 : memref<1x64x128xf32, #tpu.memory_space<hbm>> -> memref<64x128xf32, #tpu.memory_space<hbm>>
      %dma_start3A_288 = arith.constant 0 : i32
      %dma_start3A_289 = tpu.memref_slice %arg5[%arg0, %add3A_268, %dma_start3A_288] : memref<2x10240x128xf32, #tpu.memory_space<hbm>> -> memref<1x64x128xf32, #tpu.memory_space<hbm>>
      %dma_start3A_290 = tpu.memref_squeeze %dma_start3A_289 : memref<1x64x128xf32, #tpu.memory_space<hbm>> -> memref<64x128xf32, #tpu.memory_space<hbm>>
      tpu.enqueue_dma source(%arg12 : memref<64x128xf32, #tpu.memory_space<vmem>>) target(%dma_start3A_290 : memref<64x128xf32, #tpu.memory_space<hbm>>) target_semaphore(%run_scoped3A : memref<!tpu.dma_semaphore, #tpu.memory_space<semaphore_mem>>)
      %dma_wait3A_291 = arith.constant 0 : i32
      %dma_wait3A_292 = tpu.memref_slice %arg5[%arg0, %add3A_268, %dma_wait3A_291] : memref<2x10240x128xf32, #tpu.memory_space<hbm>> -> memref<1x64x128xf32, #tpu.memory_space<hbm>>
      %dma_wait3A_293 = tpu.memref_squeeze %dma_wait3A_292 : memref<1x64x128xf32, #tpu.memory_space<hbm>> -> memref<64x128xf32, #tpu.memory_space<hbm>>
      %dma_wait3A_294 = arith.constant 0 : i32
      %dma_wait3A_295 = tpu.memref_slice %arg5[%arg0, %add3A_268, %dma_wait3A_294] : memref<2x10240x128xf32, #tpu.memory_space<hbm>> -> memref<1x64x128xf32, #tpu.memory_space<hbm>>
      %dma_wait3A_296 = tpu.memref_squeeze %dma_wait3A_295 : memref<1x64x128xf32, #tpu.memory_space<hbm>> -> memref<64x128xf32, #tpu.memory_space<hbm>>
      tpu.wait_dma2 semaphore(%run_scoped3A : memref<!tpu.dma_semaphore, #tpu.memory_space<semaphore_mem>>) src(%arg12 : memref<64x128xf32, #tpu.memory_space<vmem>>) dst(%dma_wait3A_296 : memref<64x128xf32, #tpu.memory_space<hbm>>)
      tpu.yield
    }) : () -> ()
    %mul3A_269 = arith.constant 640 : i32
    %mul3A_270 = arith.muli %arg1, %mul3A_269 : i32
    %add3A_271 = arith.constant 512 : i32
    %add3A_272 = arith.addi %mul3A_270, %add3A_271 : i32
    "tpu.region"() ({
      %run_scoped3A = tpu.sem_alloc : memref<!tpu.dma_semaphore, #tpu.memory_space<semaphore_mem>>
      %dma_start3A_285 = arith.constant 0 : i32
      %dma_start3A_286 = tpu.memref_slice %arg13[%add3A_272, %dma_start3A_285] : memref<10240x128xf32, #tpu.memory_space<vmem_shared>> -> memref<64x128xf32, #tpu.memory_space<vmem_shared>>
      %dma_start3A_287 = arith.constant 0 : i32
      %dma_start3A_288 = tpu.memref_slice %arg13[%add3A_272, %dma_start3A_287] : memref<10240x128xf32, #tpu.memory_space<vmem_shared>> -> memref<64x128xf32, #tpu.memory_space<vmem_shared>>
      tpu.enqueue_dma source(%dma_start3A_288 : memref<64x128xf32, #tpu.memory_space<vmem_shared>>) target(%arg12 : memref<64x128xf32, #tpu.memory_space<vmem>>) target_semaphore(%run_scoped3A : memref<!tpu.dma_semaphore, #tpu.memory_space<semaphore_mem>>)
      %dma_wait3A_289 = arith.constant 0 : i32
      %dma_wait3A_290 = tpu.memref_slice %arg13[%add3A_272, %dma_wait3A_289] : memref<10240x128xf32, #tpu.memory_space<vmem_shared>> -> memref<64x128xf32, #tpu.memory_space<vmem_shared>>
      %dma_wait3A_291 = arith.constant 0 : i32
      %dma_wait3A_292 = tpu.memref_slice %arg13[%add3A_272, %dma_wait3A_291] : memref<10240x128xf32, #tpu.memory_space<vmem_shared>> -> memref<64x128xf32, #tpu.memory_space<vmem_shared>>
      tpu.wait_dma2 semaphore(%run_scoped3A : memref<!tpu.dma_semaphore, #tpu.memory_space<semaphore_mem>>) src(%dma_wait3A_292 : memref<64x128xf32, #tpu.memory_space<vmem_shared>>) dst(%arg12 : memref<64x128xf32, #tpu.memory_space<vmem>>)
      tpu.yield
    }) : () -> ()
    %mul3A_273 = arith.constant 640 : i32
    %mul3A_274 = arith.muli %arg1, %mul3A_273 : i32
    %add3A_275 = arith.constant 512 : i32
    %add3A_276 = arith.addi %mul3A_274, %add3A_275 : i32
    "tpu.region"() ({
      %run_scoped3A = tpu.sem_alloc : memref<!tpu.dma_semaphore, #tpu.memory_space<semaphore_mem>>
      %dma_start3A_285 = arith.constant 0 : i32
      %dma_start3A_286 = tpu.memref_slice %arg5[%arg0, %add3A_276, %dma_start3A_285] : memref<2x10240x128xf32, #tpu.memory_space<hbm>> -> memref<1x64x128xf32, #tpu.memory_space<hbm>>
      %dma_start3A_287 = tpu.memref_squeeze %dma_start3A_286 : memref<1x64x128xf32, #tpu.memory_space<hbm>> -> memref<64x128xf32, #tpu.memory_space<hbm>>
      %dma_start3A_288 = arith.constant 0 : i32
      %dma_start3A_289 = tpu.memref_slice %arg5[%arg0, %add3A_276, %dma_start3A_288] : memref<2x10240x128xf32, #tpu.memory_space<hbm>> -> memref<1x64x128xf32, #tpu.memory_space<hbm>>
      %dma_start3A_290 = tpu.memref_squeeze %dma_start3A_289 : memref<1x64x128xf32, #tpu.memory_space<hbm>> -> memref<64x128xf32, #tpu.memory_space<hbm>>
      tpu.enqueue_dma source(%arg12 : memref<64x128xf32, #tpu.memory_space<vmem>>) target(%dma_start3A_290 : memref<64x128xf32, #tpu.memory_space<hbm>>) target_semaphore(%run_scoped3A : memref<!tpu.dma_semaphore, #tpu.memory_space<semaphore_mem>>)
      %dma_wait3A_291 = arith.constant 0 : i32
      %dma_wait3A_292 = tpu.memref_slice %arg5[%arg0, %add3A_276, %dma_wait3A_291] : memref<2x10240x128xf32, #tpu.memory_space<hbm>> -> memref<1x64x128xf32, #tpu.memory_space<hbm>>
      %dma_wait3A_293 = tpu.memref_squeeze %dma_wait3A_292 : memref<1x64x128xf32, #tpu.memory_space<hbm>> -> memref<64x128xf32, #tpu.memory_space<hbm>>
      %dma_wait3A_294 = arith.constant 0 : i32
      %dma_wait3A_295 = tpu.memref_slice %arg5[%arg0, %add3A_276, %dma_wait3A_294] : memref<2x10240x128xf32, #tpu.memory_space<hbm>> -> memref<1x64x128xf32, #tpu.memory_space<hbm>>
      %dma_wait3A_296 = tpu.memref_squeeze %dma_wait3A_295 : memref<1x64x128xf32, #tpu.memory_space<hbm>> -> memref<64x128xf32, #tpu.memory_space<hbm>>
      tpu.wait_dma2 semaphore(%run_scoped3A : memref<!tpu.dma_semaphore, #tpu.memory_space<semaphore_mem>>) src(%arg12 : memref<64x128xf32, #tpu.memory_space<vmem>>) dst(%dma_wait3A_296 : memref<64x128xf32, #tpu.memory_space<hbm>>)
      tpu.yield
    }) : () -> ()
    %mul3A_277 = arith.constant 640 : i32
    %mul3A_278 = arith.muli %arg1, %mul3A_277 : i32
    %add3A_279 = arith.constant 576 : i32
    %add3A_280 = arith.addi %mul3A_278, %add3A_279 : i32
    "tpu.region"() ({
      %run_scoped3A = tpu.sem_alloc : memref<!tpu.dma_semaphore, #tpu.memory_space<semaphore_mem>>
      %dma_start3A_285 = arith.constant 0 : i32
      %dma_start3A_286 = tpu.memref_slice %arg13[%add3A_280, %dma_start3A_285] : memref<10240x128xf32, #tpu.memory_space<vmem_shared>> -> memref<64x128xf32, #tpu.memory_space<vmem_shared>>
      %dma_start3A_287 = arith.constant 0 : i32
      %dma_start3A_288 = tpu.memref_slice %arg13[%add3A_280, %dma_start3A_287] : memref<10240x128xf32, #tpu.memory_space<vmem_shared>> -> memref<64x128xf32, #tpu.memory_space<vmem_shared>>
      tpu.enqueue_dma source(%dma_start3A_288 : memref<64x128xf32, #tpu.memory_space<vmem_shared>>) target(%arg12 : memref<64x128xf32, #tpu.memory_space<vmem>>) target_semaphore(%run_scoped3A : memref<!tpu.dma_semaphore, #tpu.memory_space<semaphore_mem>>)
      %dma_wait3A_289 = arith.constant 0 : i32
      %dma_wait3A_290 = tpu.memref_slice %arg13[%add3A_280, %dma_wait3A_289] : memref<10240x128xf32, #tpu.memory_space<vmem_shared>> -> memref<64x128xf32, #tpu.memory_space<vmem_shared>>
      %dma_wait3A_291 = arith.constant 0 : i32
      %dma_wait3A_292 = tpu.memref_slice %arg13[%add3A_280, %dma_wait3A_291] : memref<10240x128xf32, #tpu.memory_space<vmem_shared>> -> memref<64x128xf32, #tpu.memory_space<vmem_shared>>
      tpu.wait_dma2 semaphore(%run_scoped3A : memref<!tpu.dma_semaphore, #tpu.memory_space<semaphore_mem>>) src(%dma_wait3A_292 : memref<64x128xf32, #tpu.memory_space<vmem_shared>>) dst(%arg12 : memref<64x128xf32, #tpu.memory_space<vmem>>)
      tpu.yield
    }) : () -> ()
    %mul3A_281 = arith.constant 640 : i32
    %mul3A_282 = arith.muli %arg1, %mul3A_281 : i32
    %add3A_283 = arith.constant 576 : i32
    %add3A_284 = arith.addi %mul3A_282, %add3A_283 : i32
    "tpu.region"() ({
      %run_scoped3A = tpu.sem_alloc : memref<!tpu.dma_semaphore, #tpu.memory_space<semaphore_mem>>
      %dma_start3A_285 = arith.constant 0 : i32
      %dma_start3A_286 = tpu.memref_slice %arg5[%arg0, %add3A_284, %dma_start3A_285] : memref<2x10240x128xf32, #tpu.memory_space<hbm>> -> memref<1x64x128xf32, #tpu.memory_space<hbm>>
      %dma_start3A_287 = tpu.memref_squeeze %dma_start3A_286 : memref<1x64x128xf32, #tpu.memory_space<hbm>> -> memref<64x128xf32, #tpu.memory_space<hbm>>
      %dma_start3A_288 = arith.constant 0 : i32
      %dma_start3A_289 = tpu.memref_slice %arg5[%arg0, %add3A_284, %dma_start3A_288] : memref<2x10240x128xf32, #tpu.memory_space<hbm>> -> memref<1x64x128xf32, #tpu.memory_space<hbm>>
      %dma_start3A_290 = tpu.memref_squeeze %dma_start3A_289 : memref<1x64x128xf32, #tpu.memory_space<hbm>> -> memref<64x128xf32, #tpu.memory_space<hbm>>
      tpu.enqueue_dma source(%arg12 : memref<64x128xf32, #tpu.memory_space<vmem>>) target(%dma_start3A_290 : memref<64x128xf32, #tpu.memory_space<hbm>>) target_semaphore(%run_scoped3A : memref<!tpu.dma_semaphore, #tpu.memory_space<semaphore_mem>>)
      %dma_wait3A_291 = arith.constant 0 : i32
      %dma_wait3A_292 = tpu.memref_slice %arg5[%arg0, %add3A_284, %dma_wait3A_291] : memref<2x10240x128xf32, #tpu.memory_space<hbm>> -> memref<1x64x128xf32, #tpu.memory_space<hbm>>
      %dma_wait3A_293 = tpu.memref_squeeze %dma_wait3A_292 : memref<1x64x128xf32, #tpu.memory_space<hbm>> -> memref<64x128xf32, #tpu.memory_space<hbm>>
      %dma_wait3A_294 = arith.constant 0 : i32
      %dma_wait3A_295 = tpu.memref_slice %arg5[%arg0, %add3A_284, %dma_wait3A_294] : memref<2x10240x128xf32, #tpu.memory_space<hbm>> -> memref<1x64x128xf32, #tpu.memory_space<hbm>>
      %dma_wait3A_296 = tpu.memref_squeeze %dma_wait3A_295 : memref<1x64x128xf32, #tpu.memory_space<hbm>> -> memref<64x128xf32, #tpu.memory_space<hbm>>
      tpu.wait_dma2 semaphore(%run_scoped3A : memref<!tpu.dma_semaphore, #tpu.memory_space<semaphore_mem>>) src(%arg12 : memref<64x128xf32, #tpu.memory_space<vmem>>) dst(%dma_wait3A_296 : memref<64x128xf32, #tpu.memory_space<hbm>>)
      tpu.yield
    }) : () -> ()
    return
  }
}

module attributes {stable_mosaic.version = 14 : i64} {
  func.func @_mm1_body(%arg0: i32, %arg1: memref<1024x128xf32, #tpu.memory_space<vmem>>, %arg2: memref<2x1024x128xf32, #tpu.memory_space<vmem>>, %arg3: memref<128x128xf32, #tpu.memory_space<vmem>>, %arg4: memref<1024x128xf32, #tpu.memory_space<vmem>>, %arg5: memref<1024xf32, #tpu.memory_space<vmem>>, %arg6: memref<1024xf32, #tpu.memory_space<vmem>>) attributes {dimension_semantics = [#tpu.dimension_semantics<arbitrary>], iteration_bounds = array<i64: 10>, scalar_prefetch = 0 : i64, scratch_operands = 0 : i64, tpu.core_type = #tpu.core_type<tc>, window_params = [{transform_indices = @transform_0, window_bounds = array<i64: 1024, 128>}, {transform_indices = @transform_1, window_bounds = array<i64: 2, 1024, 128>}, {pipeline_mode = #tpu.pipeline_mode<synchronous>, transform_indices = @transform_2, window_bounds = array<i64: 128, 128>}, {transform_indices = @transform_3, window_bounds = array<i64: 1024, 128>}, {transform_indices = @transform_4, window_bounds = array<i64: 1024>}, {transform_indices = @transform_5, window_bounds = array<i64: 1024>}]} {
    %get3A = arith.constant 0 : index
    %get3A_0 = arith.constant 0 : index
    %get3A_1 = arith.constant 0 : index
    %get3A_2 = vector.load %arg2[%get3A, %get3A_0, %get3A_1] : memref<2x1024x128xf32, #tpu.memory_space<vmem>>, vector<1x1024x1xf32>
    %get3A_3 = vector.shape_cast %get3A_2 : vector<1x1024x1xf32> to vector<1024xf32>
    %get3A_4 = arith.constant 1 : index
    %get3A_5 = arith.constant 0 : index
    %get3A_6 = arith.constant 0 : index
    %get3A_7 = vector.load %arg2[%get3A_4, %get3A_5, %get3A_6] : memref<2x1024x128xf32, #tpu.memory_space<vmem>>, vector<1x1024x1xf32>
    %get3A_8 = vector.shape_cast %get3A_7 : vector<1x1024x1xf32> to vector<1024xf32>
    %gt3A = arith.constant 0.000000e+00 : f32
    %gt3A_9 = vector.broadcast %gt3A : f32 to vector<1024xf32>
    %gt3A_10 = arith.cmpf ogt, %get3A_3, %gt3A_9 : vector<1024xf32>
    %max3A = arith.constant 9.99999996E-13 : f32
    %max3A_11 = vector.broadcast %max3A : f32 to vector<1024xf32>
    %max3A_12 = arith.maximumf %get3A_3, %max3A_11 : vector<1024xf32>
    %rsqrt3A = math.rsqrt %max3A_12 : vector<1024xf32>
    %jit3A = arith.constant 0.000000e+00 : f32
    %broadcast_in_dim3A = vector.broadcast %jit3A : f32 to vector<1024xf32>
    %select_n3A = arith.select %gt3A_10, %rsqrt3A, %broadcast_in_dim3A : vector<1024xi1>, vector<1024xf32>
    %gt3A_13 = arith.constant 0.000000e+00 : f32
    %gt3A_14 = vector.broadcast %gt3A_13 : f32 to vector<1024xf32>
    %gt3A_15 = arith.cmpf ogt, %get3A_8, %gt3A_14 : vector<1024xf32>
    %max3A_16 = arith.constant 9.99999996E-13 : f32
    %max3A_17 = vector.broadcast %max3A_16 : f32 to vector<1024xf32>
    %max3A_18 = arith.maximumf %get3A_8, %max3A_17 : vector<1024xf32>
    %rsqrt3A_19 = math.rsqrt %max3A_18 : vector<1024xf32>
    %jit3A_20 = arith.constant 0.000000e+00 : f32
    %broadcast_in_dim3A_21 = vector.broadcast %jit3A_20 : f32 to vector<1024xf32>
    %select_n3A_22 = arith.select %gt3A_15, %rsqrt3A_19, %broadcast_in_dim3A_21 : vector<1024xi1>, vector<1024xf32>
    %swap3A = arith.constant 0 : index
    %swap3A_23 = vector.load %arg5[%swap3A] : memref<1024xf32, #tpu.memory_space<vmem>>, vector<1024xf32>
    tpu.vector_store %arg5[%swap3A], %select_n3A {strides = array<i32>} : memref<1024xf32, #tpu.memory_space<vmem>>, vector<1024xf32>,
    %swap3A_24 = arith.constant 0 : index
    %swap3A_25 = vector.load %arg6[%swap3A_24] : memref<1024xf32, #tpu.memory_space<vmem>>, vector<1024xf32>
    tpu.vector_store %arg6[%swap3A_24], %select_n3A_22 {strides = array<i32>} : memref<1024xf32, #tpu.memory_space<vmem>>, vector<1024xf32>,
    %get3A_26 = arith.constant 0 : index
    %get3A_27 = arith.constant 0 : index
    %get3A_28 = vector.load %arg1[%get3A_26, %get3A_27] : memref<1024x128xf32, #tpu.memory_space<vmem>>, vector<1024x128xf32>
    %broadcast_in_dim3A_29 = vector.shape_cast %select_n3A : vector<1024xf32> to vector<1024x1xf32>
    %mul3A = vector.broadcast %broadcast_in_dim3A_29 : vector<1024x1xf32> to vector<1024x128xf32>
    %mul3A_30 = arith.mulf %get3A_28, %mul3A : vector<1024x128xf32>
    %get3A_31 = arith.constant 0 : index
    %get3A_32 = arith.constant 0 : index
    %get3A_33 = vector.load %arg3[%get3A_31, %get3A_32] : memref<128x128xf32, #tpu.memory_space<vmem>>, vector<128x128xf32>
    %dot_general3A = arith.constant dense<0.000000e+00> : vector<1024x128xf32>
    %dot_general3A_34 = tpu.matmul %mul3A_30, %get3A_33, %dot_general3A {dimension_numbers = #tpu.dot_dimension_numbers<[1], [0], [0], [1], [0, 0, 1, 1], [], []>, transpose_lhs_hint = false} : vector<1024x128xf32>, vector<128x128xf32>, vector<1024x128xf32> -> vector<1024x128xf32>
    %swap3A_35 = arith.constant 0 : index
    %swap3A_36 = arith.constant 0 : index
    %swap3A_37 = vector.load %arg4[%swap3A_35, %swap3A_36] : memref<1024x128xf32, #tpu.memory_space<vmem>>, vector<1024x128xf32>
    tpu.vector_store %arg4[%swap3A_35, %swap3A_36], %dot_general3A_34 {strides = array<i32>} : memref<1024x128xf32, #tpu.memory_space<vmem>>, vector<1024x128xf32>,
    return
  }
  func.func @transform_0(%arg0: i32) -> (i32, i32) {
    %c0_i32 = arith.constant 0 : i32
    %c0_i32_0 = arith.constant 0 : i32
    return %arg0, %c0_i32 : i32, i32
  }
  func.func @transform_1(%arg0: i32) -> (i32, i32, i32) {
    %c0_i32 = arith.constant 0 : i32
    %c0_i32_0 = arith.constant 0 : i32
    %c0_i32_1 = arith.constant 0 : i32
    return %c0_i32, %arg0, %c0_i32_0 : i32, i32, i32
  }
  func.func @transform_2(%arg0: i32) -> (i32, i32) {
    %c0_i32 = arith.constant 0 : i32
    %c0_i32_0 = arith.constant 0 : i32
    %c0_i32_1 = arith.constant 0 : i32
    return %c0_i32, %c0_i32_0 : i32, i32
  }
  func.func @transform_3(%arg0: i32) -> (i32, i32) {
    %c0_i32 = arith.constant 0 : i32
    %c0_i32_0 = arith.constant 0 : i32
    return %arg0, %c0_i32 : i32, i32
  }
  func.func @transform_4(%arg0: i32) -> i32 {
    %c0_i32 = arith.constant 0 : i32
    return %arg0 : i32
  }
  func.func @transform_5(%arg0: i32) -> i32 {
    %c0_i32 = arith.constant 0 : i32
    return %arg0 : i32
  }
}

module attributes {stable_mosaic.version = 14 : i64} {
  func.func @_act_body(%arg0: i32, %arg1: memref<2x1024x128xf32, #tpu.memory_space<vmem>>, %arg2: memref<1024xf32, #tpu.memory_space<vmem>>, %arg3: memref<1024xf32, #tpu.memory_space<vmem>>, %arg4: memref<128xf32, #tpu.memory_space<vmem>>, %arg5: memref<1024x128xf32, #tpu.memory_space<vmem>>) attributes {dimension_semantics = [#tpu.dimension_semantics<arbitrary>], iteration_bounds = array<i64: 10>, scalar_prefetch = 0 : i64, scratch_operands = 0 : i64, tpu.core_type = #tpu.core_type<tc>, window_params = [{transform_indices = @transform_0, window_bounds = array<i64: 2, 1024, 128>}, {transform_indices = @transform_1, window_bounds = array<i64: 1024>}, {transform_indices = @transform_2, window_bounds = array<i64: 1024>}, {pipeline_mode = #tpu.pipeline_mode<synchronous>, transform_indices = @transform_3, window_bounds = array<i64: 128>}, {transform_indices = @transform_4, window_bounds = array<i64: 1024, 128>}]} {
    %get3A = arith.constant 0 : index
    %get3A_0 = arith.constant 0 : index
    %get3A_1 = arith.constant 0 : index
    %get3A_2 = vector.load %arg1[%get3A, %get3A_0, %get3A_1] : memref<2x1024x128xf32, #tpu.memory_space<vmem>>, vector<1x1024x128xf32>
    %get3A_3 = vector.shape_cast %get3A_2 : vector<1x1024x128xf32> to vector<1024x128xf32>
    %get3A_4 = arith.constant 1 : index
    %get3A_5 = arith.constant 0 : index
    %get3A_6 = arith.constant 0 : index
    %get3A_7 = vector.load %arg1[%get3A_4, %get3A_5, %get3A_6] : memref<2x1024x128xf32, #tpu.memory_space<vmem>>, vector<1x1024x128xf32>
    %get3A_8 = vector.shape_cast %get3A_7 : vector<1x1024x128xf32> to vector<1024x128xf32>
    %add3A = arith.addf %get3A_3, %get3A_8 : vector<1024x128xf32>
    %get3A_9 = arith.constant 0 : index
    %get3A_10 = vector.load %arg2[%get3A_9] : memref<1024xf32, #tpu.memory_space<vmem>>, vector<1024xf32>
    %broadcast_in_dim3A = vector.shape_cast %get3A_10 : vector<1024xf32> to vector<1024x1xf32>
    %mul3A = vector.broadcast %broadcast_in_dim3A : vector<1024x1xf32> to vector<1024x128xf32>
    %mul3A_11 = arith.mulf %add3A, %mul3A : vector<1024x128xf32>
    %get3A_12 = arith.constant 0 : index
    %get3A_13 = vector.load %arg4[%get3A_12] : memref<128xf32, #tpu.memory_space<vmem>>, vector<128xf32>
    %broadcast_in_dim3A_14 = vector.shape_cast %get3A_13 : vector<128xf32> to vector<1x128xf32>
    %add3A_15 = vector.broadcast %broadcast_in_dim3A_14 : vector<1x128xf32> to vector<1024x128xf32>
    %add3A_16 = arith.addf %mul3A_11, %add3A_15 : vector<1024x128xf32>
    %max3A = arith.constant 0.000000e+00 : f32
    %max3A_17 = vector.broadcast %max3A : f32 to vector<1024x128xf32>
    %max3A_18 = arith.maximumf %add3A_16, %max3A_17 : vector<1024x128xf32>
    %get3A_19 = arith.constant 0 : index
    %get3A_20 = vector.load %arg3[%get3A_19] : memref<1024xf32, #tpu.memory_space<vmem>>, vector<1024xf32>
    %broadcast_in_dim3A_21 = vector.shape_cast %get3A_20 : vector<1024xf32> to vector<1024x1xf32>
    %mul3A_22 = vector.broadcast %broadcast_in_dim3A_21 : vector<1024x1xf32> to vector<1024x128xf32>
    %mul3A_23 = arith.mulf %max3A_18, %mul3A_22 : vector<1024x128xf32>
    %swap3A = arith.constant 0 : index
    %swap3A_24 = arith.constant 0 : index
    %swap3A_25 = vector.load %arg5[%swap3A, %swap3A_24] : memref<1024x128xf32, #tpu.memory_space<vmem>>, vector<1024x128xf32>
    tpu.vector_store %arg5[%swap3A, %swap3A_24], %mul3A_23 {strides = array<i32>} : memref<1024x128xf32, #tpu.memory_space<vmem>>, vector<1024x128xf32>,
    return
  }
  func.func @transform_0(%arg0: i32) -> (i32, i32, i32) {
    %c0_i32 = arith.constant 0 : i32
    %c0_i32_0 = arith.constant 0 : i32
    %c0_i32_1 = arith.constant 0 : i32
    return %c0_i32, %arg0, %c0_i32_0 : i32, i32, i32
  }
  func.func @transform_1(%arg0: i32) -> i32 {
    %c0_i32 = arith.constant 0 : i32
    return %arg0 : i32
  }
  func.func @transform_2(%arg0: i32) -> i32 {
    %c0_i32 = arith.constant 0 : i32
    return %arg0 : i32
  }
  func.func @transform_3(%arg0: i32) -> i32 {
    %c0_i32 = arith.constant 0 : i32
    %c0_i32_0 = arith.constant 0 : i32
    return %c0_i32 : i32
  }
  func.func @transform_4(%arg0: i32) -> (i32, i32) {
    %c0_i32 = arith.constant 0 : i32
    %c0_i32_0 = arith.constant 0 : i32
    return %arg0, %c0_i32 : i32, i32
  }
}

module attributes {stable_mosaic.version = 14 : i64} {
  func.func @_mean_body(%arg0: i32, %arg1: memref<2x1024x128xf32, #tpu.memory_space<vmem>>, %arg2: memref<1024xf32, #tpu.memory_space<vmem>>, %arg3: memref<32xf32, #tpu.memory_space<vmem>>, %arg4: memref<128x32xf32, #tpu.memory_space<vmem>>, %arg5: memref<32xf32, #tpu.memory_space<vmem>>) attributes {dimension_semantics = [#tpu.dimension_semantics<arbitrary>], iteration_bounds = array<i64: 10>, scalar_prefetch = 0 : i64, scratch_operands = 0 : i64, tpu.core_type = #tpu.core_type<tc>, window_params = [{transform_indices = @transform_0, window_bounds = array<i64: 2, 1024, 128>}, {transform_indices = @transform_1, window_bounds = array<i64: 1024>}, {pipeline_mode = #tpu.pipeline_mode<synchronous>, transform_indices = @transform_2, window_bounds = array<i64: 32>}, {pipeline_mode = #tpu.pipeline_mode<synchronous>, transform_indices = @transform_3, window_bounds = array<i64: 128, 32>}, {pipeline_mode = #tpu.pipeline_mode<synchronous>, transform_indices = @transform_4, window_bounds = array<i64: 32>}]} {
    %eq3A = arith.constant 0 : i32
    %eq3A_0 = arith.cmpi eq, %arg0, %eq3A : i32
    %convert_element_type3A = arith.extui %eq3A_0 : i1 to i32
    %cond3A = arith.constant 0 : i32
    %cond3A_1 = arith.cmpi ne, %convert_element_type3A, %cond3A : i32
    scf.if %cond3A_1 {
      %broadcast_in_dim3A_44 = arith.constant 0.000000e+00 : f32
      %broadcast_in_dim3A_45 = vector.broadcast %broadcast_in_dim3A_44 : f32 to vector<32xf32>
      %swap3A_46 = arith.constant 0 : index
      %swap3A_47 = vector.load %arg5[%swap3A_46] : memref<32xf32, #tpu.memory_space<vmem>>, vector<32xf32>
      tpu.vector_store %arg5[%swap3A_46], %broadcast_in_dim3A_45 {strides = array<i32>} : memref<32xf32, #tpu.memory_space<vmem>>, vector<32xf32>,
    } else {
    }
    %get3A = arith.constant 0 : index
    %get3A_2 = arith.constant 0 : index
    %get3A_3 = arith.constant 0 : index
    %get3A_4 = vector.load %arg1[%get3A, %get3A_2, %get3A_3] : memref<2x1024x128xf32, #tpu.memory_space<vmem>>, vector<1x1024x128xf32>
    %get3A_5 = vector.shape_cast %get3A_4 : vector<1x1024x128xf32> to vector<1024x128xf32>
    %get3A_6 = arith.constant 1 : index
    %get3A_7 = arith.constant 0 : index
    %get3A_8 = arith.constant 0 : index
    %get3A_9 = vector.load %arg1[%get3A_6, %get3A_7, %get3A_8] : memref<2x1024x128xf32, #tpu.memory_space<vmem>>, vector<1x1024x128xf32>
    %get3A_10 = vector.shape_cast %get3A_9 : vector<1x1024x128xf32> to vector<1024x128xf32>
    %add3A = arith.addf %get3A_5, %get3A_10 : vector<1024x128xf32>
    %get3A_11 = arith.constant 0 : index
    %get3A_12 = vector.load %arg2[%get3A_11] : memref<1024xf32, #tpu.memory_space<vmem>>, vector<1024xf32>
    %broadcast_in_dim3A = vector.shape_cast %get3A_12 : vector<1024xf32> to vector<1024x1xf32>
    %mul3A = vector.broadcast %broadcast_in_dim3A : vector<1024x1xf32> to vector<1024x128xf32>
    %mul3A_13 = arith.mulf %add3A, %mul3A : vector<1024x128xf32>
    %get3A_14 = arith.constant 0 : index
    %get3A_15 = arith.constant 0 : index
    %get3A_16 = vector.load %arg4[%get3A_14, %get3A_15] : memref<128x32xf32, #tpu.memory_space<vmem>>, vector<128x32xf32>
    %dot_general3A = arith.constant dense<0.000000e+00> : vector<1024x32xf32>
    %dot_general3A_17 = tpu.matmul %mul3A_13, %get3A_16, %dot_general3A {dimension_numbers = #tpu.dot_dimension_numbers<[1], [0], [0], [1], [0, 0, 1, 1], [], []>, transpose_lhs_hint = false} : vector<1024x128xf32>, vector<128x32xf32>, vector<1024x32xf32> -> vector<1024x32xf32>
    %get3A_18 = arith.constant 0 : index
    %get3A_19 = vector.load %arg3[%get3A_18] : memref<32xf32, #tpu.memory_space<vmem>>, vector<32xf32>
    %broadcast_in_dim3A_20 = vector.shape_cast %get3A_19 : vector<32xf32> to vector<1x32xf32>
    %add3A_21 = vector.broadcast %broadcast_in_dim3A_20 : vector<1x32xf32> to vector<1024x32xf32>
    %add3A_22 = arith.addf %dot_general3A_17, %add3A_21 : vector<1024x32xf32>
    %max3A = arith.constant 0.000000e+00 : f32
    %max3A_23 = vector.broadcast %max3A : f32 to vector<1024x32xf32>
    %max3A_24 = arith.maximumf %add3A_22, %max3A_23 : vector<1024x32xf32>
    %iota3A = tpu.iota {dimensions = array<i32: 0>} : vector<1024x1xi32>
    %mul3A_25 = arith.constant 1024 : i32
    %mul3A_26 = arith.muli %arg0, %mul3A_25 : i32
    %add3A_27 = vector.broadcast %mul3A_26 : i32 to vector<1024x1xi32>
    %add3A_28 = arith.addi %iota3A, %add3A_27 : vector<1024x1xi32>
    %lt3A = arith.constant 10000 : i32
    %lt3A_29 = vector.broadcast %lt3A : i32 to vector<1024x1xi32>
    %lt3A_30 = arith.cmpi slt, %add3A_28, %lt3A_29 : vector<1024x1xi32>
    %jit3A = arith.constant 0.000000e+00 : f32
    %broadcast_in_dim3A_31 = vector.shape_cast %lt3A_30 : vector<1024x1xi1> to vector<1024x1xi1>
    %broadcast_in_dim3A_32 = vector.broadcast %broadcast_in_dim3A_31 : vector<1024x1xi1> to vector<1024x32xi1>
    %broadcast_in_dim3A_33 = vector.broadcast %jit3A : f32 to vector<1024x32xf32>
    %select_n3A = arith.select %broadcast_in_dim3A_32, %max3A_24, %broadcast_in_dim3A_33 : vector<1024x32xi1>, vector<1024x32xf32>
    %get3A_34 = arith.constant 0 : index
    %get3A_35 = vector.load %arg5[%get3A_34] : memref<32xf32, #tpu.memory_space<vmem>>, vector<32xf32>
    %reduce_sum3A = arith.constant dense<0.000000e+00> : vector<32xf32>
    %reduce_sum3A_36 = vector.multi_reduction <add>, %select_n3A, %reduce_sum3A [0] : vector<1024x32xf32> to vector<32xf32>
    %add3A_37 = arith.addf %get3A_35, %reduce_sum3A_36 : vector<32xf32>
    %swap3A = arith.constant 0 : index
    %swap3A_38 = vector.load %arg5[%swap3A] : memref<32xf32, #tpu.memory_space<vmem>>, vector<32xf32>
    tpu.vector_store %arg5[%swap3A], %add3A_37 {strides = array<i32>} : memref<32xf32, #tpu.memory_space<vmem>>, vector<32xf32>,
    %eq3A_39 = arith.constant 9 : i32
    %eq3A_40 = arith.cmpi eq, %arg0, %eq3A_39 : i32
    %convert_element_type3A_41 = arith.extui %eq3A_40 : i1 to i32
    %cond3A_42 = arith.constant 0 : i32
    %cond3A_43 = arith.cmpi ne, %convert_element_type3A_41, %cond3A_42 : i32
    scf.if %cond3A_43 {
      %get3A_44 = arith.constant 0 : index
      %get3A_45 = vector.load %arg5[%get3A_44] : memref<32xf32, #tpu.memory_space<vmem>>, vector<32xf32>
      %mul3A_46 = arith.constant 9.99999974E-5 : f32
      %mul3A_47 = vector.broadcast %mul3A_46 : f32 to vector<32xf32>
      %mul3A_48 = arith.mulf %get3A_45, %mul3A_47 : vector<32xf32>
      %swap3A_49 = arith.constant 0 : index
      %swap3A_50 = vector.load %arg5[%swap3A_49] : memref<32xf32, #tpu.memory_space<vmem>>, vector<32xf32>
      tpu.vector_store %arg5[%swap3A_49], %mul3A_48 {strides = array<i32>} : memref<32xf32, #tpu.memory_space<vmem>>, vector<32xf32>,
    } else {
    }
    return
  }
  func.func @transform_0(%arg0: i32) -> (i32, i32, i32) {
    %c0_i32 = arith.constant 0 : i32
    %c0_i32_0 = arith.constant 0 : i32
    %c0_i32_1 = arith.constant 0 : i32
    return %c0_i32, %arg0, %c0_i32_0 : i32, i32, i32
  }
  func.func @transform_1(%arg0: i32) -> i32 {
    %c0_i32 = arith.constant 0 : i32
    return %arg0 : i32
  }
  func.func @transform_2(%arg0: i32) -> i32 {
    %c0_i32 = arith.constant 0 : i32
    %c0_i32_0 = arith.constant 0 : i32
    return %c0_i32 : i32
  }
  func.func @transform_3(%arg0: i32) -> (i32, i32) {
    %c0_i32 = arith.constant 0 : i32
    %c0_i32_0 = arith.constant 0 : i32
    %c0_i32_1 = arith.constant 0 : i32
    return %c0_i32, %c0_i32_0 : i32, i32
  }
  func.func @transform_4(%arg0: i32) -> i32 {
    %c0_i32 = arith.constant 0 : i32
    %c0_i32_0 = arith.constant 0 : i32
    return %c0_i32 : i32
  }
}

</mosaic_0001>

<sc_bundles>
// kernel: kernel.11.cloned.1.call-start
scs
__scs_entry_jumppad:
0x0: {  	(pc) =	sbr.rel $0x88, $3  }
0x1: {  	(tag) =	ssettag $0x0;
	lr =	simm.s32 $0x1  }
0x2: {  	[smem:$0x3F9B] =	sst lr;
	_ =	strace $0xD0000000  }
0x3: {  	_ = 	snop  }
0x4: {  	_ = 	snop  }
0x5: {  	_ = 	snop  }
0x6: {  	_ = 	snop  }
0x7: {  	_ = 	snop  }
__scs_overlays_trampoline_lowered:
0x8: {  	[smem:$0x3FAA] =	sst s0  }
0x9: {  	[smem:$0x3FAB] =	sst s1  }
0xa: {  	[smem:$0x3FAC] =	sst s2  }
0xb: {  	[smem:$0x3FAD] =	sst s3  }
0xc: {  	[smem:$0x3FAE] =	sst s4  }
0xd: {  	[smem:$0x3FAF] =	sst s5  }
0xe: {  	[smem:$0x3FB0] =	sst s6  }
0xf: {  	[smem:$0x3FB1] =	sst s7  }
0x10: {  	[smem:$0x3FB2] =	sst s8  }
0x11: {  	[smem:$0x3FB3] =	sst s9;
	s0 =	simm.s32 @!p0 $0x0  }
0x12: {  	s1 =	sld [smem:$0x3F99];
	s0 =	simm.s32 @p0 $0x1  }
0x13: {  	[smem:$0x3FB4] =	sst s0;
	s0 =	simm.s32 @!p1 $0x0  }
0x14: {  	s2 =	sld [smem:$0x3F98];
	s0 =	simm.s32 @p1 $0x1  }
0x15: {  	[smem:$0x3FB5] =	sst s0;
	s0 =	simm.s32 @!p2 $0x0  }
0x16: {  	s3 =	sld [smem:$0x3FDB];
	s0 =	simm.s32 @p2 $0x1  }
0x17: {  	s4 =	simm.s32 $0x1BF5;
	[smem:$0x3FB7] =	sst s0  }
0x18: {  	s0 =	sld [smem:$0x3F9A];
	_ =	swait.ge [sflag:s4], $0x0  }
0x19: {  	s7 =	sld [smem:$0x3F9B]  }
0x1a: {  	s8 =	sadd.s32 $0xFFFFE003, lr  }
0x1b: {  	s9 =	sadd.s32 $0xFFFFFEF7, lr;
	s5 =	simm.s32 $0xFFFFFFFF;
	p2 =	slt.u32 s8, $0xFFFFF086  }
0x1c: {  	p1 =	slt.u32 s9, $0xF7A;
	s5 =	simm.s32 @!p2 $0x0  }
0x1d: {  	s5 =	simm.s32 @p1 $0x1;
	p0 =	seq.s32 s7, s2  }
0x1e: {  	s7 =	smul.u32 @!p0 $0xF7A, s2;
	p2 =	seq.s32 @!p0 s5, $0x0  }
0x1f: {  	s9 =	smul.u32 $0xF7A, s1;
	s8 =	simm.s32 @!p0 $0x1BF5;
	p2 =	por !p2, p0  }
0x20: {  	[sflag:s8] =	ssyncset.s32 @!p0 $0xFFFFF086;
	s6 =	sadd.s32 @!p0 s3, s7;
	s7 =	simm.s32 @!p0 $0x108  }
0x21: {  	s3 =	sadd.s32 s3, s9;
	s6 =	sadd.s32 @!p0 $0x88, s6;
	s7 =	simm.s32 @p2 $0x1082  }
0x22: {  	[simem:s7], [sflag:s8] =	dma.local @!p0 [hbm:s6], $0xF7A  }
0x23: {  	s9 =	sor.u32 $0xD0000000, s2;
	s6 =	simm.s32 $0x108;
	_ =	swait.ge @!p0 [sflag:s8], $0x0  }
0x24: {  	s3 =	sadd.s32 $0x88, s3;
	s6 =	simm.s32 @!p1 $0x1082;
	[sflag:s4] =	ssyncset.s32 $0xFFFFF086  }
0x25: {  	[simem:s6], [sflag:s4] =	dma.local [hbm:s3], $0xF7A  }
0x26: {  	[smem:$0x3F9B] =	sst s1;
	(tag) =	ssettag s2;
	_ =	strace s9  }
0x27: {  	s1 =	sld [smem:$0x3FAB]  }
0x28: {  	s2 =	sld [smem:$0x3FAC]  }
0x29: {  	s4 =	sld [smem:$0x3FAE]  }
0x2a: {  	p0 =	seq.s32 s5, $0x0;
	s5 =	sld [smem:$0x3FAF]  }
0x2b: {  	s6 =	sld [smem:$0x3FB0]  }
0x2c: {  	s7 =	sld [smem:$0x3FB1]  }
0x2d: {  	s3 =	simm.s32 $0x108;
	s8 =	sld [smem:$0x3FB2]  }
0x2e: {  	s3 =	simm.s32 @!p0 $0x1082;
	s9 =	sld [smem:$0x3FB3]  }
0x2f: {  	lr =	sadd.s32 s0, s3;
	s0 =	sld [smem:$0x3FAA]  }
0x30: {  	s3 =	sld [smem:$0x3FAD]  }
0x31: {  	[smem:$0x3FB6] =	sst s10  }
0x32: {  	s10 =	sld [smem:$0x3FB4];
	_ =	sdelay $0x3  }
0x33: {  	p0 =	seq.s32 s10, $0x1;
	s10 =	sld [smem:$0x3FB6];
	_ =	sdelay $0x3  }
0x34: {  	[smem:$0x3FB6] =	sst s10  }
0x35: {  	s10 =	sld [smem:$0x3FB5];
	_ =	sdelay $0x3  }
0x36: {  	p1 =	seq.s32 s10, $0x1;
	s10 =	sld [smem:$0x3FB6];
	_ =	sdelay $0x3  }
0x37: {  	[smem:$0x3FB6] =	sst s10  }
0x38: {  	s10 =	sld [smem:$0x3FB7]  }
0x39: {  	_ = 	snop;
	(pc) =	sbr.ind lr, $3  }
0x3a: {  	_ = 	snop  }
0x3b: {  	_ = 	snop  }
0x3c: {  	p2 =	seq.s32 s10, $0x1;
	s10 =	sld [smem:$0x3FB6]  }
0x3d: {  	_ =	shalt  }
0x3e: {  	_ =	shalt  }
0x3f: {  	_ =	shalt  }
0x40: {  	_ =	shalt  }
0x41: {  	_ =	shalt  }
0x42: {  	_ =	shalt  }
0x43: {  	_ =	shalt  }
0x44: {  	_ =	shalt  }
0x45: {  	_ =	shalt  }
0x46: {  	_ =	shalt  }
0x47: {  	_ =	shalt  }
0x48: {  	_ =	shalt  }
0x49: {  	_ =	shalt  }
0x4a: {  	_ =	shalt  }
0x4b: {  	_ =	shalt  }
0x4c: {  	_ =	shalt  }
0x4d: {  	_ =	shalt  }
0x4e: {  	_ =	shalt  }
0x4f: {  	_ =	shalt  }
0x50: {  	_ =	shalt  }
0x51: {  	_ =	shalt  }
0x52: {  	_ =	shalt  }
0x53: {  	_ =	shalt  }
0x54: {  	_ =	shalt  }
0x55: {  	_ =	shalt  }
0x56: {  	_ =	shalt  }
0x57: {  	_ =	shalt  }
0x58: {  	_ =	shalt  }
0x59: {  	_ =	shalt  }
0x5a: {  	_ =	shalt  }
0x5b: {  	_ =	shalt  }
0x5c: {  	_ =	shalt  }
0x5d: {  	_ =	shalt  }
0x5e: {  	_ =	shalt  }
0x5f: {  	_ =	shalt  }
0x60: {  	_ =	shalt  }
0x61: {  	_ =	shalt  }
0x62: {  	_ =	shalt  }
0x63: {  	_ =	shalt  }
0x64: {  	_ =	shalt  }
0x65: {  	_ =	shalt  }
0x66: {  	_ =	shalt  }
0x67: {  	_ =	shalt  }
0x68: {  	_ =	shalt  }
0x69: {  	_ =	shalt  }
0x6a: {  	_ =	shalt  }
0x6b: {  	_ =	shalt  }
0x6c: {  	_ =	shalt  }
0x6d: {  	_ =	shalt  }
0x6e: {  	_ =	shalt  }
0x6f: {  	_ =	shalt  }
0x70: {  	_ =	shalt  }
0x71: {  	_ =	shalt  }
0x72: {  	_ =	shalt  }
0x73: {  	_ =	shalt  }
0x74: {  	_ =	shalt  }
0x75: {  	_ =	shalt  }
0x76: {  	_ =	shalt  }
0x77: {  	_ =	shalt  }
0x78: {  	_ =	shalt  }
0x79: {  	_ =	shalt  }
0x7a: {  	_ =	shalt  }
0x7b: {  	_ =	shalt  }
0x7c: {  	_ =	shalt  }
0x7d: {  	_ =	shalt  }
0x7e: {  	_ =	shalt  }
0x7f: {  	_ =	shalt  }
0x80: {  	_ =	shalt  }
0x81: {  	_ =	shalt  }
0x82: {  	_ =	shalt  }
0x83: {  	_ =	shalt  }
0x84: {  	_ =	shalt  }
0x85: {  	_ =	shalt  }
0x86: {  	_ =	shalt  }
0x87: {  	_ =	shalt  }
.Lfunc_end0:
.L_simem_size_0:
called_computation.1_lowered:
.L_overlay_start_0:
0x88: {  	s2 =	sld [smem:$0x3FD9]  }
0x89: {  	s3 =	sld [smem:$0x3FFE];
	_ =	sdelay $0x1  }
0x8a: {  	s1 =	srdreg.scid  }
0x8b: {  	s0 =	sand.u32 $0x1, s1  }
0x8c: {  	s16 =	sshll.u32 s0, $0xA;
	s2 =	sadd.s32 s3, s2  }
0x8d: {  	s2 =	sadd.s32 s2, s16  }
0x8e: {  	[smem:$0x3FC2] =	sst s2  }
0x8f: {  	_ = 	snop  }
0x90: {  	(tm) =	ssettm $0x1  }
0x91: {  	s17 =	sld [smem:$0x3FFB];
	_ =	sdelay $0x3  }
0x92: {  	_ =	strace s17  }
0x93: {  	s2 =	sld [smem:$0x3FFC];
	_ =	sdelay $0x3  }
0x94: {  	_ =	strace s2  }
0x95: {  	s2 =	sld [smem:$0x3FFD];
	_ =	sdelay $0x3  }
0x96: {  	_ =	strace s2  }
0x97: {  	_ =	strace $0x8FFFFFFF  }
0x98: {  	s18 =	sld [smem:$0x3FDB];
	_ =	sdelay $0x1  }
0x99: {  	s19 =	simm.s32 $_scs_section_size  }
0x9a: {  	s4 =	simm.s32 $_size__tile_overlayer_lowered;
	s5 =	simm.s32 $_tile_overlayer_lowered  }
0x9b: {  	s22 =	simm.s32 $0x1BFF;
	s21 =	sshll.u32 s5, $0x1;
	s2 =	sadd.s32 s19, s18  }
0x9c: {  	s6 =	simm.s32 $0x0;
	s20 =	sshll.u32 s4, $0x1;
	s4 =	sadd.s32 s21, s2  }
0x9d: {  	[timem:s6], [sflag:s22] =	dma.local [hbm:s4], s20  }
0x9e: {  	_ =	swait.ge [sflag:s22], s20  }
0x9f: {  	s3 =	ssub.s32 $0x0, s20;
	[sflag:s22] =	ssyncset.done $0x0  }
0xa0: {  	[sflag:s22] =	ssyncadd.s32 s3;
	_ =	sdelay $0x1  }
0xa1: {  	s23 =	simm.s32 $0x1B8B  }
0xa2: {  	_ =	swait.ge [sflag:s23], $0x1  }
0xa3: {  	[sflag:s23] =	ssyncset.done $0x0  }
0xa4: {  	s25 =	simm.s32 $0x1B8E;
	s24 =	sld [smem:$0x3FFE];
	[sflag:s23] =	ssyncadd.s32 $0xFFFFFFFF  }
0xa5: {  	s26 =	simm.s32 $execute0_lowered;
	[smem:$0x3FD2] =	sst s25  }
0xa6: {  	s4 =	sshll.u32 s26, $0x1;
	_ =	strace $0x80000049;
	[dreg:$0x1] =	wrdreg $0xFFFFFFFF  }
0xa7: {  	s28 =	simm.s32 $_size_execute0_lowered;
	s2 =	sadd.s32 s2, s4;
	[dreg:$0x0] =	wrdreg $0x0  }
0xa8: {  	s4 =	sshll.u32 s28, $0x1;
	[dreg:$0x2] =	wrdreg s2  }
0xa9: {  	[dreg:$0x3] =	wrdreg s4  }
0xaa: {  	[dreg:$0x4] =	wrdreg $0xC0  }
0xab: {  	_ =	task [dreg:s6], $0x5FFFF  }
0xac: {  	[dreg:$0x1] =	wrdreg $0xFFFFFFFF  }
0xad: {  	[dreg:$0x0] =	wrdreg $0x60  }
0xae: {  	[dreg:$0x2] =	wrdreg s24  }
0xaf: {  	[dreg:$0x3] =	wrdreg $0xBF000  }
0xb0: {  	[dreg:$0x4] =	wrdreg $0x9  }
0xb1: {  	_ =	task.clear_ibuf [dreg:s6], $0x5FFFF;
	_ =	strace $0x90000049  }
0xb2: {  	s29 =	simm.s32 $0x9;
	_ =	strace $0x8000004B  }
0xb3: {  	_ =	swait.ge [sflag:s29], $0x1  }
0xb4: {  	[sflag:s29] =	ssyncadd.s32 $0xFFFFFFFF  }
0xb5: {  	_ =	strace $0x9000004B  }
0xb6: {  	_ =	sfence  }
0xb7: {  	s30 =	sld [smem:$0x0];
	_ =	sdelay $0x2  }
0xb8: {  	s31 =	sshll.u32 s1, $0xD;
	s1 =	sshrl.u32 s1, $0x2  }
0xb9: {  	s3 =	sand.u32 $0x4000, s31;
	s1 =	sadd.s32 s1, s30  }
0xba: {  	s0 =	sor.u32 s3, s0;
	s1 =	sshll.u32 s1, $0x11  }
0xbb: {  	s0 =	sor.u32 s1, s0  }
0xbc: {  	s0 =	sadd.s32 $0x8F2B, s0  }
0xbd: {  	[sflag:s0] =	ssyncadd.remote.s32 $0x1  }
0xbe: {  	_ =	sfence.sel $0xFFFF  }
0xbf: {  	[dreg:$0x0] =	wrdreg $0xFFFFFFFF;
	(pc) =	sbr.abs _section_cstart, $3  }
0xc0: {  	[dreg:$0x1] =	wrdreg $0xFFFFFFFF  }
0xc1: {  	_ =	task.clear_ibuf [dreg:s6], $0x2FFFF;
	_ =	strace $0x9FFFFFFF  }
0xc2: {  	(tm) =	ssettm $0x7FFFFFFF  }
0xc3: {  	_ =	shalt  }
tec
execute0_lowered:
.L_overlay_start_1:
0x0: {  	(tag) =	ssettag $0x1  }
0x1: {  	s0 =	rddreg [dreg:$0x0]  }
0x2: {  	s1 =	rddreg [dreg:$0x1]  }
0x3: {  	s3 =	srdreg.scid;
	s16 =	stileid.u32  }
0x4: {  	s2 =	simm.s32 $0x0;
	s29 =	simm.s32 $0x9F00;
	s30 =	simm.s32 $0x1  }
0x5: {  	s31 =	simm.s32 $0x2;
	s3 =	sand.u32 $0x1, s3;
	s4 =	sshll.u32 s16, $0x1  }
0x6: {  	s6 =	smul.u32 $0x14000, s16;
	[smem:$0x7FF] =	sst s2;
	s8 =	sadd.s32 $0x3DC00, s0  }
0x7: {  	s4 =	sor.u32 s3, s4;
	s5 =	ssub.s32 $0x2, s3;
	s3 =	smul.u32 $0x140000, s3  }
0x8: {  	s4 =	smul.u32 $0x4E2, s4;
	s7 =	sshrl.u32 s5, $0x1;
	s9 =	sadd.s32 $0x4000, s6  }
0x9: {  	s10 =	sadd.s32 $0x6000, s6;
	s11 =	sadd.s32 $0x8000, s6;
	s12 =	sadd.s32 $0xA000, s6  }
0xa: {  	s13 =	sadd.s32 $0xC000, s6;
	s22 =	sadd.s32 $0xE000, s6;
	s23 =	sadd.s32 $0x10000, s6  }
0xb: {  	s5 =	ssub.s32 s5, s7;
	s7 =	sor.u32 $0x2000, s6;
	s14 =	sadd.s32 s6, s3  }
0xc: {  	s6 =	sadd.s32 $0x12000, s6;
	s21 =	sadd.s32 s3, s9;
	s25 =	sadd.s32 s3, s10  }
0xd: {  	s28 =	sadd.s32 s3, s11;
	s17 =	sadd.s32 s3, s12;
	s19 =	sadd.s32 s3, s13  }
0xe: {  	s14 =	sshrl.u32 s14, $0x3;
	s15 =	sadd.s32 s3, s7;
	s24 =	sshrl.u32 s21, $0x3  }
0xf: {  	s26 =	sshrl.u32 s25, $0x3;
	s18 =	sshrl.u32 s17, $0x3;
	s21 =	sadd.s32 s3, s22  }
0x10: {  	s25 =	sadd.s32 s3, s23;
	s3 =	sadd.s32 s3, s6;
	s17 =	sadd.s32 s9, s1  }
0x11: {  	s22 =	sadd.s32 s22, s1;
	s23 =	sadd.s32 s23, s1;
	s9 =	simm.s32 $0x5  }
0x12: {  	s14 =	sadd.s32 s8, s14;
	s20 =	sshrl.u32 s15, $0x3;
	s15 =	sshrl.u32 s28, $0x3  }
0x13: {  	s3 =	sshrl.u32 s3, $0x3;
	s28 =	smul.u32 $0x50000, s16;
	s16 =	sadd.s32 s4, s0  }
0x14: {  	s4 =	simm.s32 $0x4F00;
	[dreg:$0x3] =	wrdreg s14;
	s14 =	sadd.s32 s8, s20  }
0x15: {  	s20 =	sshrl.u32 s19, $0x3;
	s3 =	sadd.s32 s8, s3;
	s19 =	sadd.s32 s11, s1  }
0x16: {  	s11 =	simm.s32 $0x4;
	[dreg:$0x4] =	wrdreg s14;
	s14 =	sadd.s32 s8, s24  }
0x17: {  	s24 =	sshrl.u32 s21, $0x3;
	[dreg:$0xc] =	wrdreg s3;
	s21 =	sshrl.u32 s28, $0x2  }
0x18: {  	s28 =	smax.u32 s5, $0x1;
	s3 =	simm.s32 $0x28;
	s5 =	simm.s32 $0x6300  }
0x19: {  	[dreg:$0x5] =	wrdreg s14;
	s14 =	sadd.s32 s8, s26;
	s26 =	sshrl.u32 s25, $0x3  }
0x1a: {  	s25 =	sadd.s32 $0xBE00, s16;
	[dreg:$0x6] =	wrdreg s14;
	s14 =	sadd.s32 s8, s15  }
0x1b: {  	s15 =	sadd.s32 s21, s1;
	[dreg:$0x7] =	wrdreg s14;
	s14 =	sadd.s32 s8, s18  }
0x1c: {  	s21 =	sadd.s32 s13, s1;
	[dreg:$0x8] =	wrdreg s14;
	s14 =	sadd.s32 s8, s20  }
0x1d: {  	s13 =	simm.s32 $0x7;
	[dreg:$0x9] =	wrdreg s14;
	s14 =	sadd.s32 s8, s24  }
0x1e: {  	s18 =	sadd.s32 s10, s1;
	[dreg:$0xa] =	wrdreg s14;
	s14 =	sadd.s32 s8, s26  }
0x1f: {  	s10 =	simm.s32 $0x9;
	s24 =	sadd.s32 s7, s1;
	[dreg:$0xb] =	wrdreg s14  }
0x20: {  	s20 =	sadd.s32 s12, s1;
	_ =	strace $0x8000004A;
	[dreg:$0xd] =	wrdreg s24  }
0x21: {  	s12 =	simm.s32 $0x6;
	s26 =	sadd.s32 $0x2000, s16;
	[dreg:$0xe] =	wrdreg s25  }
0x22: {  	s7 =	simm.s32 $0x8B00;
	s8 =	simm.s32 $0x3;
	[dreg:$0xf] =	wrdreg s26  }
0x23: {  	s14 =	sadd.s32 $0x15C00, s0;
	s24 =	sadd.s32 s6, s1;
	[dreg:$0x10] =	wrdreg s28  }
0x24: {  	v0 =	vimm.f32 $0.0e+00;
	s6 =	simm.s32 $0x7700;
	s25 =	simm.s32 $0x8;
	s26 =	simm.s32 $0x0  }
.LBB2_1:
0x25: {  	s0 =	simm.s32 $0x0;
	s28 =	simm.s32 $0x200  }
.LBB2_2:
0x26: {  	p0 =	sne.s32 s28, $0x7E00;
	[tilespmem:s0+$0x9F70] =	vst v0  }
0x27: {  	[tilespmem:s0+$0x9F00] =	vst v0  }
0x28: {  	[tilespmem:s0+$0x9F10] =	vst v0  }
.Ltmp0:
0x29: {  	[tilespmem:s0+$0x9F20] =	vst v0;
	(pc) =	sbr.rel @p0 .LBB2_2-.Ltmp0, $4  }
0x2a: {  	[tilespmem:s0+$0x9F30] =	vst v0  }
0x2b: {  	[tilespmem:s0+$0x9F40] =	vst v0  }
0x2c: {  	[tilespmem:s0+$0x9F50] =	vst v0  }
0x2d: {  	[tilespmem:s0+$0x9F60] =	vst v0;
	s0 =	sshra.s32 s28, $0x2;
	s28 =	sadd.s32 $0x200, s28  }
0x2e: {  	[tilespmem:s0+$0x9F70] =	vst v0  }
0x2f: {  	[tilespmem:s0+$0x9F00] =	vst v0  }
0x30: {  	[tilespmem:s0+$0x9F10] =	vst v0  }
0x31: {  	[tilespmem:s0+$0x9F20] =	vst v0  }
0x32: {  	[tilespmem:s0+$0x9F30] =	vst v0  }
0x33: {  	[tilespmem:s0+$0x9F40] =	vst v0  }
0x34: {  	[tilespmem:s0+$0x9F50] =	vst v0  }
0x35: {  	[tilespmem:s0+$0x9F60] =	vst v0  }
0x36: {  	[spmem:s15] =	stream.linear.scatter [tilespmem:s29], [sflag:$0x1], $0x2000, $0x38;
	[tilespmem:$0x1FF00] =	vst v63  }
0x37: {  	s16 =	smov.u32 s15;
	s15 =	rddreg [dreg:$0xd]  }
0x38: {  	[spmem:s15] =	stream.linear.scatter [tilespmem:s29], [sflag:$0x2], $0x2000, $0x38;
	[tilespmem:$0x1FF00] =	vst v63  }
0x39: {  	_ =	swait.ge [sflag:s30], $0x2000  }
0x3a: {  	[sflag:s30] =	ssyncset.done $0x0  }
0x3b: {  	[sflag:s30] =	ssyncadd.s32 $0xFFFFE000  }
0x3c: {  	[spmem:s17] =	stream.linear.scatter [tilespmem:s29], [sflag:$0x1], $0x2000, $0x38;
	[tilespmem:$0x1FF00] =	vst v63  }
0x3d: {  	_ =	swait.ge [sflag:s31], $0x2000  }
0x3e: {  	[sflag:s31] =	ssyncset.done $0x0  }
0x3f: {  	[sflag:s31] =	ssyncadd.s32 $0xFFFFE000  }
0x40: {  	[spmem:s18] =	stream.linear.scatter [tilespmem:s29], [sflag:$0x2], $0x2000, $0x38;
	[tilespmem:$0x1FF00] =	vst v63  }
0x41: {  	_ =	swait.ge [sflag:s30], $0x2000  }
0x42: {  	[sflag:s30] =	ssyncset.done $0x0  }
0x43: {  	[sflag:s30] =	ssyncadd.s32 $0xFFFFE000  }
0x44: {  	[spmem:s19] =	stream.linear.scatter [tilespmem:s29], [sflag:$0x1], $0x2000, $0x38;
	[tilespmem:$0x1FF00] =	vst v63  }
0x45: {  	_ =	swait.ge [sflag:s31], $0x2000  }
0x46: {  	[sflag:s31] =	ssyncset.done $0x0  }
0x47: {  	[sflag:s31] =	ssyncadd.s32 $0xFFFFE000  }
0x48: {  	[spmem:s20] =	stream.linear.scatter [tilespmem:s29], [sflag:$0x2], $0x2000, $0x38;
	[tilespmem:$0x1FF00] =	vst v63  }
0x49: {  	_ =	swait.ge [sflag:s30], $0x2000  }
0x4a: {  	[sflag:s30] =	ssyncset.done $0x0  }
0x4b: {  	[sflag:s30] =	ssyncadd.s32 $0xFFFFE000  }
0x4c: {  	[spmem:s21] =	stream.linear.scatter [tilespmem:s29], [sflag:$0x1], $0x2000, $0x38;
	[tilespmem:$0x1FF00] =	vst v63  }
0x4d: {  	_ =	swait.ge [sflag:s31], $0x2000  }
0x4e: {  	[sflag:s31] =	ssyncset.done $0x0  }
0x4f: {  	[sflag:s31] =	ssyncadd.s32 $0xFFFFE000  }
0x50: {  	[spmem:s22] =	stream.linear.scatter [tilespmem:s29], [sflag:$0x2], $0x2000, $0x38;
	[tilespmem:$0x1FF00] =	vst v63  }
0x51: {  	_ =	swait.ge [sflag:s30], $0x2000  }
0x52: {  	[sflag:s30] =	ssyncset.done $0x0  }
0x53: {  	[sflag:s30] =	ssyncadd.s32 $0xFFFFE000  }
0x54: {  	[spmem:s23] =	stream.linear.scatter [tilespmem:s29], [sflag:$0x1], $0x2000, $0x38;
	[tilespmem:$0x1FF00] =	vst v63  }
0x55: {  	_ =	swait.ge [sflag:s31], $0x2000  }
0x56: {  	[sflag:s31] =	ssyncset.done $0x0  }
0x57: {  	[sflag:s31] =	ssyncadd.s32 $0xFFFFE000  }
0x58: {  	[spmem:s24] =	stream.linear.scatter [tilespmem:s29], [sflag:$0x2], $0x2000, $0x38;
	[tilespmem:$0x1FF00] =	vst v63  }
0x59: {  	_ =	swait.ge [sflag:s30], $0x2000  }
0x5a: {  	[sflag:s30] =	ssyncset.done $0x0  }
0x5b: {  	[sflag:s30] =	ssyncadd.s32 $0xFFFFE000  }
0x5c: {  	_ =	swait.ge [sflag:s31], $0x2000  }
0x5d: {  	[sflag:s31] =	ssyncset.done $0x0  }
0x5e: {  	s0 =	simm.s32 $0x0;
	s15 =	rddreg [dreg:$0xe];
	[sflag:s31] =	ssyncadd.s32 $0xFFFFE000  }
0x5f: {  	[tilespmem:s0], [sflag:$0x9] =	stream.linear.gather [hbm4b:s15+s0], $0x2710, $0x38;
	[tilespmem:$0x1FF00] =	vst v63  }
0x60: {  	_ =	swait.ge [sflag:s10], $0x2710  }
0x61: {  	[sflag:s10] =	ssyncset.done $0x0  }
0x62: {  	s28 =	simm.s32 $0x2780;
	s15 =	rddreg [dreg:$0xf];
	[sflag:s10] =	ssyncadd.s32 $0xFFFFD8F0  }
0x63: {  	[tilespmem:s28], [sflag:$0x9] =	stream.linear.gather [hbm4b:s15+s0], $0x2710, $0x38;
	[tilespmem:$0x1FF00] =	vst v63  }
0x64: {  	_ =	swait.ge [sflag:s10], $0x2710  }
0x65: {  	[sflag:s10] =	ssyncset.done $0x0  }
0x66: {  	[sflag:s10] =	ssyncadd.s32 $0xFFFFD8F0  }
0x67: {  	[bflag:$0x0] =	sbarrier.arrive $0xFFFF  }
0x68: {  	[tilespmem:s4], [sflag:$0x1] =	stream.indirect.gather [hbm4b:s14+s3], $0x80, s0, s3, $0xb8;
	[tilespmem:$0x1FF00] =	vst v63  }
0x69: {  	_ = 	snop  }
0x6a: {  	[tilespmem:s5], [sflag:$0x2] =	stream.indirect.gather [hbm4b:s14+s3], $0x80, s3, s3, $0xb8;
	[tilespmem:$0x1FF00] =	vst v63  }
0x6b: {  	_ =	swait.ge [sflag:s30], $0x1400  }
0x6c: {  	[sflag:s30] =	ssyncset.done $0x0  }
0x6d: {  	[sflag:s30] =	ssyncadd.s32 $0xFFFFEC00  }
0x6e: {  	[spmem:s1] =	stream.indirect.scatter.add.f32 [tilespmem:s4], [sflag:$0x5], $0x80, s28, s3, $0xb8;
	[tilespmem:$0x1FF00] =	vst v63  }
0x6f: {  	s15 =	simm.s32 $0x50  }
0x70: {  	[tilespmem:s6], [sflag:$0x3] =	stream.indirect.gather [hbm4b:s14+s3], $0x80, s15, s3, $0xb8;
	[tilespmem:$0x1FF00] =	vst v63  }
0x71: {  	_ =	swait.ge [sflag:s31], $0x1400  }
0x72: {  	[sflag:s31] =	ssyncset.done $0x0  }
0x73: {  	s15 =	simm.s32 $0x27A8;
	[sflag:s31] =	ssyncadd.s32 $0xFFFFEC00  }
0x74: {  	[spmem:s1] =	stream.indirect.scatter.add.f32 [tilespmem:s5], [sflag:$0x6], $0x80, s15, s3, $0xb8;
	[tilespmem:$0x1FF00] =	vst v63  }
0x75: {  	s15 =	simm.s32 $0x78  }
0x76: {  	[tilespmem:s7], [sflag:$0x4] =	stream.indirect.gather [hbm4b:s14+s3], $0x80, s15, s3, $0xb8;
	[tilespmem:$0x1FF00] =	vst v63  }
0x77: {  	_ =	swait.ge [sflag:s8], $0x1400  }
0x78: {  	[sflag:s8] =	ssyncset.done $0x0  }
0x79: {  	s15 =	simm.s32 $0x27D0;
	[sflag:s8] =	ssyncadd.s32 $0xFFFFEC00  }
0x7a: {  	[spmem:s1] =	stream.indirect.scatter.add.f32 [tilespmem:s6], [sflag:$0x7], $0x80, s15, s3, $0xb8;
	[tilespmem:$0x1FF00] =	vst v63  }
0x7b: {  	_ =	swait.ge [sflag:s9], $0x1400  }
0x7c: {  	[sflag:s9] =	ssyncset.done $0x0  }
0x7d: {  	s15 =	simm.s32 $0xA0;
	[sflag:s9] =	ssyncadd.s32 $0xFFFFEC00  }
0x7e: {  	[tilespmem:s4], [sflag:$0x1] =	stream.indirect.gather [hbm4b:s14+s3], $0x80, s15, s3, $0xb8;
	[tilespmem:$0x1FF00] =	vst v63  }
0x7f: {  	_ =	swait.ge [sflag:s11], $0x1400  }
0x80: {  	[sflag:s11] =	ssyncset.done $0x0  }
0x81: {  	s15 =	simm.s32 $0x27F8;
	[sflag:s11] =	ssyncadd.s32 $0xFFFFEC00  }
0x82: {  	[spmem:s1] =	stream.indirect.scatter.add.f32 [tilespmem:s7], [sflag:$0x8], $0x80, s15, s3, $0xb8;
	[tilespmem:$0x1FF00] =	vst v63  }
0x83: {  	_ =	swait.ge [sflag:s12], $0x1400  }
0x84: {  	[sflag:s12] =	ssyncset.done $0x0  }
0x85: {  	s15 =	simm.s32 $0xC8;
	[sflag:s12] =	ssyncadd.s32 $0xFFFFEC00  }
0x86: {  	[tilespmem:s5], [sflag:$0x2] =	stream.indirect.gather [hbm4b:s14+s3], $0x80, s15, s3, $0xb8;
	[tilespmem:$0x1FF00] =	vst v63  }
0x87: {  	_ =	swait.ge [sflag:s30], $0x1400  }
0x88: {  	[sflag:s30] =	ssyncset.done $0x0  }
0x89: {  	s15 =	simm.s32 $0x2820;
	[sflag:s30] =	ssyncadd.s32 $0xFFFFEC00  }
0x8a: {  	[spmem:s1] =	stream.indirect.scatter.add.f32 [tilespmem:s4], [sflag:$0x5], $0x80, s15, s3, $0xb8;
	[tilespmem:$0x1FF00] =	vst v63  }
0x8b: {  	_ =	swait.ge [sflag:s13], $0x1400  }
0x8c: {  	[sflag:s13] =	ssyncset.done $0x0  }
0x8d: {  	s15 =	simm.s32 $0xF0;
	[sflag:s13] =	ssyncadd.s32 $0xFFFFEC00  }
0x8e: {  	[tilespmem:s6], [sflag:$0x3] =	stream.indirect.gather [hbm4b:s14+s3], $0x80, s15, s3, $0xb8;
	[tilespmem:$0x1FF00] =	vst v63  }
0x8f: {  	_ =	swait.ge [sflag:s31], $0x1400  }
0x90: {  	[sflag:s31] =	ssyncset.done $0x0  }
0x91: {  	s15 =	simm.s32 $0x2848;
	[sflag:s31] =	ssyncadd.s32 $0xFFFFEC00  }
0x92: {  	[spmem:s1] =	stream.indirect.scatter.add.f32 [tilespmem:s5], [sflag:$0x6], $0x80, s15, s3, $0xb8;
	[tilespmem:$0x1FF00] =	vst v63  }
0x93: {  	_ =	swait.ge [sflag:s25], $0x1400  }
0x94: {  	[sflag:s25] =	ssyncset.done $0x0  }
0x95: {  	s15 =	simm.s32 $0x118;
	[sflag:s25] =	ssyncadd.s32 $0xFFFFEC00  }
0x96: {  	[tilespmem:s7], [sflag:$0x4] =	stream.indirect.gather [hbm4b:s14+s3], $0x80, s15, s3, $0xb8;
	[tilespmem:$0x1FF00] =	vst v63  }
0x97: {  	_ =	swait.ge [sflag:s8], $0x1400  }
0x98: {  	[sflag:s8] =	ssyncset.done $0x0  }
0x99: {  	s15 =	simm.s32 $0x2870;
	[sflag:s8] =	ssyncadd.s32 $0xFFFFEC00  }
0x9a: {  	[spmem:s1] =	stream.indirect.scatter.add.f32 [tilespmem:s6], [sflag:$0x7], $0x80, s15, s3, $0xb8;
	[tilespmem:$0x1FF00] =	vst v63  }
0x9b: {  	_ =	swait.ge [sflag:s9], $0x1400  }
0x9c: {  	[sflag:s9] =	ssyncset.done $0x0  }
0x9d: {  	s15 =	simm.s32 $0x140;
	[sflag:s9] =	ssyncadd.s32 $0xFFFFEC00  }
0x9e: {  	[tilespmem:s4], [sflag:$0x1] =	stream.indirect.gather [hbm4b:s14+s3], $0x80, s15, s3, $0xb8;
	[tilespmem:$0x1FF00] =	vst v63  }
0x9f: {  	_ =	swait.ge [sflag:s11], $0x1400  }
0xa0: {  	[sflag:s11] =	ssyncset.done $0x0  }
0xa1: {  	s15 =	simm.s32 $0x2898;
	[sflag:s11] =	ssyncadd.s32 $0xFFFFEC00  }
0xa2: {  	[spmem:s1] =	stream.indirect.scatter.add.f32 [tilespmem:s7], [sflag:$0x8], $0x80, s15, s3, $0xb8;
	[tilespmem:$0x1FF00] =	vst v63  }
0xa3: {  	_ =	swait.ge [sflag:s12], $0x1400  }
0xa4: {  	[sflag:s12] =	ssyncset.done $0x0  }
0xa5: {  	s0 =	simm.s32 $0x280;
	s28 =	simm.s32 $0x168;
	[sflag:s12] =	ssyncadd.s32 $0xFFFFEC00  }
.LBB2_4:
0xa6: {  	[tilespmem:s5], [sflag:$0x2] =	stream.indirect.gather [hbm4b:s14+s3], $0x80, s28, s3, $0xb8;
	[tilespmem:$0x1FF00] =	vst v63  }
0xa7: {  	s28 =	smov.u32 s0  }
0xa8: {  	p0 =	sne.s32 s0, $0x9600;
	s0 =	sadd.s32 $0x280, s0;
	_ =	swait.ge [sflag:s30], $0x1400  }
0xa9: {  	s28 =	sshra.s32 s28, $0x2;
	[sflag:s30] =	ssyncset.done $0x0  }
0xaa: {  	s15 =	sadd.s32 $0x2820, s28;
	[sflag:s30] =	ssyncadd.s32 $0xFFFFEC00  }
0xab: {  	[spmem:s1] =	stream.indirect.scatter.add.f32 [tilespmem:s4], [sflag:$0x5], $0x80, s15, s3, $0xb8;
	[tilespmem:$0x1FF00] =	vst v63  }
0xac: {  	_ =	swait.ge [sflag:s13], $0x1400  }
0xad: {  	[sflag:s13] =	ssyncset.done $0x0  }
0xae: {  	s15 =	sadd.s32 $0xF0, s28;
	[sflag:s13] =	ssyncadd.s32 $0xFFFFEC00  }
0xaf: {  	[tilespmem:s6], [sflag:$0x3] =	stream.indirect.gather [hbm4b:s14+s3], $0x80, s15, s3, $0xb8;
	[tilespmem:$0x1FF00] =	vst v63  }
0xb0: {  	_ =	swait.ge [sflag:s31], $0x1400  }
0xb1: {  	[sflag:s31] =	ssyncset.done $0x0  }
0xb2: {  	s15 =	sadd.s32 $0x2848, s28;
	[sflag:s31] =	ssyncadd.s32 $0xFFFFEC00  }
0xb3: {  	[spmem:s1] =	stream.indirect.scatter.add.f32 [tilespmem:s5], [sflag:$0x6], $0x80, s15, s3, $0xb8;
	[tilespmem:$0x1FF00] =	vst v63  }
0xb4: {  	_ =	swait.ge [sflag:s25], $0x1400  }
0xb5: {  	[sflag:s25] =	ssyncset.done $0x0  }
0xb6: {  	s15 =	sadd.s32 $0x118, s28;
	[sflag:s25] =	ssyncadd.s32 $0xFFFFEC00  }
0xb7: {  	[tilespmem:s7], [sflag:$0x4] =	stream.indirect.gather [hbm4b:s14+s3], $0x80, s15, s3, $0xb8;
	[tilespmem:$0x1FF00] =	vst v63  }
0xb8: {  	_ =	swait.ge [sflag:s8], $0x1400  }
0xb9: {  	[sflag:s8] =	ssyncset.done $0x0  }
0xba: {  	s15 =	sadd.s32 $0x2870, s28;
	[sflag:s8] =	ssyncadd.s32 $0xFFFFEC00  }
0xbb: {  	[spmem:s1] =	stream.indirect.scatter.add.f32 [tilespmem:s6], [sflag:$0x7], $0x80, s15, s3, $0xb8;
	[tilespmem:$0x1FF00] =	vst v63  }
0xbc: {  	_ =	swait.ge [sflag:s9], $0x1400  }
0xbd: {  	[sflag:s9] =	ssyncset.done $0x0  }
0xbe: {  	s15 =	sadd.s32 $0x140, s28;
	[sflag:s9] =	ssyncadd.s32 $0xFFFFEC00  }
0xbf: {  	[tilespmem:s4], [sflag:$0x1] =	stream.indirect.gather [hbm4b:s14+s3], $0x80, s15, s3, $0xb8;
	[tilespmem:$0x1FF00] =	vst v63  }
0xc0: {  	_ =	swait.ge [sflag:s11], $0x1400  }
0xc1: {  	[sflag:s11] =	ssyncset.done $0x0  }
.Ltmp1:
0xc2: {  	s15 =	sadd.s32 $0x2898, s28;
	[sflag:s11] =	ssyncadd.s32 $0xFFFFEC00;
	(pc) =	sbr.rel @p0 .LBB2_4-.Ltmp1, $4  }
0xc3: {  	[spmem:s1] =	stream.indirect.scatter.add.f32 [tilespmem:s7], [sflag:$0x8], $0x80, s15, s3, $0xb8;
	[tilespmem:$0x1FF00] =	vst v63  }
0xc4: {  	_ =	swait.ge [sflag:s12], $0x1400  }
0xc5: {  	[sflag:s12] =	ssyncset.done $0x0  }
0xc6: {  	s28 =	sadd.s32 $0x168, s28;
	[sflag:s12] =	ssyncadd.s32 $0xFFFFEC00  }
0xc7: {  	[tilespmem:s5], [sflag:$0x2] =	stream.indirect.gather [hbm4b:s14+s3], $0x80, s28, s3, $0xb8;
	[tilespmem:$0x1FF00] =	vst v63  }
0xc8: {  	_ =	swait.ge [sflag:s30], $0x1400  }
0xc9: {  	[sflag:s30] =	ssyncset.done $0x0  }
0xca: {  	s0 =	simm.s32 $0x4E40;
	[sflag:s30] =	ssyncadd.s32 $0xFFFFEC00  }
0xcb: {  	[spmem:s1] =	stream.indirect.scatter.add.f32 [tilespmem:s4], [sflag:$0x5], $0x80, s0, s3, $0xb8;
	[tilespmem:$0x1FF00] =	vst v63  }
0xcc: {  	_ =	swait.ge [sflag:s31], $0x1400  }
0xcd: {  	[sflag:s31] =	ssyncset.done $0x0  }
0xce: {  	s15 =	simm.s32 $0x4E68;
	[sflag:s31] =	ssyncadd.s32 $0xFFFFEC00  }
0xcf: {  	[spmem:s1] =	stream.indirect.scatter.add.f32 [tilespmem:s5], [sflag:$0x6], $0x80, s15, s3, $0xb8;
	[tilespmem:$0x1FF00] =	vst v63  }
0xd0: {  	_ =	swait.ge [sflag:s9], $0x1400  }
0xd1: {  	[sflag:s9] =	ssyncset.done $0x0  }
0xd2: {  	[sflag:s9] =	ssyncadd.s32 $0xFFFFEC00  }
0xd3: {  	_ =	swait.ge [sflag:s12], $0x1400  }
0xd4: {  	[sflag:s12] =	ssyncset.done $0x0  }
0xd5: {  	[sflag:s12] =	ssyncadd.s32 $0xFFFFEC00  }
0xd6: {  	_ =	swait.ge [sflag:s13], $0x1400  }
0xd7: {  	[sflag:s13] =	ssyncset.done $0x0  }
0xd8: {  	[sflag:s13] =	ssyncadd.s32 $0xFFFFEC00  }
0xd9: {  	_ =	swait.ge [sflag:s25], $0x1400  }
0xda: {  	[sflag:s25] =	ssyncset.done $0x0  }
0xdb: {  	[sflag:s25] =	ssyncadd.s32 $0xFFFFEC00  }
0xdc: {  	[bflag:$0x0] =	sbarrier.arrive $0xFFFF  }
0xdd: {  	[tilespmem:s29], [sflag:$0x9] =	stream.linear.gather [spmem:s16], $0x2000, $0x38;
	[tilespmem:$0x1FF00] =	vst v63  }
0xde: {  	_ =	swait.ge [sflag:s10], $0x2000  }
0xdf: {  	[sflag:s10] =	ssyncset.done $0x0  }
0xe0: {  	s15 =	smov.u32 s16;
	s16 =	rddreg [dreg:$0x3];
	[sflag:s10] =	ssyncadd.s32 $0xFFFFE000  }
0xe1: {  	[hbm4b:s16+s2] =	stream.linear.scatter [tilespmem:s29], [sflag:$0x9], $0x2000, $0x38;
	[tilespmem:$0x1FF00] =	vst v63  }
0xe2: {  	_ =	swait.ge [sflag:s10], $0x2000  }
0xe3: {  	[sflag:s10] =	ssyncset.done $0x0  }
0xe4: {  	s28 =	rddreg [dreg:$0xd];
	[sflag:s10] =	ssyncadd.s32 $0xFFFFE000  }
0xe5: {  	[tilespmem:s29], [sflag:$0x9] =	stream.linear.gather [spmem:s28], $0x2000, $0x38;
	[tilespmem:$0x1FF00] =	vst v63  }
0xe6: {  	_ =	swait.ge [sflag:s10], $0x2000  }
0xe7: {  	[sflag:s10] =	ssyncset.done $0x0  }
0xe8: {  	s16 =	rddreg [dreg:$0x4];
	[sflag:s10] =	ssyncadd.s32 $0xFFFFE000  }
0xe9: {  	[hbm4b:s16+s2] =	stream.linear.scatter [tilespmem:s29], [sflag:$0x9], $0x2000, $0x38;
	[tilespmem:$0x1FF00] =	vst v63  }
0xea: {  	_ =	swait.ge [sflag:s10], $0x2000  }
0xeb: {  	[sflag:s10] =	ssyncset.done $0x0  }
0xec: {  	[sflag:s10] =	ssyncadd.s32 $0xFFFFE000  }
0xed: {  	[tilespmem:s29], [sflag:$0x9] =	stream.linear.gather [spmem:s17], $0x2000, $0x38;
	[tilespmem:$0x1FF00] =	vst v63  }
0xee: {  	_ =	swait.ge [sflag:s10], $0x2000  }
0xef: {  	[sflag:s10] =	ssyncset.done $0x0  }
0xf0: {  	s28 =	rddreg [dreg:$0x5];
	[sflag:s10] =	ssyncadd.s32 $0xFFFFE000  }
0xf1: {  	[hbm4b:s28+s2] =	stream.linear.scatter [tilespmem:s29], [sflag:$0x9], $0x2000, $0x38;
	[tilespmem:$0x1FF00] =	vst v63  }
0xf2: {  	_ =	swait.ge [sflag:s10], $0x2000  }
0xf3: {  	[sflag:s10] =	ssyncset.done $0x0  }
0xf4: {  	[sflag:s10] =	ssyncadd.s32 $0xFFFFE000  }
0xf5: {  	[tilespmem:s29], [sflag:$0x9] =	stream.linear.gather [spmem:s18], $0x2000, $0x38;
	[tilespmem:$0x1FF00] =	vst v63  }
0xf6: {  	_ =	swait.ge [sflag:s10], $0x2000  }
0xf7: {  	[sflag:s10] =	ssyncset.done $0x0  }
0xf8: {  	s16 =	rddreg [dreg:$0x6];
	[sflag:s10] =	ssyncadd.s32 $0xFFFFE000  }
0xf9: {  	[hbm4b:s16+s2] =	stream.linear.scatter [tilespmem:s29], [sflag:$0x9], $0x2000, $0x38;
	[tilespmem:$0x1FF00] =	vst v63  }
0xfa: {  	_ =	swait.ge [sflag:s10], $0x2000  }
0xfb: {  	[sflag:s10] =	ssyncset.done $0x0  }
0xfc: {  	[sflag:s10] =	ssyncadd.s32 $0xFFFFE000  }
0xfd: {  	[tilespmem:s29], [sflag:$0x9] =	stream.linear.gather [spmem:s19], $0x2000, $0x38;
	[tilespmem:$0x1FF00] =	vst v63  }
0xfe: {  	_ =	swait.ge [sflag:s10], $0x2000  }
0xff: {  	[sflag:s10] =	ssyncset.done $0x0  }
0x100: {  	s28 =	rddreg [dreg:$0x7];
	[sflag:s10] =	ssyncadd.s32 $0xFFFFE000  }
0x101: {  	[hbm4b:s28+s2] =	stream.linear.scatter [tilespmem:s29], [sflag:$0x9], $0x2000, $0x38;
	[tilespmem:$0x1FF00] =	vst v63  }
0x102: {  	_ =	swait.ge [sflag:s10], $0x2000  }
0x103: {  	[sflag:s10] =	ssyncset.done $0x0  }
0x104: {  	[sflag:s10] =	ssyncadd.s32 $0xFFFFE000  }
0x105: {  	[tilespmem:s29], [sflag:$0x9] =	stream.linear.gather [spmem:s20], $0x2000, $0x38;
	[tilespmem:$0x1FF00] =	vst v63  }
0x106: {  	_ =	swait.ge [sflag:s10], $0x2000  }
0x107: {  	[sflag:s10] =	ssyncset.done $0x0  }
0x108: {  	s16 =	rddreg [dreg:$0x8];
	[sflag:s10] =	ssyncadd.s32 $0xFFFFE000  }
0x109: {  	[hbm4b:s16+s2] =	stream.linear.scatter [tilespmem:s29], [sflag:$0x9], $0x2000, $0x38;
	[tilespmem:$0x1FF00] =	vst v63  }
0x10a: {  	_ =	swait.ge [sflag:s10], $0x2000  }
0x10b: {  	[sflag:s10] =	ssyncset.done $0x0  }
0x10c: {  	[sflag:s10] =	ssyncadd.s32 $0xFFFFE000  }
0x10d: {  	[tilespmem:s29], [sflag:$0x9] =	stream.linear.gather [spmem:s21], $0x2000, $0x38;
	[tilespmem:$0x1FF00] =	vst v63  }
0x10e: {  	_ =	swait.ge [sflag:s10], $0x2000  }
0x10f: {  	[sflag:s10] =	ssyncset.done $0x0  }
0x110: {  	s28 =	rddreg [dreg:$0x9];
	[sflag:s10] =	ssyncadd.s32 $0xFFFFE000  }
0x111: {  	[hbm4b:s28+s2] =	stream.linear.scatter [tilespmem:s29], [sflag:$0x9], $0x2000, $0x38;
	[tilespmem:$0x1FF00] =	vst v63  }
0x112: {  	_ =	swait.ge [sflag:s10], $0x2000  }
0x113: {  	[sflag:s10] =	ssyncset.done $0x0  }
0x114: {  	[sflag:s10] =	ssyncadd.s32 $0xFFFFE000  }
0x115: {  	[tilespmem:s29], [sflag:$0x9] =	stream.linear.gather [spmem:s22], $0x2000, $0x38;
	[tilespmem:$0x1FF00] =	vst v63  }
0x116: {  	_ =	swait.ge [sflag:s10], $0x2000  }
0x117: {  	[sflag:s10] =	ssyncset.done $0x0  }
0x118: {  	s16 =	rddreg [dreg:$0xa];
	[sflag:s10] =	ssyncadd.s32 $0xFFFFE000  }
0x119: {  	[hbm4b:s16+s2] =	stream.linear.scatter [tilespmem:s29], [sflag:$0x9], $0x2000, $0x38;
	[tilespmem:$0x1FF00] =	vst v63  }
0x11a: {  	_ =	swait.ge [sflag:s10], $0x2000  }
0x11b: {  	[sflag:s10] =	ssyncset.done $0x0  }
0x11c: {  	[sflag:s10] =	ssyncadd.s32 $0xFFFFE000  }
0x11d: {  	[tilespmem:s29], [sflag:$0x9] =	stream.linear.gather [spmem:s23], $0x2000, $0x38;
	[tilespmem:$0x1FF00] =	vst v63  }
0x11e: {  	_ =	swait.ge [sflag:s10], $0x2000  }
0x11f: {  	[sflag:s10] =	ssyncset.done $0x0  }
0x120: {  	s28 =	rddreg [dreg:$0xb];
	[sflag:s10] =	ssyncadd.s32 $0xFFFFE000  }
0x121: {  	[hbm4b:s28+s2] =	stream.linear.scatter [tilespmem:s29], [sflag:$0x9], $0x2000, $0x38;
	[tilespmem:$0x1FF00] =	vst v63  }
0x122: {  	_ =	swait.ge [sflag:s10], $0x2000  }
0x123: {  	[sflag:s10] =	ssyncset.done $0x0  }
0x124: {  	[sflag:s10] =	ssyncadd.s32 $0xFFFFE000  }
0x125: {  	[tilespmem:s29], [sflag:$0x9] =	stream.linear.gather [spmem:s24], $0x2000, $0x38;
	[tilespmem:$0x1FF00] =	vst v63  }
0x126: {  	_ =	swait.ge [sflag:s10], $0x2000  }
0x127: {  	[sflag:s10] =	ssyncset.done $0x0  }
0x128: {  	s16 =	rddreg [dreg:$0xc];
	[sflag:s10] =	ssyncadd.s32 $0xFFFFE000  }
0x129: {  	[hbm4b:s16+s2] =	stream.linear.scatter [tilespmem:s29], [sflag:$0x9], $0x2000, $0x38;
	[tilespmem:$0x1FF00] =	vst v63  }
0x12a: {  	_ =	swait.ge [sflag:s10], $0x2000  }
0x12b: {  	s26 =	sadd.s32 $0x1, s26;
	s28 =	rddreg [dreg:$0x10]  }
0x12c: {  	p0 =	sne.s32 s26, s28  }
.Ltmp2:
0x12d: {  	_ = 	snop;
	(pc) =	sbr.rel @p0 .LBB2_1-.Ltmp2, $3  }
0x12e: {  	_ =	sdelay $0x1  }
0x12f: {  	[sflag:s10] =	ssyncset.done $0x0  }
0x130: {  	[sflag:s10] =	ssyncadd.s32 $0xFFFFE000  }
0x131: {  	_ =	sfence.sel $0x180000  }
0x132: {  	[bflag:$0x0] =	sbarrier.arrive $0xFFFF  }
0x133: {  	_ =	strace $0x9000004A  }
0x134: {  	s0 =	stileid.u32;
	[bflag:$0x2] =	sbarrier.arrive $0xFFFF  }
0x135: {  	p0 =	sne.s32 s0, $0x0;
	s0 =	rddreg [dreg:$0x2]  }
0x136: {  	s0 =	sadd.s32 @!p0 $0x100000, s0  }
0x137: {  	[sflag:s0] =	ssyncadd.tile.s32 @!p0 $0x1;
	_ =	shalt  }
.Lfunc_end2:
_tile_overlayer_lowered:
.L_overlay_start_2:
0x138: {  	(tag) =	ssettag $0x2  }
0x139: {  	s0 =	rddreg [dreg:$0x0];
	s2 =	stileid.u32  }
0x13a: {  	s1 =	rddreg [dreg:$0x1];
	p0 =	sne.s32 s2, $0x0  }
0x13b: {  	s3 =	rddreg [dreg:$0x2];
	[bflag:$0x3] =	sbarrier.arrive $0xFFFF;
	s2 =	simm.s32 @!p0 $0x1C09  }
0x13c: {  	[timem:s3], [sflag:s2] =	dma.local @!p0 [hbm:s0], s1  }
0x13d: {  	s0 =	simm.s32 @!p0 $0x9  }
0x13e: {  	_ =	swait.ge @!p0 [sflag:s0], s1  }
0x13f: {  	s1 =	ssub.s32 @!p0 $0x0, s1;
	[sflag:s0] =	ssyncset.done @!p0 $0x0  }
0x140: {  	[sflag:s0] =	ssyncadd.s32 @!p0 s1  }
0x141: {  	[bflag:$0x3] =	sbarrier.arrive $0xFFFF  }
0x142: {  	_ =	shalt  }

// kernel: kernel.14.cloned.1.call-start
scs
__scs_entry_jumppad:
0x0: {  	(pc) =	sbr.rel $0x88, $3  }
0x1: {  	(tag) =	ssettag $0x0;
	lr =	simm.s32 $0x1  }
0x2: {  	[smem:$0x3F9B] =	sst lr;
	_ =	strace $0xD0000000  }
0x3: {  	_ = 	snop  }
0x4: {  	_ = 	snop  }
0x5: {  	_ = 	snop  }
0x6: {  	_ = 	snop  }
0x7: {  	_ = 	snop  }
__scs_overlays_trampoline_lowered:
0x8: {  	[smem:$0x3FAA] =	sst s0  }
0x9: {  	[smem:$0x3FAB] =	sst s1  }
0xa: {  	[smem:$0x3FAC] =	sst s2  }
0xb: {  	[smem:$0x3FAD] =	sst s3  }
0xc: {  	[smem:$0x3FAE] =	sst s4  }
0xd: {  	[smem:$0x3FAF] =	sst s5  }
0xe: {  	[smem:$0x3FB0] =	sst s6  }
0xf: {  	[smem:$0x3FB1] =	sst s7  }
0x10: {  	[smem:$0x3FB2] =	sst s8  }
0x11: {  	[smem:$0x3FB3] =	sst s9;
	s0 =	simm.s32 @!p0 $0x0  }
0x12: {  	s1 =	sld [smem:$0x3F99];
	s0 =	simm.s32 @p0 $0x1  }
0x13: {  	[smem:$0x3FB4] =	sst s0;
	s0 =	simm.s32 @!p1 $0x0  }
0x14: {  	s2 =	sld [smem:$0x3F98];
	s0 =	simm.s32 @p1 $0x1  }
0x15: {  	[smem:$0x3FB5] =	sst s0;
	s0 =	simm.s32 @!p2 $0x0  }
0x16: {  	s3 =	sld [smem:$0x3FDB];
	s0 =	simm.s32 @p2 $0x1  }
0x17: {  	s4 =	simm.s32 $0x1BF5;
	[smem:$0x3FB7] =	sst s0  }
0x18: {  	s0 =	sld [smem:$0x3F9A];
	_ =	swait.ge [sflag:s4], $0x0  }
0x19: {  	s7 =	sld [smem:$0x3F9B]  }
0x1a: {  	s8 =	sadd.s32 $0xFFFFE003, lr  }
0x1b: {  	s9 =	sadd.s32 $0xFFFFFEF7, lr;
	s5 =	simm.s32 $0xFFFFFFFF;
	p2 =	slt.u32 s8, $0xFFFFF086  }
0x1c: {  	p1 =	slt.u32 s9, $0xF7A;
	s5 =	simm.s32 @!p2 $0x0  }
0x1d: {  	s5 =	simm.s32 @p1 $0x1;
	p0 =	seq.s32 s7, s2  }
0x1e: {  	s7 =	smul.u32 @!p0 $0xF7A, s2;
	p2 =	seq.s32 @!p0 s5, $0x0  }
0x1f: {  	s9 =	smul.u32 $0xF7A, s1;
	s8 =	simm.s32 @!p0 $0x1BF5;
	p2 =	por !p2, p0  }
0x20: {  	[sflag:s8] =	ssyncset.s32 @!p0 $0xFFFFF086;
	s6 =	sadd.s32 @!p0 s3, s7;
	s7 =	simm.s32 @!p0 $0x108  }
0x21: {  	s3 =	sadd.s32 s3, s9;
	s6 =	sadd.s32 @!p0 $0x88, s6;
	s7 =	simm.s32 @p2 $0x1082  }
0x22: {  	[simem:s7], [sflag:s8] =	dma.local @!p0 [hbm:s6], $0xF7A  }
0x23: {  	s9 =	sor.u32 $0xD0000000, s2;
	s6 =	simm.s32 $0x108;
	_ =	swait.ge @!p0 [sflag:s8], $0x0  }
0x24: {  	s3 =	sadd.s32 $0x88, s3;
	s6 =	simm.s32 @!p1 $0x1082;
	[sflag:s4] =	ssyncset.s32 $0xFFFFF086  }
0x25: {  	[simem:s6], [sflag:s4] =	dma.local [hbm:s3], $0xF7A  }
0x26: {  	[smem:$0x3F9B] =	sst s1;
	(tag) =	ssettag s2;
	_ =	strace s9  }
0x27: {  	s1 =	sld [smem:$0x3FAB]  }
0x28: {  	s2 =	sld [smem:$0x3FAC]  }
0x29: {  	s4 =	sld [smem:$0x3FAE]  }
0x2a: {  	p0 =	seq.s32 s5, $0x0;
	s5 =	sld [smem:$0x3FAF]  }
0x2b: {  	s6 =	sld [smem:$0x3FB0]  }
0x2c: {  	s7 =	sld [smem:$0x3FB1]  }
0x2d: {  	s3 =	simm.s32 $0x108;
	s8 =	sld [smem:$0x3FB2]  }
0x2e: {  	s3 =	simm.s32 @!p0 $0x1082;
	s9 =	sld [smem:$0x3FB3]  }
0x2f: {  	lr =	sadd.s32 s0, s3;
	s0 =	sld [smem:$0x3FAA]  }
0x30: {  	s3 =	sld [smem:$0x3FAD]  }
0x31: {  	[smem:$0x3FB6] =	sst s10  }
0x32: {  	s10 =	sld [smem:$0x3FB4];
	_ =	sdelay $0x3  }
0x33: {  	p0 =	seq.s32 s10, $0x1;
	s10 =	sld [smem:$0x3FB6];
	_ =	sdelay $0x3  }
0x34: {  	[smem:$0x3FB6] =	sst s10  }
0x35: {  	s10 =	sld [smem:$0x3FB5];
	_ =	sdelay $0x3  }
0x36: {  	p1 =	seq.s32 s10, $0x1;
	s10 =	sld [smem:$0x3FB6];
	_ =	sdelay $0x3  }
0x37: {  	[smem:$0x3FB6] =	sst s10  }
0x38: {  	s10 =	sld [smem:$0x3FB7]  }
0x39: {  	_ = 	snop;
	(pc) =	sbr.ind lr, $3  }
0x3a: {  	_ = 	snop  }
0x3b: {  	_ = 	snop  }
0x3c: {  	p2 =	seq.s32 s10, $0x1;
	s10 =	sld [smem:$0x3FB6]  }
0x3d: {  	_ =	shalt  }
0x3e: {  	_ =	shalt  }
0x3f: {  	_ =	shalt  }
0x40: {  	_ =	shalt  }
0x41: {  	_ =	shalt  }
0x42: {  	_ =	shalt  }
0x43: {  	_ =	shalt  }
0x44: {  	_ =	shalt  }
0x45: {  	_ =	shalt  }
0x46: {  	_ =	shalt  }
0x47: {  	_ =	shalt  }
0x48: {  	_ =	shalt  }
0x49: {  	_ =	shalt  }
0x4a: {  	_ =	shalt  }
0x4b: {  	_ =	shalt  }
0x4c: {  	_ =	shalt  }
0x4d: {  	_ =	shalt  }
0x4e: {  	_ =	shalt  }
0x4f: {  	_ =	shalt  }
0x50: {  	_ =	shalt  }
0x51: {  	_ =	shalt  }
0x52: {  	_ =	shalt  }
0x53: {  	_ =	shalt  }
0x54: {  	_ =	shalt  }
0x55: {  	_ =	shalt  }
0x56: {  	_ =	shalt  }
0x57: {  	_ =	shalt  }
0x58: {  	_ =	shalt  }
0x59: {  	_ =	shalt  }
0x5a: {  	_ =	shalt  }
0x5b: {  	_ =	shalt  }
0x5c: {  	_ =	shalt  }
0x5d: {  	_ =	shalt  }
0x5e: {  	_ =	shalt  }
0x5f: {  	_ =	shalt  }
0x60: {  	_ =	shalt  }
0x61: {  	_ =	shalt  }
0x62: {  	_ =	shalt  }
0x63: {  	_ =	shalt  }
0x64: {  	_ =	shalt  }
0x65: {  	_ =	shalt  }
0x66: {  	_ =	shalt  }
0x67: {  	_ =	shalt  }
0x68: {  	_ =	shalt  }
0x69: {  	_ =	shalt  }
0x6a: {  	_ =	shalt  }
0x6b: {  	_ =	shalt  }
0x6c: {  	_ =	shalt  }
0x6d: {  	_ =	shalt  }
0x6e: {  	_ =	shalt  }
0x6f: {  	_ =	shalt  }
0x70: {  	_ =	shalt  }
0x71: {  	_ =	shalt  }
0x72: {  	_ =	shalt  }
0x73: {  	_ =	shalt  }
0x74: {  	_ =	shalt  }
0x75: {  	_ =	shalt  }
0x76: {  	_ =	shalt  }
0x77: {  	_ =	shalt  }
0x78: {  	_ =	shalt  }
0x79: {  	_ =	shalt  }
0x7a: {  	_ =	shalt  }
0x7b: {  	_ =	shalt  }
0x7c: {  	_ =	shalt  }
0x7d: {  	_ =	shalt  }
0x7e: {  	_ =	shalt  }
0x7f: {  	_ =	shalt  }
0x80: {  	_ =	shalt  }
0x81: {  	_ =	shalt  }
0x82: {  	_ =	shalt  }
0x83: {  	_ =	shalt  }
0x84: {  	_ =	shalt  }
0x85: {  	_ =	shalt  }
0x86: {  	_ =	shalt  }
0x87: {  	_ =	shalt  }
.Lfunc_end0:
.L_simem_size_0:
called_computation.2_lowered:
.L_overlay_start_0:
0x88: {  	s2 =	sld [smem:$0x3FD9]  }
0x89: {  	s3 =	sld [smem:$0x3FFE];
	_ =	sdelay $0x1  }
0x8a: {  	s1 =	srdreg.scid  }
0x8b: {  	s0 =	sand.u32 $0x1, s1  }
0x8c: {  	s16 =	sshll.u32 s0, $0xA;
	s2 =	sadd.s32 s3, s2  }
0x8d: {  	s2 =	sadd.s32 s2, s16  }
0x8e: {  	[smem:$0x3FC2] =	sst s2  }
0x8f: {  	_ = 	snop  }
0x90: {  	(tm) =	ssettm $0x1  }
0x91: {  	s17 =	sld [smem:$0x3FFB];
	_ =	sdelay $0x3  }
0x92: {  	_ =	strace s17  }
0x93: {  	s2 =	sld [smem:$0x3FFC];
	_ =	sdelay $0x3  }
0x94: {  	_ =	strace s2  }
0x95: {  	s2 =	sld [smem:$0x3FFD];
	_ =	sdelay $0x3  }
0x96: {  	_ =	strace s2  }
0x97: {  	_ =	strace $0x8FFFFFFF  }
0x98: {  	s18 =	sld [smem:$0x3FDB];
	_ =	sdelay $0x1  }
0x99: {  	s19 =	simm.s32 $_scs_section_size  }
0x9a: {  	s4 =	simm.s32 $_size__tile_overlayer_lowered;
	s5 =	simm.s32 $_tile_overlayer_lowered  }
0x9b: {  	s22 =	simm.s32 $0x1BFF;
	s21 =	sshll.u32 s5, $0x1;
	s2 =	sadd.s32 s19, s18  }
0x9c: {  	s6 =	simm.s32 $0x0;
	s20 =	sshll.u32 s4, $0x1;
	s4 =	sadd.s32 s21, s2  }
0x9d: {  	[timem:s6], [sflag:s22] =	dma.local [hbm:s4], s20  }
0x9e: {  	_ =	swait.ge [sflag:s22], s20  }
0x9f: {  	s3 =	ssub.s32 $0x0, s20;
	[sflag:s22] =	ssyncset.done $0x0  }
0xa0: {  	[sflag:s22] =	ssyncadd.s32 s3;
	_ =	sdelay $0x1  }
0xa1: {  	s23 =	simm.s32 $0x1B8B  }
0xa2: {  	_ =	swait.ge [sflag:s23], $0x1  }
0xa3: {  	[sflag:s23] =	ssyncset.done $0x0  }
0xa4: {  	s25 =	simm.s32 $0x1B8E;
	s24 =	sld [smem:$0x3FFE];
	[sflag:s23] =	ssyncadd.s32 $0xFFFFFFFF  }
0xa5: {  	s26 =	simm.s32 $execute0_lowered;
	[smem:$0x3FD2] =	sst s25  }
0xa6: {  	s4 =	sshll.u32 s26, $0x1;
	_ =	strace $0x8000004C;
	[dreg:$0x1] =	wrdreg $0xFFFFFFFF  }
0xa7: {  	s28 =	simm.s32 $_size_execute0_lowered;
	s2 =	sadd.s32 s2, s4;
	[dreg:$0x0] =	wrdreg $0x0  }
0xa8: {  	s4 =	sshll.u32 s28, $0x1;
	[dreg:$0x2] =	wrdreg s2  }
0xa9: {  	[dreg:$0x3] =	wrdreg s4  }
0xaa: {  	[dreg:$0x4] =	wrdreg $0xC0  }
0xab: {  	_ =	task [dreg:s6], $0x5FFFF  }
0xac: {  	[dreg:$0x1] =	wrdreg $0xFFFFFFFF  }
0xad: {  	[dreg:$0x0] =	wrdreg $0x60  }
0xae: {  	[dreg:$0x2] =	wrdreg s24  }
0xaf: {  	[dreg:$0x3] =	wrdreg $0xBF000  }
0xb0: {  	[dreg:$0x4] =	wrdreg $0x9  }
0xb1: {  	_ =	task.clear_ibuf [dreg:s6], $0x5FFFF;
	_ =	strace $0x9000004C  }
0xb2: {  	s29 =	simm.s32 $0x9;
	_ =	strace $0x8000004E  }
0xb3: {  	_ =	swait.ge [sflag:s29], $0x1  }
0xb4: {  	[sflag:s29] =	ssyncadd.s32 $0xFFFFFFFF  }
0xb5: {  	_ =	strace $0x9000004E  }
0xb6: {  	_ =	sfence  }
0xb7: {  	s30 =	sld [smem:$0x0];
	_ =	sdelay $0x2  }
0xb8: {  	s31 =	sshll.u32 s1, $0xD;
	s1 =	sshrl.u32 s1, $0x2  }
0xb9: {  	s3 =	sand.u32 $0x4000, s31;
	s1 =	sadd.s32 s1, s30  }
0xba: {  	s0 =	sor.u32 s3, s0;
	s1 =	sshll.u32 s1, $0x11  }
0xbb: {  	s0 =	sor.u32 s1, s0  }
0xbc: {  	s0 =	sadd.s32 $0x8F2B, s0  }
0xbd: {  	[sflag:s0] =	ssyncadd.remote.s32 $0x1  }
0xbe: {  	_ =	sfence.sel $0xFFFF  }
0xbf: {  	[dreg:$0x0] =	wrdreg $0xFFFFFFFF;
	(pc) =	sbr.abs _section_cstart, $3  }
0xc0: {  	[dreg:$0x1] =	wrdreg $0xFFFFFFFF  }
0xc1: {  	_ =	task.clear_ibuf [dreg:s6], $0x2FFFF;
	_ =	strace $0x9FFFFFFF  }
0xc2: {  	(tm) =	ssettm $0x7FFFFFFF  }
0xc3: {  	_ =	shalt  }
tec
execute0_lowered:
.L_overlay_start_1:
0x0: {  	(tag) =	ssettag $0x1  }
0x1: {  	s0 =	rddreg [dreg:$0x0]  }
0x2: {  	s1 =	rddreg [dreg:$0x1]  }
0x3: {  	s3 =	srdreg.scid;
	s16 =	stileid.u32  }
0x4: {  	s2 =	simm.s32 $0x0;
	s29 =	simm.s32 $0x9F00;
	s30 =	simm.s32 $0x1  }
0x5: {  	s31 =	simm.s32 $0x2;
	s3 =	sand.u32 $0x1, s3;
	s4 =	sshll.u32 s16, $0x1  }
0x6: {  	s6 =	smul.u32 $0x14000, s16;
	[smem:$0x7FF] =	sst s2;
	s8 =	sadd.s32 $0x3DC00, s0  }
0x7: {  	s4 =	sor.u32 s3, s4;
	s5 =	ssub.s32 $0x2, s3;
	s3 =	smul.u32 $0x140000, s3  }
0x8: {  	s4 =	smul.u32 $0x4E2, s4;
	s7 =	sshrl.u32 s5, $0x1;
	s9 =	sadd.s32 $0x4000, s6  }
0x9: {  	s10 =	sadd.s32 $0x6000, s6;
	s11 =	sadd.s32 $0x8000, s6;
	s12 =	sadd.s32 $0xA000, s6  }
0xa: {  	s13 =	sadd.s32 $0xC000, s6;
	s22 =	sadd.s32 $0xE000, s6;
	s23 =	sadd.s32 $0x10000, s6  }
0xb: {  	s5 =	ssub.s32 s5, s7;
	s7 =	sor.u32 $0x2000, s6;
	s14 =	sadd.s32 s6, s3  }
0xc: {  	s6 =	sadd.s32 $0x12000, s6;
	s21 =	sadd.s32 s3, s9;
	s25 =	sadd.s32 s3, s10  }
0xd: {  	s28 =	sadd.s32 s3, s11;
	s17 =	sadd.s32 s3, s12;
	s19 =	sadd.s32 s3, s13  }
0xe: {  	s14 =	sshrl.u32 s14, $0x3;
	s15 =	sadd.s32 s3, s7;
	s24 =	sshrl.u32 s21, $0x3  }
0xf: {  	s26 =	sshrl.u32 s25, $0x3;
	s18 =	sshrl.u32 s17, $0x3;
	s21 =	sadd.s32 s3, s22  }
0x10: {  	s25 =	sadd.s32 s3, s23;
	s3 =	sadd.s32 s3, s6;
	s17 =	sadd.s32 s9, s1  }
0x11: {  	s22 =	sadd.s32 s22, s1;
	s23 =	sadd.s32 s23, s1;
	s9 =	simm.s32 $0x5  }
0x12: {  	s14 =	sadd.s32 s8, s14;
	s20 =	sshrl.u32 s15, $0x3;
	s15 =	sshrl.u32 s28, $0x3  }
0x13: {  	s3 =	sshrl.u32 s3, $0x3;
	s28 =	smul.u32 $0x50000, s16;
	s16 =	sadd.s32 s4, s0  }
0x14: {  	s4 =	simm.s32 $0x4F00;
	[dreg:$0x3] =	wrdreg s14;
	s14 =	sadd.s32 s8, s20  }
0x15: {  	s20 =	sshrl.u32 s19, $0x3;
	s3 =	sadd.s32 s8, s3;
	s19 =	sadd.s32 s11, s1  }
0x16: {  	s11 =	simm.s32 $0x4;
	[dreg:$0x4] =	wrdreg s14;
	s14 =	sadd.s32 s8, s24  }
0x17: {  	s24 =	sshrl.u32 s21, $0x3;
	[dreg:$0xc] =	wrdreg s3;
	s21 =	sshrl.u32 s28, $0x2  }
0x18: {  	s28 =	smax.u32 s5, $0x1;
	s3 =	simm.s32 $0x28;
	s5 =	simm.s32 $0x6300  }
0x19: {  	[dreg:$0x5] =	wrdreg s14;
	s14 =	sadd.s32 s8, s26;
	s26 =	sshrl.u32 s25, $0x3  }
0x1a: {  	s25 =	sadd.s32 $0xBE00, s16;
	[dreg:$0x6] =	wrdreg s14;
	s14 =	sadd.s32 s8, s15  }
0x1b: {  	s15 =	sadd.s32 s21, s1;
	[dreg:$0x7] =	wrdreg s14;
	s14 =	sadd.s32 s8, s18  }
0x1c: {  	s21 =	sadd.s32 s13, s1;
	[dreg:$0x8] =	wrdreg s14;
	s14 =	sadd.s32 s8, s20  }
0x1d: {  	s13 =	simm.s32 $0x7;
	[dreg:$0x9] =	wrdreg s14;
	s14 =	sadd.s32 s8, s24  }
0x1e: {  	s18 =	sadd.s32 s10, s1;
	[dreg:$0xa] =	wrdreg s14;
	s14 =	sadd.s32 s8, s26  }
0x1f: {  	s10 =	simm.s32 $0x9;
	s24 =	sadd.s32 s7, s1;
	[dreg:$0xb] =	wrdreg s14  }
0x20: {  	s20 =	sadd.s32 s12, s1;
	_ =	strace $0x8000004D;
	[dreg:$0xd] =	wrdreg s24  }
0x21: {  	s12 =	simm.s32 $0x6;
	s26 =	sadd.s32 $0x2000, s16;
	[dreg:$0xe] =	wrdreg s25  }
0x22: {  	s7 =	simm.s32 $0x8B00;
	s8 =	simm.s32 $0x3;
	[dreg:$0xf] =	wrdreg s26  }
0x23: {  	s14 =	sadd.s32 $0x15C00, s0;
	s24 =	sadd.s32 s6, s1;
	[dreg:$0x10] =	wrdreg s28  }
0x24: {  	v0 =	vimm.f32 $0.0e+00;
	s6 =	simm.s32 $0x7700;
	s25 =	simm.s32 $0x8;
	s26 =	simm.s32 $0x0  }
.LBB2_1:
0x25: {  	s0 =	simm.s32 $0x0;
	s28 =	simm.s32 $0x200  }
.LBB2_2:
0x26: {  	p0 =	sne.s32 s28, $0x7E00;
	[tilespmem:s0+$0x9F70] =	vst v0  }
0x27: {  	[tilespmem:s0+$0x9F00] =	vst v0  }
0x28: {  	[tilespmem:s0+$0x9F10] =	vst v0  }
.Ltmp0:
0x29: {  	[tilespmem:s0+$0x9F20] =	vst v0;
	(pc) =	sbr.rel @p0 .LBB2_2-.Ltmp0, $4  }
0x2a: {  	[tilespmem:s0+$0x9F30] =	vst v0  }
0x2b: {  	[tilespmem:s0+$0x9F40] =	vst v0  }
0x2c: {  	[tilespmem:s0+$0x9F50] =	vst v0  }
0x2d: {  	[tilespmem:s0+$0x9F60] =	vst v0;
	s0 =	sshra.s32 s28, $0x2;
	s28 =	sadd.s32 $0x200, s28  }
0x2e: {  	[tilespmem:s0+$0x9F70] =	vst v0  }
0x2f: {  	[tilespmem:s0+$0x9F00] =	vst v0  }
0x30: {  	[tilespmem:s0+$0x9F10] =	vst v0  }
0x31: {  	[tilespmem:s0+$0x9F20] =	vst v0  }
0x32: {  	[tilespmem:s0+$0x9F30] =	vst v0  }
0x33: {  	[tilespmem:s0+$0x9F40] =	vst v0  }
0x34: {  	[tilespmem:s0+$0x9F50] =	vst v0  }
0x35: {  	[tilespmem:s0+$0x9F60] =	vst v0  }
0x36: {  	[spmem:s15] =	stream.linear.scatter [tilespmem:s29], [sflag:$0x1], $0x2000, $0x38;
	[tilespmem:$0x1FF00] =	vst v63  }
0x37: {  	s16 =	smov.u32 s15;
	s15 =	rddreg [dreg:$0xd]  }
0x38: {  	[spmem:s15] =	stream.linear.scatter [tilespmem:s29], [sflag:$0x2], $0x2000, $0x38;
	[tilespmem:$0x1FF00] =	vst v63  }
0x39: {  	_ =	swait.ge [sflag:s30], $0x2000  }
0x3a: {  	[sflag:s30] =	ssyncset.done $0x0  }
0x3b: {  	[sflag:s30] =	ssyncadd.s32 $0xFFFFE000  }
0x3c: {  	[spmem:s17] =	stream.linear.scatter [tilespmem:s29], [sflag:$0x1], $0x2000, $0x38;
	[tilespmem:$0x1FF00] =	vst v63  }
0x3d: {  	_ =	swait.ge [sflag:s31], $0x2000  }
0x3e: {  	[sflag:s31] =	ssyncset.done $0x0  }
0x3f: {  	[sflag:s31] =	ssyncadd.s32 $0xFFFFE000  }
0x40: {  	[spmem:s18] =	stream.linear.scatter [tilespmem:s29], [sflag:$0x2], $0x2000, $0x38;
	[tilespmem:$0x1FF00] =	vst v63  }
0x41: {  	_ =	swait.ge [sflag:s30], $0x2000  }
0x42: {  	[sflag:s30] =	ssyncset.done $0x0  }
0x43: {  	[sflag:s30] =	ssyncadd.s32 $0xFFFFE000  }
0x44: {  	[spmem:s19] =	stream.linear.scatter [tilespmem:s29], [sflag:$0x1], $0x2000, $0x38;
	[tilespmem:$0x1FF00] =	vst v63  }
0x45: {  	_ =	swait.ge [sflag:s31], $0x2000  }
0x46: {  	[sflag:s31] =	ssyncset.done $0x0  }
0x47: {  	[sflag:s31] =	ssyncadd.s32 $0xFFFFE000  }
0x48: {  	[spmem:s20] =	stream.linear.scatter [tilespmem:s29], [sflag:$0x2], $0x2000, $0x38;
	[tilespmem:$0x1FF00] =	vst v63  }
0x49: {  	_ =	swait.ge [sflag:s30], $0x2000  }
0x4a: {  	[sflag:s30] =	ssyncset.done $0x0  }
0x4b: {  	[sflag:s30] =	ssyncadd.s32 $0xFFFFE000  }
0x4c: {  	[spmem:s21] =	stream.linear.scatter [tilespmem:s29], [sflag:$0x1], $0x2000, $0x38;
	[tilespmem:$0x1FF00] =	vst v63  }
0x4d: {  	_ =	swait.ge [sflag:s31], $0x2000  }
0x4e: {  	[sflag:s31] =	ssyncset.done $0x0  }
0x4f: {  	[sflag:s31] =	ssyncadd.s32 $0xFFFFE000  }
0x50: {  	[spmem:s22] =	stream.linear.scatter [tilespmem:s29], [sflag:$0x2], $0x2000, $0x38;
	[tilespmem:$0x1FF00] =	vst v63  }
0x51: {  	_ =	swait.ge [sflag:s30], $0x2000  }
0x52: {  	[sflag:s30] =	ssyncset.done $0x0  }
0x53: {  	[sflag:s30] =	ssyncadd.s32 $0xFFFFE000  }
0x54: {  	[spmem:s23] =	stream.linear.scatter [tilespmem:s29], [sflag:$0x1], $0x2000, $0x38;
	[tilespmem:$0x1FF00] =	vst v63  }
0x55: {  	_ =	swait.ge [sflag:s31], $0x2000  }
0x56: {  	[sflag:s31] =	ssyncset.done $0x0  }
0x57: {  	[sflag:s31] =	ssyncadd.s32 $0xFFFFE000  }
0x58: {  	[spmem:s24] =	stream.linear.scatter [tilespmem:s29], [sflag:$0x2], $0x2000, $0x38;
	[tilespmem:$0x1FF00] =	vst v63  }
0x59: {  	_ =	swait.ge [sflag:s30], $0x2000  }
0x5a: {  	[sflag:s30] =	ssyncset.done $0x0  }
0x5b: {  	[sflag:s30] =	ssyncadd.s32 $0xFFFFE000  }
0x5c: {  	_ =	swait.ge [sflag:s31], $0x2000  }
0x5d: {  	[sflag:s31] =	ssyncset.done $0x0  }
0x5e: {  	s0 =	simm.s32 $0x0;
	s15 =	rddreg [dreg:$0xe];
	[sflag:s31] =	ssyncadd.s32 $0xFFFFE000  }
0x5f: {  	[tilespmem:s0], [sflag:$0x9] =	stream.linear.gather [hbm4b:s15+s0], $0x2710, $0x38;
	[tilespmem:$0x1FF00] =	vst v63  }
0x60: {  	_ =	swait.ge [sflag:s10], $0x2710  }
0x61: {  	[sflag:s10] =	ssyncset.done $0x0  }
0x62: {  	s28 =	simm.s32 $0x2780;
	s15 =	rddreg [dreg:$0xf];
	[sflag:s10] =	ssyncadd.s32 $0xFFFFD8F0  }
0x63: {  	[tilespmem:s28], [sflag:$0x9] =	stream.linear.gather [hbm4b:s15+s0], $0x2710, $0x38;
	[tilespmem:$0x1FF00] =	vst v63  }
0x64: {  	_ =	swait.ge [sflag:s10], $0x2710  }
0x65: {  	[sflag:s10] =	ssyncset.done $0x0  }
0x66: {  	[sflag:s10] =	ssyncadd.s32 $0xFFFFD8F0  }
0x67: {  	[bflag:$0x0] =	sbarrier.arrive $0xFFFF  }
0x68: {  	[tilespmem:s4], [sflag:$0x1] =	stream.indirect.gather [hbm4b:s14+s3], $0x80, s0, s3, $0xb8;
	[tilespmem:$0x1FF00] =	vst v63  }
0x69: {  	_ = 	snop  }
0x6a: {  	[tilespmem:s5], [sflag:$0x2] =	stream.indirect.gather [hbm4b:s14+s3], $0x80, s3, s3, $0xb8;
	[tilespmem:$0x1FF00] =	vst v63  }
0x6b: {  	_ =	swait.ge [sflag:s30], $0x1400  }
0x6c: {  	[sflag:s30] =	ssyncset.done $0x0  }
0x6d: {  	[sflag:s30] =	ssyncadd.s32 $0xFFFFEC00  }
0x6e: {  	[spmem:s1] =	stream.indirect.scatter.add.f32 [tilespmem:s4], [sflag:$0x5], $0x80, s28, s3, $0xb8;
	[tilespmem:$0x1FF00] =	vst v63  }
0x6f: {  	s15 =	simm.s32 $0x50  }
0x70: {  	[tilespmem:s6], [sflag:$0x3] =	stream.indirect.gather [hbm4b:s14+s3], $0x80, s15, s3, $0xb8;
	[tilespmem:$0x1FF00] =	vst v63  }
0x71: {  	_ =	swait.ge [sflag:s31], $0x1400  }
0x72: {  	[sflag:s31] =	ssyncset.done $0x0  }
0x73: {  	s15 =	simm.s32 $0x27A8;
	[sflag:s31] =	ssyncadd.s32 $0xFFFFEC00  }
0x74: {  	[spmem:s1] =	stream.indirect.scatter.add.f32 [tilespmem:s5], [sflag:$0x6], $0x80, s15, s3, $0xb8;
	[tilespmem:$0x1FF00] =	vst v63  }
0x75: {  	s15 =	simm.s32 $0x78  }
0x76: {  	[tilespmem:s7], [sflag:$0x4] =	stream.indirect.gather [hbm4b:s14+s3], $0x80, s15, s3, $0xb8;
	[tilespmem:$0x1FF00] =	vst v63  }
0x77: {  	_ =	swait.ge [sflag:s8], $0x1400  }
0x78: {  	[sflag:s8] =	ssyncset.done $0x0  }
0x79: {  	s15 =	simm.s32 $0x27D0;
	[sflag:s8] =	ssyncadd.s32 $0xFFFFEC00  }
0x7a: {  	[spmem:s1] =	stream.indirect.scatter.add.f32 [tilespmem:s6], [sflag:$0x7], $0x80, s15, s3, $0xb8;
	[tilespmem:$0x1FF00] =	vst v63  }
0x7b: {  	_ =	swait.ge [sflag:s9], $0x1400  }
0x7c: {  	[sflag:s9] =	ssyncset.done $0x0  }
0x7d: {  	s15 =	simm.s32 $0xA0;
	[sflag:s9] =	ssyncadd.s32 $0xFFFFEC00  }
0x7e: {  	[tilespmem:s4], [sflag:$0x1] =	stream.indirect.gather [hbm4b:s14+s3], $0x80, s15, s3, $0xb8;
	[tilespmem:$0x1FF00] =	vst v63  }
0x7f: {  	_ =	swait.ge [sflag:s11], $0x1400  }
0x80: {  	[sflag:s11] =	ssyncset.done $0x0  }
0x81: {  	s15 =	simm.s32 $0x27F8;
	[sflag:s11] =	ssyncadd.s32 $0xFFFFEC00  }
0x82: {  	[spmem:s1] =	stream.indirect.scatter.add.f32 [tilespmem:s7], [sflag:$0x8], $0x80, s15, s3, $0xb8;
	[tilespmem:$0x1FF00] =	vst v63  }
0x83: {  	_ =	swait.ge [sflag:s12], $0x1400  }
0x84: {  	[sflag:s12] =	ssyncset.done $0x0  }
0x85: {  	s15 =	simm.s32 $0xC8;
	[sflag:s12] =	ssyncadd.s32 $0xFFFFEC00  }
0x86: {  	[tilespmem:s5], [sflag:$0x2] =	stream.indirect.gather [hbm4b:s14+s3], $0x80, s15, s3, $0xb8;
	[tilespmem:$0x1FF00] =	vst v63  }
0x87: {  	_ =	swait.ge [sflag:s30], $0x1400  }
0x88: {  	[sflag:s30] =	ssyncset.done $0x0  }
0x89: {  	s15 =	simm.s32 $0x2820;
	[sflag:s30] =	ssyncadd.s32 $0xFFFFEC00  }
0x8a: {  	[spmem:s1] =	stream.indirect.scatter.add.f32 [tilespmem:s4], [sflag:$0x5], $0x80, s15, s3, $0xb8;
	[tilespmem:$0x1FF00] =	vst v63  }
0x8b: {  	_ =	swait.ge [sflag:s13], $0x1400  }
0x8c: {  	[sflag:s13] =	ssyncset.done $0x0  }
0x8d: {  	s15 =	simm.s32 $0xF0;
	[sflag:s13] =	ssyncadd.s32 $0xFFFFEC00  }
0x8e: {  	[tilespmem:s6], [sflag:$0x3] =	stream.indirect.gather [hbm4b:s14+s3], $0x80, s15, s3, $0xb8;
	[tilespmem:$0x1FF00] =	vst v63  }
0x8f: {  	_ =	swait.ge [sflag:s31], $0x1400  }
0x90: {  	[sflag:s31] =	ssyncset.done $0x0  }
0x91: {  	s15 =	simm.s32 $0x2848;
	[sflag:s31] =	ssyncadd.s32 $0xFFFFEC00  }
0x92: {  	[spmem:s1] =	stream.indirect.scatter.add.f32 [tilespmem:s5], [sflag:$0x6], $0x80, s15, s3, $0xb8;
	[tilespmem:$0x1FF00] =	vst v63  }
0x93: {  	_ =	swait.ge [sflag:s25], $0x1400  }
0x94: {  	[sflag:s25] =	ssyncset.done $0x0  }
0x95: {  	s15 =	simm.s32 $0x118;
	[sflag:s25] =	ssyncadd.s32 $0xFFFFEC00  }
0x96: {  	[tilespmem:s7], [sflag:$0x4] =	stream.indirect.gather [hbm4b:s14+s3], $0x80, s15, s3, $0xb8;
	[tilespmem:$0x1FF00] =	vst v63  }
0x97: {  	_ =	swait.ge [sflag:s8], $0x1400  }
0x98: {  	[sflag:s8] =	ssyncset.done $0x0  }
0x99: {  	s15 =	simm.s32 $0x2870;
	[sflag:s8] =	ssyncadd.s32 $0xFFFFEC00  }
0x9a: {  	[spmem:s1] =	stream.indirect.scatter.add.f32 [tilespmem:s6], [sflag:$0x7], $0x80, s15, s3, $0xb8;
	[tilespmem:$0x1FF00] =	vst v63  }
0x9b: {  	_ =	swait.ge [sflag:s9], $0x1400  }
0x9c: {  	[sflag:s9] =	ssyncset.done $0x0  }
0x9d: {  	s15 =	simm.s32 $0x140;
	[sflag:s9] =	ssyncadd.s32 $0xFFFFEC00  }
0x9e: {  	[tilespmem:s4], [sflag:$0x1] =	stream.indirect.gather [hbm4b:s14+s3], $0x80, s15, s3, $0xb8;
	[tilespmem:$0x1FF00] =	vst v63  }
0x9f: {  	_ =	swait.ge [sflag:s11], $0x1400  }
0xa0: {  	[sflag:s11] =	ssyncset.done $0x0  }
0xa1: {  	s15 =	simm.s32 $0x2898;
	[sflag:s11] =	ssyncadd.s32 $0xFFFFEC00  }
0xa2: {  	[spmem:s1] =	stream.indirect.scatter.add.f32 [tilespmem:s7], [sflag:$0x8], $0x80, s15, s3, $0xb8;
	[tilespmem:$0x1FF00] =	vst v63  }
0xa3: {  	_ =	swait.ge [sflag:s12], $0x1400  }
0xa4: {  	[sflag:s12] =	ssyncset.done $0x0  }
0xa5: {  	s0 =	simm.s32 $0x280;
	s28 =	simm.s32 $0x168;
	[sflag:s12] =	ssyncadd.s32 $0xFFFFEC00  }
.LBB2_4:
0xa6: {  	[tilespmem:s5], [sflag:$0x2] =	stream.indirect.gather [hbm4b:s14+s3], $0x80, s28, s3, $0xb8;
	[tilespmem:$0x1FF00] =	vst v63  }
0xa7: {  	s28 =	smov.u32 s0  }
0xa8: {  	p0 =	sne.s32 s0, $0x9600;
	s0 =	sadd.s32 $0x280, s0;
	_ =	swait.ge [sflag:s30], $0x1400  }
0xa9: {  	s28 =	sshra.s32 s28, $0x2;
	[sflag:s30] =	ssyncset.done $0x0  }
0xaa: {  	s15 =	sadd.s32 $0x2820, s28;
	[sflag:s30] =	ssyncadd.s32 $0xFFFFEC00  }
0xab: {  	[spmem:s1] =	stream.indirect.scatter.add.f32 [tilespmem:s4], [sflag:$0x5], $0x80, s15, s3, $0xb8;
	[tilespmem:$0x1FF00] =	vst v63  }
0xac: {  	_ =	swait.ge [sflag:s13], $0x1400  }
0xad: {  	[sflag:s13] =	ssyncset.done $0x0  }
0xae: {  	s15 =	sadd.s32 $0xF0, s28;
	[sflag:s13] =	ssyncadd.s32 $0xFFFFEC00  }
0xaf: {  	[tilespmem:s6], [sflag:$0x3] =	stream.indirect.gather [hbm4b:s14+s3], $0x80, s15, s3, $0xb8;
	[tilespmem:$0x1FF00] =	vst v63  }
0xb0: {  	_ =	swait.ge [sflag:s31], $0x1400  }
0xb1: {  	[sflag:s31] =	ssyncset.done $0x0  }
0xb2: {  	s15 =	sadd.s32 $0x2848, s28;
	[sflag:s31] =	ssyncadd.s32 $0xFFFFEC00  }
0xb3: {  	[spmem:s1] =	stream.indirect.scatter.add.f32 [tilespmem:s5], [sflag:$0x6], $0x80, s15, s3, $0xb8;
	[tilespmem:$0x1FF00] =	vst v63  }
0xb4: {  	_ =	swait.ge [sflag:s25], $0x1400  }
0xb5: {  	[sflag:s25] =	ssyncset.done $0x0  }
0xb6: {  	s15 =	sadd.s32 $0x118, s28;
	[sflag:s25] =	ssyncadd.s32 $0xFFFFEC00  }
0xb7: {  	[tilespmem:s7], [sflag:$0x4] =	stream.indirect.gather [hbm4b:s14+s3], $0x80, s15, s3, $0xb8;
	[tilespmem:$0x1FF00] =	vst v63  }
0xb8: {  	_ =	swait.ge [sflag:s8], $0x1400  }
0xb9: {  	[sflag:s8] =	ssyncset.done $0x0  }
0xba: {  	s15 =	sadd.s32 $0x2870, s28;
	[sflag:s8] =	ssyncadd.s32 $0xFFFFEC00  }
0xbb: {  	[spmem:s1] =	stream.indirect.scatter.add.f32 [tilespmem:s6], [sflag:$0x7], $0x80, s15, s3, $0xb8;
	[tilespmem:$0x1FF00] =	vst v63  }
0xbc: {  	_ =	swait.ge [sflag:s9], $0x1400  }
0xbd: {  	[sflag:s9] =	ssyncset.done $0x0  }
0xbe: {  	s15 =	sadd.s32 $0x140, s28;
	[sflag:s9] =	ssyncadd.s32 $0xFFFFEC00  }
0xbf: {  	[tilespmem:s4], [sflag:$0x1] =	stream.indirect.gather [hbm4b:s14+s3], $0x80, s15, s3, $0xb8;
	[tilespmem:$0x1FF00] =	vst v63  }
0xc0: {  	_ =	swait.ge [sflag:s11], $0x1400  }
0xc1: {  	[sflag:s11] =	ssyncset.done $0x0  }
.Ltmp1:
0xc2: {  	s15 =	sadd.s32 $0x2898, s28;
	[sflag:s11] =	ssyncadd.s32 $0xFFFFEC00;
	(pc) =	sbr.rel @p0 .LBB2_4-.Ltmp1, $4  }
0xc3: {  	[spmem:s1] =	stream.indirect.scatter.add.f32 [tilespmem:s7], [sflag:$0x8], $0x80, s15, s3, $0xb8;
	[tilespmem:$0x1FF00] =	vst v63  }
0xc4: {  	_ =	swait.ge [sflag:s12], $0x1400  }
0xc5: {  	[sflag:s12] =	ssyncset.done $0x0  }
0xc6: {  	s28 =	sadd.s32 $0x168, s28;
	[sflag:s12] =	ssyncadd.s32 $0xFFFFEC00  }
0xc7: {  	[tilespmem:s5], [sflag:$0x2] =	stream.indirect.gather [hbm4b:s14+s3], $0x80, s28, s3, $0xb8;
	[tilespmem:$0x1FF00] =	vst v63  }
0xc8: {  	_ =	swait.ge [sflag:s30], $0x1400  }
0xc9: {  	[sflag:s30] =	ssyncset.done $0x0  }
0xca: {  	s0 =	simm.s32 $0x4E40;
	[sflag:s30] =	ssyncadd.s32 $0xFFFFEC00  }
0xcb: {  	[spmem:s1] =	stream.indirect.scatter.add.f32 [tilespmem:s4], [sflag:$0x5], $0x80, s0, s3, $0xb8;
	[tilespmem:$0x1FF00] =	vst v63  }
0xcc: {  	_ =	swait.ge [sflag:s31], $0x1400  }
0xcd: {  	[sflag:s31] =	ssyncset.done $0x0  }
0xce: {  	s15 =	simm.s32 $0x4E68;
	[sflag:s31] =	ssyncadd.s32 $0xFFFFEC00  }
0xcf: {  	[spmem:s1] =	stream.indirect.scatter.add.f32 [tilespmem:s5], [sflag:$0x6], $0x80, s15, s3, $0xb8;
	[tilespmem:$0x1FF00] =	vst v63  }
0xd0: {  	_ =	swait.ge [sflag:s9], $0x1400  }
0xd1: {  	[sflag:s9] =	ssyncset.done $0x0  }
0xd2: {  	[sflag:s9] =	ssyncadd.s32 $0xFFFFEC00  }
0xd3: {  	_ =	swait.ge [sflag:s12], $0x1400  }
0xd4: {  	[sflag:s12] =	ssyncset.done $0x0  }
0xd5: {  	[sflag:s12] =	ssyncadd.s32 $0xFFFFEC00  }
0xd6: {  	_ =	swait.ge [sflag:s13], $0x1400  }
0xd7: {  	[sflag:s13] =	ssyncset.done $0x0  }
0xd8: {  	[sflag:s13] =	ssyncadd.s32 $0xFFFFEC00  }
0xd9: {  	_ =	swait.ge [sflag:s25], $0x1400  }
0xda: {  	[sflag:s25] =	ssyncset.done $0x0  }
0xdb: {  	[sflag:s25] =	ssyncadd.s32 $0xFFFFEC00  }
0xdc: {  	[bflag:$0x0] =	sbarrier.arrive $0xFFFF  }
0xdd: {  	[tilespmem:s29], [sflag:$0x9] =	stream.linear.gather [spmem:s16], $0x2000, $0x38;
	[tilespmem:$0x1FF00] =	vst v63  }
0xde: {  	_ =	swait.ge [sflag:s10], $0x2000  }
0xdf: {  	[sflag:s10] =	ssyncset.done $0x0  }
0xe0: {  	s15 =	smov.u32 s16;
	s16 =	rddreg [dreg:$0x3];
	[sflag:s10] =	ssyncadd.s32 $0xFFFFE000  }
0xe1: {  	[hbm4b:s16+s2] =	stream.linear.scatter [tilespmem:s29], [sflag:$0x9], $0x2000, $0x38;
	[tilespmem:$0x1FF00] =	vst v63  }
0xe2: {  	_ =	swait.ge [sflag:s10], $0x2000  }
0xe3: {  	[sflag:s10] =	ssyncset.done $0x0  }
0xe4: {  	s28 =	rddreg [dreg:$0xd];
	[sflag:s10] =	ssyncadd.s32 $0xFFFFE000  }
0xe5: {  	[tilespmem:s29], [sflag:$0x9] =	stream.linear.gather [spmem:s28], $0x2000, $0x38;
	[tilespmem:$0x1FF00] =	vst v63  }
0xe6: {  	_ =	swait.ge [sflag:s10], $0x2000  }
0xe7: {  	[sflag:s10] =	ssyncset.done $0x0  }
0xe8: {  	s16 =	rddreg [dreg:$0x4];
	[sflag:s10] =	ssyncadd.s32 $0xFFFFE000  }
0xe9: {  	[hbm4b:s16+s2] =	stream.linear.scatter [tilespmem:s29], [sflag:$0x9], $0x2000, $0x38;
	[tilespmem:$0x1FF00] =	vst v63  }
0xea: {  	_ =	swait.ge [sflag:s10], $0x2000  }
0xeb: {  	[sflag:s10] =	ssyncset.done $0x0  }
0xec: {  	[sflag:s10] =	ssyncadd.s32 $0xFFFFE000  }
0xed: {  	[tilespmem:s29], [sflag:$0x9] =	stream.linear.gather [spmem:s17], $0x2000, $0x38;
	[tilespmem:$0x1FF00] =	vst v63  }
0xee: {  	_ =	swait.ge [sflag:s10], $0x2000  }
0xef: {  	[sflag:s10] =	ssyncset.done $0x0  }
0xf0: {  	s28 =	rddreg [dreg:$0x5];
	[sflag:s10] =	ssyncadd.s32 $0xFFFFE000  }
0xf1: {  	[hbm4b:s28+s2] =	stream.linear.scatter [tilespmem:s29], [sflag:$0x9], $0x2000, $0x38;
	[tilespmem:$0x1FF00] =	vst v63  }
0xf2: {  	_ =	swait.ge [sflag:s10], $0x2000  }
0xf3: {  	[sflag:s10] =	ssyncset.done $0x0  }
0xf4: {  	[sflag:s10] =	ssyncadd.s32 $0xFFFFE000  }
0xf5: {  	[tilespmem:s29], [sflag:$0x9] =	stream.linear.gather [spmem:s18], $0x2000, $0x38;
	[tilespmem:$0x1FF00] =	vst v63  }
0xf6: {  	_ =	swait.ge [sflag:s10], $0x2000  }
0xf7: {  	[sflag:s10] =	ssyncset.done $0x0  }
0xf8: {  	s16 =	rddreg [dreg:$0x6];
	[sflag:s10] =	ssyncadd.s32 $0xFFFFE000  }
0xf9: {  	[hbm4b:s16+s2] =	stream.linear.scatter [tilespmem:s29], [sflag:$0x9], $0x2000, $0x38;
	[tilespmem:$0x1FF00] =	vst v63  }
0xfa: {  	_ =	swait.ge [sflag:s10], $0x2000  }
0xfb: {  	[sflag:s10] =	ssyncset.done $0x0  }
0xfc: {  	[sflag:s10] =	ssyncadd.s32 $0xFFFFE000  }
0xfd: {  	[tilespmem:s29], [sflag:$0x9] =	stream.linear.gather [spmem:s19], $0x2000, $0x38;
	[tilespmem:$0x1FF00] =	vst v63  }
0xfe: {  	_ =	swait.ge [sflag:s10], $0x2000  }
0xff: {  	[sflag:s10] =	ssyncset.done $0x0  }
0x100: {  	s28 =	rddreg [dreg:$0x7];
	[sflag:s10] =	ssyncadd.s32 $0xFFFFE000  }
0x101: {  	[hbm4b:s28+s2] =	stream.linear.scatter [tilespmem:s29], [sflag:$0x9], $0x2000, $0x38;
	[tilespmem:$0x1FF00] =	vst v63  }
0x102: {  	_ =	swait.ge [sflag:s10], $0x2000  }
0x103: {  	[sflag:s10] =	ssyncset.done $0x0  }
0x104: {  	[sflag:s10] =	ssyncadd.s32 $0xFFFFE000  }
0x105: {  	[tilespmem:s29], [sflag:$0x9] =	stream.linear.gather [spmem:s20], $0x2000, $0x38;
	[tilespmem:$0x1FF00] =	vst v63  }
0x106: {  	_ =	swait.ge [sflag:s10], $0x2000  }
0x107: {  	[sflag:s10] =	ssyncset.done $0x0  }
0x108: {  	s16 =	rddreg [dreg:$0x8];
	[sflag:s10] =	ssyncadd.s32 $0xFFFFE000  }
0x109: {  	[hbm4b:s16+s2] =	stream.linear.scatter [tilespmem:s29], [sflag:$0x9], $0x2000, $0x38;
	[tilespmem:$0x1FF00] =	vst v63  }
0x10a: {  	_ =	swait.ge [sflag:s10], $0x2000  }
0x10b: {  	[sflag:s10] =	ssyncset.done $0x0  }
0x10c: {  	[sflag:s10] =	ssyncadd.s32 $0xFFFFE000  }
0x10d: {  	[tilespmem:s29], [sflag:$0x9] =	stream.linear.gather [spmem:s21], $0x2000, $0x38;
	[tilespmem:$0x1FF00] =	vst v63  }
0x10e: {  	_ =	swait.ge [sflag:s10], $0x2000  }
0x10f: {  	[sflag:s10] =	ssyncset.done $0x0  }
0x110: {  	s28 =	rddreg [dreg:$0x9];
	[sflag:s10] =	ssyncadd.s32 $0xFFFFE000  }
0x111: {  	[hbm4b:s28+s2] =	stream.linear.scatter [tilespmem:s29], [sflag:$0x9], $0x2000, $0x38;
	[tilespmem:$0x1FF00] =	vst v63  }
0x112: {  	_ =	swait.ge [sflag:s10], $0x2000  }
0x113: {  	[sflag:s10] =	ssyncset.done $0x0  }
0x114: {  	[sflag:s10] =	ssyncadd.s32 $0xFFFFE000  }
0x115: {  	[tilespmem:s29], [sflag:$0x9] =	stream.linear.gather [spmem:s22], $0x2000, $0x38;
	[tilespmem:$0x1FF00] =	vst v63  }
0x116: {  	_ =	swait.ge [sflag:s10], $0x2000  }
0x117: {  	[sflag:s10] =	ssyncset.done $0x0  }
0x118: {  	s16 =	rddreg [dreg:$0xa];
	[sflag:s10] =	ssyncadd.s32 $0xFFFFE000  }
0x119: {  	[hbm4b:s16+s2] =	stream.linear.scatter [tilespmem:s29], [sflag:$0x9], $0x2000, $0x38;
	[tilespmem:$0x1FF00] =	vst v63  }
0x11a: {  	_ =	swait.ge [sflag:s10], $0x2000  }
0x11b: {  	[sflag:s10] =	ssyncset.done $0x0  }
0x11c: {  	[sflag:s10] =	ssyncadd.s32 $0xFFFFE000  }
0x11d: {  	[tilespmem:s29], [sflag:$0x9] =	stream.linear.gather [spmem:s23], $0x2000, $0x38;
	[tilespmem:$0x1FF00] =	vst v63  }
0x11e: {  	_ =	swait.ge [sflag:s10], $0x2000  }
0x11f: {  	[sflag:s10] =	ssyncset.done $0x0  }
0x120: {  	s28 =	rddreg [dreg:$0xb];
	[sflag:s10] =	ssyncadd.s32 $0xFFFFE000  }
0x121: {  	[hbm4b:s28+s2] =	stream.linear.scatter [tilespmem:s29], [sflag:$0x9], $0x2000, $0x38;
	[tilespmem:$0x1FF00] =	vst v63  }
0x122: {  	_ =	swait.ge [sflag:s10], $0x2000  }
0x123: {  	[sflag:s10] =	ssyncset.done $0x0  }
0x124: {  	[sflag:s10] =	ssyncadd.s32 $0xFFFFE000  }
0x125: {  	[tilespmem:s29], [sflag:$0x9] =	stream.linear.gather [spmem:s24], $0x2000, $0x38;
	[tilespmem:$0x1FF00] =	vst v63  }
0x126: {  	_ =	swait.ge [sflag:s10], $0x2000  }
0x127: {  	[sflag:s10] =	ssyncset.done $0x0  }
0x128: {  	s16 =	rddreg [dreg:$0xc];
	[sflag:s10] =	ssyncadd.s32 $0xFFFFE000  }
0x129: {  	[hbm4b:s16+s2] =	stream.linear.scatter [tilespmem:s29], [sflag:$0x9], $0x2000, $0x38;
	[tilespmem:$0x1FF00] =	vst v63  }
0x12a: {  	_ =	swait.ge [sflag:s10], $0x2000  }
0x12b: {  	s26 =	sadd.s32 $0x1, s26;
	s28 =	rddreg [dreg:$0x10]  }
0x12c: {  	p0 =	sne.s32 s26, s28  }
.Ltmp2:
0x12d: {  	_ = 	snop;
	(pc) =	sbr.rel @p0 .LBB2_1-.Ltmp2, $3  }
0x12e: {  	_ =	sdelay $0x1  }
0x12f: {  	[sflag:s10] =	ssyncset.done $0x0  }
0x130: {  	[sflag:s10] =	ssyncadd.s32 $0xFFFFE000  }
0x131: {  	_ =	sfence.sel $0x180000  }
0x132: {  	[bflag:$0x0] =	sbarrier.arrive $0xFFFF  }
0x133: {  	_ =	strace $0x9000004D  }
0x134: {  	s0 =	stileid.u32;
	[bflag:$0x2] =	sbarrier.arrive $0xFFFF  }
0x135: {  	p0 =	sne.s32 s0, $0x0;
	s0 =	rddreg [dreg:$0x2]  }
0x136: {  	s0 =	sadd.s32 @!p0 $0x100000, s0  }
0x137: {  	[sflag:s0] =	ssyncadd.tile.s32 @!p0 $0x1;
	_ =	shalt  }
.Lfunc_end2:
_tile_overlayer_lowered:
.L_overlay_start_2:
0x138: {  	(tag) =	ssettag $0x2  }
0x139: {  	s0 =	rddreg [dreg:$0x0];
	s2 =	stileid.u32  }
0x13a: {  	s1 =	rddreg [dreg:$0x1];
	p0 =	sne.s32 s2, $0x0  }
0x13b: {  	s3 =	rddreg [dreg:$0x2];
	[bflag:$0x3] =	sbarrier.arrive $0xFFFF;
	s2 =	simm.s32 @!p0 $0x1C09  }
0x13c: {  	[timem:s3], [sflag:s2] =	dma.local @!p0 [hbm:s0], s1  }
0x13d: {  	s0 =	simm.s32 @!p0 $0x9  }
0x13e: {  	_ =	swait.ge @!p0 [sflag:s0], s1  }
0x13f: {  	s1 =	ssub.s32 @!p0 $0x0, s1;
	[sflag:s0] =	ssyncset.done @!p0 $0x0  }
0x140: {  	[sflag:s0] =	ssyncadd.s32 @!p0 s1  }
0x141: {  	[bflag:$0x3] =	sbarrier.arrive $0xFFFF  }
0x142: {  	_ =	shalt  }

// kernel: kernel.8.cloned.1.call-start
scs
__scs_entry_jumppad:
0x0: {  	(pc) =	sbr.rel $0x88, $3  }
0x1: {  	(tag) =	ssettag $0x0;
	lr =	simm.s32 $0x1  }
0x2: {  	[smem:$0x3F9B] =	sst lr;
	_ =	strace $0xD0000000  }
0x3: {  	_ = 	snop  }
0x4: {  	_ = 	snop  }
0x5: {  	_ = 	snop  }
0x6: {  	_ = 	snop  }
0x7: {  	_ = 	snop  }
__scs_overlays_trampoline_lowered:
0x8: {  	[smem:$0x3FAA] =	sst s0  }
0x9: {  	[smem:$0x3FAB] =	sst s1  }
0xa: {  	[smem:$0x3FAC] =	sst s2  }
0xb: {  	[smem:$0x3FAD] =	sst s3  }
0xc: {  	[smem:$0x3FAE] =	sst s4  }
0xd: {  	[smem:$0x3FAF] =	sst s5  }
0xe: {  	[smem:$0x3FB0] =	sst s6  }
0xf: {  	[smem:$0x3FB1] =	sst s7  }
0x10: {  	[smem:$0x3FB2] =	sst s8  }
0x11: {  	[smem:$0x3FB3] =	sst s9;
	s0 =	simm.s32 @!p0 $0x0  }
0x12: {  	s1 =	sld [smem:$0x3F99];
	s0 =	simm.s32 @p0 $0x1  }
0x13: {  	[smem:$0x3FB4] =	sst s0;
	s0 =	simm.s32 @!p1 $0x0  }
0x14: {  	s2 =	sld [smem:$0x3F98];
	s0 =	simm.s32 @p1 $0x1  }
0x15: {  	[smem:$0x3FB5] =	sst s0;
	s0 =	simm.s32 @!p2 $0x0  }
0x16: {  	s3 =	sld [smem:$0x3FDB];
	s0 =	simm.s32 @p2 $0x1  }
0x17: {  	s4 =	simm.s32 $0x1BF5;
	[smem:$0x3FB7] =	sst s0  }
0x18: {  	s0 =	sld [smem:$0x3F9A];
	_ =	swait.ge [sflag:s4], $0x0  }
0x19: {  	s7 =	sld [smem:$0x3F9B]  }
0x1a: {  	s8 =	sadd.s32 $0xFFFFE003, lr  }
0x1b: {  	s9 =	sadd.s32 $0xFFFFFEF7, lr;
	s5 =	simm.s32 $0xFFFFFFFF;
	p2 =	slt.u32 s8, $0xFFFFF086  }
0x1c: {  	p1 =	slt.u32 s9, $0xF7A;
	s5 =	simm.s32 @!p2 $0x0  }
0x1d: {  	s5 =	simm.s32 @p1 $0x1;
	p0 =	seq.s32 s7, s2  }
0x1e: {  	s7 =	smul.u32 @!p0 $0xF7A, s2;
	p2 =	seq.s32 @!p0 s5, $0x0  }
0x1f: {  	s9 =	smul.u32 $0xF7A, s1;
	s8 =	simm.s32 @!p0 $0x1BF5;
	p2 =	por !p2, p0  }
0x20: {  	[sflag:s8] =	ssyncset.s32 @!p0 $0xFFFFF086;
	s6 =	sadd.s32 @!p0 s3, s7;
	s7 =	simm.s32 @!p0 $0x108  }
0x21: {  	s3 =	sadd.s32 s3, s9;
	s6 =	sadd.s32 @!p0 $0x88, s6;
	s7 =	simm.s32 @p2 $0x1082  }
0x22: {  	[simem:s7], [sflag:s8] =	dma.local @!p0 [hbm:s6], $0xF7A  }
0x23: {  	s9 =	sor.u32 $0xD0000000, s2;
	s6 =	simm.s32 $0x108;
	_ =	swait.ge @!p0 [sflag:s8], $0x0  }
0x24: {  	s3 =	sadd.s32 $0x88, s3;
	s6 =	simm.s32 @!p1 $0x1082;
	[sflag:s4] =	ssyncset.s32 $0xFFFFF086  }
0x25: {  	[simem:s6], [sflag:s4] =	dma.local [hbm:s3], $0xF7A  }
0x26: {  	[smem:$0x3F9B] =	sst s1;
	(tag) =	ssettag s2;
	_ =	strace s9  }
0x27: {  	s1 =	sld [smem:$0x3FAB]  }
0x28: {  	s2 =	sld [smem:$0x3FAC]  }
0x29: {  	s4 =	sld [smem:$0x3FAE]  }
0x2a: {  	p0 =	seq.s32 s5, $0x0;
	s5 =	sld [smem:$0x3FAF]  }
0x2b: {  	s6 =	sld [smem:$0x3FB0]  }
0x2c: {  	s7 =	sld [smem:$0x3FB1]  }
0x2d: {  	s3 =	simm.s32 $0x108;
	s8 =	sld [smem:$0x3FB2]  }
0x2e: {  	s3 =	simm.s32 @!p0 $0x1082;
	s9 =	sld [smem:$0x3FB3]  }
0x2f: {  	lr =	sadd.s32 s0, s3;
	s0 =	sld [smem:$0x3FAA]  }
0x30: {  	s3 =	sld [smem:$0x3FAD]  }
0x31: {  	[smem:$0x3FB6] =	sst s10  }
0x32: {  	s10 =	sld [smem:$0x3FB4];
	_ =	sdelay $0x3  }
0x33: {  	p0 =	seq.s32 s10, $0x1;
	s10 =	sld [smem:$0x3FB6];
	_ =	sdelay $0x3  }
0x34: {  	[smem:$0x3FB6] =	sst s10  }
0x35: {  	s10 =	sld [smem:$0x3FB5];
	_ =	sdelay $0x3  }
0x36: {  	p1 =	seq.s32 s10, $0x1;
	s10 =	sld [smem:$0x3FB6];
	_ =	sdelay $0x3  }
0x37: {  	[smem:$0x3FB6] =	sst s10  }
0x38: {  	s10 =	sld [smem:$0x3FB7]  }
0x39: {  	_ = 	snop;
	(pc) =	sbr.ind lr, $3  }
0x3a: {  	_ = 	snop  }
0x3b: {  	_ = 	snop  }
0x3c: {  	p2 =	seq.s32 s10, $0x1;
	s10 =	sld [smem:$0x3FB6]  }
0x3d: {  	_ =	shalt  }
0x3e: {  	_ =	shalt  }
0x3f: {  	_ =	shalt  }
0x40: {  	_ =	shalt  }
0x41: {  	_ =	shalt  }
0x42: {  	_ =	shalt  }
0x43: {  	_ =	shalt  }
0x44: {  	_ =	shalt  }
0x45: {  	_ =	shalt  }
0x46: {  	_ =	shalt  }
0x47: {  	_ =	shalt  }
0x48: {  	_ =	shalt  }
0x49: {  	_ =	shalt  }
0x4a: {  	_ =	shalt  }
0x4b: {  	_ =	shalt  }
0x4c: {  	_ =	shalt  }
0x4d: {  	_ =	shalt  }
0x4e: {  	_ =	shalt  }
0x4f: {  	_ =	shalt  }
0x50: {  	_ =	shalt  }
0x51: {  	_ =	shalt  }
0x52: {  	_ =	shalt  }
0x53: {  	_ =	shalt  }
0x54: {  	_ =	shalt  }
0x55: {  	_ =	shalt  }
0x56: {  	_ =	shalt  }
0x57: {  	_ =	shalt  }
0x58: {  	_ =	shalt  }
0x59: {  	_ =	shalt  }
0x5a: {  	_ =	shalt  }
0x5b: {  	_ =	shalt  }
0x5c: {  	_ =	shalt  }
0x5d: {  	_ =	shalt  }
0x5e: {  	_ =	shalt  }
0x5f: {  	_ =	shalt  }
0x60: {  	_ =	shalt  }
0x61: {  	_ =	shalt  }
0x62: {  	_ =	shalt  }
0x63: {  	_ =	shalt  }
0x64: {  	_ =	shalt  }
0x65: {  	_ =	shalt  }
0x66: {  	_ =	shalt  }
0x67: {  	_ =	shalt  }
0x68: {  	_ =	shalt  }
0x69: {  	_ =	shalt  }
0x6a: {  	_ =	shalt  }
0x6b: {  	_ =	shalt  }
0x6c: {  	_ =	shalt  }
0x6d: {  	_ =	shalt  }
0x6e: {  	_ =	shalt  }
0x6f: {  	_ =	shalt  }
0x70: {  	_ =	shalt  }
0x71: {  	_ =	shalt  }
0x72: {  	_ =	shalt  }
0x73: {  	_ =	shalt  }
0x74: {  	_ =	shalt  }
0x75: {  	_ =	shalt  }
0x76: {  	_ =	shalt  }
0x77: {  	_ =	shalt  }
0x78: {  	_ =	shalt  }
0x79: {  	_ =	shalt  }
0x7a: {  	_ =	shalt  }
0x7b: {  	_ =	shalt  }
0x7c: {  	_ =	shalt  }
0x7d: {  	_ =	shalt  }
0x7e: {  	_ =	shalt  }
0x7f: {  	_ =	shalt  }
0x80: {  	_ =	shalt  }
0x81: {  	_ =	shalt  }
0x82: {  	_ =	shalt  }
0x83: {  	_ =	shalt  }
0x84: {  	_ =	shalt  }
0x85: {  	_ =	shalt  }
0x86: {  	_ =	shalt  }
0x87: {  	_ =	shalt  }
.Lfunc_end0:
.L_simem_size_0:
called_computation_lowered:
.L_overlay_start_0:
0x88: {  	s2 =	sld [smem:$0x3FD9]  }
0x89: {  	s3 =	sld [smem:$0x3FFE];
	_ =	sdelay $0x1  }
0x8a: {  	s1 =	srdreg.scid  }
0x8b: {  	s0 =	sand.u32 $0x1, s1  }
0x8c: {  	s16 =	sshll.u32 s0, $0xA;
	s2 =	sadd.s32 s3, s2  }
0x8d: {  	s2 =	sadd.s32 s2, s16  }
0x8e: {  	[smem:$0x3FC2] =	sst s2  }
0x8f: {  	_ = 	snop  }
0x90: {  	(tm) =	ssettm $0x1  }
0x91: {  	s17 =	sld [smem:$0x3FFB];
	_ =	sdelay $0x3  }
0x92: {  	_ =	strace s17  }
0x93: {  	s2 =	sld [smem:$0x3FFC];
	_ =	sdelay $0x3  }
0x94: {  	_ =	strace s2  }
0x95: {  	s2 =	sld [smem:$0x3FFD];
	_ =	sdelay $0x3  }
0x96: {  	_ =	strace s2  }
0x97: {  	_ =	strace $0x8FFFFFFF  }
0x98: {  	s18 =	sld [smem:$0x3FDB];
	_ =	sdelay $0x1  }
0x99: {  	s19 =	simm.s32 $_scs_section_size  }
0x9a: {  	s4 =	simm.s32 $_size__tile_overlayer_lowered;
	s5 =	simm.s32 $_tile_overlayer_lowered  }
0x9b: {  	s22 =	simm.s32 $0x1BFF;
	s21 =	sshll.u32 s5, $0x1;
	s2 =	sadd.s32 s19, s18  }
0x9c: {  	s6 =	simm.s32 $0x0;
	s20 =	sshll.u32 s4, $0x1;
	s4 =	sadd.s32 s21, s2  }
0x9d: {  	[timem:s6], [sflag:s22] =	dma.local [hbm:s4], s20  }
0x9e: {  	_ =	swait.ge [sflag:s22], s20  }
0x9f: {  	s3 =	ssub.s32 $0x0, s20;
	[sflag:s22] =	ssyncset.done $0x0  }
0xa0: {  	[sflag:s22] =	ssyncadd.s32 s3;
	_ =	sdelay $0x1  }
0xa1: {  	s23 =	simm.s32 $0x1B8B  }
0xa2: {  	_ =	swait.ge [sflag:s23], $0x1  }
0xa3: {  	[sflag:s23] =	ssyncset.done $0x0  }
0xa4: {  	s25 =	simm.s32 $0x1B8E;
	s24 =	sld [smem:$0x3FFE];
	[sflag:s23] =	ssyncadd.s32 $0xFFFFFFFF  }
0xa5: {  	s26 =	simm.s32 $execute0_lowered;
	[smem:$0x3FD2] =	sst s25  }
0xa6: {  	s4 =	sshll.u32 s26, $0x1;
	_ =	strace $0x80000046;
	[dreg:$0x1] =	wrdreg $0xFFFFFFFF  }
0xa7: {  	s28 =	simm.s32 $_size_execute0_lowered;
	s2 =	sadd.s32 s2, s4;
	[dreg:$0x0] =	wrdreg $0x0  }
0xa8: {  	s4 =	sshll.u32 s28, $0x1;
	[dreg:$0x2] =	wrdreg s2  }
0xa9: {  	[dreg:$0x3] =	wrdreg s4  }
0xaa: {  	[dreg:$0x4] =	wrdreg $0xC0  }
0xab: {  	_ =	task [dreg:s6], $0x5FFFF  }
0xac: {  	[dreg:$0x1] =	wrdreg $0xFFFFFFFF  }
0xad: {  	[dreg:$0x0] =	wrdreg $0x60  }
0xae: {  	[dreg:$0x2] =	wrdreg s24  }
0xaf: {  	[dreg:$0x3] =	wrdreg $0x82800  }
0xb0: {  	[dreg:$0x4] =	wrdreg $0x9  }
0xb1: {  	_ =	task.clear_ibuf [dreg:s6], $0x5FFFF;
	_ =	strace $0x90000046  }
0xb2: {  	s29 =	simm.s32 $0x9;
	_ =	strace $0x80000048  }
0xb3: {  	_ =	swait.ge [sflag:s29], $0x1  }
0xb4: {  	[sflag:s29] =	ssyncadd.s32 $0xFFFFFFFF  }
0xb5: {  	_ =	strace $0x90000048  }
0xb6: {  	_ =	sfence  }
0xb7: {  	s30 =	sld [smem:$0x0];
	_ =	sdelay $0x2  }
0xb8: {  	s31 =	sshll.u32 s1, $0xD;
	s1 =	sshrl.u32 s1, $0x2  }
0xb9: {  	s3 =	sand.u32 $0x4000, s31;
	s1 =	sadd.s32 s1, s30  }
0xba: {  	s0 =	sor.u32 s3, s0;
	s1 =	sshll.u32 s1, $0x11  }
0xbb: {  	s0 =	sor.u32 s1, s0  }
0xbc: {  	s0 =	sadd.s32 $0x8F2B, s0  }
0xbd: {  	[sflag:s0] =	ssyncadd.remote.s32 $0x1  }
0xbe: {  	_ =	sfence.sel $0xFFFF  }
0xbf: {  	[dreg:$0x0] =	wrdreg $0xFFFFFFFF;
	(pc) =	sbr.abs _section_cstart, $3  }
0xc0: {  	[dreg:$0x1] =	wrdreg $0xFFFFFFFF  }
0xc1: {  	_ =	task.clear_ibuf [dreg:s6], $0x2FFFF;
	_ =	strace $0x9FFFFFFF  }
0xc2: {  	(tm) =	ssettm $0x7FFFFFFF  }
0xc3: {  	_ =	shalt  }
tec
execute0_lowered:
.L_overlay_start_1:
0x0: {  	(tag) =	ssettag $0x1  }
0x1: {  	s0 =	srdreg.scid  }
0x2: {  	s2 =	rddreg [dreg:$0x0];
	s12 =	stileid.u32  }
0x3: {  	s1 =	simm.s32 $0x0;
	s28 =	simm.s32 $0x6280;
	s29 =	simm.s32 $0x1  }
0x4: {  	s30 =	simm.s32 $0x2;
	s31 =	simm.s32 $0x3;
	s4 =	smul.u32 $0x14000, s12  }
0x5: {  	s3 =	sand.u32 $0x1, s0;
	[smem:$0x7FF] =	sst s1;
	s15 =	smul.u32 $0x50000, s12  }
0x6: {  	s11 =	sadd.s32 $0x15C00, s2;
	s8 =	smul.u32 $0x4E20, s12;
	s0 =	ssub.s32 $0x2, s3  }
0x7: {  	s10 =	smul.u32 $0x140000, s3;
	p0 =	seq.s32 s3, $0x0;
	s3 =	simm.s32 $0xBE00  }
0x8: {  	s5 =	sshrl.u32 s0, $0x1;
	s16 =	sor.u32 $0x2000, s4;
	s17 =	sadd.s32 $0x4000, s4  }
0x9: {  	s18 =	sadd.s32 $0x6000, s4;
	s19 =	sadd.s32 $0x8000, s4;
	s20 =	sadd.s32 $0xA000, s4  }
0xa: {  	s21 =	sadd.s32 $0xC000, s4;
	s22 =	sadd.s32 $0xE000, s4;
	s23 =	sadd.s32 $0x10000, s4  }
0xb: {  	s24 =	sadd.s32 $0x12000, s4;
	s13 =	sshrl.u32 s8, $0x3;
	s3 =	simm.s32 @!p0 $0x2000  }
0xc: {  	s0 =	ssub.s32 s0, s5;
	s4 =	sadd.s32 s4, s10;
	s2 =	sadd.s32 s3, s2  }
0xd: {  	s14 =	sadd.s32 s10, s16;
	s26 =	sadd.s32 s10, s17;
	s6 =	sadd.s32 s10, s18  }
0xe: {  	s8 =	sadd.s32 s10, s19;
	s9 =	sshrl.u32 s4, $0x3;
	s25 =	sshrl.u32 s14, $0x3  }
0xf: {  	s5 =	sshrl.u32 s26, $0x3;
	s7 =	sshrl.u32 s6, $0x3;
	s14 =	sadd.s32 s10, s20  }
0x10: {  	s26 =	sadd.s32 s10, s21;
	s3 =	sadd.s32 s11, s9;
	s9 =	sshrl.u32 s8, $0x3  }
0x11: {  	s4 =	sshrl.u32 s26, $0x3;
	s26 =	sadd.s32 s10, s24;
	[dreg:$0x3] =	wrdreg s3  }
0x12: {  	s3 =	sadd.s32 s11, s25;
	s6 =	sadd.s32 s11, s9;
	s25 =	sshrl.u32 s14, $0x3  }
0x13: {  	s8 =	sadd.s32 s11, s4;
	s14 =	sadd.s32 s10, s23;
	s4 =	sshrl.u32 s26, $0x3  }
0x14: {  	s26 =	sshrl.u32 s15, $0x2;
	[dreg:$0x4] =	wrdreg s3;
	s3 =	sadd.s32 s11, s5  }
0x15: {  	s5 =	sadd.s32 s10, s22;
	[dreg:$0x5] =	wrdreg s3;
	s3 =	sadd.s32 s11, s7  }
0x16: {  	s7 =	sadd.s32 s11, s25;
	s9 =	sshrl.u32 s5, $0x3;
	s25 =	sshrl.u32 s14, $0x3  }
0x17: {  	s5 =	smul.u32 $0x9C4, s12;
	s12 =	sadd.s32 s11, s4;
	[dreg:$0x6] =	wrdreg s3  }
0x18: {  	s9 =	sadd.s32 s11, s9;
	s10 =	sadd.s32 s11, s25;
	s11 =	sadd.s32 s2, s13  }
0x19: {  	s13 =	rddreg [dreg:$0x1];
	s25 =	smax.u32 s0, $0x1;
	s0 =	simm.s32 $0x28  }
0x1a: {  	s14 =	sadd.s32 s2, s5;
	_ =	strace $0x80000047;
	s15 =	sadd.s32 s26, s13  }
0x1b: {  	s16 =	sadd.s32 s16, s13;
	s17 =	sadd.s32 s17, s13;
	s18 =	sadd.s32 s18, s13  }
0x1c: {  	s19 =	sadd.s32 s19, s13;
	s20 =	sadd.s32 s20, s13;
	s21 =	sadd.s32 s21, s13  }
0x1d: {  	s22 =	sadd.s32 s22, s13;
	s23 =	sadd.s32 s23, s13;
	s24 =	sadd.s32 s24, s13  }
0x1e: {  	v0 =	vimm.f32 $1.000000000e+00;
	v1 =	vimm.f32 $0.0e+00;
	s26 =	sadd.s32 $0x4E2, s11;
	s11 =	simm.s32 $0x4E80;
	s2 =	simm.s32 $0x0  }
.LBB2_1:
0x1f: {  	s3 =	simm.s32 $0x0;
	s4 =	simm.s32 $0x200  }
.LBB2_2:
0x20: {  	p0 =	sne.s32 s4, $0x4E00;
	[tilespmem:s3+$0x4EF0] =	vst v0  }
0x21: {  	[tilespmem:s3+$0x4E80] =	vst v0  }
0x22: {  	[tilespmem:s3+$0x4E90] =	vst v0  }
.Ltmp0:
0x23: {  	[tilespmem:s3+$0x4EA0] =	vst v0;
	(pc) =	sbr.rel @p0 .LBB2_2-.Ltmp0, $4  }
0x24: {  	[tilespmem:s3+$0x4EB0] =	vst v0  }
0x25: {  	[tilespmem:s3+$0x4EC0] =	vst v0  }
0x26: {  	[tilespmem:s3+$0x4ED0] =	vst v0  }
0x27: {  	[tilespmem:s3+$0x4EE0] =	vst v0;
	s3 =	sshra.s32 s4, $0x2;
	s4 =	sadd.s32 $0x200, s4  }
0x28: {  	[tilespmem:s3+$0x4EF0] =	vst v0  }
0x29: {  	[tilespmem:s3+$0x4E80] =	vst v0  }
0x2a: {  	[tilespmem:s3+$0x4E90] =	vst v0  }
0x2b: {  	[tilespmem:s3+$0x4EA0] =	vst v0  }
0x2c: {  	[tilespmem:s3+$0x4EB0] =	vst v0  }
0x2d: {  	[tilespmem:s3+$0x4EC0] =	vst v0  }
0x2e: {  	[tilespmem:s3+$0x4ED0] =	vst v0  }
0x2f: {  	[tilespmem:s3+$0x4EE0] =	vst v0;
	s3 =	simm.s32 $0x0;
	s4 =	simm.s32 $0x200  }
.LBB2_4:
0x30: {  	p0 =	sne.s32 s4, $0x7E00;
	[tilespmem:s3+$0x62F0] =	vst v1  }
0x31: {  	[tilespmem:s3+$0x6280] =	vst v1  }
0x32: {  	[tilespmem:s3+$0x6290] =	vst v1  }
.Ltmp1:
0x33: {  	[tilespmem:s3+$0x62A0] =	vst v1;
	(pc) =	sbr.rel @p0 .LBB2_4-.Ltmp1, $4  }
0x34: {  	[tilespmem:s3+$0x62B0] =	vst v1  }
0x35: {  	[tilespmem:s3+$0x62C0] =	vst v1  }
0x36: {  	[tilespmem:s3+$0x62D0] =	vst v1  }
0x37: {  	[tilespmem:s3+$0x62E0] =	vst v1;
	s3 =	sshra.s32 s4, $0x2;
	s4 =	sadd.s32 $0x200, s4  }
0x38: {  	[tilespmem:s3+$0x62F0] =	vst v1  }
0x39: {  	[tilespmem:s3+$0x6280] =	vst v1  }
0x3a: {  	[tilespmem:s3+$0x6290] =	vst v1  }
0x3b: {  	[tilespmem:s3+$0x62A0] =	vst v1  }
0x3c: {  	[tilespmem:s3+$0x62B0] =	vst v1  }
0x3d: {  	[tilespmem:s3+$0x62C0] =	vst v1  }
0x3e: {  	[tilespmem:s3+$0x62D0] =	vst v1  }
0x3f: {  	[tilespmem:s3+$0x62E0] =	vst v1  }
0x40: {  	[spmem:s15] =	stream.linear.scatter [tilespmem:s28], [sflag:$0x1], $0x2000, $0x38;
	[tilespmem:$0x1C280] =	vst v63  }
0x41: {  	_ = 	snop  }
0x42: {  	[spmem:s16] =	stream.linear.scatter [tilespmem:s28], [sflag:$0x2], $0x2000, $0x38;
	[tilespmem:$0x1C280] =	vst v63  }
0x43: {  	_ =	swait.ge [sflag:s29], $0x2000  }
0x44: {  	[sflag:s29] =	ssyncset.done $0x0  }
0x45: {  	[sflag:s29] =	ssyncadd.s32 $0xFFFFE000  }
0x46: {  	[spmem:s17] =	stream.linear.scatter [tilespmem:s28], [sflag:$0x1], $0x2000, $0x38;
	[tilespmem:$0x1C280] =	vst v63  }
0x47: {  	_ =	swait.ge [sflag:s30], $0x2000  }
0x48: {  	[sflag:s30] =	ssyncset.done $0x0  }
0x49: {  	[sflag:s30] =	ssyncadd.s32 $0xFFFFE000  }
0x4a: {  	[spmem:s18] =	stream.linear.scatter [tilespmem:s28], [sflag:$0x2], $0x2000, $0x38;
	[tilespmem:$0x1C280] =	vst v63  }
0x4b: {  	_ =	swait.ge [sflag:s29], $0x2000  }
0x4c: {  	[sflag:s29] =	ssyncset.done $0x0  }
0x4d: {  	[sflag:s29] =	ssyncadd.s32 $0xFFFFE000  }
0x4e: {  	[spmem:s19] =	stream.linear.scatter [tilespmem:s28], [sflag:$0x1], $0x2000, $0x38;
	[tilespmem:$0x1C280] =	vst v63  }
0x4f: {  	_ =	swait.ge [sflag:s30], $0x2000  }
0x50: {  	[sflag:s30] =	ssyncset.done $0x0  }
0x51: {  	[sflag:s30] =	ssyncadd.s32 $0xFFFFE000  }
0x52: {  	[spmem:s20] =	stream.linear.scatter [tilespmem:s28], [sflag:$0x2], $0x2000, $0x38;
	[tilespmem:$0x1C280] =	vst v63  }
0x53: {  	_ =	swait.ge [sflag:s29], $0x2000  }
0x54: {  	[sflag:s29] =	ssyncset.done $0x0  }
0x55: {  	[sflag:s29] =	ssyncadd.s32 $0xFFFFE000  }
0x56: {  	[spmem:s21] =	stream.linear.scatter [tilespmem:s28], [sflag:$0x1], $0x2000, $0x38;
	[tilespmem:$0x1C280] =	vst v63  }
0x57: {  	_ =	swait.ge [sflag:s30], $0x2000  }
0x58: {  	[sflag:s30] =	ssyncset.done $0x0  }
0x59: {  	[sflag:s30] =	ssyncadd.s32 $0xFFFFE000  }
0x5a: {  	[spmem:s22] =	stream.linear.scatter [tilespmem:s28], [sflag:$0x2], $0x2000, $0x38;
	[tilespmem:$0x1C280] =	vst v63  }
0x5b: {  	_ =	swait.ge [sflag:s29], $0x2000  }
0x5c: {  	[sflag:s29] =	ssyncset.done $0x0  }
0x5d: {  	[sflag:s29] =	ssyncadd.s32 $0xFFFFE000  }
0x5e: {  	[spmem:s23] =	stream.linear.scatter [tilespmem:s28], [sflag:$0x1], $0x2000, $0x38;
	[tilespmem:$0x1C280] =	vst v63  }
0x5f: {  	_ =	swait.ge [sflag:s30], $0x2000  }
0x60: {  	[sflag:s30] =	ssyncset.done $0x0  }
0x61: {  	[sflag:s30] =	ssyncadd.s32 $0xFFFFE000  }
0x62: {  	[spmem:s24] =	stream.linear.scatter [tilespmem:s28], [sflag:$0x2], $0x2000, $0x38;
	[tilespmem:$0x1C280] =	vst v63  }
0x63: {  	_ =	swait.ge [sflag:s29], $0x2000  }
0x64: {  	[sflag:s29] =	ssyncset.done $0x0  }
0x65: {  	[sflag:s29] =	ssyncadd.s32 $0xFFFFE000  }
0x66: {  	_ =	swait.ge [sflag:s30], $0x2000  }
0x67: {  	[sflag:s30] =	ssyncset.done $0x0  }
0x68: {  	[sflag:s30] =	ssyncadd.s32 $0xFFFFE000  }
0x69: {  	[tilespmem:s1], [sflag:$0x3] =	stream.linear.gather [hbm4b:s14+s1], $0x2710, $0x38;
	[tilespmem:$0x1C280] =	vst v63  }
0x6a: {  	_ =	swait.ge [sflag:s31], $0x2710  }
0x6b: {  	[sflag:s31] =	ssyncset.done $0x0  }
0x6c: {  	s4 =	simm.s32 $0x2710;
	[sflag:s31] =	ssyncadd.s32 $0xFFFFD8F0  }
0x6d: {  	[tilespmem:s4], [sflag:$0x3] =	stream.linear.gather [hbm4b:s26+s1], $0x2710, $0x38;
	[tilespmem:$0x1C280] =	vst v63  }
0x6e: {  	_ =	swait.ge [sflag:s31], $0x2710  }
0x6f: {  	[sflag:s31] =	ssyncset.done $0x0  }
0x70: {  	[sflag:s31] =	ssyncadd.s32 $0xFFFFD8F0  }
0x71: {  	[bflag:$0x0] =	sbarrier.arrive $0xFFFF  }
0x72: {  	[spmem:s13] =	stream.indirect.scatter.add.f32 [tilespmem:s11], [sflag:$0x1], $0x80, s1, s0, $0xb8;
	[tilespmem:$0x1C280] =	vst v63  }
0x73: {  	_ = 	snop  }
0x74: {  	[spmem:s13] =	stream.indirect.scatter.add.f32 [tilespmem:s11], [sflag:$0x2], $0x80, s0, s0, $0xb8;
	[tilespmem:$0x1C280] =	vst v63  }
0x75: {  	_ =	swait.ge [sflag:s29], $0x1400  }
0x76: {  	[sflag:s29] =	ssyncset.done $0x0  }
0x77: {  	s5 =	simm.s32 $0x50;
	[sflag:s29] =	ssyncadd.s32 $0xFFFFEC00  }
0x78: {  	[spmem:s13] =	stream.indirect.scatter.add.f32 [tilespmem:s11], [sflag:$0x1], $0x80, s5, s0, $0xb8;
	[tilespmem:$0x1C280] =	vst v63  }
0x79: {  	_ =	swait.ge [sflag:s30], $0x1400  }
0x7a: {  	[sflag:s30] =	ssyncset.done $0x0  }
0x7b: {  	s3 =	simm.s32 $0xFFFECA00;
	s4 =	simm.s32 $0x78;
	[sflag:s30] =	ssyncadd.s32 $0xFFFFEC00  }
.LBB2_6:
0x7c: {  	[spmem:s13] =	stream.indirect.scatter.add.f32 [tilespmem:s11], [sflag:$0x2], $0x80, s4, s0, $0xb8;
	[tilespmem:$0x1C280] =	vst v63  }
0x7d: {  	s4 =	smov.u32 s3  }
0x7e: {  	p0 =	sne.s32 s3, $0xFFFFFEC0;
	s3 =	sadd.s32 $0x140, s3;
	_ =	swait.ge [sflag:s29], $0x1400  }
0x7f: {  	s4 =	sshra.s32 s4, $0x2;
	[sflag:s29] =	ssyncset.done $0x0  }
.Ltmp2:
0x80: {  	s5 =	sadd.s32 $0x4E20, s4;
	[sflag:s29] =	ssyncadd.s32 $0xFFFFEC00;
	(pc) =	sbr.rel @p0 .LBB2_6-.Ltmp2, $4  }
0x81: {  	[spmem:s13] =	stream.indirect.scatter.add.f32 [tilespmem:s11], [sflag:$0x1], $0x80, s5, s0, $0xb8;
	[tilespmem:$0x1C280] =	vst v63  }
0x82: {  	_ =	swait.ge [sflag:s30], $0x1400  }
0x83: {  	[sflag:s30] =	ssyncset.done $0x0  }
0x84: {  	s4 =	sadd.s32 $0x4E48, s4;
	[sflag:s30] =	ssyncadd.s32 $0xFFFFEC00  }
0x85: {  	[spmem:s13] =	stream.indirect.scatter.add.f32 [tilespmem:s11], [sflag:$0x2], $0x80, s4, s0, $0xb8;
	[tilespmem:$0x1C280] =	vst v63  }
0x86: {  	_ =	swait.ge [sflag:s29], $0x1400  }
0x87: {  	[sflag:s29] =	ssyncset.done $0x0  }
0x88: {  	[sflag:s29] =	ssyncadd.s32 $0xFFFFEC00  }
0x89: {  	_ =	swait.ge [sflag:s30], $0x1400  }
0x8a: {  	[sflag:s30] =	ssyncset.done $0x0  }
0x8b: {  	[sflag:s30] =	ssyncadd.s32 $0xFFFFEC00  }
0x8c: {  	[bflag:$0x0] =	sbarrier.arrive $0xFFFF  }
0x8d: {  	[tilespmem:s28], [sflag:$0x3] =	stream.linear.gather [spmem:s15], $0x2000, $0x38;
	[tilespmem:$0x1C280] =	vst v63  }
0x8e: {  	_ =	swait.ge [sflag:s31], $0x2000  }
0x8f: {  	[sflag:s31] =	ssyncset.done $0x0  }
0x90: {  	s3 =	rddreg [dreg:$0x3];
	[sflag:s31] =	ssyncadd.s32 $0xFFFFE000  }
0x91: {  	[hbm4b:s3+s1] =	stream.linear.scatter [tilespmem:s28], [sflag:$0x3], $0x2000, $0x38;
	[tilespmem:$0x1C280] =	vst v63  }
0x92: {  	_ =	swait.ge [sflag:s31], $0x2000  }
0x93: {  	[sflag:s31] =	ssyncset.done $0x0  }
0x94: {  	[sflag:s31] =	ssyncadd.s32 $0xFFFFE000  }
0x95: {  	[tilespmem:s28], [sflag:$0x3] =	stream.linear.gather [spmem:s16], $0x2000, $0x38;
	[tilespmem:$0x1C280] =	vst v63  }
0x96: {  	_ =	swait.ge [sflag:s31], $0x2000  }
0x97: {  	[sflag:s31] =	ssyncset.done $0x0  }
0x98: {  	s5 =	rddreg [dreg:$0x4];
	[sflag:s31] =	ssyncadd.s32 $0xFFFFE000  }
0x99: {  	[hbm4b:s5+s1] =	stream.linear.scatter [tilespmem:s28], [sflag:$0x3], $0x2000, $0x38;
	[tilespmem:$0x1C280] =	vst v63  }
0x9a: {  	_ =	swait.ge [sflag:s31], $0x2000  }
0x9b: {  	[sflag:s31] =	ssyncset.done $0x0  }
0x9c: {  	[sflag:s31] =	ssyncadd.s32 $0xFFFFE000  }
0x9d: {  	[tilespmem:s28], [sflag:$0x3] =	stream.linear.gather [spmem:s17], $0x2000, $0x38;
	[tilespmem:$0x1C280] =	vst v63  }
0x9e: {  	_ =	swait.ge [sflag:s31], $0x2000  }
0x9f: {  	[sflag:s31] =	ssyncset.done $0x0  }
0xa0: {  	s4 =	rddreg [dreg:$0x5];
	[sflag:s31] =	ssyncadd.s32 $0xFFFFE000  }
0xa1: {  	[hbm4b:s4+s1] =	stream.linear.scatter [tilespmem:s28], [sflag:$0x3], $0x2000, $0x38;
	[tilespmem:$0x1C280] =	vst v63  }
0xa2: {  	_ =	swait.ge [sflag:s31], $0x2000  }
0xa3: {  	[sflag:s31] =	ssyncset.done $0x0  }
0xa4: {  	[sflag:s31] =	ssyncadd.s32 $0xFFFFE000  }
0xa5: {  	[tilespmem:s28], [sflag:$0x3] =	stream.linear.gather [spmem:s18], $0x2000, $0x38;
	[tilespmem:$0x1C280] =	vst v63  }
0xa6: {  	_ =	swait.ge [sflag:s31], $0x2000  }
0xa7: {  	[sflag:s31] =	ssyncset.done $0x0  }
0xa8: {  	s5 =	rddreg [dreg:$0x6];
	[sflag:s31] =	ssyncadd.s32 $0xFFFFE000  }
0xa9: {  	[hbm4b:s5+s1] =	stream.linear.scatter [tilespmem:s28], [sflag:$0x3], $0x2000, $0x38;
	[tilespmem:$0x1C280] =	vst v63  }
0xaa: {  	_ =	swait.ge [sflag:s31], $0x2000  }
0xab: {  	[sflag:s31] =	ssyncset.done $0x0  }
0xac: {  	[sflag:s31] =	ssyncadd.s32 $0xFFFFE000  }
0xad: {  	[tilespmem:s28], [sflag:$0x3] =	stream.linear.gather [spmem:s19], $0x2000, $0x38;
	[tilespmem:$0x1C280] =	vst v63  }
0xae: {  	_ =	swait.ge [sflag:s31], $0x2000  }
0xaf: {  	[sflag:s31] =	ssyncset.done $0x0  }
0xb0: {  	[sflag:s31] =	ssyncadd.s32 $0xFFFFE000  }
0xb1: {  	[hbm4b:s6+s1] =	stream.linear.scatter [tilespmem:s28], [sflag:$0x3], $0x2000, $0x38;
	[tilespmem:$0x1C280] =	vst v63  }
0xb2: {  	_ =	swait.ge [sflag:s31], $0x2000  }
0xb3: {  	[sflag:s31] =	ssyncset.done $0x0  }
0xb4: {  	[sflag:s31] =	ssyncadd.s32 $0xFFFFE000  }
0xb5: {  	[tilespmem:s28], [sflag:$0x3] =	stream.linear.gather [spmem:s20], $0x2000, $0x38;
	[tilespmem:$0x1C280] =	vst v63  }
0xb6: {  	_ =	swait.ge [sflag:s31], $0x2000  }
0xb7: {  	[sflag:s31] =	ssyncset.done $0x0  }
0xb8: {  	[sflag:s31] =	ssyncadd.s32 $0xFFFFE000  }
0xb9: {  	[hbm4b:s7+s1] =	stream.linear.scatter [tilespmem:s28], [sflag:$0x3], $0x2000, $0x38;
	[tilespmem:$0x1C280] =	vst v63  }
0xba: {  	_ =	swait.ge [sflag:s31], $0x2000  }
0xbb: {  	[sflag:s31] =	ssyncset.done $0x0  }
0xbc: {  	[sflag:s31] =	ssyncadd.s32 $0xFFFFE000  }
0xbd: {  	[tilespmem:s28], [sflag:$0x3] =	stream.linear.gather [spmem:s21], $0x2000, $0x38;
	[tilespmem:$0x1C280] =	vst v63  }
0xbe: {  	_ =	swait.ge [sflag:s31], $0x2000  }
0xbf: {  	[sflag:s31] =	ssyncset.done $0x0  }
0xc0: {  	[sflag:s31] =	ssyncadd.s32 $0xFFFFE000  }
0xc1: {  	[hbm4b:s8+s1] =	stream.linear.scatter [tilespmem:s28], [sflag:$0x3], $0x2000, $0x38;
	[tilespmem:$0x1C280] =	vst v63  }
0xc2: {  	_ =	swait.ge [sflag:s31], $0x2000  }
0xc3: {  	[sflag:s31] =	ssyncset.done $0x0  }
0xc4: {  	[sflag:s31] =	ssyncadd.s32 $0xFFFFE000  }
0xc5: {  	[tilespmem:s28], [sflag:$0x3] =	stream.linear.gather [spmem:s22], $0x2000, $0x38;
	[tilespmem:$0x1C280] =	vst v63  }
0xc6: {  	_ =	swait.ge [sflag:s31], $0x2000  }
0xc7: {  	[sflag:s31] =	ssyncset.done $0x0  }
0xc8: {  	[sflag:s31] =	ssyncadd.s32 $0xFFFFE000  }
0xc9: {  	[hbm4b:s9+s1] =	stream.linear.scatter [tilespmem:s28], [sflag:$0x3], $0x2000, $0x38;
	[tilespmem:$0x1C280] =	vst v63  }
0xca: {  	_ =	swait.ge [sflag:s31], $0x2000  }
0xcb: {  	[sflag:s31] =	ssyncset.done $0x0  }
0xcc: {  	[sflag:s31] =	ssyncadd.s32 $0xFFFFE000  }
0xcd: {  	[tilespmem:s28], [sflag:$0x3] =	stream.linear.gather [spmem:s23], $0x2000, $0x38;
	[tilespmem:$0x1C280] =	vst v63  }
0xce: {  	_ =	swait.ge [sflag:s31], $0x2000  }
0xcf: {  	[sflag:s31] =	ssyncset.done $0x0  }
0xd0: {  	[sflag:s31] =	ssyncadd.s32 $0xFFFFE000  }
0xd1: {  	[hbm4b:s10+s1] =	stream.linear.scatter [tilespmem:s28], [sflag:$0x3], $0x2000, $0x38;
	[tilespmem:$0x1C280] =	vst v63  }
0xd2: {  	_ =	swait.ge [sflag:s31], $0x2000  }
0xd3: {  	[sflag:s31] =	ssyncset.done $0x0  }
0xd4: {  	[sflag:s31] =	ssyncadd.s32 $0xFFFFE000  }
0xd5: {  	[tilespmem:s28], [sflag:$0x3] =	stream.linear.gather [spmem:s24], $0x2000, $0x38;
	[tilespmem:$0x1C280] =	vst v63  }
0xd6: {  	s2 =	sadd.s32 $0x1, s2;
	_ =	swait.ge [sflag:s31], $0x2000  }
0xd7: {  	p0 =	sne.s32 s2, s25;
	[sflag:s31] =	ssyncset.done $0x0  }
.Ltmp3:
0xd8: {  	[sflag:s31] =	ssyncadd.s32 $0xFFFFE000;
	(pc) =	sbr.rel @p0 .LBB2_1-.Ltmp3, $4  }
0xd9: {  	[hbm4b:s12+s1] =	stream.linear.scatter [tilespmem:s28], [sflag:$0x3], $0x2000, $0x38;
	[tilespmem:$0x1C280] =	vst v63  }
0xda: {  	_ =	swait.ge [sflag:s31], $0x2000  }
0xdb: {  	[sflag:s31] =	ssyncset.done $0x0  }
0xdc: {  	[sflag:s31] =	ssyncadd.s32 $0xFFFFE000  }
0xdd: {  	_ =	sfence.sel $0x180000  }
0xde: {  	[bflag:$0x0] =	sbarrier.arrive $0xFFFF  }
0xdf: {  	_ =	strace $0x90000047  }
0xe0: {  	s0 =	stileid.u32;
	[bflag:$0x2] =	sbarrier.arrive $0xFFFF  }
0xe1: {  	p0 =	sne.s32 s0, $0x0;
	s0 =	rddreg [dreg:$0x2]  }
0xe2: {  	s0 =	sadd.s32 @!p0 $0x100000, s0  }
0xe3: {  	[sflag:s0] =	ssyncadd.tile.s32 @!p0 $0x1;
	_ =	shalt  }
.Lfunc_end2:
_tile_overlayer_lowered:
.L_overlay_start_2:
0xe4: {  	(tag) =	ssettag $0x2  }
0xe5: {  	s0 =	rddreg [dreg:$0x0];
	s2 =	stileid.u32  }
0xe6: {  	s1 =	rddreg [dreg:$0x1];
	p0 =	sne.s32 s2, $0x0  }
0xe7: {  	s3 =	rddreg [dreg:$0x2];
	[bflag:$0x3] =	sbarrier.arrive $0xFFFF;
	s2 =	simm.s32 @!p0 $0x1C03  }
0xe8: {  	[timem:s3], [sflag:s2] =	dma.local @!p0 [hbm:s0], s1  }
0xe9: {  	s0 =	simm.s32 @!p0 $0x3  }
0xea: {  	_ =	swait.ge @!p0 [sflag:s0], s1  }
0xeb: {  	s1 =	ssub.s32 @!p0 $0x0, s1;
	[sflag:s0] =	ssyncset.done @!p0 $0x0  }
0xec: {  	[sflag:s0] =	ssyncadd.s32 @!p0 s1  }
0xed: {  	[bflag:$0x3] =	sbarrier.arrive $0xFFFF  }
0xee: {  	_ =	shalt  }

</sc_bundles>
